<compile_context>
chip_gen: v7x
topology: tpu7x:2x2x1
jax: 0.10.2.dev20260603
libtpu: 0.0.44.dev20260713+nightly
codegen_flags: <defaults>
</compile_context>

<pallas_src>
import jax
import jax.numpy as jnp
from jax import lax
from jax.experimental import pallas as pl
from jax.experimental.pallas import tpu as pltpu
from jax.experimental.pallas import tpu_sc as plsc

N = 10000
E = 320000
NPAD = 10240
NC = 2
NS = 16
NW = NC * NS
EPW = E // NW
K = 40
NCHUNK = EPW // K
RPT = NPAD // NS
RB = 1000
NB = 5


def _mesh():
    return plsc.VectorSubcoreMesh(core_axis_name="c", subcore_axis_name="s")


def _deg_body(dst3_hbm, ones_hbm, zeros_hbm, out_hbm, ones_v, idx_d3, acc, sem_s):
    c = lax.axis_index("c")
    s = lax.axis_index("s")
    wid = s * NC + c
    rpt = NPAD // NS
    pltpu.sync_copy(zeros_hbm.at[pl.ds(s * rpt, rpt)], acc.at[pl.ds(s * rpt, rpt)])
    pltpu.sync_copy(ones_hbm, ones_v)
    pltpu.sync_copy(dst3_hbm.at[wid], idx_d3)
    plsc.subcore_barrier()

    def outer(g, carry):
        for b in range(NB):
            i = g * NB + b

            @pl.when(i >= NB)
            def _():
                pltpu.make_async_copy(
                    ones_v, acc.at[idx_d3.at[pl.ds((i - NB) * K, K)]], sem_s.at[b]).wait()

            pltpu.async_copy(ones_v, acc.at[idx_d3.at[pl.ds(i * K, K)]], sem_s.at[b], add=True)
        return carry

    lax.fori_loop(0, NCHUNK // NB, outer, 0)
    for b in range(NB):
        last = (NCHUNK // NB - 1) * NB + b
        pltpu.make_async_copy(
            ones_v, acc.at[idx_d3.at[pl.ds(last * K, K)]], sem_s.at[b]).wait()
    plsc.subcore_barrier()
    pltpu.sync_copy(acc.at[pl.ds(s * rpt, rpt)], out_hbm.at[c, pl.ds(s * rpt, rpt)])


def _deg_counts(dst3):
    ones = jnp.ones((K,), jnp.float32)
    zeros = jnp.zeros((NPAD,), jnp.float32)
    return pl.kernel(
        _deg_body,
        out_type=jax.ShapeDtypeStruct((NC, NPAD), jnp.float32),
        mesh=_mesh(),
        scratch_types=[
            pltpu.VMEM((K,), jnp.float32),
            pltpu.VMEM((EPW,), jnp.int32),
            pltpu.VMEM_SHARED((NPAD,), jnp.float32),
            pltpu.SemaphoreType.DMA((NB,)),
        ],
    )(dst3, ones, zeros)


def _prop_body(y_hbm, src3_hbm, dst3_hbm, out_hbm,
               idx_s3, idx_d3, rows, acc, sem_g, sem_s):
    c = lax.axis_index("c")
    s = lax.axis_index("s")
    wid = s * NC + c
    pltpu.async_copy(src3_hbm.at[wid], idx_s3, sem_g.at[0])
    pltpu.async_copy(dst3_hbm.at[wid], idx_d3, sem_g.at[1])
    z16 = jnp.zeros((16,), jnp.float32)

    def zrow(r, carry):
        for j in range(rows.shape[2] // 16):
            rows[0, r, pl.ds(j * 16, 16)] = z16
        return carry

    lax.fori_loop(0, K, zrow, 0)
    for k in range(RPT // K):
        pltpu.sync_copy(rows.at[0], acc.at[pl.ds(s * RPT + k * K, K)])
    pltpu.make_async_copy(src3_hbm.at[wid], idx_s3, sem_g.at[0]).wait()
    pltpu.make_async_copy(dst3_hbm.at[wid], idx_d3, sem_g.at[1]).wait()
    plsc.subcore_barrier()

    for b in range(NB):
        pltpu.async_copy(y_hbm.at[idx_s3.at[pl.ds(b * K, K)]], rows.at[b], sem_g.at[b])

    def outer(g, carry):
        for b in range(NB):
            i = g * NB + b
            jb = (b + NB - 1) % NB
            pltpu.make_async_copy(
                y_hbm.at[idx_s3.at[pl.ds(i * K, K)]], rows.at[b], sem_g.at[b]).wait()
            pltpu.async_copy(rows.at[b], acc.at[idx_d3.at[pl.ds(i * K, K)]], sem_s.at[b], add=True)
            j = i + NB - 1

            @pl.when((i >= 1) & (j <= NCHUNK - 1))
            def _():
                pltpu.make_async_copy(
                    rows.at[jb], acc.at[idx_d3.at[pl.ds((j - NB) * K, K)]], sem_s.at[jb]).wait()
                pltpu.async_copy(y_hbm.at[idx_s3.at[pl.ds(j * K, K)]], rows.at[jb], sem_g.at[jb])
        return carry

    lax.fori_loop(0, NCHUNK // NB, outer, 0)
    for b in range(NB):
        last = (NCHUNK // NB - 1) * NB + b
        pltpu.make_async_copy(
            rows.at[b], acc.at[idx_d3.at[pl.ds(last * K, K)]], sem_s.at[b]).wait()
    plsc.subcore_barrier()
    pltpu.sync_copy(acc.at[pl.ds(s * RPT, RPT), :], out_hbm.at[c, pl.ds(s * RPT, RPT), :])


def _edge_sum(y, src3, dst3, d):
    return pl.kernel(
        _prop_body,
        out_type=jax.ShapeDtypeStruct((NC, NPAD, d), jnp.float32),
        mesh=_mesh(),
        scratch_types=[
            pltpu.VMEM((EPW,), jnp.int32),
            pltpu.VMEM((EPW,), jnp.int32),
            pltpu.VMEM((NB, K, d), jnp.float32),
            pltpu.VMEM_SHARED((NPAD, d), jnp.float32),
            pltpu.SemaphoreType.DMA((NB,)),
            pltpu.SemaphoreType.DMA((NB,)),
        ],
    )(y, src3, dst3)


def _tcA_body(cnt_ref, x_ref, w1_ref, out_ref):
    dis = lax.rsqrt(cnt_ref[0, 0] + cnt_ref[1, 0] + 1.0)
    y = jnp.dot(x_ref[...], w1_ref[...], preferred_element_type=jnp.float32)
    out_ref[...] = y * dis


def _tcA(cnt, x, w1):
    return pl.pallas_call(
        _tcA_body,
        grid=(N // RB,),
        in_specs=[
            pl.BlockSpec((NC, 1, RB, 1), lambda i: (0, i, 0, 0)),
            pl.BlockSpec((RB, 128), lambda i: (i, 0)),
            pl.BlockSpec((128, 128), lambda i: (0, 0)),
        ],
        out_specs=pl.BlockSpec((RB, 128), lambda i: (i, 0)),
        out_shape=jax.ShapeDtypeStruct((N, 128), jnp.float32),
    )(cnt, x, w1)


def _tcB_body(cnt_ref, g_ref, y1_ref, w2_ref, wl_ref, b1_ref, out_ref):
    dis = lax.rsqrt(cnt_ref[0, 0] + cnt_ref[1, 0] + 1.0)
    p = (g_ref[0] + g_ref[1] + y1_ref[...]) * dis + b1_ref[...]
    h = jnp.maximum(p, 0.0)
    y2 = jnp.dot(jnp.dot(h, w2_ref[...], preferred_element_type=jnp.float32),
                 wl_ref[...], preferred_element_type=jnp.float32)
    out_ref[:, :64] = y2 * dis
    out_ref[:, 64:] = jnp.zeros((RB, 64), jnp.float32)


def _tcB(cnt, g1, y1, w2, wl, b1):
    return pl.pallas_call(
        _tcB_body,
        grid=(N // RB,),
        in_specs=[
            pl.BlockSpec((NC, 1, RB, 1), lambda i: (0, i, 0, 0)),
            pl.BlockSpec((NC, RB, 128), lambda i: (0, i, 0)),
            pl.BlockSpec((RB, 128), lambda i: (i, 0)),
            pl.BlockSpec((128, 64), lambda i: (0, 0)),
            pl.BlockSpec((64, 64), lambda i: (0, 0)),
            pl.BlockSpec((1, 128), lambda i: (0, 0)),
        ],
        out_specs=pl.BlockSpec((RB, 128), lambda i: (i, 0)),
        out_shape=jax.ShapeDtypeStruct((N, 128), jnp.float32),
    )(cnt, g1, y1, w2, wl, b1)


def _tcC_body(cnt_ref, g_ref, y2_ref, b2_ref, wl_ref, bl_ref, out_ref):
    dis = lax.rsqrt(cnt_ref[0, 0] + cnt_ref[1, 0] + 1.0)
    bias = jnp.dot(b2_ref[...], wl_ref[...], preferred_element_type=jnp.float32) + bl_ref[...]
    p = g_ref[0, :, :64] + g_ref[1, :, :64] + y2_ref[:, :64]
    out_ref[...] = p * dis + bias


def _tcC(cnt, g2, y2, b2, wl, bl):
    return pl.pallas_call(
        _tcC_body,
        grid=(N // RB,),
        in_specs=[
            pl.BlockSpec((NC, 1, RB, 1), lambda i: (0, i, 0, 0)),
            pl.BlockSpec((NC, RB, 128), lambda i: (0, i, 0)),
            pl.BlockSpec((RB, 128), lambda i: (i, 0)),
            pl.BlockSpec((1, 64), lambda i: (0, 0)),
            pl.BlockSpec((64, 64), lambda i: (0, 0)),
            pl.BlockSpec((1, 64), lambda i: (0, 0)),
        ],
        out_specs=pl.BlockSpec((RB, 64), lambda i: (i, 0)),
        out_shape=jax.ShapeDtypeStruct((N, 64), jnp.float32),
    )(cnt, g2, y2, b2, wl, bl)


def kernel(x, edge_index, W1, b1, W2, b2, Wl, bl):
    src3 = edge_index[0].reshape(NW, EPW)
    dst3 = edge_index[1].reshape(NW, EPW)
    cnt = _deg_counts(dst3)
    cnt = cnt[:, :N].reshape(NC, N // RB, RB, 1)
    y1t = _tcA(cnt, x, W1)
    g1 = _edge_sum(y1t, src3, dst3, 128)
    y2t = _tcB(cnt, g1, y1t, W2, Wl, b1.reshape(1, 128))
    g2 = _edge_sum(y2t, src3, dst3, 128)
    return _tcC(cnt, g2, y2t, b2.reshape(1, 64), Wl, bl.reshape(1, 64))

# --- scband reference (transcript-rebuilt; emitter-appended) ---
"""Pipeline reference for scband-homo-gnnids-87660282511753 (READ-ONLY COPY).

The authoritative reference and input builder live on the scoring server;
editing this copy changes nothing except your own understanding.
"""

import jax, jax.numpy as jnp
import numpy as np

N = 10000
E = 320000
D_IN = 128
D_HID = 128
D_OUT = 64


def setup_inputs(seed: int = 0) -> dict:
    key = jax.random.key(seed)
    ks = jax.random.split(key, 8)
    x = jax.random.normal(ks[0], (N, D_IN), dtype=jnp.float32)
    edge_index = jax.random.randint(ks[1], (2, E), 0, N, dtype=jnp.int32)
    # GCN layer 1: in -> hidden
    W1 = jax.random.normal(ks[2], (D_IN, D_HID), dtype=jnp.float32) * (1.0 / np.sqrt(D_IN))
    b1 = jnp.zeros((D_HID,), dtype=jnp.float32)
    # GCN layer 2: hidden -> out
    W2 = jax.random.normal(ks[3], (D_HID, D_OUT), dtype=jnp.float32) * (1.0 / np.sqrt(D_HID))
    b2 = jnp.zeros((D_OUT,), dtype=jnp.float32)
    # final linear: out -> out
    Wl = jax.random.normal(ks[4], (D_OUT, D_OUT), dtype=jnp.float32) * (1.0 / np.sqrt(D_OUT))
    bl = jnp.zeros((D_OUT,), dtype=jnp.float32)
    return {"x": x, "edge_index": edge_index, "W1": W1, "b1": b1, "W2": W2, "b2": b2, "Wl": Wl, "bl": bl}


def reference(x, edge_index, W1, b1, W2, b2, Wl, bl):
    # PermutationEquivariantEncoder: 2-layer GCN (symmetric norm with self-loops) + linear head
    src = edge_index[0]
    dst = edge_index[1]
    n = x.shape[0]
    # degree with implicit self-loop
    deg = jax.ops.segment_sum(jnp.ones_like(dst, dtype=x.dtype), dst, num_segments=n) + 1.0
    dis = jax.lax.rsqrt(deg)
    coef = dis[src] * dis[dst]
    self_coef = (dis * dis)[:, None]

    def gcn_conv(h, W, b):
        msg = h[src] * coef[:, None]
        agg = jax.ops.segment_sum(msg, dst, num_segments=n)
        agg = agg + h * self_coef
        return agg @ W + b

    h = jax.nn.relu(gcn_conv(x, W1, b1))
    h = gcn_conv(h, W2, b2)
    out = h @ Wl + bl
    return out

if __name__ == "__main__":
    import jax
    _d = setup_inputs()
    print(jax.jit(kernel)(*tuple(_d.values())))

</pallas_src>

<mosaic_0001>
#map = affine_map<(d0, d1) -> (0, 0)>
#map1 = affine_map<(d0, d1) -> (0, 0, 0)>
module attributes {stable_mosaic.version = 14 : i64} {
  func.func @_prop_body(%arg0: i32, %arg1: i32, %arg2: memref<10000x128xf32, #tpu.memory_space<hbm>>, %arg3: memref<32x10000xi32, #tpu.memory_space<hbm>>, %arg4: memref<32x10000xi32, #tpu.memory_space<hbm>>, %arg5: memref<2x10240x128xf32, #tpu.memory_space<hbm>>, %arg6: memref<10000xi32, #tpu.memory_space<vmem>>, %arg7: memref<10000xi32, #tpu.memory_space<vmem>>, %arg8: memref<5x40x128xf32, #tpu.memory_space<vmem>>, %arg9: memref<10240x128xf32, #tpu.memory_space<vmem_shared>>, %arg10: memref<5x!tpu.dma_semaphore, #tpu.memory_space<semaphore_mem>>, %arg11: memref<5x!tpu.dma_semaphore, #tpu.memory_space<semaphore_mem>>) attributes {dimension_semantics = [#tpu.dimension_semantics<core_parallel>, #tpu.dimension_semantics<subcore_parallel>], iteration_bounds = array<i64: 2, 16>, scalar_prefetch = 0 : i64, scratch_operands = 6 : i64, tpu.core_type = #tpu.core_type<sc_vector_subcore>, window_params = [{transform_indices = #map}, {transform_indices = #map}, {transform_indices = #map}, {transform_indices = #map1}]} {
    %mul3A = arith.constant 2 : i32
    %mul3A_0 = arith.muli %arg1, %mul3A : i32
    %add3A = arith.addi %mul3A_0, %arg0 : i32
    %dma_start3A = arith.constant 0 : i32
    %dma_start3A_1 = arith.constant 0 : i32
    %dma_start3A_2 = tpu.memref_slice %arg3[%add3A, %dma_start3A_1] : memref<32x10000xi32, #tpu.memory_space<hbm>> -> memref<1x10000xi32, #tpu.memory_space<hbm>>
    %dma_start3A_3 = tpu.memref_squeeze %dma_start3A_2 : memref<1x10000xi32, #tpu.memory_space<hbm>> -> memref<10000xi32, #tpu.memory_space<hbm>>
    %dma_start3A_4 = tpu.memref_slice %arg10[%dma_start3A] : memref<5x!tpu.dma_semaphore, #tpu.memory_space<semaphore_mem>> -> memref<1x!tpu.dma_semaphore, #tpu.memory_space<semaphore_mem>>
    %dma_start3A_5 = tpu.memref_squeeze %dma_start3A_4 : memref<1x!tpu.dma_semaphore, #tpu.memory_space<semaphore_mem>> -> memref<!tpu.dma_semaphore, #tpu.memory_space<semaphore_mem>>
    %dma_start3A_6 = arith.constant 0 : i32
    %dma_start3A_7 = tpu.memref_slice %arg3[%add3A, %dma_start3A_6] : memref<32x10000xi32, #tpu.memory_space<hbm>> -> memref<1x10000xi32, #tpu.memory_space<hbm>>
    %dma_start3A_8 = tpu.memref_squeeze %dma_start3A_7 : memref<1x10000xi32, #tpu.memory_space<hbm>> -> memref<10000xi32, #tpu.memory_space<hbm>>
    tpu.enqueue_dma source(%dma_start3A_8 : memref<10000xi32, #tpu.memory_space<hbm>>) target(%arg6 : memref<10000xi32, #tpu.memory_space<vmem>>) target_semaphore(%dma_start3A_5 : memref<!tpu.dma_semaphore, #tpu.memory_space<semaphore_mem>>)
    %dma_start3A_9 = arith.constant 1 : i32
    %dma_start3A_10 = arith.constant 0 : i32
    %dma_start3A_11 = tpu.memref_slice %arg4[%add3A, %dma_start3A_10] : memref<32x10000xi32, #tpu.memory_space<hbm>> -> memref<1x10000xi32, #tpu.memory_space<hbm>>
    %dma_start3A_12 = tpu.memref_squeeze %dma_start3A_11 : memref<1x10000xi32, #tpu.memory_space<hbm>> -> memref<10000xi32, #tpu.memory_space<hbm>>
    %dma_start3A_13 = tpu.memref_slice %arg10[%dma_start3A_9] : memref<5x!tpu.dma_semaphore, #tpu.memory_space<semaphore_mem>> -> memref<1x!tpu.dma_semaphore, #tpu.memory_space<semaphore_mem>>
    %dma_start3A_14 = tpu.memref_squeeze %dma_start3A_13 : memref<1x!tpu.dma_semaphore, #tpu.memory_space<semaphore_mem>> -> memref<!tpu.dma_semaphore, #tpu.memory_space<semaphore_mem>>
    %dma_start3A_15 = arith.constant 0 : i32
    %dma_start3A_16 = tpu.memref_slice %arg4[%add3A, %dma_start3A_15] : memref<32x10000xi32, #tpu.memory_space<hbm>> -> memref<1x10000xi32, #tpu.memory_space<hbm>>
    %dma_start3A_17 = tpu.memref_squeeze %dma_start3A_16 : memref<1x10000xi32, #tpu.memory_space<hbm>> -> memref<10000xi32, #tpu.memory_space<hbm>>
    tpu.enqueue_dma source(%dma_start3A_17 : memref<10000xi32, #tpu.memory_space<hbm>>) target(%arg7 : memref<10000xi32, #tpu.memory_space<vmem>>) target_semaphore(%dma_start3A_14 : memref<!tpu.dma_semaphore, #tpu.memory_space<semaphore_mem>>)
    %broadcast_in_dim3A = arith.constant 0.000000e+00 : f32
    %broadcast_in_dim3A_18 = vector.broadcast %broadcast_in_dim3A : f32 to vector<16xf32>
    %scan3A = arith.constant 0 : i32
    %scan3A_19 = arith.constant 0 : i32
    %scan3A_20 = arith.constant 40 : i32
    %scan3A_21 = arith.addi %scan3A_19, %scan3A_20 : i32
    %scan3A_22 = arith.constant 1 : i32
    scf.for %scan3A_261 = %scan3A_19 to %scan3A_21 step %scan3A_22  : i32 {
      %swap3A = arith.constant 0 : i32
      %swap3A_262 = arith.index_cast %swap3A : i32 to index
      %swap3A_263 = arith.index_cast %scan3A_261 : i32 to index
      %swap3A_264 = arith.constant 0 : index
      %swap3A_265 = tpu.vector_load %arg8[%swap3A_262, %swap3A_263, %swap3A_264] {strides = array<i32>} : memref<5x40x128xf32, #tpu.memory_space<vmem>>, vector<1x1x16xf32>,
      %swap3A_266 = vector.shape_cast %swap3A_265 : vector<1x1x16xf32> to vector<16xf32>
      %swap3A_267 = vector.shape_cast %broadcast_in_dim3A_18 : vector<16xf32> to vector<1x1x16xf32>
      tpu.vector_store %arg8[%swap3A_262, %swap3A_263, %swap3A_264], %swap3A_267 {strides = array<i32>} : memref<5x40x128xf32, #tpu.memory_space<vmem>>, vector<1x1x16xf32>,
      %swap3A_268 = arith.constant 0 : i32
      %swap3A_269 = arith.index_cast %swap3A_268 : i32 to index
      %swap3A_270 = arith.index_cast %scan3A_261 : i32 to index
      %swap3A_271 = arith.constant 16 : index
      %swap3A_272 = tpu.vector_load %arg8[%swap3A_269, %swap3A_270, %swap3A_271] {strides = array<i32>} : memref<5x40x128xf32, #tpu.memory_space<vmem>>, vector<1x1x16xf32>,
      %swap3A_273 = vector.shape_cast %swap3A_272 : vector<1x1x16xf32> to vector<16xf32>
      %swap3A_274 = vector.shape_cast %broadcast_in_dim3A_18 : vector<16xf32> to vector<1x1x16xf32>
      tpu.vector_store %arg8[%swap3A_269, %swap3A_270, %swap3A_271], %swap3A_274 {strides = array<i32>} : memref<5x40x128xf32, #tpu.memory_space<vmem>>, vector<1x1x16xf32>,
      %swap3A_275 = arith.constant 0 : i32
      %swap3A_276 = arith.index_cast %swap3A_275 : i32 to index
      %swap3A_277 = arith.index_cast %scan3A_261 : i32 to index
      %swap3A_278 = arith.constant 32 : index
      %swap3A_279 = tpu.vector_load %arg8[%swap3A_276, %swap3A_277, %swap3A_278] {strides = array<i32>} : memref<5x40x128xf32, #tpu.memory_space<vmem>>, vector<1x1x16xf32>,
      %swap3A_280 = vector.shape_cast %swap3A_279 : vector<1x1x16xf32> to vector<16xf32>
      %swap3A_281 = vector.shape_cast %broadcast_in_dim3A_18 : vector<16xf32> to vector<1x1x16xf32>
      tpu.vector_store %arg8[%swap3A_276, %swap3A_277, %swap3A_278], %swap3A_281 {strides = array<i32>} : memref<5x40x128xf32, #tpu.memory_space<vmem>>, vector<1x1x16xf32>,
      %swap3A_282 = arith.constant 0 : i32
      %swap3A_283 = arith.index_cast %swap3A_282 : i32 to index
      %swap3A_284 = arith.index_cast %scan3A_261 : i32 to index
      %swap3A_285 = arith.constant 48 : index
      %swap3A_286 = tpu.vector_load %arg8[%swap3A_283, %swap3A_284, %swap3A_285] {strides = array<i32>} : memref<5x40x128xf32, #tpu.memory_space<vmem>>, vector<1x1x16xf32>,
      %swap3A_287 = vector.shape_cast %swap3A_286 : vector<1x1x16xf32> to vector<16xf32>
      %swap3A_288 = vector.shape_cast %broadcast_in_dim3A_18 : vector<16xf32> to vector<1x1x16xf32>
      tpu.vector_store %arg8[%swap3A_283, %swap3A_284, %swap3A_285], %swap3A_288 {strides = array<i32>} : memref<5x40x128xf32, #tpu.memory_space<vmem>>, vector<1x1x16xf32>,
      %swap3A_289 = arith.constant 0 : i32
      %swap3A_290 = arith.index_cast %swap3A_289 : i32 to index
      %swap3A_291 = arith.index_cast %scan3A_261 : i32 to index
      %swap3A_292 = arith.constant 64 : index
      %swap3A_293 = tpu.vector_load %arg8[%swap3A_290, %swap3A_291, %swap3A_292] {strides = array<i32>} : memref<5x40x128xf32, #tpu.memory_space<vmem>>, vector<1x1x16xf32>,
      %swap3A_294 = vector.shape_cast %swap3A_293 : vector<1x1x16xf32> to vector<16xf32>
      %swap3A_295 = vector.shape_cast %broadcast_in_dim3A_18 : vector<16xf32> to vector<1x1x16xf32>
      tpu.vector_store %arg8[%swap3A_290, %swap3A_291, %swap3A_292], %swap3A_295 {strides = array<i32>} : memref<5x40x128xf32, #tpu.memory_space<vmem>>, vector<1x1x16xf32>,
      %swap3A_296 = arith.constant 0 : i32
      %swap3A_297 = arith.index_cast %swap3A_296 : i32 to index
      %swap3A_298 = arith.index_cast %scan3A_261 : i32 to index
      %swap3A_299 = arith.constant 80 : index
      %swap3A_300 = tpu.vector_load %arg8[%swap3A_297, %swap3A_298, %swap3A_299] {strides = array<i32>} : memref<5x40x128xf32, #tpu.memory_space<vmem>>, vector<1x1x16xf32>,
      %swap3A_301 = vector.shape_cast %swap3A_300 : vector<1x1x16xf32> to vector<16xf32>
      %swap3A_302 = vector.shape_cast %broadcast_in_dim3A_18 : vector<16xf32> to vector<1x1x16xf32>
      tpu.vector_store %arg8[%swap3A_297, %swap3A_298, %swap3A_299], %swap3A_302 {strides = array<i32>} : memref<5x40x128xf32, #tpu.memory_space<vmem>>, vector<1x1x16xf32>,
      %swap3A_303 = arith.constant 0 : i32
      %swap3A_304 = arith.index_cast %swap3A_303 : i32 to index
      %swap3A_305 = arith.index_cast %scan3A_261 : i32 to index
      %swap3A_306 = arith.constant 96 : index
      %swap3A_307 = tpu.vector_load %arg8[%swap3A_304, %swap3A_305, %swap3A_306] {strides = array<i32>} : memref<5x40x128xf32, #tpu.memory_space<vmem>>, vector<1x1x16xf32>,
      %swap3A_308 = vector.shape_cast %swap3A_307 : vector<1x1x16xf32> to vector<16xf32>
      %swap3A_309 = vector.shape_cast %broadcast_in_dim3A_18 : vector<16xf32> to vector<1x1x16xf32>
      tpu.vector_store %arg8[%swap3A_304, %swap3A_305, %swap3A_306], %swap3A_309 {strides = array<i32>} : memref<5x40x128xf32, #tpu.memory_space<vmem>>, vector<1x1x16xf32>,
      %swap3A_310 = arith.constant 0 : i32
      %swap3A_311 = arith.index_cast %swap3A_310 : i32 to index
      %swap3A_312 = arith.index_cast %scan3A_261 : i32 to index
      %swap3A_313 = arith.constant 112 : index
      %swap3A_314 = tpu.vector_load %arg8[%swap3A_311, %swap3A_312, %swap3A_313] {strides = array<i32>} : memref<5x40x128xf32, #tpu.memory_space<vmem>>, vector<1x1x16xf32>,
      %swap3A_315 = vector.shape_cast %swap3A_314 : vector<1x1x16xf32> to vector<16xf32>
      %swap3A_316 = vector.shape_cast %broadcast_in_dim3A_18 : vector<16xf32> to vector<1x1x16xf32>
      tpu.vector_store %arg8[%swap3A_311, %swap3A_312, %swap3A_313], %swap3A_316 {strides = array<i32>} : memref<5x40x128xf32, #tpu.memory_space<vmem>>, vector<1x1x16xf32>,
    }
    %scan3A_23 = arith.constant 40 : i32
    %mul3A_24 = arith.constant 640 : i32
    %mul3A_25 = arith.muli %arg1, %mul3A_24 : i32
    %add3A_26 = arith.constant 0 : i32
    %add3A_27 = arith.addi %mul3A_25, %add3A_26 : i32
    %run_scoped3A = arith.constant 0 : i32
    "tpu.region"() ({
      %run_scoped3A_261 = tpu.sem_alloc : memref<!tpu.dma_semaphore, #tpu.memory_space<semaphore_mem>>
      %dma_start3A_262 = arith.constant 0 : i32
      %dma_start3A_263 = arith.constant 0 : i32
      %dma_start3A_264 = tpu.memref_slice %arg8[%run_scoped3A, %dma_start3A_262, %dma_start3A_263] : memref<5x40x128xf32, #tpu.memory_space<vmem>> -> memref<1x40x128xf32, #tpu.memory_space<vmem>>
      %dma_start3A_265 = tpu.memref_squeeze %dma_start3A_264 : memref<1x40x128xf32, #tpu.memory_space<vmem>> -> memref<40x128xf32, #tpu.memory_space<vmem>>
      %dma_start3A_266 = arith.constant 0 : i32
      %dma_start3A_267 = tpu.memref_slice %arg9[%add3A_27, %dma_start3A_266] : memref<10240x128xf32, #tpu.memory_space<vmem_shared>> -> memref<40x128xf32, #tpu.memory_space<vmem_shared>>
      %dma_start3A_268 = arith.constant 0 : i32
      %dma_start3A_269 = tpu.memref_slice %arg9[%add3A_27, %dma_start3A_268] : memref<10240x128xf32, #tpu.memory_space<vmem_shared>> -> memref<40x128xf32, #tpu.memory_space<vmem_shared>>
      %dma_start3A_270 = arith.constant 0 : i32
      %dma_start3A_271 = arith.constant 0 : i32
      %dma_start3A_272 = tpu.memref_slice %arg8[%run_scoped3A, %dma_start3A_270, %dma_start3A_271] : memref<5x40x128xf32, #tpu.memory_space<vmem>> -> memref<1x40x128xf32, #tpu.memory_space<vmem>>
      %dma_start3A_273 = tpu.memref_squeeze %dma_start3A_272 : memref<1x40x128xf32, #tpu.memory_space<vmem>> -> memref<40x128xf32, #tpu.memory_space<vmem>>
      tpu.enqueue_dma source(%dma_start3A_273 : memref<40x128xf32, #tpu.memory_space<vmem>>) target(%dma_start3A_269 : memref<40x128xf32, #tpu.memory_space<vmem_shared>>) target_semaphore(%run_scoped3A_261 : memref<!tpu.dma_semaphore, #tpu.memory_space<semaphore_mem>>)
      %dma_wait3A_274 = arith.constant 0 : i32
      %dma_wait3A_275 = arith.constant 0 : i32
      %dma_wait3A_276 = tpu.memref_slice %arg8[%run_scoped3A, %dma_wait3A_274, %dma_wait3A_275] : memref<5x40x128xf32, #tpu.memory_space<vmem>> -> memref<1x40x128xf32, #tpu.memory_space<vmem>>
      %dma_wait3A_277 = tpu.memref_squeeze %dma_wait3A_276 : memref<1x40x128xf32, #tpu.memory_space<vmem>> -> memref<40x128xf32, #tpu.memory_space<vmem>>
      %dma_wait3A_278 = arith.constant 0 : i32
      %dma_wait3A_279 = tpu.memref_slice %arg9[%add3A_27, %dma_wait3A_278] : memref<10240x128xf32, #tpu.memory_space<vmem_shared>> -> memref<40x128xf32, #tpu.memory_space<vmem_shared>>
      %dma_wait3A_280 = arith.constant 0 : i32
      %dma_wait3A_281 = tpu.memref_slice %arg9[%add3A_27, %dma_wait3A_280] : memref<10240x128xf32, #tpu.memory_space<vmem_shared>> -> memref<40x128xf32, #tpu.memory_space<vmem_shared>>
      %dma_wait3A_282 = arith.constant 0 : i32
      %dma_wait3A_283 = arith.constant 0 : i32
      %dma_wait3A_284 = tpu.memref_slice %arg8[%run_scoped3A, %dma_wait3A_282, %dma_wait3A_283] : memref<5x40x128xf32, #tpu.memory_space<vmem>> -> memref<1x40x128xf32, #tpu.memory_space<vmem>>
      %dma_wait3A_285 = tpu.memref_squeeze %dma_wait3A_284 : memref<1x40x128xf32, #tpu.memory_space<vmem>> -> memref<40x128xf32, #tpu.memory_space<vmem>>
      tpu.wait_dma2 semaphore(%run_scoped3A_261 : memref<!tpu.dma_semaphore, #tpu.memory_space<semaphore_mem>>) src(%dma_wait3A_285 : memref<40x128xf32, #tpu.memory_space<vmem>>) dst(%dma_wait3A_281 : memref<40x128xf32, #tpu.memory_space<vmem_shared>>)
      tpu.yield
    }) : () -> ()
    %mul3A_28 = arith.constant 640 : i32
    %mul3A_29 = arith.muli %arg1, %mul3A_28 : i32
    %add3A_30 = arith.constant 40 : i32
    %add3A_31 = arith.addi %mul3A_29, %add3A_30 : i32
    %run_scoped3A_32 = arith.constant 0 : i32
    "tpu.region"() ({
      %run_scoped3A_261 = tpu.sem_alloc : memref<!tpu.dma_semaphore, #tpu.memory_space<semaphore_mem>>
      %dma_start3A_262 = arith.constant 0 : i32
      %dma_start3A_263 = arith.constant 0 : i32
      %dma_start3A_264 = tpu.memref_slice %arg8[%run_scoped3A_32, %dma_start3A_262, %dma_start3A_263] : memref<5x40x128xf32, #tpu.memory_space<vmem>> -> memref<1x40x128xf32, #tpu.memory_space<vmem>>
      %dma_start3A_265 = tpu.memref_squeeze %dma_start3A_264 : memref<1x40x128xf32, #tpu.memory_space<vmem>> -> memref<40x128xf32, #tpu.memory_space<vmem>>
      %dma_start3A_266 = arith.constant 0 : i32
      %dma_start3A_267 = tpu.memref_slice %arg9[%add3A_31, %dma_start3A_266] : memref<10240x128xf32, #tpu.memory_space<vmem_shared>> -> memref<40x128xf32, #tpu.memory_space<vmem_shared>>
      %dma_start3A_268 = arith.constant 0 : i32
      %dma_start3A_269 = tpu.memref_slice %arg9[%add3A_31, %dma_start3A_268] : memref<10240x128xf32, #tpu.memory_space<vmem_shared>> -> memref<40x128xf32, #tpu.memory_space<vmem_shared>>
      %dma_start3A_270 = arith.constant 0 : i32
      %dma_start3A_271 = arith.constant 0 : i32
      %dma_start3A_272 = tpu.memref_slice %arg8[%run_scoped3A_32, %dma_start3A_270, %dma_start3A_271] : memref<5x40x128xf32, #tpu.memory_space<vmem>> -> memref<1x40x128xf32, #tpu.memory_space<vmem>>
      %dma_start3A_273 = tpu.memref_squeeze %dma_start3A_272 : memref<1x40x128xf32, #tpu.memory_space<vmem>> -> memref<40x128xf32, #tpu.memory_space<vmem>>
      tpu.enqueue_dma source(%dma_start3A_273 : memref<40x128xf32, #tpu.memory_space<vmem>>) target(%dma_start3A_269 : memref<40x128xf32, #tpu.memory_space<vmem_shared>>) target_semaphore(%run_scoped3A_261 : memref<!tpu.dma_semaphore, #tpu.memory_space<semaphore_mem>>)
      %dma_wait3A_274 = arith.constant 0 : i32
      %dma_wait3A_275 = arith.constant 0 : i32
      %dma_wait3A_276 = tpu.memref_slice %arg8[%run_scoped3A_32, %dma_wait3A_274, %dma_wait3A_275] : memref<5x40x128xf32, #tpu.memory_space<vmem>> -> memref<1x40x128xf32, #tpu.memory_space<vmem>>
      %dma_wait3A_277 = tpu.memref_squeeze %dma_wait3A_276 : memref<1x40x128xf32, #tpu.memory_space<vmem>> -> memref<40x128xf32, #tpu.memory_space<vmem>>
      %dma_wait3A_278 = arith.constant 0 : i32
      %dma_wait3A_279 = tpu.memref_slice %arg9[%add3A_31, %dma_wait3A_278] : memref<10240x128xf32, #tpu.memory_space<vmem_shared>> -> memref<40x128xf32, #tpu.memory_space<vmem_shared>>
      %dma_wait3A_280 = arith.constant 0 : i32
      %dma_wait3A_281 = tpu.memref_slice %arg9[%add3A_31, %dma_wait3A_280] : memref<10240x128xf32, #tpu.memory_space<vmem_shared>> -> memref<40x128xf32, #tpu.memory_space<vmem_shared>>
      %dma_wait3A_282 = arith.constant 0 : i32
      %dma_wait3A_283 = arith.constant 0 : i32
      %dma_wait3A_284 = tpu.memref_slice %arg8[%run_scoped3A_32, %dma_wait3A_282, %dma_wait3A_283] : memref<5x40x128xf32, #tpu.memory_space<vmem>> -> memref<1x40x128xf32, #tpu.memory_space<vmem>>
      %dma_wait3A_285 = tpu.memref_squeeze %dma_wait3A_284 : memref<1x40x128xf32, #tpu.memory_space<vmem>> -> memref<40x128xf32, #tpu.memory_space<vmem>>
      tpu.wait_dma2 semaphore(%run_scoped3A_261 : memref<!tpu.dma_semaphore, #tpu.memory_space<semaphore_mem>>) src(%dma_wait3A_285 : memref<40x128xf32, #tpu.memory_space<vmem>>) dst(%dma_wait3A_281 : memref<40x128xf32, #tpu.memory_space<vmem_shared>>)
      tpu.yield
    }) : () -> ()
    %mul3A_33 = arith.constant 640 : i32
    %mul3A_34 = arith.muli %arg1, %mul3A_33 : i32
    %add3A_35 = arith.constant 80 : i32
    %add3A_36 = arith.addi %mul3A_34, %add3A_35 : i32
    %run_scoped3A_37 = arith.constant 0 : i32
    "tpu.region"() ({
      %run_scoped3A_261 = tpu.sem_alloc : memref<!tpu.dma_semaphore, #tpu.memory_space<semaphore_mem>>
      %dma_start3A_262 = arith.constant 0 : i32
      %dma_start3A_263 = arith.constant 0 : i32
      %dma_start3A_264 = tpu.memref_slice %arg8[%run_scoped3A_37, %dma_start3A_262, %dma_start3A_263] : memref<5x40x128xf32, #tpu.memory_space<vmem>> -> memref<1x40x128xf32, #tpu.memory_space<vmem>>
      %dma_start3A_265 = tpu.memref_squeeze %dma_start3A_264 : memref<1x40x128xf32, #tpu.memory_space<vmem>> -> memref<40x128xf32, #tpu.memory_space<vmem>>
      %dma_start3A_266 = arith.constant 0 : i32
      %dma_start3A_267 = tpu.memref_slice %arg9[%add3A_36, %dma_start3A_266] : memref<10240x128xf32, #tpu.memory_space<vmem_shared>> -> memref<40x128xf32, #tpu.memory_space<vmem_shared>>
      %dma_start3A_268 = arith.constant 0 : i32
      %dma_start3A_269 = tpu.memref_slice %arg9[%add3A_36, %dma_start3A_268] : memref<10240x128xf32, #tpu.memory_space<vmem_shared>> -> memref<40x128xf32, #tpu.memory_space<vmem_shared>>
      %dma_start3A_270 = arith.constant 0 : i32
      %dma_start3A_271 = arith.constant 0 : i32
      %dma_start3A_272 = tpu.memref_slice %arg8[%run_scoped3A_37, %dma_start3A_270, %dma_start3A_271] : memref<5x40x128xf32, #tpu.memory_space<vmem>> -> memref<1x40x128xf32, #tpu.memory_space<vmem>>
      %dma_start3A_273 = tpu.memref_squeeze %dma_start3A_272 : memref<1x40x128xf32, #tpu.memory_space<vmem>> -> memref<40x128xf32, #tpu.memory_space<vmem>>
      tpu.enqueue_dma source(%dma_start3A_273 : memref<40x128xf32, #tpu.memory_space<vmem>>) target(%dma_start3A_269 : memref<40x128xf32, #tpu.memory_space<vmem_shared>>) target_semaphore(%run_scoped3A_261 : memref<!tpu.dma_semaphore, #tpu.memory_space<semaphore_mem>>)
      %dma_wait3A_274 = arith.constant 0 : i32
      %dma_wait3A_275 = arith.constant 0 : i32
      %dma_wait3A_276 = tpu.memref_slice %arg8[%run_scoped3A_37, %dma_wait3A_274, %dma_wait3A_275] : memref<5x40x128xf32, #tpu.memory_space<vmem>> -> memref<1x40x128xf32, #tpu.memory_space<vmem>>
      %dma_wait3A_277 = tpu.memref_squeeze %dma_wait3A_276 : memref<1x40x128xf32, #tpu.memory_space<vmem>> -> memref<40x128xf32, #tpu.memory_space<vmem>>
      %dma_wait3A_278 = arith.constant 0 : i32
      %dma_wait3A_279 = tpu.memref_slice %arg9[%add3A_36, %dma_wait3A_278] : memref<10240x128xf32, #tpu.memory_space<vmem_shared>> -> memref<40x128xf32, #tpu.memory_space<vmem_shared>>
      %dma_wait3A_280 = arith.constant 0 : i32
      %dma_wait3A_281 = tpu.memref_slice %arg9[%add3A_36, %dma_wait3A_280] : memref<10240x128xf32, #tpu.memory_space<vmem_shared>> -> memref<40x128xf32, #tpu.memory_space<vmem_shared>>
      %dma_wait3A_282 = arith.constant 0 : i32
      %dma_wait3A_283 = arith.constant 0 : i32
      %dma_wait3A_284 = tpu.memref_slice %arg8[%run_scoped3A_37, %dma_wait3A_282, %dma_wait3A_283] : memref<5x40x128xf32, #tpu.memory_space<vmem>> -> memref<1x40x128xf32, #tpu.memory_space<vmem>>
      %dma_wait3A_285 = tpu.memref_squeeze %dma_wait3A_284 : memref<1x40x128xf32, #tpu.memory_space<vmem>> -> memref<40x128xf32, #tpu.memory_space<vmem>>
      tpu.wait_dma2 semaphore(%run_scoped3A_261 : memref<!tpu.dma_semaphore, #tpu.memory_space<semaphore_mem>>) src(%dma_wait3A_285 : memref<40x128xf32, #tpu.memory_space<vmem>>) dst(%dma_wait3A_281 : memref<40x128xf32, #tpu.memory_space<vmem_shared>>)
      tpu.yield
    }) : () -> ()
    %mul3A_38 = arith.constant 640 : i32
    %mul3A_39 = arith.muli %arg1, %mul3A_38 : i32
    %add3A_40 = arith.constant 120 : i32
    %add3A_41 = arith.addi %mul3A_39, %add3A_40 : i32
    %run_scoped3A_42 = arith.constant 0 : i32
    "tpu.region"() ({
      %run_scoped3A_261 = tpu.sem_alloc : memref<!tpu.dma_semaphore, #tpu.memory_space<semaphore_mem>>
      %dma_start3A_262 = arith.constant 0 : i32
      %dma_start3A_263 = arith.constant 0 : i32
      %dma_start3A_264 = tpu.memref_slice %arg8[%run_scoped3A_42, %dma_start3A_262, %dma_start3A_263] : memref<5x40x128xf32, #tpu.memory_space<vmem>> -> memref<1x40x128xf32, #tpu.memory_space<vmem>>
      %dma_start3A_265 = tpu.memref_squeeze %dma_start3A_264 : memref<1x40x128xf32, #tpu.memory_space<vmem>> -> memref<40x128xf32, #tpu.memory_space<vmem>>
      %dma_start3A_266 = arith.constant 0 : i32
      %dma_start3A_267 = tpu.memref_slice %arg9[%add3A_41, %dma_start3A_266] : memref<10240x128xf32, #tpu.memory_space<vmem_shared>> -> memref<40x128xf32, #tpu.memory_space<vmem_shared>>
      %dma_start3A_268 = arith.constant 0 : i32
      %dma_start3A_269 = tpu.memref_slice %arg9[%add3A_41, %dma_start3A_268] : memref<10240x128xf32, #tpu.memory_space<vmem_shared>> -> memref<40x128xf32, #tpu.memory_space<vmem_shared>>
      %dma_start3A_270 = arith.constant 0 : i32
      %dma_start3A_271 = arith.constant 0 : i32
      %dma_start3A_272 = tpu.memref_slice %arg8[%run_scoped3A_42, %dma_start3A_270, %dma_start3A_271] : memref<5x40x128xf32, #tpu.memory_space<vmem>> -> memref<1x40x128xf32, #tpu.memory_space<vmem>>
      %dma_start3A_273 = tpu.memref_squeeze %dma_start3A_272 : memref<1x40x128xf32, #tpu.memory_space<vmem>> -> memref<40x128xf32, #tpu.memory_space<vmem>>
      tpu.enqueue_dma source(%dma_start3A_273 : memref<40x128xf32, #tpu.memory_space<vmem>>) target(%dma_start3A_269 : memref<40x128xf32, #tpu.memory_space<vmem_shared>>) target_semaphore(%run_scoped3A_261 : memref<!tpu.dma_semaphore, #tpu.memory_space<semaphore_mem>>)
      %dma_wait3A_274 = arith.constant 0 : i32
      %dma_wait3A_275 = arith.constant 0 : i32
      %dma_wait3A_276 = tpu.memref_slice %arg8[%run_scoped3A_42, %dma_wait3A_274, %dma_wait3A_275] : memref<5x40x128xf32, #tpu.memory_space<vmem>> -> memref<1x40x128xf32, #tpu.memory_space<vmem>>
      %dma_wait3A_277 = tpu.memref_squeeze %dma_wait3A_276 : memref<1x40x128xf32, #tpu.memory_space<vmem>> -> memref<40x128xf32, #tpu.memory_space<vmem>>
      %dma_wait3A_278 = arith.constant 0 : i32
      %dma_wait3A_279 = tpu.memref_slice %arg9[%add3A_41, %dma_wait3A_278] : memref<10240x128xf32, #tpu.memory_space<vmem_shared>> -> memref<40x128xf32, #tpu.memory_space<vmem_shared>>
      %dma_wait3A_280 = arith.constant 0 : i32
      %dma_wait3A_281 = tpu.memref_slice %arg9[%add3A_41, %dma_wait3A_280] : memref<10240x128xf32, #tpu.memory_space<vmem_shared>> -> memref<40x128xf32, #tpu.memory_space<vmem_shared>>
      %dma_wait3A_282 = arith.constant 0 : i32
      %dma_wait3A_283 = arith.constant 0 : i32
      %dma_wait3A_284 = tpu.memref_slice %arg8[%run_scoped3A_42, %dma_wait3A_282, %dma_wait3A_283] : memref<5x40x128xf32, #tpu.memory_space<vmem>> -> memref<1x40x128xf32, #tpu.memory_space<vmem>>
      %dma_wait3A_285 = tpu.memref_squeeze %dma_wait3A_284 : memref<1x40x128xf32, #tpu.memory_space<vmem>> -> memref<40x128xf32, #tpu.memory_space<vmem>>
      tpu.wait_dma2 semaphore(%run_scoped3A_261 : memref<!tpu.dma_semaphore, #tpu.memory_space<semaphore_mem>>) src(%dma_wait3A_285 : memref<40x128xf32, #tpu.memory_space<vmem>>) dst(%dma_wait3A_281 : memref<40x128xf32, #tpu.memory_space<vmem_shared>>)
      tpu.yield
    }) : () -> ()
    %mul3A_43 = arith.constant 640 : i32
    %mul3A_44 = arith.muli %arg1, %mul3A_43 : i32
    %add3A_45 = arith.constant 160 : i32
    %add3A_46 = arith.addi %mul3A_44, %add3A_45 : i32
    %run_scoped3A_47 = arith.constant 0 : i32
    "tpu.region"() ({
      %run_scoped3A_261 = tpu.sem_alloc : memref<!tpu.dma_semaphore, #tpu.memory_space<semaphore_mem>>
      %dma_start3A_262 = arith.constant 0 : i32
      %dma_start3A_263 = arith.constant 0 : i32
      %dma_start3A_264 = tpu.memref_slice %arg8[%run_scoped3A_47, %dma_start3A_262, %dma_start3A_263] : memref<5x40x128xf32, #tpu.memory_space<vmem>> -> memref<1x40x128xf32, #tpu.memory_space<vmem>>
      %dma_start3A_265 = tpu.memref_squeeze %dma_start3A_264 : memref<1x40x128xf32, #tpu.memory_space<vmem>> -> memref<40x128xf32, #tpu.memory_space<vmem>>
      %dma_start3A_266 = arith.constant 0 : i32
      %dma_start3A_267 = tpu.memref_slice %arg9[%add3A_46, %dma_start3A_266] : memref<10240x128xf32, #tpu.memory_space<vmem_shared>> -> memref<40x128xf32, #tpu.memory_space<vmem_shared>>
      %dma_start3A_268 = arith.constant 0 : i32
      %dma_start3A_269 = tpu.memref_slice %arg9[%add3A_46, %dma_start3A_268] : memref<10240x128xf32, #tpu.memory_space<vmem_shared>> -> memref<40x128xf32, #tpu.memory_space<vmem_shared>>
      %dma_start3A_270 = arith.constant 0 : i32
      %dma_start3A_271 = arith.constant 0 : i32
      %dma_start3A_272 = tpu.memref_slice %arg8[%run_scoped3A_47, %dma_start3A_270, %dma_start3A_271] : memref<5x40x128xf32, #tpu.memory_space<vmem>> -> memref<1x40x128xf32, #tpu.memory_space<vmem>>
      %dma_start3A_273 = tpu.memref_squeeze %dma_start3A_272 : memref<1x40x128xf32, #tpu.memory_space<vmem>> -> memref<40x128xf32, #tpu.memory_space<vmem>>
      tpu.enqueue_dma source(%dma_start3A_273 : memref<40x128xf32, #tpu.memory_space<vmem>>) target(%dma_start3A_269 : memref<40x128xf32, #tpu.memory_space<vmem_shared>>) target_semaphore(%run_scoped3A_261 : memref<!tpu.dma_semaphore, #tpu.memory_space<semaphore_mem>>)
      %dma_wait3A_274 = arith.constant 0 : i32
      %dma_wait3A_275 = arith.constant 0 : i32
      %dma_wait3A_276 = tpu.memref_slice %arg8[%run_scoped3A_47, %dma_wait3A_274, %dma_wait3A_275] : memref<5x40x128xf32, #tpu.memory_space<vmem>> -> memref<1x40x128xf32, #tpu.memory_space<vmem>>
      %dma_wait3A_277 = tpu.memref_squeeze %dma_wait3A_276 : memref<1x40x128xf32, #tpu.memory_space<vmem>> -> memref<40x128xf32, #tpu.memory_space<vmem>>
      %dma_wait3A_278 = arith.constant 0 : i32
      %dma_wait3A_279 = tpu.memref_slice %arg9[%add3A_46, %dma_wait3A_278] : memref<10240x128xf32, #tpu.memory_space<vmem_shared>> -> memref<40x128xf32, #tpu.memory_space<vmem_shared>>
      %dma_wait3A_280 = arith.constant 0 : i32
      %dma_wait3A_281 = tpu.memref_slice %arg9[%add3A_46, %dma_wait3A_280] : memref<10240x128xf32, #tpu.memory_space<vmem_shared>> -> memref<40x128xf32, #tpu.memory_space<vmem_shared>>
      %dma_wait3A_282 = arith.constant 0 : i32
      %dma_wait3A_283 = arith.constant 0 : i32
      %dma_wait3A_284 = tpu.memref_slice %arg8[%run_scoped3A_47, %dma_wait3A_282, %dma_wait3A_283] : memref<5x40x128xf32, #tpu.memory_space<vmem>> -> memref<1x40x128xf32, #tpu.memory_space<vmem>>
      %dma_wait3A_285 = tpu.memref_squeeze %dma_wait3A_284 : memref<1x40x128xf32, #tpu.memory_space<vmem>> -> memref<40x128xf32, #tpu.memory_space<vmem>>
      tpu.wait_dma2 semaphore(%run_scoped3A_261 : memref<!tpu.dma_semaphore, #tpu.memory_space<semaphore_mem>>) src(%dma_wait3A_285 : memref<40x128xf32, #tpu.memory_space<vmem>>) dst(%dma_wait3A_281 : memref<40x128xf32, #tpu.memory_space<vmem_shared>>)
      tpu.yield
    }) : () -> ()
    %mul3A_48 = arith.constant 640 : i32
    %mul3A_49 = arith.muli %arg1, %mul3A_48 : i32
    %add3A_50 = arith.constant 200 : i32
    %add3A_51 = arith.addi %mul3A_49, %add3A_50 : i32
    %run_scoped3A_52 = arith.constant 0 : i32
    "tpu.region"() ({
      %run_scoped3A_261 = tpu.sem_alloc : memref<!tpu.dma_semaphore, #tpu.memory_space<semaphore_mem>>
      %dma_start3A_262 = arith.constant 0 : i32
      %dma_start3A_263 = arith.constant 0 : i32
      %dma_start3A_264 = tpu.memref_slice %arg8[%run_scoped3A_52, %dma_start3A_262, %dma_start3A_263] : memref<5x40x128xf32, #tpu.memory_space<vmem>> -> memref<1x40x128xf32, #tpu.memory_space<vmem>>
      %dma_start3A_265 = tpu.memref_squeeze %dma_start3A_264 : memref<1x40x128xf32, #tpu.memory_space<vmem>> -> memref<40x128xf32, #tpu.memory_space<vmem>>
      %dma_start3A_266 = arith.constant 0 : i32
      %dma_start3A_267 = tpu.memref_slice %arg9[%add3A_51, %dma_start3A_266] : memref<10240x128xf32, #tpu.memory_space<vmem_shared>> -> memref<40x128xf32, #tpu.memory_space<vmem_shared>>
      %dma_start3A_268 = arith.constant 0 : i32
      %dma_start3A_269 = tpu.memref_slice %arg9[%add3A_51, %dma_start3A_268] : memref<10240x128xf32, #tpu.memory_space<vmem_shared>> -> memref<40x128xf32, #tpu.memory_space<vmem_shared>>
      %dma_start3A_270 = arith.constant 0 : i32
      %dma_start3A_271 = arith.constant 0 : i32
      %dma_start3A_272 = tpu.memref_slice %arg8[%run_scoped3A_52, %dma_start3A_270, %dma_start3A_271] : memref<5x40x128xf32, #tpu.memory_space<vmem>> -> memref<1x40x128xf32, #tpu.memory_space<vmem>>
      %dma_start3A_273 = tpu.memref_squeeze %dma_start3A_272 : memref<1x40x128xf32, #tpu.memory_space<vmem>> -> memref<40x128xf32, #tpu.memory_space<vmem>>
      tpu.enqueue_dma source(%dma_start3A_273 : memref<40x128xf32, #tpu.memory_space<vmem>>) target(%dma_start3A_269 : memref<40x128xf32, #tpu.memory_space<vmem_shared>>) target_semaphore(%run_scoped3A_261 : memref<!tpu.dma_semaphore, #tpu.memory_space<semaphore_mem>>)
      %dma_wait3A_274 = arith.constant 0 : i32
      %dma_wait3A_275 = arith.constant 0 : i32
      %dma_wait3A_276 = tpu.memref_slice %arg8[%run_scoped3A_52, %dma_wait3A_274, %dma_wait3A_275] : memref<5x40x128xf32, #tpu.memory_space<vmem>> -> memref<1x40x128xf32, #tpu.memory_space<vmem>>
      %dma_wait3A_277 = tpu.memref_squeeze %dma_wait3A_276 : memref<1x40x128xf32, #tpu.memory_space<vmem>> -> memref<40x128xf32, #tpu.memory_space<vmem>>
      %dma_wait3A_278 = arith.constant 0 : i32
      %dma_wait3A_279 = tpu.memref_slice %arg9[%add3A_51, %dma_wait3A_278] : memref<10240x128xf32, #tpu.memory_space<vmem_shared>> -> memref<40x128xf32, #tpu.memory_space<vmem_shared>>
      %dma_wait3A_280 = arith.constant 0 : i32
      %dma_wait3A_281 = tpu.memref_slice %arg9[%add3A_51, %dma_wait3A_280] : memref<10240x128xf32, #tpu.memory_space<vmem_shared>> -> memref<40x128xf32, #tpu.memory_space<vmem_shared>>
      %dma_wait3A_282 = arith.constant 0 : i32
      %dma_wait3A_283 = arith.constant 0 : i32
      %dma_wait3A_284 = tpu.memref_slice %arg8[%run_scoped3A_52, %dma_wait3A_282, %dma_wait3A_283] : memref<5x40x128xf32, #tpu.memory_space<vmem>> -> memref<1x40x128xf32, #tpu.memory_space<vmem>>
      %dma_wait3A_285 = tpu.memref_squeeze %dma_wait3A_284 : memref<1x40x128xf32, #tpu.memory_space<vmem>> -> memref<40x128xf32, #tpu.memory_space<vmem>>
      tpu.wait_dma2 semaphore(%run_scoped3A_261 : memref<!tpu.dma_semaphore, #tpu.memory_space<semaphore_mem>>) src(%dma_wait3A_285 : memref<40x128xf32, #tpu.memory_space<vmem>>) dst(%dma_wait3A_281 : memref<40x128xf32, #tpu.memory_space<vmem_shared>>)
      tpu.yield
    }) : () -> ()
    %mul3A_53 = arith.constant 640 : i32
    %mul3A_54 = arith.muli %arg1, %mul3A_53 : i32
    %add3A_55 = arith.constant 240 : i32
    %add3A_56 = arith.addi %mul3A_54, %add3A_55 : i32
    %run_scoped3A_57 = arith.constant 0 : i32
    "tpu.region"() ({
      %run_scoped3A_261 = tpu.sem_alloc : memref<!tpu.dma_semaphore, #tpu.memory_space<semaphore_mem>>
      %dma_start3A_262 = arith.constant 0 : i32
      %dma_start3A_263 = arith.constant 0 : i32
      %dma_start3A_264 = tpu.memref_slice %arg8[%run_scoped3A_57, %dma_start3A_262, %dma_start3A_263] : memref<5x40x128xf32, #tpu.memory_space<vmem>> -> memref<1x40x128xf32, #tpu.memory_space<vmem>>
      %dma_start3A_265 = tpu.memref_squeeze %dma_start3A_264 : memref<1x40x128xf32, #tpu.memory_space<vmem>> -> memref<40x128xf32, #tpu.memory_space<vmem>>
      %dma_start3A_266 = arith.constant 0 : i32
      %dma_start3A_267 = tpu.memref_slice %arg9[%add3A_56, %dma_start3A_266] : memref<10240x128xf32, #tpu.memory_space<vmem_shared>> -> memref<40x128xf32, #tpu.memory_space<vmem_shared>>
      %dma_start3A_268 = arith.constant 0 : i32
      %dma_start3A_269 = tpu.memref_slice %arg9[%add3A_56, %dma_start3A_268] : memref<10240x128xf32, #tpu.memory_space<vmem_shared>> -> memref<40x128xf32, #tpu.memory_space<vmem_shared>>
      %dma_start3A_270 = arith.constant 0 : i32
      %dma_start3A_271 = arith.constant 0 : i32
      %dma_start3A_272 = tpu.memref_slice %arg8[%run_scoped3A_57, %dma_start3A_270, %dma_start3A_271] : memref<5x40x128xf32, #tpu.memory_space<vmem>> -> memref<1x40x128xf32, #tpu.memory_space<vmem>>
      %dma_start3A_273 = tpu.memref_squeeze %dma_start3A_272 : memref<1x40x128xf32, #tpu.memory_space<vmem>> -> memref<40x128xf32, #tpu.memory_space<vmem>>
      tpu.enqueue_dma source(%dma_start3A_273 : memref<40x128xf32, #tpu.memory_space<vmem>>) target(%dma_start3A_269 : memref<40x128xf32, #tpu.memory_space<vmem_shared>>) target_semaphore(%run_scoped3A_261 : memref<!tpu.dma_semaphore, #tpu.memory_space<semaphore_mem>>)
      %dma_wait3A_274 = arith.constant 0 : i32
      %dma_wait3A_275 = arith.constant 0 : i32
      %dma_wait3A_276 = tpu.memref_slice %arg8[%run_scoped3A_57, %dma_wait3A_274, %dma_wait3A_275] : memref<5x40x128xf32, #tpu.memory_space<vmem>> -> memref<1x40x128xf32, #tpu.memory_space<vmem>>
      %dma_wait3A_277 = tpu.memref_squeeze %dma_wait3A_276 : memref<1x40x128xf32, #tpu.memory_space<vmem>> -> memref<40x128xf32, #tpu.memory_space<vmem>>
      %dma_wait3A_278 = arith.constant 0 : i32
      %dma_wait3A_279 = tpu.memref_slice %arg9[%add3A_56, %dma_wait3A_278] : memref<10240x128xf32, #tpu.memory_space<vmem_shared>> -> memref<40x128xf32, #tpu.memory_space<vmem_shared>>
      %dma_wait3A_280 = arith.constant 0 : i32
      %dma_wait3A_281 = tpu.memref_slice %arg9[%add3A_56, %dma_wait3A_280] : memref<10240x128xf32, #tpu.memory_space<vmem_shared>> -> memref<40x128xf32, #tpu.memory_space<vmem_shared>>
      %dma_wait3A_282 = arith.constant 0 : i32
      %dma_wait3A_283 = arith.constant 0 : i32
      %dma_wait3A_284 = tpu.memref_slice %arg8[%run_scoped3A_57, %dma_wait3A_282, %dma_wait3A_283] : memref<5x40x128xf32, #tpu.memory_space<vmem>> -> memref<1x40x128xf32, #tpu.memory_space<vmem>>
      %dma_wait3A_285 = tpu.memref_squeeze %dma_wait3A_284 : memref<1x40x128xf32, #tpu.memory_space<vmem>> -> memref<40x128xf32, #tpu.memory_space<vmem>>
      tpu.wait_dma2 semaphore(%run_scoped3A_261 : memref<!tpu.dma_semaphore, #tpu.memory_space<semaphore_mem>>) src(%dma_wait3A_285 : memref<40x128xf32, #tpu.memory_space<vmem>>) dst(%dma_wait3A_281 : memref<40x128xf32, #tpu.memory_space<vmem_shared>>)
      tpu.yield
    }) : () -> ()
    %mul3A_58 = arith.constant 640 : i32
    %mul3A_59 = arith.muli %arg1, %mul3A_58 : i32
    %add3A_60 = arith.constant 280 : i32
    %add3A_61 = arith.addi %mul3A_59, %add3A_60 : i32
    %run_scoped3A_62 = arith.constant 0 : i32
    "tpu.region"() ({
      %run_scoped3A_261 = tpu.sem_alloc : memref<!tpu.dma_semaphore, #tpu.memory_space<semaphore_mem>>
      %dma_start3A_262 = arith.constant 0 : i32
      %dma_start3A_263 = arith.constant 0 : i32
      %dma_start3A_264 = tpu.memref_slice %arg8[%run_scoped3A_62, %dma_start3A_262, %dma_start3A_263] : memref<5x40x128xf32, #tpu.memory_space<vmem>> -> memref<1x40x128xf32, #tpu.memory_space<vmem>>
      %dma_start3A_265 = tpu.memref_squeeze %dma_start3A_264 : memref<1x40x128xf32, #tpu.memory_space<vmem>> -> memref<40x128xf32, #tpu.memory_space<vmem>>
      %dma_start3A_266 = arith.constant 0 : i32
      %dma_start3A_267 = tpu.memref_slice %arg9[%add3A_61, %dma_start3A_266] : memref<10240x128xf32, #tpu.memory_space<vmem_shared>> -> memref<40x128xf32, #tpu.memory_space<vmem_shared>>
      %dma_start3A_268 = arith.constant 0 : i32
      %dma_start3A_269 = tpu.memref_slice %arg9[%add3A_61, %dma_start3A_268] : memref<10240x128xf32, #tpu.memory_space<vmem_shared>> -> memref<40x128xf32, #tpu.memory_space<vmem_shared>>
      %dma_start3A_270 = arith.constant 0 : i32
      %dma_start3A_271 = arith.constant 0 : i32
      %dma_start3A_272 = tpu.memref_slice %arg8[%run_scoped3A_62, %dma_start3A_270, %dma_start3A_271] : memref<5x40x128xf32, #tpu.memory_space<vmem>> -> memref<1x40x128xf32, #tpu.memory_space<vmem>>
      %dma_start3A_273 = tpu.memref_squeeze %dma_start3A_272 : memref<1x40x128xf32, #tpu.memory_space<vmem>> -> memref<40x128xf32, #tpu.memory_space<vmem>>
      tpu.enqueue_dma source(%dma_start3A_273 : memref<40x128xf32, #tpu.memory_space<vmem>>) target(%dma_start3A_269 : memref<40x128xf32, #tpu.memory_space<vmem_shared>>) target_semaphore(%run_scoped3A_261 : memref<!tpu.dma_semaphore, #tpu.memory_space<semaphore_mem>>)
      %dma_wait3A_274 = arith.constant 0 : i32
      %dma_wait3A_275 = arith.constant 0 : i32
      %dma_wait3A_276 = tpu.memref_slice %arg8[%run_scoped3A_62, %dma_wait3A_274, %dma_wait3A_275] : memref<5x40x128xf32, #tpu.memory_space<vmem>> -> memref<1x40x128xf32, #tpu.memory_space<vmem>>
      %dma_wait3A_277 = tpu.memref_squeeze %dma_wait3A_276 : memref<1x40x128xf32, #tpu.memory_space<vmem>> -> memref<40x128xf32, #tpu.memory_space<vmem>>
      %dma_wait3A_278 = arith.constant 0 : i32
      %dma_wait3A_279 = tpu.memref_slice %arg9[%add3A_61, %dma_wait3A_278] : memref<10240x128xf32, #tpu.memory_space<vmem_shared>> -> memref<40x128xf32, #tpu.memory_space<vmem_shared>>
      %dma_wait3A_280 = arith.constant 0 : i32
      %dma_wait3A_281 = tpu.memref_slice %arg9[%add3A_61, %dma_wait3A_280] : memref<10240x128xf32, #tpu.memory_space<vmem_shared>> -> memref<40x128xf32, #tpu.memory_space<vmem_shared>>
      %dma_wait3A_282 = arith.constant 0 : i32
      %dma_wait3A_283 = arith.constant 0 : i32
      %dma_wait3A_284 = tpu.memref_slice %arg8[%run_scoped3A_62, %dma_wait3A_282, %dma_wait3A_283] : memref<5x40x128xf32, #tpu.memory_space<vmem>> -> memref<1x40x128xf32, #tpu.memory_space<vmem>>
      %dma_wait3A_285 = tpu.memref_squeeze %dma_wait3A_284 : memref<1x40x128xf32, #tpu.memory_space<vmem>> -> memref<40x128xf32, #tpu.memory_space<vmem>>
      tpu.wait_dma2 semaphore(%run_scoped3A_261 : memref<!tpu.dma_semaphore, #tpu.memory_space<semaphore_mem>>) src(%dma_wait3A_285 : memref<40x128xf32, #tpu.memory_space<vmem>>) dst(%dma_wait3A_281 : memref<40x128xf32, #tpu.memory_space<vmem_shared>>)
      tpu.yield
    }) : () -> ()
    %mul3A_63 = arith.constant 640 : i32
    %mul3A_64 = arith.muli %arg1, %mul3A_63 : i32
    %add3A_65 = arith.constant 320 : i32
    %add3A_66 = arith.addi %mul3A_64, %add3A_65 : i32
    %run_scoped3A_67 = arith.constant 0 : i32
    "tpu.region"() ({
      %run_scoped3A_261 = tpu.sem_alloc : memref<!tpu.dma_semaphore, #tpu.memory_space<semaphore_mem>>
      %dma_start3A_262 = arith.constant 0 : i32
      %dma_start3A_263 = arith.constant 0 : i32
      %dma_start3A_264 = tpu.memref_slice %arg8[%run_scoped3A_67, %dma_start3A_262, %dma_start3A_263] : memref<5x40x128xf32, #tpu.memory_space<vmem>> -> memref<1x40x128xf32, #tpu.memory_space<vmem>>
      %dma_start3A_265 = tpu.memref_squeeze %dma_start3A_264 : memref<1x40x128xf32, #tpu.memory_space<vmem>> -> memref<40x128xf32, #tpu.memory_space<vmem>>
      %dma_start3A_266 = arith.constant 0 : i32
      %dma_start3A_267 = tpu.memref_slice %arg9[%add3A_66, %dma_start3A_266] : memref<10240x128xf32, #tpu.memory_space<vmem_shared>> -> memref<40x128xf32, #tpu.memory_space<vmem_shared>>
      %dma_start3A_268 = arith.constant 0 : i32
      %dma_start3A_269 = tpu.memref_slice %arg9[%add3A_66, %dma_start3A_268] : memref<10240x128xf32, #tpu.memory_space<vmem_shared>> -> memref<40x128xf32, #tpu.memory_space<vmem_shared>>
      %dma_start3A_270 = arith.constant 0 : i32
      %dma_start3A_271 = arith.constant 0 : i32
      %dma_start3A_272 = tpu.memref_slice %arg8[%run_scoped3A_67, %dma_start3A_270, %dma_start3A_271] : memref<5x40x128xf32, #tpu.memory_space<vmem>> -> memref<1x40x128xf32, #tpu.memory_space<vmem>>
      %dma_start3A_273 = tpu.memref_squeeze %dma_start3A_272 : memref<1x40x128xf32, #tpu.memory_space<vmem>> -> memref<40x128xf32, #tpu.memory_space<vmem>>
      tpu.enqueue_dma source(%dma_start3A_273 : memref<40x128xf32, #tpu.memory_space<vmem>>) target(%dma_start3A_269 : memref<40x128xf32, #tpu.memory_space<vmem_shared>>) target_semaphore(%run_scoped3A_261 : memref<!tpu.dma_semaphore, #tpu.memory_space<semaphore_mem>>)
      %dma_wait3A_274 = arith.constant 0 : i32
      %dma_wait3A_275 = arith.constant 0 : i32
      %dma_wait3A_276 = tpu.memref_slice %arg8[%run_scoped3A_67, %dma_wait3A_274, %dma_wait3A_275] : memref<5x40x128xf32, #tpu.memory_space<vmem>> -> memref<1x40x128xf32, #tpu.memory_space<vmem>>
      %dma_wait3A_277 = tpu.memref_squeeze %dma_wait3A_276 : memref<1x40x128xf32, #tpu.memory_space<vmem>> -> memref<40x128xf32, #tpu.memory_space<vmem>>
      %dma_wait3A_278 = arith.constant 0 : i32
      %dma_wait3A_279 = tpu.memref_slice %arg9[%add3A_66, %dma_wait3A_278] : memref<10240x128xf32, #tpu.memory_space<vmem_shared>> -> memref<40x128xf32, #tpu.memory_space<vmem_shared>>
      %dma_wait3A_280 = arith.constant 0 : i32
      %dma_wait3A_281 = tpu.memref_slice %arg9[%add3A_66, %dma_wait3A_280] : memref<10240x128xf32, #tpu.memory_space<vmem_shared>> -> memref<40x128xf32, #tpu.memory_space<vmem_shared>>
      %dma_wait3A_282 = arith.constant 0 : i32
      %dma_wait3A_283 = arith.constant 0 : i32
      %dma_wait3A_284 = tpu.memref_slice %arg8[%run_scoped3A_67, %dma_wait3A_282, %dma_wait3A_283] : memref<5x40x128xf32, #tpu.memory_space<vmem>> -> memref<1x40x128xf32, #tpu.memory_space<vmem>>
      %dma_wait3A_285 = tpu.memref_squeeze %dma_wait3A_284 : memref<1x40x128xf32, #tpu.memory_space<vmem>> -> memref<40x128xf32, #tpu.memory_space<vmem>>
      tpu.wait_dma2 semaphore(%run_scoped3A_261 : memref<!tpu.dma_semaphore, #tpu.memory_space<semaphore_mem>>) src(%dma_wait3A_285 : memref<40x128xf32, #tpu.memory_space<vmem>>) dst(%dma_wait3A_281 : memref<40x128xf32, #tpu.memory_space<vmem_shared>>)
      tpu.yield
    }) : () -> ()
    %mul3A_68 = arith.constant 640 : i32
    %mul3A_69 = arith.muli %arg1, %mul3A_68 : i32
    %add3A_70 = arith.constant 360 : i32
    %add3A_71 = arith.addi %mul3A_69, %add3A_70 : i32
    %run_scoped3A_72 = arith.constant 0 : i32
    "tpu.region"() ({
      %run_scoped3A_261 = tpu.sem_alloc : memref<!tpu.dma_semaphore, #tpu.memory_space<semaphore_mem>>
      %dma_start3A_262 = arith.constant 0 : i32
      %dma_start3A_263 = arith.constant 0 : i32
      %dma_start3A_264 = tpu.memref_slice %arg8[%run_scoped3A_72, %dma_start3A_262, %dma_start3A_263] : memref<5x40x128xf32, #tpu.memory_space<vmem>> -> memref<1x40x128xf32, #tpu.memory_space<vmem>>
      %dma_start3A_265 = tpu.memref_squeeze %dma_start3A_264 : memref<1x40x128xf32, #tpu.memory_space<vmem>> -> memref<40x128xf32, #tpu.memory_space<vmem>>
      %dma_start3A_266 = arith.constant 0 : i32
      %dma_start3A_267 = tpu.memref_slice %arg9[%add3A_71, %dma_start3A_266] : memref<10240x128xf32, #tpu.memory_space<vmem_shared>> -> memref<40x128xf32, #tpu.memory_space<vmem_shared>>
      %dma_start3A_268 = arith.constant 0 : i32
      %dma_start3A_269 = tpu.memref_slice %arg9[%add3A_71, %dma_start3A_268] : memref<10240x128xf32, #tpu.memory_space<vmem_shared>> -> memref<40x128xf32, #tpu.memory_space<vmem_shared>>
      %dma_start3A_270 = arith.constant 0 : i32
      %dma_start3A_271 = arith.constant 0 : i32
      %dma_start3A_272 = tpu.memref_slice %arg8[%run_scoped3A_72, %dma_start3A_270, %dma_start3A_271] : memref<5x40x128xf32, #tpu.memory_space<vmem>> -> memref<1x40x128xf32, #tpu.memory_space<vmem>>
      %dma_start3A_273 = tpu.memref_squeeze %dma_start3A_272 : memref<1x40x128xf32, #tpu.memory_space<vmem>> -> memref<40x128xf32, #tpu.memory_space<vmem>>
      tpu.enqueue_dma source(%dma_start3A_273 : memref<40x128xf32, #tpu.memory_space<vmem>>) target(%dma_start3A_269 : memref<40x128xf32, #tpu.memory_space<vmem_shared>>) target_semaphore(%run_scoped3A_261 : memref<!tpu.dma_semaphore, #tpu.memory_space<semaphore_mem>>)
      %dma_wait3A_274 = arith.constant 0 : i32
      %dma_wait3A_275 = arith.constant 0 : i32
      %dma_wait3A_276 = tpu.memref_slice %arg8[%run_scoped3A_72, %dma_wait3A_274, %dma_wait3A_275] : memref<5x40x128xf32, #tpu.memory_space<vmem>> -> memref<1x40x128xf32, #tpu.memory_space<vmem>>
      %dma_wait3A_277 = tpu.memref_squeeze %dma_wait3A_276 : memref<1x40x128xf32, #tpu.memory_space<vmem>> -> memref<40x128xf32, #tpu.memory_space<vmem>>
      %dma_wait3A_278 = arith.constant 0 : i32
      %dma_wait3A_279 = tpu.memref_slice %arg9[%add3A_71, %dma_wait3A_278] : memref<10240x128xf32, #tpu.memory_space<vmem_shared>> -> memref<40x128xf32, #tpu.memory_space<vmem_shared>>
      %dma_wait3A_280 = arith.constant 0 : i32
      %dma_wait3A_281 = tpu.memref_slice %arg9[%add3A_71, %dma_wait3A_280] : memref<10240x128xf32, #tpu.memory_space<vmem_shared>> -> memref<40x128xf32, #tpu.memory_space<vmem_shared>>
      %dma_wait3A_282 = arith.constant 0 : i32
      %dma_wait3A_283 = arith.constant 0 : i32
      %dma_wait3A_284 = tpu.memref_slice %arg8[%run_scoped3A_72, %dma_wait3A_282, %dma_wait3A_283] : memref<5x40x128xf32, #tpu.memory_space<vmem>> -> memref<1x40x128xf32, #tpu.memory_space<vmem>>
      %dma_wait3A_285 = tpu.memref_squeeze %dma_wait3A_284 : memref<1x40x128xf32, #tpu.memory_space<vmem>> -> memref<40x128xf32, #tpu.memory_space<vmem>>
      tpu.wait_dma2 semaphore(%run_scoped3A_261 : memref<!tpu.dma_semaphore, #tpu.memory_space<semaphore_mem>>) src(%dma_wait3A_285 : memref<40x128xf32, #tpu.memory_space<vmem>>) dst(%dma_wait3A_281 : memref<40x128xf32, #tpu.memory_space<vmem_shared>>)
      tpu.yield
    }) : () -> ()
    %mul3A_73 = arith.constant 640 : i32
    %mul3A_74 = arith.muli %arg1, %mul3A_73 : i32
    %add3A_75 = arith.constant 400 : i32
    %add3A_76 = arith.addi %mul3A_74, %add3A_75 : i32
    %run_scoped3A_77 = arith.constant 0 : i32
    "tpu.region"() ({
      %run_scoped3A_261 = tpu.sem_alloc : memref<!tpu.dma_semaphore, #tpu.memory_space<semaphore_mem>>
      %dma_start3A_262 = arith.constant 0 : i32
      %dma_start3A_263 = arith.constant 0 : i32
      %dma_start3A_264 = tpu.memref_slice %arg8[%run_scoped3A_77, %dma_start3A_262, %dma_start3A_263] : memref<5x40x128xf32, #tpu.memory_space<vmem>> -> memref<1x40x128xf32, #tpu.memory_space<vmem>>
      %dma_start3A_265 = tpu.memref_squeeze %dma_start3A_264 : memref<1x40x128xf32, #tpu.memory_space<vmem>> -> memref<40x128xf32, #tpu.memory_space<vmem>>
      %dma_start3A_266 = arith.constant 0 : i32
      %dma_start3A_267 = tpu.memref_slice %arg9[%add3A_76, %dma_start3A_266] : memref<10240x128xf32, #tpu.memory_space<vmem_shared>> -> memref<40x128xf32, #tpu.memory_space<vmem_shared>>
      %dma_start3A_268 = arith.constant 0 : i32
      %dma_start3A_269 = tpu.memref_slice %arg9[%add3A_76, %dma_start3A_268] : memref<10240x128xf32, #tpu.memory_space<vmem_shared>> -> memref<40x128xf32, #tpu.memory_space<vmem_shared>>
      %dma_start3A_270 = arith.constant 0 : i32
      %dma_start3A_271 = arith.constant 0 : i32
      %dma_start3A_272 = tpu.memref_slice %arg8[%run_scoped3A_77, %dma_start3A_270, %dma_start3A_271] : memref<5x40x128xf32, #tpu.memory_space<vmem>> -> memref<1x40x128xf32, #tpu.memory_space<vmem>>
      %dma_start3A_273 = tpu.memref_squeeze %dma_start3A_272 : memref<1x40x128xf32, #tpu.memory_space<vmem>> -> memref<40x128xf32, #tpu.memory_space<vmem>>
      tpu.enqueue_dma source(%dma_start3A_273 : memref<40x128xf32, #tpu.memory_space<vmem>>) target(%dma_start3A_269 : memref<40x128xf32, #tpu.memory_space<vmem_shared>>) target_semaphore(%run_scoped3A_261 : memref<!tpu.dma_semaphore, #tpu.memory_space<semaphore_mem>>)
      %dma_wait3A_274 = arith.constant 0 : i32
      %dma_wait3A_275 = arith.constant 0 : i32
      %dma_wait3A_276 = tpu.memref_slice %arg8[%run_scoped3A_77, %dma_wait3A_274, %dma_wait3A_275] : memref<5x40x128xf32, #tpu.memory_space<vmem>> -> memref<1x40x128xf32, #tpu.memory_space<vmem>>
      %dma_wait3A_277 = tpu.memref_squeeze %dma_wait3A_276 : memref<1x40x128xf32, #tpu.memory_space<vmem>> -> memref<40x128xf32, #tpu.memory_space<vmem>>
      %dma_wait3A_278 = arith.constant 0 : i32
      %dma_wait3A_279 = tpu.memref_slice %arg9[%add3A_76, %dma_wait3A_278] : memref<10240x128xf32, #tpu.memory_space<vmem_shared>> -> memref<40x128xf32, #tpu.memory_space<vmem_shared>>
      %dma_wait3A_280 = arith.constant 0 : i32
      %dma_wait3A_281 = tpu.memref_slice %arg9[%add3A_76, %dma_wait3A_280] : memref<10240x128xf32, #tpu.memory_space<vmem_shared>> -> memref<40x128xf32, #tpu.memory_space<vmem_shared>>
      %dma_wait3A_282 = arith.constant 0 : i32
      %dma_wait3A_283 = arith.constant 0 : i32
      %dma_wait3A_284 = tpu.memref_slice %arg8[%run_scoped3A_77, %dma_wait3A_282, %dma_wait3A_283] : memref<5x40x128xf32, #tpu.memory_space<vmem>> -> memref<1x40x128xf32, #tpu.memory_space<vmem>>
      %dma_wait3A_285 = tpu.memref_squeeze %dma_wait3A_284 : memref<1x40x128xf32, #tpu.memory_space<vmem>> -> memref<40x128xf32, #tpu.memory_space<vmem>>
      tpu.wait_dma2 semaphore(%run_scoped3A_261 : memref<!tpu.dma_semaphore, #tpu.memory_space<semaphore_mem>>) src(%dma_wait3A_285 : memref<40x128xf32, #tpu.memory_space<vmem>>) dst(%dma_wait3A_281 : memref<40x128xf32, #tpu.memory_space<vmem_shared>>)
      tpu.yield
    }) : () -> ()
    %mul3A_78 = arith.constant 640 : i32
    %mul3A_79 = arith.muli %arg1, %mul3A_78 : i32
    %add3A_80 = arith.constant 440 : i32
    %add3A_81 = arith.addi %mul3A_79, %add3A_80 : i32
    %run_scoped3A_82 = arith.constant 0 : i32
    "tpu.region"() ({
      %run_scoped3A_261 = tpu.sem_alloc : memref<!tpu.dma_semaphore, #tpu.memory_space<semaphore_mem>>
      %dma_start3A_262 = arith.constant 0 : i32
      %dma_start3A_263 = arith.constant 0 : i32
      %dma_start3A_264 = tpu.memref_slice %arg8[%run_scoped3A_82, %dma_start3A_262, %dma_start3A_263] : memref<5x40x128xf32, #tpu.memory_space<vmem>> -> memref<1x40x128xf32, #tpu.memory_space<vmem>>
      %dma_start3A_265 = tpu.memref_squeeze %dma_start3A_264 : memref<1x40x128xf32, #tpu.memory_space<vmem>> -> memref<40x128xf32, #tpu.memory_space<vmem>>
      %dma_start3A_266 = arith.constant 0 : i32
      %dma_start3A_267 = tpu.memref_slice %arg9[%add3A_81, %dma_start3A_266] : memref<10240x128xf32, #tpu.memory_space<vmem_shared>> -> memref<40x128xf32, #tpu.memory_space<vmem_shared>>
      %dma_start3A_268 = arith.constant 0 : i32
      %dma_start3A_269 = tpu.memref_slice %arg9[%add3A_81, %dma_start3A_268] : memref<10240x128xf32, #tpu.memory_space<vmem_shared>> -> memref<40x128xf32, #tpu.memory_space<vmem_shared>>
      %dma_start3A_270 = arith.constant 0 : i32
      %dma_start3A_271 = arith.constant 0 : i32
      %dma_start3A_272 = tpu.memref_slice %arg8[%run_scoped3A_82, %dma_start3A_270, %dma_start3A_271] : memref<5x40x128xf32, #tpu.memory_space<vmem>> -> memref<1x40x128xf32, #tpu.memory_space<vmem>>
      %dma_start3A_273 = tpu.memref_squeeze %dma_start3A_272 : memref<1x40x128xf32, #tpu.memory_space<vmem>> -> memref<40x128xf32, #tpu.memory_space<vmem>>
      tpu.enqueue_dma source(%dma_start3A_273 : memref<40x128xf32, #tpu.memory_space<vmem>>) target(%dma_start3A_269 : memref<40x128xf32, #tpu.memory_space<vmem_shared>>) target_semaphore(%run_scoped3A_261 : memref<!tpu.dma_semaphore, #tpu.memory_space<semaphore_mem>>)
      %dma_wait3A_274 = arith.constant 0 : i32
      %dma_wait3A_275 = arith.constant 0 : i32
      %dma_wait3A_276 = tpu.memref_slice %arg8[%run_scoped3A_82, %dma_wait3A_274, %dma_wait3A_275] : memref<5x40x128xf32, #tpu.memory_space<vmem>> -> memref<1x40x128xf32, #tpu.memory_space<vmem>>
      %dma_wait3A_277 = tpu.memref_squeeze %dma_wait3A_276 : memref<1x40x128xf32, #tpu.memory_space<vmem>> -> memref<40x128xf32, #tpu.memory_space<vmem>>
      %dma_wait3A_278 = arith.constant 0 : i32
      %dma_wait3A_279 = tpu.memref_slice %arg9[%add3A_81, %dma_wait3A_278] : memref<10240x128xf32, #tpu.memory_space<vmem_shared>> -> memref<40x128xf32, #tpu.memory_space<vmem_shared>>
      %dma_wait3A_280 = arith.constant 0 : i32
      %dma_wait3A_281 = tpu.memref_slice %arg9[%add3A_81, %dma_wait3A_280] : memref<10240x128xf32, #tpu.memory_space<vmem_shared>> -> memref<40x128xf32, #tpu.memory_space<vmem_shared>>
      %dma_wait3A_282 = arith.constant 0 : i32
      %dma_wait3A_283 = arith.constant 0 : i32
      %dma_wait3A_284 = tpu.memref_slice %arg8[%run_scoped3A_82, %dma_wait3A_282, %dma_wait3A_283] : memref<5x40x128xf32, #tpu.memory_space<vmem>> -> memref<1x40x128xf32, #tpu.memory_space<vmem>>
      %dma_wait3A_285 = tpu.memref_squeeze %dma_wait3A_284 : memref<1x40x128xf32, #tpu.memory_space<vmem>> -> memref<40x128xf32, #tpu.memory_space<vmem>>
      tpu.wait_dma2 semaphore(%run_scoped3A_261 : memref<!tpu.dma_semaphore, #tpu.memory_space<semaphore_mem>>) src(%dma_wait3A_285 : memref<40x128xf32, #tpu.memory_space<vmem>>) dst(%dma_wait3A_281 : memref<40x128xf32, #tpu.memory_space<vmem_shared>>)
      tpu.yield
    }) : () -> ()
    %mul3A_83 = arith.constant 640 : i32
    %mul3A_84 = arith.muli %arg1, %mul3A_83 : i32
    %add3A_85 = arith.constant 480 : i32
    %add3A_86 = arith.addi %mul3A_84, %add3A_85 : i32
    %run_scoped3A_87 = arith.constant 0 : i32
    "tpu.region"() ({
      %run_scoped3A_261 = tpu.sem_alloc : memref<!tpu.dma_semaphore, #tpu.memory_space<semaphore_mem>>
      %dma_start3A_262 = arith.constant 0 : i32
      %dma_start3A_263 = arith.constant 0 : i32
      %dma_start3A_264 = tpu.memref_slice %arg8[%run_scoped3A_87, %dma_start3A_262, %dma_start3A_263] : memref<5x40x128xf32, #tpu.memory_space<vmem>> -> memref<1x40x128xf32, #tpu.memory_space<vmem>>
      %dma_start3A_265 = tpu.memref_squeeze %dma_start3A_264 : memref<1x40x128xf32, #tpu.memory_space<vmem>> -> memref<40x128xf32, #tpu.memory_space<vmem>>
      %dma_start3A_266 = arith.constant 0 : i32
      %dma_start3A_267 = tpu.memref_slice %arg9[%add3A_86, %dma_start3A_266] : memref<10240x128xf32, #tpu.memory_space<vmem_shared>> -> memref<40x128xf32, #tpu.memory_space<vmem_shared>>
      %dma_start3A_268 = arith.constant 0 : i32
      %dma_start3A_269 = tpu.memref_slice %arg9[%add3A_86, %dma_start3A_268] : memref<10240x128xf32, #tpu.memory_space<vmem_shared>> -> memref<40x128xf32, #tpu.memory_space<vmem_shared>>
      %dma_start3A_270 = arith.constant 0 : i32
      %dma_start3A_271 = arith.constant 0 : i32
      %dma_start3A_272 = tpu.memref_slice %arg8[%run_scoped3A_87, %dma_start3A_270, %dma_start3A_271] : memref<5x40x128xf32, #tpu.memory_space<vmem>> -> memref<1x40x128xf32, #tpu.memory_space<vmem>>
      %dma_start3A_273 = tpu.memref_squeeze %dma_start3A_272 : memref<1x40x128xf32, #tpu.memory_space<vmem>> -> memref<40x128xf32, #tpu.memory_space<vmem>>
      tpu.enqueue_dma source(%dma_start3A_273 : memref<40x128xf32, #tpu.memory_space<vmem>>) target(%dma_start3A_269 : memref<40x128xf32, #tpu.memory_space<vmem_shared>>) target_semaphore(%run_scoped3A_261 : memref<!tpu.dma_semaphore, #tpu.memory_space<semaphore_mem>>)
      %dma_wait3A_274 = arith.constant 0 : i32
      %dma_wait3A_275 = arith.constant 0 : i32
      %dma_wait3A_276 = tpu.memref_slice %arg8[%run_scoped3A_87, %dma_wait3A_274, %dma_wait3A_275] : memref<5x40x128xf32, #tpu.memory_space<vmem>> -> memref<1x40x128xf32, #tpu.memory_space<vmem>>
      %dma_wait3A_277 = tpu.memref_squeeze %dma_wait3A_276 : memref<1x40x128xf32, #tpu.memory_space<vmem>> -> memref<40x128xf32, #tpu.memory_space<vmem>>
      %dma_wait3A_278 = arith.constant 0 : i32
      %dma_wait3A_279 = tpu.memref_slice %arg9[%add3A_86, %dma_wait3A_278] : memref<10240x128xf32, #tpu.memory_space<vmem_shared>> -> memref<40x128xf32, #tpu.memory_space<vmem_shared>>
      %dma_wait3A_280 = arith.constant 0 : i32
      %dma_wait3A_281 = tpu.memref_slice %arg9[%add3A_86, %dma_wait3A_280] : memref<10240x128xf32, #tpu.memory_space<vmem_shared>> -> memref<40x128xf32, #tpu.memory_space<vmem_shared>>
      %dma_wait3A_282 = arith.constant 0 : i32
      %dma_wait3A_283 = arith.constant 0 : i32
      %dma_wait3A_284 = tpu.memref_slice %arg8[%run_scoped3A_87, %dma_wait3A_282, %dma_wait3A_283] : memref<5x40x128xf32, #tpu.memory_space<vmem>> -> memref<1x40x128xf32, #tpu.memory_space<vmem>>
      %dma_wait3A_285 = tpu.memref_squeeze %dma_wait3A_284 : memref<1x40x128xf32, #tpu.memory_space<vmem>> -> memref<40x128xf32, #tpu.memory_space<vmem>>
      tpu.wait_dma2 semaphore(%run_scoped3A_261 : memref<!tpu.dma_semaphore, #tpu.memory_space<semaphore_mem>>) src(%dma_wait3A_285 : memref<40x128xf32, #tpu.memory_space<vmem>>) dst(%dma_wait3A_281 : memref<40x128xf32, #tpu.memory_space<vmem_shared>>)
      tpu.yield
    }) : () -> ()
    %mul3A_88 = arith.constant 640 : i32
    %mul3A_89 = arith.muli %arg1, %mul3A_88 : i32
    %add3A_90 = arith.constant 520 : i32
    %add3A_91 = arith.addi %mul3A_89, %add3A_90 : i32
    %run_scoped3A_92 = arith.constant 0 : i32
    "tpu.region"() ({
      %run_scoped3A_261 = tpu.sem_alloc : memref<!tpu.dma_semaphore, #tpu.memory_space<semaphore_mem>>
      %dma_start3A_262 = arith.constant 0 : i32
      %dma_start3A_263 = arith.constant 0 : i32
      %dma_start3A_264 = tpu.memref_slice %arg8[%run_scoped3A_92, %dma_start3A_262, %dma_start3A_263] : memref<5x40x128xf32, #tpu.memory_space<vmem>> -> memref<1x40x128xf32, #tpu.memory_space<vmem>>
      %dma_start3A_265 = tpu.memref_squeeze %dma_start3A_264 : memref<1x40x128xf32, #tpu.memory_space<vmem>> -> memref<40x128xf32, #tpu.memory_space<vmem>>
      %dma_start3A_266 = arith.constant 0 : i32
      %dma_start3A_267 = tpu.memref_slice %arg9[%add3A_91, %dma_start3A_266] : memref<10240x128xf32, #tpu.memory_space<vmem_shared>> -> memref<40x128xf32, #tpu.memory_space<vmem_shared>>
      %dma_start3A_268 = arith.constant 0 : i32
      %dma_start3A_269 = tpu.memref_slice %arg9[%add3A_91, %dma_start3A_268] : memref<10240x128xf32, #tpu.memory_space<vmem_shared>> -> memref<40x128xf32, #tpu.memory_space<vmem_shared>>
      %dma_start3A_270 = arith.constant 0 : i32
      %dma_start3A_271 = arith.constant 0 : i32
      %dma_start3A_272 = tpu.memref_slice %arg8[%run_scoped3A_92, %dma_start3A_270, %dma_start3A_271] : memref<5x40x128xf32, #tpu.memory_space<vmem>> -> memref<1x40x128xf32, #tpu.memory_space<vmem>>
      %dma_start3A_273 = tpu.memref_squeeze %dma_start3A_272 : memref<1x40x128xf32, #tpu.memory_space<vmem>> -> memref<40x128xf32, #tpu.memory_space<vmem>>
      tpu.enqueue_dma source(%dma_start3A_273 : memref<40x128xf32, #tpu.memory_space<vmem>>) target(%dma_start3A_269 : memref<40x128xf32, #tpu.memory_space<vmem_shared>>) target_semaphore(%run_scoped3A_261 : memref<!tpu.dma_semaphore, #tpu.memory_space<semaphore_mem>>)
      %dma_wait3A_274 = arith.constant 0 : i32
      %dma_wait3A_275 = arith.constant 0 : i32
      %dma_wait3A_276 = tpu.memref_slice %arg8[%run_scoped3A_92, %dma_wait3A_274, %dma_wait3A_275] : memref<5x40x128xf32, #tpu.memory_space<vmem>> -> memref<1x40x128xf32, #tpu.memory_space<vmem>>
      %dma_wait3A_277 = tpu.memref_squeeze %dma_wait3A_276 : memref<1x40x128xf32, #tpu.memory_space<vmem>> -> memref<40x128xf32, #tpu.memory_space<vmem>>
      %dma_wait3A_278 = arith.constant 0 : i32
      %dma_wait3A_279 = tpu.memref_slice %arg9[%add3A_91, %dma_wait3A_278] : memref<10240x128xf32, #tpu.memory_space<vmem_shared>> -> memref<40x128xf32, #tpu.memory_space<vmem_shared>>
      %dma_wait3A_280 = arith.constant 0 : i32
      %dma_wait3A_281 = tpu.memref_slice %arg9[%add3A_91, %dma_wait3A_280] : memref<10240x128xf32, #tpu.memory_space<vmem_shared>> -> memref<40x128xf32, #tpu.memory_space<vmem_shared>>
      %dma_wait3A_282 = arith.constant 0 : i32
      %dma_wait3A_283 = arith.constant 0 : i32
      %dma_wait3A_284 = tpu.memref_slice %arg8[%run_scoped3A_92, %dma_wait3A_282, %dma_wait3A_283] : memref<5x40x128xf32, #tpu.memory_space<vmem>> -> memref<1x40x128xf32, #tpu.memory_space<vmem>>
      %dma_wait3A_285 = tpu.memref_squeeze %dma_wait3A_284 : memref<1x40x128xf32, #tpu.memory_space<vmem>> -> memref<40x128xf32, #tpu.memory_space<vmem>>
      tpu.wait_dma2 semaphore(%run_scoped3A_261 : memref<!tpu.dma_semaphore, #tpu.memory_space<semaphore_mem>>) src(%dma_wait3A_285 : memref<40x128xf32, #tpu.memory_space<vmem>>) dst(%dma_wait3A_281 : memref<40x128xf32, #tpu.memory_space<vmem_shared>>)
      tpu.yield
    }) : () -> ()
    %mul3A_93 = arith.constant 640 : i32
    %mul3A_94 = arith.muli %arg1, %mul3A_93 : i32
    %add3A_95 = arith.constant 560 : i32
    %add3A_96 = arith.addi %mul3A_94, %add3A_95 : i32
    %run_scoped3A_97 = arith.constant 0 : i32
    "tpu.region"() ({
      %run_scoped3A_261 = tpu.sem_alloc : memref<!tpu.dma_semaphore, #tpu.memory_space<semaphore_mem>>
      %dma_start3A_262 = arith.constant 0 : i32
      %dma_start3A_263 = arith.constant 0 : i32
      %dma_start3A_264 = tpu.memref_slice %arg8[%run_scoped3A_97, %dma_start3A_262, %dma_start3A_263] : memref<5x40x128xf32, #tpu.memory_space<vmem>> -> memref<1x40x128xf32, #tpu.memory_space<vmem>>
      %dma_start3A_265 = tpu.memref_squeeze %dma_start3A_264 : memref<1x40x128xf32, #tpu.memory_space<vmem>> -> memref<40x128xf32, #tpu.memory_space<vmem>>
      %dma_start3A_266 = arith.constant 0 : i32
      %dma_start3A_267 = tpu.memref_slice %arg9[%add3A_96, %dma_start3A_266] : memref<10240x128xf32, #tpu.memory_space<vmem_shared>> -> memref<40x128xf32, #tpu.memory_space<vmem_shared>>
      %dma_start3A_268 = arith.constant 0 : i32
      %dma_start3A_269 = tpu.memref_slice %arg9[%add3A_96, %dma_start3A_268] : memref<10240x128xf32, #tpu.memory_space<vmem_shared>> -> memref<40x128xf32, #tpu.memory_space<vmem_shared>>
      %dma_start3A_270 = arith.constant 0 : i32
      %dma_start3A_271 = arith.constant 0 : i32
      %dma_start3A_272 = tpu.memref_slice %arg8[%run_scoped3A_97, %dma_start3A_270, %dma_start3A_271] : memref<5x40x128xf32, #tpu.memory_space<vmem>> -> memref<1x40x128xf32, #tpu.memory_space<vmem>>
      %dma_start3A_273 = tpu.memref_squeeze %dma_start3A_272 : memref<1x40x128xf32, #tpu.memory_space<vmem>> -> memref<40x128xf32, #tpu.memory_space<vmem>>
      tpu.enqueue_dma source(%dma_start3A_273 : memref<40x128xf32, #tpu.memory_space<vmem>>) target(%dma_start3A_269 : memref<40x128xf32, #tpu.memory_space<vmem_shared>>) target_semaphore(%run_scoped3A_261 : memref<!tpu.dma_semaphore, #tpu.memory_space<semaphore_mem>>)
      %dma_wait3A_274 = arith.constant 0 : i32
      %dma_wait3A_275 = arith.constant 0 : i32
      %dma_wait3A_276 = tpu.memref_slice %arg8[%run_scoped3A_97, %dma_wait3A_274, %dma_wait3A_275] : memref<5x40x128xf32, #tpu.memory_space<vmem>> -> memref<1x40x128xf32, #tpu.memory_space<vmem>>
      %dma_wait3A_277 = tpu.memref_squeeze %dma_wait3A_276 : memref<1x40x128xf32, #tpu.memory_space<vmem>> -> memref<40x128xf32, #tpu.memory_space<vmem>>
      %dma_wait3A_278 = arith.constant 0 : i32
      %dma_wait3A_279 = tpu.memref_slice %arg9[%add3A_96, %dma_wait3A_278] : memref<10240x128xf32, #tpu.memory_space<vmem_shared>> -> memref<40x128xf32, #tpu.memory_space<vmem_shared>>
      %dma_wait3A_280 = arith.constant 0 : i32
      %dma_wait3A_281 = tpu.memref_slice %arg9[%add3A_96, %dma_wait3A_280] : memref<10240x128xf32, #tpu.memory_space<vmem_shared>> -> memref<40x128xf32, #tpu.memory_space<vmem_shared>>
      %dma_wait3A_282 = arith.constant 0 : i32
      %dma_wait3A_283 = arith.constant 0 : i32
      %dma_wait3A_284 = tpu.memref_slice %arg8[%run_scoped3A_97, %dma_wait3A_282, %dma_wait3A_283] : memref<5x40x128xf32, #tpu.memory_space<vmem>> -> memref<1x40x128xf32, #tpu.memory_space<vmem>>
      %dma_wait3A_285 = tpu.memref_squeeze %dma_wait3A_284 : memref<1x40x128xf32, #tpu.memory_space<vmem>> -> memref<40x128xf32, #tpu.memory_space<vmem>>
      tpu.wait_dma2 semaphore(%run_scoped3A_261 : memref<!tpu.dma_semaphore, #tpu.memory_space<semaphore_mem>>) src(%dma_wait3A_285 : memref<40x128xf32, #tpu.memory_space<vmem>>) dst(%dma_wait3A_281 : memref<40x128xf32, #tpu.memory_space<vmem_shared>>)
      tpu.yield
    }) : () -> ()
    %mul3A_98 = arith.constant 640 : i32
    %mul3A_99 = arith.muli %arg1, %mul3A_98 : i32
    %add3A_100 = arith.constant 600 : i32
    %add3A_101 = arith.addi %mul3A_99, %add3A_100 : i32
    %run_scoped3A_102 = arith.constant 0 : i32
    "tpu.region"() ({
      %run_scoped3A_261 = tpu.sem_alloc : memref<!tpu.dma_semaphore, #tpu.memory_space<semaphore_mem>>
      %dma_start3A_262 = arith.constant 0 : i32
      %dma_start3A_263 = arith.constant 0 : i32
      %dma_start3A_264 = tpu.memref_slice %arg8[%run_scoped3A_102, %dma_start3A_262, %dma_start3A_263] : memref<5x40x128xf32, #tpu.memory_space<vmem>> -> memref<1x40x128xf32, #tpu.memory_space<vmem>>
      %dma_start3A_265 = tpu.memref_squeeze %dma_start3A_264 : memref<1x40x128xf32, #tpu.memory_space<vmem>> -> memref<40x128xf32, #tpu.memory_space<vmem>>
      %dma_start3A_266 = arith.constant 0 : i32
      %dma_start3A_267 = tpu.memref_slice %arg9[%add3A_101, %dma_start3A_266] : memref<10240x128xf32, #tpu.memory_space<vmem_shared>> -> memref<40x128xf32, #tpu.memory_space<vmem_shared>>
      %dma_start3A_268 = arith.constant 0 : i32
      %dma_start3A_269 = tpu.memref_slice %arg9[%add3A_101, %dma_start3A_268] : memref<10240x128xf32, #tpu.memory_space<vmem_shared>> -> memref<40x128xf32, #tpu.memory_space<vmem_shared>>
      %dma_start3A_270 = arith.constant 0 : i32
      %dma_start3A_271 = arith.constant 0 : i32
      %dma_start3A_272 = tpu.memref_slice %arg8[%run_scoped3A_102, %dma_start3A_270, %dma_start3A_271] : memref<5x40x128xf32, #tpu.memory_space<vmem>> -> memref<1x40x128xf32, #tpu.memory_space<vmem>>
      %dma_start3A_273 = tpu.memref_squeeze %dma_start3A_272 : memref<1x40x128xf32, #tpu.memory_space<vmem>> -> memref<40x128xf32, #tpu.memory_space<vmem>>
      tpu.enqueue_dma source(%dma_start3A_273 : memref<40x128xf32, #tpu.memory_space<vmem>>) target(%dma_start3A_269 : memref<40x128xf32, #tpu.memory_space<vmem_shared>>) target_semaphore(%run_scoped3A_261 : memref<!tpu.dma_semaphore, #tpu.memory_space<semaphore_mem>>)
      %dma_wait3A_274 = arith.constant 0 : i32
      %dma_wait3A_275 = arith.constant 0 : i32
      %dma_wait3A_276 = tpu.memref_slice %arg8[%run_scoped3A_102, %dma_wait3A_274, %dma_wait3A_275] : memref<5x40x128xf32, #tpu.memory_space<vmem>> -> memref<1x40x128xf32, #tpu.memory_space<vmem>>
      %dma_wait3A_277 = tpu.memref_squeeze %dma_wait3A_276 : memref<1x40x128xf32, #tpu.memory_space<vmem>> -> memref<40x128xf32, #tpu.memory_space<vmem>>
      %dma_wait3A_278 = arith.constant 0 : i32
      %dma_wait3A_279 = tpu.memref_slice %arg9[%add3A_101, %dma_wait3A_278] : memref<10240x128xf32, #tpu.memory_space<vmem_shared>> -> memref<40x128xf32, #tpu.memory_space<vmem_shared>>
      %dma_wait3A_280 = arith.constant 0 : i32
      %dma_wait3A_281 = tpu.memref_slice %arg9[%add3A_101, %dma_wait3A_280] : memref<10240x128xf32, #tpu.memory_space<vmem_shared>> -> memref<40x128xf32, #tpu.memory_space<vmem_shared>>
      %dma_wait3A_282 = arith.constant 0 : i32
      %dma_wait3A_283 = arith.constant 0 : i32
      %dma_wait3A_284 = tpu.memref_slice %arg8[%run_scoped3A_102, %dma_wait3A_282, %dma_wait3A_283] : memref<5x40x128xf32, #tpu.memory_space<vmem>> -> memref<1x40x128xf32, #tpu.memory_space<vmem>>
      %dma_wait3A_285 = tpu.memref_squeeze %dma_wait3A_284 : memref<1x40x128xf32, #tpu.memory_space<vmem>> -> memref<40x128xf32, #tpu.memory_space<vmem>>
      tpu.wait_dma2 semaphore(%run_scoped3A_261 : memref<!tpu.dma_semaphore, #tpu.memory_space<semaphore_mem>>) src(%dma_wait3A_285 : memref<40x128xf32, #tpu.memory_space<vmem>>) dst(%dma_wait3A_281 : memref<40x128xf32, #tpu.memory_space<vmem_shared>>)
      tpu.yield
    }) : () -> ()
    %dma_wait3A = arith.constant 0 : i32
    %dma_wait3A_103 = arith.constant 0 : i32
    %dma_wait3A_104 = tpu.memref_slice %arg3[%add3A, %dma_wait3A_103] : memref<32x10000xi32, #tpu.memory_space<hbm>> -> memref<1x10000xi32, #tpu.memory_space<hbm>>
    %dma_wait3A_105 = tpu.memref_squeeze %dma_wait3A_104 : memref<1x10000xi32, #tpu.memory_space<hbm>> -> memref<10000xi32, #tpu.memory_space<hbm>>
    %dma_wait3A_106 = tpu.memref_slice %arg10[%dma_wait3A] : memref<5x!tpu.dma_semaphore, #tpu.memory_space<semaphore_mem>> -> memref<1x!tpu.dma_semaphore, #tpu.memory_space<semaphore_mem>>
    %dma_wait3A_107 = tpu.memref_squeeze %dma_wait3A_106 : memref<1x!tpu.dma_semaphore, #tpu.memory_space<semaphore_mem>> -> memref<!tpu.dma_semaphore, #tpu.memory_space<semaphore_mem>>
    %dma_wait3A_108 = arith.constant 0 : i32
    %dma_wait3A_109 = tpu.memref_slice %arg3[%add3A, %dma_wait3A_108] : memref<32x10000xi32, #tpu.memory_space<hbm>> -> memref<1x10000xi32, #tpu.memory_space<hbm>>
    %dma_wait3A_110 = tpu.memref_squeeze %dma_wait3A_109 : memref<1x10000xi32, #tpu.memory_space<hbm>> -> memref<10000xi32, #tpu.memory_space<hbm>>
    tpu.wait_dma2 semaphore(%dma_wait3A_107 : memref<!tpu.dma_semaphore, #tpu.memory_space<semaphore_mem>>) src(%dma_wait3A_110 : memref<10000xi32, #tpu.memory_space<hbm>>) dst(%arg6 : memref<10000xi32, #tpu.memory_space<vmem>>)
    %dma_wait3A_111 = arith.constant 1 : i32
    %dma_wait3A_112 = arith.constant 0 : i32
    %dma_wait3A_113 = tpu.memref_slice %arg4[%add3A, %dma_wait3A_112] : memref<32x10000xi32, #tpu.memory_space<hbm>> -> memref<1x10000xi32, #tpu.memory_space<hbm>>
    %dma_wait3A_114 = tpu.memref_squeeze %dma_wait3A_113 : memref<1x10000xi32, #tpu.memory_space<hbm>> -> memref<10000xi32, #tpu.memory_space<hbm>>
    %dma_wait3A_115 = tpu.memref_slice %arg10[%dma_wait3A_111] : memref<5x!tpu.dma_semaphore, #tpu.memory_space<semaphore_mem>> -> memref<1x!tpu.dma_semaphore, #tpu.memory_space<semaphore_mem>>
    %dma_wait3A_116 = tpu.memref_squeeze %dma_wait3A_115 : memref<1x!tpu.dma_semaphore, #tpu.memory_space<semaphore_mem>> -> memref<!tpu.dma_semaphore, #tpu.memory_space<semaphore_mem>>
    %dma_wait3A_117 = arith.constant 0 : i32
    %dma_wait3A_118 = tpu.memref_slice %arg4[%add3A, %dma_wait3A_117] : memref<32x10000xi32, #tpu.memory_space<hbm>> -> memref<1x10000xi32, #tpu.memory_space<hbm>>
    %dma_wait3A_119 = tpu.memref_squeeze %dma_wait3A_118 : memref<1x10000xi32, #tpu.memory_space<hbm>> -> memref<10000xi32, #tpu.memory_space<hbm>>
    tpu.wait_dma2 semaphore(%dma_wait3A_116 : memref<!tpu.dma_semaphore, #tpu.memory_space<semaphore_mem>>) src(%dma_wait3A_119 : memref<10000xi32, #tpu.memory_space<hbm>>) dst(%arg7 : memref<10000xi32, #tpu.memory_space<vmem>>)
    %barrier3A = arith.constant 0 : index
    tpu.barrier barrier_id(%barrier3A)
    %dma_start3A_120 = arith.constant 0 : i32
    %dma_start3A_121 = arith.constant 0 : i32
    %dma_start3A_122 = arith.constant 0 : i32
    %dma_start3A_123 = arith.constant 0 : i32
    %dma_start3A_124 = tpu.memref_slice %arg8[%dma_start3A_120, %dma_start3A_122, %dma_start3A_123] : memref<5x40x128xf32, #tpu.memory_space<vmem>> -> memref<1x40x128xf32, #tpu.memory_space<vmem>>
    %dma_start3A_125 = tpu.memref_squeeze %dma_start3A_124 : memref<1x40x128xf32, #tpu.memory_space<vmem>> -> memref<40x128xf32, #tpu.memory_space<vmem>>
    %dma_start3A_126 = arith.constant 0 : i32
    %dma_start3A_127 = tpu.memref_slice %arg6[%dma_start3A_126] : memref<10000xi32, #tpu.memory_space<vmem>> -> memref<40xi32, #tpu.memory_space<vmem>>
    %dma_start3A_128 = arith.constant 0 : i32
    %dma_start3A_129 = arith.constant 0 : i32
    %dma_start3A_130 = tpu.memref_slice %arg2[%dma_start3A_128, %dma_start3A_129] : memref<10000x128xf32, #tpu.memory_space<hbm>> -> memref<10000x128xf32, #tpu.memory_space<hbm>>
    %dma_start3A_131 = tpu.memref_slice %arg10[%dma_start3A_121] : memref<5x!tpu.dma_semaphore, #tpu.memory_space<semaphore_mem>> -> memref<1x!tpu.dma_semaphore, #tpu.memory_space<semaphore_mem>>
    %dma_start3A_132 = tpu.memref_squeeze %dma_start3A_131 : memref<1x!tpu.dma_semaphore, #tpu.memory_space<semaphore_mem>> -> memref<!tpu.dma_semaphore, #tpu.memory_space<semaphore_mem>>
    tpu.enqueue_indirect_dma source(%dma_start3A_130 : memref<10000x128xf32, #tpu.memory_space<hbm>>) target(%dma_start3A_125 : memref<40x128xf32, #tpu.memory_space<vmem>>) offsets(%dma_start3A_127 : memref<40xi32, #tpu.memory_space<vmem>>) semaphore(%dma_start3A_132 : memref<!tpu.dma_semaphore, #tpu.memory_space<semaphore_mem>>)
    %dma_start3A_133 = arith.constant 1 : i32
    %dma_start3A_134 = arith.constant 1 : i32
    %dma_start3A_135 = arith.constant 0 : i32
    %dma_start3A_136 = arith.constant 0 : i32
    %dma_start3A_137 = tpu.memref_slice %arg8[%dma_start3A_133, %dma_start3A_135, %dma_start3A_136] : memref<5x40x128xf32, #tpu.memory_space<vmem>> -> memref<1x40x128xf32, #tpu.memory_space<vmem>>
    %dma_start3A_138 = tpu.memref_squeeze %dma_start3A_137 : memref<1x40x128xf32, #tpu.memory_space<vmem>> -> memref<40x128xf32, #tpu.memory_space<vmem>>
    %dma_start3A_139 = arith.constant 40 : i32
    %dma_start3A_140 = tpu.memref_slice %arg6[%dma_start3A_139] : memref<10000xi32, #tpu.memory_space<vmem>> -> memref<40xi32, #tpu.memory_space<vmem>>
    %dma_start3A_141 = arith.constant 0 : i32
    %dma_start3A_142 = arith.constant 0 : i32
    %dma_start3A_143 = tpu.memref_slice %arg2[%dma_start3A_141, %dma_start3A_142] : memref<10000x128xf32, #tpu.memory_space<hbm>> -> memref<10000x128xf32, #tpu.memory_space<hbm>>
    %dma_start3A_144 = tpu.memref_slice %arg10[%dma_start3A_134] : memref<5x!tpu.dma_semaphore, #tpu.memory_space<semaphore_mem>> -> memref<1x!tpu.dma_semaphore, #tpu.memory_space<semaphore_mem>>
    %dma_start3A_145 = tpu.memref_squeeze %dma_start3A_144 : memref<1x!tpu.dma_semaphore, #tpu.memory_space<semaphore_mem>> -> memref<!tpu.dma_semaphore, #tpu.memory_space<semaphore_mem>>
    tpu.enqueue_indirect_dma source(%dma_start3A_143 : memref<10000x128xf32, #tpu.memory_space<hbm>>) target(%dma_start3A_138 : memref<40x128xf32, #tpu.memory_space<vmem>>) offsets(%dma_start3A_140 : memref<40xi32, #tpu.memory_space<vmem>>) semaphore(%dma_start3A_145 : memref<!tpu.dma_semaphore, #tpu.memory_space<semaphore_mem>>)
    %dma_start3A_146 = arith.constant 2 : i32
    %dma_start3A_147 = arith.constant 2 : i32
    %dma_start3A_148 = arith.constant 0 : i32
    %dma_start3A_149 = arith.constant 0 : i32
    %dma_start3A_150 = tpu.memref_slice %arg8[%dma_start3A_146, %dma_start3A_148, %dma_start3A_149] : memref<5x40x128xf32, #tpu.memory_space<vmem>> -> memref<1x40x128xf32, #tpu.memory_space<vmem>>
    %dma_start3A_151 = tpu.memref_squeeze %dma_start3A_150 : memref<1x40x128xf32, #tpu.memory_space<vmem>> -> memref<40x128xf32, #tpu.memory_space<vmem>>
    %dma_start3A_152 = arith.constant 80 : i32
    %dma_start3A_153 = tpu.memref_slice %arg6[%dma_start3A_152] : memref<10000xi32, #tpu.memory_space<vmem>> -> memref<40xi32, #tpu.memory_space<vmem>>
    %dma_start3A_154 = arith.constant 0 : i32
    %dma_start3A_155 = arith.constant 0 : i32
    %dma_start3A_156 = tpu.memref_slice %arg2[%dma_start3A_154, %dma_start3A_155] : memref<10000x128xf32, #tpu.memory_space<hbm>> -> memref<10000x128xf32, #tpu.memory_space<hbm>>
    %dma_start3A_157 = tpu.memref_slice %arg10[%dma_start3A_147] : memref<5x!tpu.dma_semaphore, #tpu.memory_space<semaphore_mem>> -> memref<1x!tpu.dma_semaphore, #tpu.memory_space<semaphore_mem>>
    %dma_start3A_158 = tpu.memref_squeeze %dma_start3A_157 : memref<1x!tpu.dma_semaphore, #tpu.memory_space<semaphore_mem>> -> memref<!tpu.dma_semaphore, #tpu.memory_space<semaphore_mem>>
    tpu.enqueue_indirect_dma source(%dma_start3A_156 : memref<10000x128xf32, #tpu.memory_space<hbm>>) target(%dma_start3A_151 : memref<40x128xf32, #tpu.memory_space<vmem>>) offsets(%dma_start3A_153 : memref<40xi32, #tpu.memory_space<vmem>>) semaphore(%dma_start3A_158 : memref<!tpu.dma_semaphore, #tpu.memory_space<semaphore_mem>>)
    %dma_start3A_159 = arith.constant 3 : i32
    %dma_start3A_160 = arith.constant 3 : i32
    %dma_start3A_161 = arith.constant 0 : i32
    %dma_start3A_162 = arith.constant 0 : i32
    %dma_start3A_163 = tpu.memref_slice %arg8[%dma_start3A_159, %dma_start3A_161, %dma_start3A_162] : memref<5x40x128xf32, #tpu.memory_space<vmem>> -> memref<1x40x128xf32, #tpu.memory_space<vmem>>
    %dma_start3A_164 = tpu.memref_squeeze %dma_start3A_163 : memref<1x40x128xf32, #tpu.memory_space<vmem>> -> memref<40x128xf32, #tpu.memory_space<vmem>>
    %dma_start3A_165 = arith.constant 120 : i32
    %dma_start3A_166 = tpu.memref_slice %arg6[%dma_start3A_165] : memref<10000xi32, #tpu.memory_space<vmem>> -> memref<40xi32, #tpu.memory_space<vmem>>
    %dma_start3A_167 = arith.constant 0 : i32
    %dma_start3A_168 = arith.constant 0 : i32
    %dma_start3A_169 = tpu.memref_slice %arg2[%dma_start3A_167, %dma_start3A_168] : memref<10000x128xf32, #tpu.memory_space<hbm>> -> memref<10000x128xf32, #tpu.memory_space<hbm>>
    %dma_start3A_170 = tpu.memref_slice %arg10[%dma_start3A_160] : memref<5x!tpu.dma_semaphore, #tpu.memory_space<semaphore_mem>> -> memref<1x!tpu.dma_semaphore, #tpu.memory_space<semaphore_mem>>
    %dma_start3A_171 = tpu.memref_squeeze %dma_start3A_170 : memref<1x!tpu.dma_semaphore, #tpu.memory_space<semaphore_mem>> -> memref<!tpu.dma_semaphore, #tpu.memory_space<semaphore_mem>>
    tpu.enqueue_indirect_dma source(%dma_start3A_169 : memref<10000x128xf32, #tpu.memory_space<hbm>>) target(%dma_start3A_164 : memref<40x128xf32, #tpu.memory_space<vmem>>) offsets(%dma_start3A_166 : memref<40xi32, #tpu.memory_space<vmem>>) semaphore(%dma_start3A_171 : memref<!tpu.dma_semaphore, #tpu.memory_space<semaphore_mem>>)
    %dma_start3A_172 = arith.constant 4 : i32
    %dma_start3A_173 = arith.constant 4 : i32
    %dma_start3A_174 = arith.constant 0 : i32
    %dma_start3A_175 = arith.constant 0 : i32
    %dma_start3A_176 = tpu.memref_slice %arg8[%dma_start3A_172, %dma_start3A_174, %dma_start3A_175] : memref<5x40x128xf32, #tpu.memory_space<vmem>> -> memref<1x40x128xf32, #tpu.memory_space<vmem>>
    %dma_start3A_177 = tpu.memref_squeeze %dma_start3A_176 : memref<1x40x128xf32, #tpu.memory_space<vmem>> -> memref<40x128xf32, #tpu.memory_space<vmem>>
    %dma_start3A_178 = arith.constant 160 : i32
    %dma_start3A_179 = tpu.memref_slice %arg6[%dma_start3A_178] : memref<10000xi32, #tpu.memory_space<vmem>> -> memref<40xi32, #tpu.memory_space<vmem>>
    %dma_start3A_180 = arith.constant 0 : i32
    %dma_start3A_181 = arith.constant 0 : i32
    %dma_start3A_182 = tpu.memref_slice %arg2[%dma_start3A_180, %dma_start3A_181] : memref<10000x128xf32, #tpu.memory_space<hbm>> -> memref<10000x128xf32, #tpu.memory_space<hbm>>
    %dma_start3A_183 = tpu.memref_slice %arg10[%dma_start3A_173] : memref<5x!tpu.dma_semaphore, #tpu.memory_space<semaphore_mem>> -> memref<1x!tpu.dma_semaphore, #tpu.memory_space<semaphore_mem>>
    %dma_start3A_184 = tpu.memref_squeeze %dma_start3A_183 : memref<1x!tpu.dma_semaphore, #tpu.memory_space<semaphore_mem>> -> memref<!tpu.dma_semaphore, #tpu.memory_space<semaphore_mem>>
    tpu.enqueue_indirect_dma source(%dma_start3A_182 : memref<10000x128xf32, #tpu.memory_space<hbm>>) target(%dma_start3A_177 : memref<40x128xf32, #tpu.memory_space<vmem>>) offsets(%dma_start3A_179 : memref<40xi32, #tpu.memory_space<vmem>>) semaphore(%dma_start3A_184 : memref<!tpu.dma_semaphore, #tpu.memory_space<semaphore_mem>>)
    %scan3A_185 = arith.constant 0 : i32
    %scan3A_186 = arith.constant 0 : i32
    %scan3A_187 = arith.constant 50 : i32
    %scan3A_188 = arith.addi %scan3A_186, %scan3A_187 : i32
    %scan3A_189 = arith.constant 1 : i32
    scf.for %scan3A_261 = %scan3A_186 to %scan3A_188 step %scan3A_189  : i32 {
      %mul3A_262 = arith.constant 5 : i32
      %mul3A_263 = arith.muli %scan3A_261, %mul3A_262 : i32
      %add3A_264 = arith.constant 0 : i32
      %add3A_265 = arith.addi %mul3A_263, %add3A_264 : i32
      %mul3A_266 = arith.constant 40 : i32
      %mul3A_267 = arith.muli %add3A_265, %mul3A_266 : i32
      %dma_wait3A_268 = arith.constant 0 : i32
      %dma_wait3A_269 = arith.constant 0 : i32
      %dma_wait3A_270 = arith.constant 0 : i32
      %dma_wait3A_271 = arith.constant 0 : i32
      %dma_wait3A_272 = tpu.memref_slice %arg8[%dma_wait3A_268, %dma_wait3A_270, %dma_wait3A_271] : memref<5x40x128xf32, #tpu.memory_space<vmem>> -> memref<1x40x128xf32, #tpu.memory_space<vmem>>
      %dma_wait3A_273 = tpu.memref_squeeze %dma_wait3A_272 : memref<1x40x128xf32, #tpu.memory_space<vmem>> -> memref<40x128xf32, #tpu.memory_space<vmem>>
      %dma_wait3A_274 = tpu.memref_slice %arg6[%mul3A_267] : memref<10000xi32, #tpu.memory_space<vmem>> -> memref<40xi32, #tpu.memory_space<vmem>>
      %dma_wait3A_275 = arith.constant 0 : i32
      %dma_wait3A_276 = arith.constant 0 : i32
      %dma_wait3A_277 = tpu.memref_slice %arg2[%dma_wait3A_275, %dma_wait3A_276] : memref<10000x128xf32, #tpu.memory_space<hbm>> -> memref<10000x128xf32, #tpu.memory_space<hbm>>
      %dma_wait3A_278 = tpu.memref_slice %arg10[%dma_wait3A_269] : memref<5x!tpu.dma_semaphore, #tpu.memory_space<semaphore_mem>> -> memref<1x!tpu.dma_semaphore, #tpu.memory_space<semaphore_mem>>
      %dma_wait3A_279 = tpu.memref_squeeze %dma_wait3A_278 : memref<1x!tpu.dma_semaphore, #tpu.memory_space<semaphore_mem>> -> memref<!tpu.dma_semaphore, #tpu.memory_space<semaphore_mem>>
      tpu.wait_indirect_dma semaphore(%dma_wait3A_279 : memref<!tpu.dma_semaphore, #tpu.memory_space<semaphore_mem>>) src(%dma_wait3A_277 : memref<10000x128xf32, #tpu.memory_space<hbm>>) dst(%dma_wait3A_273 : memref<40x128xf32, #tpu.memory_space<vmem>>)
      %mul3A_280 = arith.constant 40 : i32
      %mul3A_281 = arith.muli %add3A_265, %mul3A_280 : i32
      %dma_start3A_282 = arith.constant 0 : i32
      %dma_start3A_283 = arith.constant 0 : i32
      %dma_start3A_284 = arith.constant 0 : i32
      %dma_start3A_285 = arith.constant 0 : i32
      %dma_start3A_286 = tpu.memref_slice %arg8[%dma_start3A_282, %dma_start3A_284, %dma_start3A_285] : memref<5x40x128xf32, #tpu.memory_space<vmem>> -> memref<1x40x128xf32, #tpu.memory_space<vmem>>
      %dma_start3A_287 = tpu.memref_squeeze %dma_start3A_286 : memref<1x40x128xf32, #tpu.memory_space<vmem>> -> memref<40x128xf32, #tpu.memory_space<vmem>>
      %dma_start3A_288 = tpu.memref_slice %arg7[%mul3A_281] : memref<10000xi32, #tpu.memory_space<vmem>> -> memref<40xi32, #tpu.memory_space<vmem>>
      %dma_start3A_289 = arith.constant 0 : i32
      %dma_start3A_290 = arith.constant 0 : i32
      %dma_start3A_291 = tpu.memref_slice %arg9[%dma_start3A_289, %dma_start3A_290] : memref<10240x128xf32, #tpu.memory_space<vmem_shared>> -> memref<10240x128xf32, #tpu.memory_space<vmem_shared>>
      %dma_start3A_292 = tpu.memref_slice %arg11[%dma_start3A_283] : memref<5x!tpu.dma_semaphore, #tpu.memory_space<semaphore_mem>> -> memref<1x!tpu.dma_semaphore, #tpu.memory_space<semaphore_mem>>
      %dma_start3A_293 = tpu.memref_squeeze %dma_start3A_292 : memref<1x!tpu.dma_semaphore, #tpu.memory_space<semaphore_mem>> -> memref<!tpu.dma_semaphore, #tpu.memory_space<semaphore_mem>>
      tpu.enqueue_indirect_dma source(%dma_start3A_287 : memref<40x128xf32, #tpu.memory_space<vmem>>) target(%dma_start3A_291 : memref<10240x128xf32, #tpu.memory_space<vmem_shared>>) offsets(%dma_start3A_288 : memref<40xi32, #tpu.memory_space<vmem>>) semaphore(%dma_start3A_293 : memref<!tpu.dma_semaphore, #tpu.memory_space<semaphore_mem>>) {add = true}
      %add3A_294 = arith.constant 5 : i32
      %add3A_295 = arith.addi %add3A_265, %add3A_294 : i32
      %sub3A = arith.constant 1 : i32
      %sub3A_296 = arith.subi %add3A_295, %sub3A : i32
      %ge3A = arith.constant 1 : i32
      %ge3A_297 = arith.cmpi sge, %add3A_265, %ge3A : i32
      %le3A = arith.constant 249 : i32
      %le3A_298 = arith.cmpi sle, %sub3A_296, %le3A : i32
      %and3A = arith.andi %ge3A_297, %le3A_298 : i1
      %convert_element_type3A = arith.extui %and3A : i1 to i32
      %cond3A = arith.constant 0 : i32
      %cond3A_299 = arith.cmpi ne, %convert_element_type3A, %cond3A : i32
      scf.if %cond3A_299 {
        %sub3A_476 = arith.constant 5 : i32
        %sub3A_477 = arith.subi %sub3A_296, %sub3A_476 : i32
        %mul3A_478 = arith.constant 40 : i32
        %mul3A_479 = arith.muli %sub3A_477, %mul3A_478 : i32
        %dma_wait3A_480 = arith.constant 4 : i32
        %dma_wait3A_481 = arith.constant 4 : i32
        %dma_wait3A_482 = arith.constant 0 : i32
        %dma_wait3A_483 = arith.constant 0 : i32
        %dma_wait3A_484 = tpu.memref_slice %arg8[%dma_wait3A_480, %dma_wait3A_482, %dma_wait3A_483] : memref<5x40x128xf32, #tpu.memory_space<vmem>> -> memref<1x40x128xf32, #tpu.memory_space<vmem>>
        %dma_wait3A_485 = tpu.memref_squeeze %dma_wait3A_484 : memref<1x40x128xf32, #tpu.memory_space<vmem>> -> memref<40x128xf32, #tpu.memory_space<vmem>>
        %dma_wait3A_486 = tpu.memref_slice %arg7[%mul3A_479] : memref<10000xi32, #tpu.memory_space<vmem>> -> memref<40xi32, #tpu.memory_space<vmem>>
        %dma_wait3A_487 = arith.constant 0 : i32
        %dma_wait3A_488 = arith.constant 0 : i32
        %dma_wait3A_489 = tpu.memref_slice %arg9[%dma_wait3A_487, %dma_wait3A_488] : memref<10240x128xf32, #tpu.memory_space<vmem_shared>> -> memref<10240x128xf32, #tpu.memory_space<vmem_shared>>
        %dma_wait3A_490 = tpu.memref_slice %arg11[%dma_wait3A_481] : memref<5x!tpu.dma_semaphore, #tpu.memory_space<semaphore_mem>> -> memref<1x!tpu.dma_semaphore, #tpu.memory_space<semaphore_mem>>
        %dma_wait3A_491 = tpu.memref_squeeze %dma_wait3A_490 : memref<1x!tpu.dma_semaphore, #tpu.memory_space<semaphore_mem>> -> memref<!tpu.dma_semaphore, #tpu.memory_space<semaphore_mem>>
        tpu.wait_indirect_dma semaphore(%dma_wait3A_491 : memref<!tpu.dma_semaphore, #tpu.memory_space<semaphore_mem>>) src(%dma_wait3A_485 : memref<40x128xf32, #tpu.memory_space<vmem>>) dst(%dma_wait3A_489 : memref<10240x128xf32, #tpu.memory_space<vmem_shared>>)
        %mul3A_492 = arith.constant 40 : i32
        %mul3A_493 = arith.muli %sub3A_296, %mul3A_492 : i32
        %dma_start3A_494 = arith.constant 4 : i32
        %dma_start3A_495 = arith.constant 4 : i32
        %dma_start3A_496 = arith.constant 0 : i32
        %dma_start3A_497 = arith.constant 0 : i32
        %dma_start3A_498 = tpu.memref_slice %arg8[%dma_start3A_494, %dma_start3A_496, %dma_start3A_497] : memref<5x40x128xf32, #tpu.memory_space<vmem>> -> memref<1x40x128xf32, #tpu.memory_space<vmem>>
        %dma_start3A_499 = tpu.memref_squeeze %dma_start3A_498 : memref<1x40x128xf32, #tpu.memory_space<vmem>> -> memref<40x128xf32, #tpu.memory_space<vmem>>
        %dma_start3A_500 = tpu.memref_slice %arg6[%mul3A_493] : memref<10000xi32, #tpu.memory_space<vmem>> -> memref<40xi32, #tpu.memory_space<vmem>>
        %dma_start3A_501 = arith.constant 0 : i32
        %dma_start3A_502 = arith.constant 0 : i32
        %dma_start3A_503 = tpu.memref_slice %arg2[%dma_start3A_501, %dma_start3A_502] : memref<10000x128xf32, #tpu.memory_space<hbm>> -> memref<10000x128xf32, #tpu.memory_space<hbm>>
        %dma_start3A_504 = tpu.memref_slice %arg10[%dma_start3A_495] : memref<5x!tpu.dma_semaphore, #tpu.memory_space<semaphore_mem>> -> memref<1x!tpu.dma_semaphore, #tpu.memory_space<semaphore_mem>>
        %dma_start3A_505 = tpu.memref_squeeze %dma_start3A_504 : memref<1x!tpu.dma_semaphore, #tpu.memory_space<semaphore_mem>> -> memref<!tpu.dma_semaphore, #tpu.memory_space<semaphore_mem>>
        tpu.enqueue_indirect_dma source(%dma_start3A_503 : memref<10000x128xf32, #tpu.memory_space<hbm>>) target(%dma_start3A_499 : memref<40x128xf32, #tpu.memory_space<vmem>>) offsets(%dma_start3A_500 : memref<40xi32, #tpu.memory_space<vmem>>) semaphore(%dma_start3A_505 : memref<!tpu.dma_semaphore, #tpu.memory_space<semaphore_mem>>)
      } else {
      }
      %mul3A_300 = arith.constant 5 : i32
      %mul3A_301 = arith.muli %scan3A_261, %mul3A_300 : i32
      %add3A_302 = arith.constant 1 : i32
      %add3A_303 = arith.addi %mul3A_301, %add3A_302 : i32
      %mul3A_304 = arith.constant 40 : i32
      %mul3A_305 = arith.muli %add3A_303, %mul3A_304 : i32
      %dma_wait3A_306 = arith.constant 1 : i32
      %dma_wait3A_307 = arith.constant 1 : i32
      %dma_wait3A_308 = arith.constant 0 : i32
      %dma_wait3A_309 = arith.constant 0 : i32
      %dma_wait3A_310 = tpu.memref_slice %arg8[%dma_wait3A_306, %dma_wait3A_308, %dma_wait3A_309] : memref<5x40x128xf32, #tpu.memory_space<vmem>> -> memref<1x40x128xf32, #tpu.memory_space<vmem>>
      %dma_wait3A_311 = tpu.memref_squeeze %dma_wait3A_310 : memref<1x40x128xf32, #tpu.memory_space<vmem>> -> memref<40x128xf32, #tpu.memory_space<vmem>>
      %dma_wait3A_312 = tpu.memref_slice %arg6[%mul3A_305] : memref<10000xi32, #tpu.memory_space<vmem>> -> memref<40xi32, #tpu.memory_space<vmem>>
      %dma_wait3A_313 = arith.constant 0 : i32
      %dma_wait3A_314 = arith.constant 0 : i32
      %dma_wait3A_315 = tpu.memref_slice %arg2[%dma_wait3A_313, %dma_wait3A_314] : memref<10000x128xf32, #tpu.memory_space<hbm>> -> memref<10000x128xf32, #tpu.memory_space<hbm>>
      %dma_wait3A_316 = tpu.memref_slice %arg10[%dma_wait3A_307] : memref<5x!tpu.dma_semaphore, #tpu.memory_space<semaphore_mem>> -> memref<1x!tpu.dma_semaphore, #tpu.memory_space<semaphore_mem>>
      %dma_wait3A_317 = tpu.memref_squeeze %dma_wait3A_316 : memref<1x!tpu.dma_semaphore, #tpu.memory_space<semaphore_mem>> -> memref<!tpu.dma_semaphore, #tpu.memory_space<semaphore_mem>>
      tpu.wait_indirect_dma semaphore(%dma_wait3A_317 : memref<!tpu.dma_semaphore, #tpu.memory_space<semaphore_mem>>) src(%dma_wait3A_315 : memref<10000x128xf32, #tpu.memory_space<hbm>>) dst(%dma_wait3A_311 : memref<40x128xf32, #tpu.memory_space<vmem>>)
      %mul3A_318 = arith.constant 40 : i32
      %mul3A_319 = arith.muli %add3A_303, %mul3A_318 : i32
      %dma_start3A_320 = arith.constant 1 : i32
      %dma_start3A_321 = arith.constant 1 : i32
      %dma_start3A_322 = arith.constant 0 : i32
      %dma_start3A_323 = arith.constant 0 : i32
      %dma_start3A_324 = tpu.memref_slice %arg8[%dma_start3A_320, %dma_start3A_322, %dma_start3A_323] : memref<5x40x128xf32, #tpu.memory_space<vmem>> -> memref<1x40x128xf32, #tpu.memory_space<vmem>>
      %dma_start3A_325 = tpu.memref_squeeze %dma_start3A_324 : memref<1x40x128xf32, #tpu.memory_space<vmem>> -> memref<40x128xf32, #tpu.memory_space<vmem>>
      %dma_start3A_326 = tpu.memref_slice %arg7[%mul3A_319] : memref<10000xi32, #tpu.memory_space<vmem>> -> memref<40xi32, #tpu.memory_space<vmem>>
      %dma_start3A_327 = arith.constant 0 : i32
      %dma_start3A_328 = arith.constant 0 : i32
      %dma_start3A_329 = tpu.memref_slice %arg9[%dma_start3A_327, %dma_start3A_328] : memref<10240x128xf32, #tpu.memory_space<vmem_shared>> -> memref<10240x128xf32, #tpu.memory_space<vmem_shared>>
      %dma_start3A_330 = tpu.memref_slice %arg11[%dma_start3A_321] : memref<5x!tpu.dma_semaphore, #tpu.memory_space<semaphore_mem>> -> memref<1x!tpu.dma_semaphore, #tpu.memory_space<semaphore_mem>>
      %dma_start3A_331 = tpu.memref_squeeze %dma_start3A_330 : memref<1x!tpu.dma_semaphore, #tpu.memory_space<semaphore_mem>> -> memref<!tpu.dma_semaphore, #tpu.memory_space<semaphore_mem>>
      tpu.enqueue_indirect_dma source(%dma_start3A_325 : memref<40x128xf32, #tpu.memory_space<vmem>>) target(%dma_start3A_329 : memref<10240x128xf32, #tpu.memory_space<vmem_shared>>) offsets(%dma_start3A_326 : memref<40xi32, #tpu.memory_space<vmem>>) semaphore(%dma_start3A_331 : memref<!tpu.dma_semaphore, #tpu.memory_space<semaphore_mem>>) {add = true}
      %add3A_332 = arith.constant 5 : i32
      %add3A_333 = arith.addi %add3A_303, %add3A_332 : i32
      %sub3A_334 = arith.constant 1 : i32
      %sub3A_335 = arith.subi %add3A_333, %sub3A_334 : i32
      %ge3A_336 = arith.constant 1 : i32
      %ge3A_337 = arith.cmpi sge, %add3A_303, %ge3A_336 : i32
      %le3A_338 = arith.constant 249 : i32
      %le3A_339 = arith.cmpi sle, %sub3A_335, %le3A_338 : i32
      %and3A_340 = arith.andi %ge3A_337, %le3A_339 : i1
      %convert_element_type3A_341 = arith.extui %and3A_340 : i1 to i32
      %cond3A_342 = arith.constant 0 : i32
      %cond3A_343 = arith.cmpi ne, %convert_element_type3A_341, %cond3A_342 : i32
      scf.if %cond3A_343 {
        %sub3A_476 = arith.constant 5 : i32
        %sub3A_477 = arith.subi %sub3A_335, %sub3A_476 : i32
        %mul3A_478 = arith.constant 40 : i32
        %mul3A_479 = arith.muli %sub3A_477, %mul3A_478 : i32
        %dma_wait3A_480 = arith.constant 0 : i32
        %dma_wait3A_481 = arith.constant 0 : i32
        %dma_wait3A_482 = arith.constant 0 : i32
        %dma_wait3A_483 = arith.constant 0 : i32
        %dma_wait3A_484 = tpu.memref_slice %arg8[%dma_wait3A_480, %dma_wait3A_482, %dma_wait3A_483] : memref<5x40x128xf32, #tpu.memory_space<vmem>> -> memref<1x40x128xf32, #tpu.memory_space<vmem>>
        %dma_wait3A_485 = tpu.memref_squeeze %dma_wait3A_484 : memref<1x40x128xf32, #tpu.memory_space<vmem>> -> memref<40x128xf32, #tpu.memory_space<vmem>>
        %dma_wait3A_486 = tpu.memref_slice %arg7[%mul3A_479] : memref<10000xi32, #tpu.memory_space<vmem>> -> memref<40xi32, #tpu.memory_space<vmem>>
        %dma_wait3A_487 = arith.constant 0 : i32
        %dma_wait3A_488 = arith.constant 0 : i32
        %dma_wait3A_489 = tpu.memref_slice %arg9[%dma_wait3A_487, %dma_wait3A_488] : memref<10240x128xf32, #tpu.memory_space<vmem_shared>> -> memref<10240x128xf32, #tpu.memory_space<vmem_shared>>
        %dma_wait3A_490 = tpu.memref_slice %arg11[%dma_wait3A_481] : memref<5x!tpu.dma_semaphore, #tpu.memory_space<semaphore_mem>> -> memref<1x!tpu.dma_semaphore, #tpu.memory_space<semaphore_mem>>
        %dma_wait3A_491 = tpu.memref_squeeze %dma_wait3A_490 : memref<1x!tpu.dma_semaphore, #tpu.memory_space<semaphore_mem>> -> memref<!tpu.dma_semaphore, #tpu.memory_space<semaphore_mem>>
        tpu.wait_indirect_dma semaphore(%dma_wait3A_491 : memref<!tpu.dma_semaphore, #tpu.memory_space<semaphore_mem>>) src(%dma_wait3A_485 : memref<40x128xf32, #tpu.memory_space<vmem>>) dst(%dma_wait3A_489 : memref<10240x128xf32, #tpu.memory_space<vmem_shared>>)
        %mul3A_492 = arith.constant 40 : i32
        %mul3A_493 = arith.muli %sub3A_335, %mul3A_492 : i32
        %dma_start3A_494 = arith.constant 0 : i32
        %dma_start3A_495 = arith.constant 0 : i32
        %dma_start3A_496 = arith.constant 0 : i32
        %dma_start3A_497 = arith.constant 0 : i32
        %dma_start3A_498 = tpu.memref_slice %arg8[%dma_start3A_494, %dma_start3A_496, %dma_start3A_497] : memref<5x40x128xf32, #tpu.memory_space<vmem>> -> memref<1x40x128xf32, #tpu.memory_space<vmem>>
        %dma_start3A_499 = tpu.memref_squeeze %dma_start3A_498 : memref<1x40x128xf32, #tpu.memory_space<vmem>> -> memref<40x128xf32, #tpu.memory_space<vmem>>
        %dma_start3A_500 = tpu.memref_slice %arg6[%mul3A_493] : memref<10000xi32, #tpu.memory_space<vmem>> -> memref<40xi32, #tpu.memory_space<vmem>>
        %dma_start3A_501 = arith.constant 0 : i32
        %dma_start3A_502 = arith.constant 0 : i32
        %dma_start3A_503 = tpu.memref_slice %arg2[%dma_start3A_501, %dma_start3A_502] : memref<10000x128xf32, #tpu.memory_space<hbm>> -> memref<10000x128xf32, #tpu.memory_space<hbm>>
        %dma_start3A_504 = tpu.memref_slice %arg10[%dma_start3A_495] : memref<5x!tpu.dma_semaphore, #tpu.memory_space<semaphore_mem>> -> memref<1x!tpu.dma_semaphore, #tpu.memory_space<semaphore_mem>>
        %dma_start3A_505 = tpu.memref_squeeze %dma_start3A_504 : memref<1x!tpu.dma_semaphore, #tpu.memory_space<semaphore_mem>> -> memref<!tpu.dma_semaphore, #tpu.memory_space<semaphore_mem>>
        tpu.enqueue_indirect_dma source(%dma_start3A_503 : memref<10000x128xf32, #tpu.memory_space<hbm>>) target(%dma_start3A_499 : memref<40x128xf32, #tpu.memory_space<vmem>>) offsets(%dma_start3A_500 : memref<40xi32, #tpu.memory_space<vmem>>) semaphore(%dma_start3A_505 : memref<!tpu.dma_semaphore, #tpu.memory_space<semaphore_mem>>)
      } else {
      }
      %mul3A_344 = arith.constant 5 : i32
      %mul3A_345 = arith.muli %scan3A_261, %mul3A_344 : i32
      %add3A_346 = arith.constant 2 : i32
      %add3A_347 = arith.addi %mul3A_345, %add3A_346 : i32
      %mul3A_348 = arith.constant 40 : i32
      %mul3A_349 = arith.muli %add3A_347, %mul3A_348 : i32
      %dma_wait3A_350 = arith.constant 2 : i32
      %dma_wait3A_351 = arith.constant 2 : i32
      %dma_wait3A_352 = arith.constant 0 : i32
      %dma_wait3A_353 = arith.constant 0 : i32
      %dma_wait3A_354 = tpu.memref_slice %arg8[%dma_wait3A_350, %dma_wait3A_352, %dma_wait3A_353] : memref<5x40x128xf32, #tpu.memory_space<vmem>> -> memref<1x40x128xf32, #tpu.memory_space<vmem>>
      %dma_wait3A_355 = tpu.memref_squeeze %dma_wait3A_354 : memref<1x40x128xf32, #tpu.memory_space<vmem>> -> memref<40x128xf32, #tpu.memory_space<vmem>>
      %dma_wait3A_356 = tpu.memref_slice %arg6[%mul3A_349] : memref<10000xi32, #tpu.memory_space<vmem>> -> memref<40xi32, #tpu.memory_space<vmem>>
      %dma_wait3A_357 = arith.constant 0 : i32
      %dma_wait3A_358 = arith.constant 0 : i32
      %dma_wait3A_359 = tpu.memref_slice %arg2[%dma_wait3A_357, %dma_wait3A_358] : memref<10000x128xf32, #tpu.memory_space<hbm>> -> memref<10000x128xf32, #tpu.memory_space<hbm>>
      %dma_wait3A_360 = tpu.memref_slice %arg10[%dma_wait3A_351] : memref<5x!tpu.dma_semaphore, #tpu.memory_space<semaphore_mem>> -> memref<1x!tpu.dma_semaphore, #tpu.memory_space<semaphore_mem>>
      %dma_wait3A_361 = tpu.memref_squeeze %dma_wait3A_360 : memref<1x!tpu.dma_semaphore, #tpu.memory_space<semaphore_mem>> -> memref<!tpu.dma_semaphore, #tpu.memory_space<semaphore_mem>>
      tpu.wait_indirect_dma semaphore(%dma_wait3A_361 : memref<!tpu.dma_semaphore, #tpu.memory_space<semaphore_mem>>) src(%dma_wait3A_359 : memref<10000x128xf32, #tpu.memory_space<hbm>>) dst(%dma_wait3A_355 : memref<40x128xf32, #tpu.memory_space<vmem>>)
      %mul3A_362 = arith.constant 40 : i32
      %mul3A_363 = arith.muli %add3A_347, %mul3A_362 : i32
      %dma_start3A_364 = arith.constant 2 : i32
      %dma_start3A_365 = arith.constant 2 : i32
      %dma_start3A_366 = arith.constant 0 : i32
      %dma_start3A_367 = arith.constant 0 : i32
      %dma_start3A_368 = tpu.memref_slice %arg8[%dma_start3A_364, %dma_start3A_366, %dma_start3A_367] : memref<5x40x128xf32, #tpu.memory_space<vmem>> -> memref<1x40x128xf32, #tpu.memory_space<vmem>>
      %dma_start3A_369 = tpu.memref_squeeze %dma_start3A_368 : memref<1x40x128xf32, #tpu.memory_space<vmem>> -> memref<40x128xf32, #tpu.memory_space<vmem>>
      %dma_start3A_370 = tpu.memref_slice %arg7[%mul3A_363] : memref<10000xi32, #tpu.memory_space<vmem>> -> memref<40xi32, #tpu.memory_space<vmem>>
      %dma_start3A_371 = arith.constant 0 : i32
      %dma_start3A_372 = arith.constant 0 : i32
      %dma_start3A_373 = tpu.memref_slice %arg9[%dma_start3A_371, %dma_start3A_372] : memref<10240x128xf32, #tpu.memory_space<vmem_shared>> -> memref<10240x128xf32, #tpu.memory_space<vmem_shared>>
      %dma_start3A_374 = tpu.memref_slice %arg11[%dma_start3A_365] : memref<5x!tpu.dma_semaphore, #tpu.memory_space<semaphore_mem>> -> memref<1x!tpu.dma_semaphore, #tpu.memory_space<semaphore_mem>>
      %dma_start3A_375 = tpu.memref_squeeze %dma_start3A_374 : memref<1x!tpu.dma_semaphore, #tpu.memory_space<semaphore_mem>> -> memref<!tpu.dma_semaphore, #tpu.memory_space<semaphore_mem>>
      tpu.enqueue_indirect_dma source(%dma_start3A_369 : memref<40x128xf32, #tpu.memory_space<vmem>>) target(%dma_start3A_373 : memref<10240x128xf32, #tpu.memory_space<vmem_shared>>) offsets(%dma_start3A_370 : memref<40xi32, #tpu.memory_space<vmem>>) semaphore(%dma_start3A_375 : memref<!tpu.dma_semaphore, #tpu.memory_space<semaphore_mem>>) {add = true}
      %add3A_376 = arith.constant 5 : i32
      %add3A_377 = arith.addi %add3A_347, %add3A_376 : i32
      %sub3A_378 = arith.constant 1 : i32
      %sub3A_379 = arith.subi %add3A_377, %sub3A_378 : i32
      %ge3A_380 = arith.constant 1 : i32
      %ge3A_381 = arith.cmpi sge, %add3A_347, %ge3A_380 : i32
      %le3A_382 = arith.constant 249 : i32
      %le3A_383 = arith.cmpi sle, %sub3A_379, %le3A_382 : i32
      %and3A_384 = arith.andi %ge3A_381, %le3A_383 : i1
      %convert_element_type3A_385 = arith.extui %and3A_384 : i1 to i32
      %cond3A_386 = arith.constant 0 : i32
      %cond3A_387 = arith.cmpi ne, %convert_element_type3A_385, %cond3A_386 : i32
      scf.if %cond3A_387 {
        %sub3A_476 = arith.constant 5 : i32
        %sub3A_477 = arith.subi %sub3A_379, %sub3A_476 : i32
        %mul3A_478 = arith.constant 40 : i32
        %mul3A_479 = arith.muli %sub3A_477, %mul3A_478 : i32
        %dma_wait3A_480 = arith.constant 1 : i32
        %dma_wait3A_481 = arith.constant 1 : i32
        %dma_wait3A_482 = arith.constant 0 : i32
        %dma_wait3A_483 = arith.constant 0 : i32
        %dma_wait3A_484 = tpu.memref_slice %arg8[%dma_wait3A_480, %dma_wait3A_482, %dma_wait3A_483] : memref<5x40x128xf32, #tpu.memory_space<vmem>> -> memref<1x40x128xf32, #tpu.memory_space<vmem>>
        %dma_wait3A_485 = tpu.memref_squeeze %dma_wait3A_484 : memref<1x40x128xf32, #tpu.memory_space<vmem>> -> memref<40x128xf32, #tpu.memory_space<vmem>>
        %dma_wait3A_486 = tpu.memref_slice %arg7[%mul3A_479] : memref<10000xi32, #tpu.memory_space<vmem>> -> memref<40xi32, #tpu.memory_space<vmem>>
        %dma_wait3A_487 = arith.constant 0 : i32
        %dma_wait3A_488 = arith.constant 0 : i32
        %dma_wait3A_489 = tpu.memref_slice %arg9[%dma_wait3A_487, %dma_wait3A_488] : memref<10240x128xf32, #tpu.memory_space<vmem_shared>> -> memref<10240x128xf32, #tpu.memory_space<vmem_shared>>
        %dma_wait3A_490 = tpu.memref_slice %arg11[%dma_wait3A_481] : memref<5x!tpu.dma_semaphore, #tpu.memory_space<semaphore_mem>> -> memref<1x!tpu.dma_semaphore, #tpu.memory_space<semaphore_mem>>
        %dma_wait3A_491 = tpu.memref_squeeze %dma_wait3A_490 : memref<1x!tpu.dma_semaphore, #tpu.memory_space<semaphore_mem>> -> memref<!tpu.dma_semaphore, #tpu.memory_space<semaphore_mem>>
        tpu.wait_indirect_dma semaphore(%dma_wait3A_491 : memref<!tpu.dma_semaphore, #tpu.memory_space<semaphore_mem>>) src(%dma_wait3A_485 : memref<40x128xf32, #tpu.memory_space<vmem>>) dst(%dma_wait3A_489 : memref<10240x128xf32, #tpu.memory_space<vmem_shared>>)
        %mul3A_492 = arith.constant 40 : i32
        %mul3A_493 = arith.muli %sub3A_379, %mul3A_492 : i32
        %dma_start3A_494 = arith.constant 1 : i32
        %dma_start3A_495 = arith.constant 1 : i32
        %dma_start3A_496 = arith.constant 0 : i32
        %dma_start3A_497 = arith.constant 0 : i32
        %dma_start3A_498 = tpu.memref_slice %arg8[%dma_start3A_494, %dma_start3A_496, %dma_start3A_497] : memref<5x40x128xf32, #tpu.memory_space<vmem>> -> memref<1x40x128xf32, #tpu.memory_space<vmem>>
        %dma_start3A_499 = tpu.memref_squeeze %dma_start3A_498 : memref<1x40x128xf32, #tpu.memory_space<vmem>> -> memref<40x128xf32, #tpu.memory_space<vmem>>
        %dma_start3A_500 = tpu.memref_slice %arg6[%mul3A_493] : memref<10000xi32, #tpu.memory_space<vmem>> -> memref<40xi32, #tpu.memory_space<vmem>>
        %dma_start3A_501 = arith.constant 0 : i32
        %dma_start3A_502 = arith.constant 0 : i32
        %dma_start3A_503 = tpu.memref_slice %arg2[%dma_start3A_501, %dma_start3A_502] : memref<10000x128xf32, #tpu.memory_space<hbm>> -> memref<10000x128xf32, #tpu.memory_space<hbm>>
        %dma_start3A_504 = tpu.memref_slice %arg10[%dma_start3A_495] : memref<5x!tpu.dma_semaphore, #tpu.memory_space<semaphore_mem>> -> memref<1x!tpu.dma_semaphore, #tpu.memory_space<semaphore_mem>>
        %dma_start3A_505 = tpu.memref_squeeze %dma_start3A_504 : memref<1x!tpu.dma_semaphore, #tpu.memory_space<semaphore_mem>> -> memref<!tpu.dma_semaphore, #tpu.memory_space<semaphore_mem>>
        tpu.enqueue_indirect_dma source(%dma_start3A_503 : memref<10000x128xf32, #tpu.memory_space<hbm>>) target(%dma_start3A_499 : memref<40x128xf32, #tpu.memory_space<vmem>>) offsets(%dma_start3A_500 : memref<40xi32, #tpu.memory_space<vmem>>) semaphore(%dma_start3A_505 : memref<!tpu.dma_semaphore, #tpu.memory_space<semaphore_mem>>)
      } else {
      }
      %mul3A_388 = arith.constant 5 : i32
      %mul3A_389 = arith.muli %scan3A_261, %mul3A_388 : i32
      %add3A_390 = arith.constant 3 : i32
      %add3A_391 = arith.addi %mul3A_389, %add3A_390 : i32
      %mul3A_392 = arith.constant 40 : i32
      %mul3A_393 = arith.muli %add3A_391, %mul3A_392 : i32
      %dma_wait3A_394 = arith.constant 3 : i32
      %dma_wait3A_395 = arith.constant 3 : i32
      %dma_wait3A_396 = arith.constant 0 : i32
      %dma_wait3A_397 = arith.constant 0 : i32
      %dma_wait3A_398 = tpu.memref_slice %arg8[%dma_wait3A_394, %dma_wait3A_396, %dma_wait3A_397] : memref<5x40x128xf32, #tpu.memory_space<vmem>> -> memref<1x40x128xf32, #tpu.memory_space<vmem>>
      %dma_wait3A_399 = tpu.memref_squeeze %dma_wait3A_398 : memref<1x40x128xf32, #tpu.memory_space<vmem>> -> memref<40x128xf32, #tpu.memory_space<vmem>>
      %dma_wait3A_400 = tpu.memref_slice %arg6[%mul3A_393] : memref<10000xi32, #tpu.memory_space<vmem>> -> memref<40xi32, #tpu.memory_space<vmem>>
      %dma_wait3A_401 = arith.constant 0 : i32
      %dma_wait3A_402 = arith.constant 0 : i32
      %dma_wait3A_403 = tpu.memref_slice %arg2[%dma_wait3A_401, %dma_wait3A_402] : memref<10000x128xf32, #tpu.memory_space<hbm>> -> memref<10000x128xf32, #tpu.memory_space<hbm>>
      %dma_wait3A_404 = tpu.memref_slice %arg10[%dma_wait3A_395] : memref<5x!tpu.dma_semaphore, #tpu.memory_space<semaphore_mem>> -> memref<1x!tpu.dma_semaphore, #tpu.memory_space<semaphore_mem>>
      %dma_wait3A_405 = tpu.memref_squeeze %dma_wait3A_404 : memref<1x!tpu.dma_semaphore, #tpu.memory_space<semaphore_mem>> -> memref<!tpu.dma_semaphore, #tpu.memory_space<semaphore_mem>>
      tpu.wait_indirect_dma semaphore(%dma_wait3A_405 : memref<!tpu.dma_semaphore, #tpu.memory_space<semaphore_mem>>) src(%dma_wait3A_403 : memref<10000x128xf32, #tpu.memory_space<hbm>>) dst(%dma_wait3A_399 : memref<40x128xf32, #tpu.memory_space<vmem>>)
      %mul3A_406 = arith.constant 40 : i32
      %mul3A_407 = arith.muli %add3A_391, %mul3A_406 : i32
      %dma_start3A_408 = arith.constant 3 : i32
      %dma_start3A_409 = arith.constant 3 : i32
      %dma_start3A_410 = arith.constant 0 : i32
      %dma_start3A_411 = arith.constant 0 : i32
      %dma_start3A_412 = tpu.memref_slice %arg8[%dma_start3A_408, %dma_start3A_410, %dma_start3A_411] : memref<5x40x128xf32, #tpu.memory_space<vmem>> -> memref<1x40x128xf32, #tpu.memory_space<vmem>>
      %dma_start3A_413 = tpu.memref_squeeze %dma_start3A_412 : memref<1x40x128xf32, #tpu.memory_space<vmem>> -> memref<40x128xf32, #tpu.memory_space<vmem>>
      %dma_start3A_414 = tpu.memref_slice %arg7[%mul3A_407] : memref<10000xi32, #tpu.memory_space<vmem>> -> memref<40xi32, #tpu.memory_space<vmem>>
      %dma_start3A_415 = arith.constant 0 : i32
      %dma_start3A_416 = arith.constant 0 : i32
      %dma_start3A_417 = tpu.memref_slice %arg9[%dma_start3A_415, %dma_start3A_416] : memref<10240x128xf32, #tpu.memory_space<vmem_shared>> -> memref<10240x128xf32, #tpu.memory_space<vmem_shared>>
      %dma_start3A_418 = tpu.memref_slice %arg11[%dma_start3A_409] : memref<5x!tpu.dma_semaphore, #tpu.memory_space<semaphore_mem>> -> memref<1x!tpu.dma_semaphore, #tpu.memory_space<semaphore_mem>>
      %dma_start3A_419 = tpu.memref_squeeze %dma_start3A_418 : memref<1x!tpu.dma_semaphore, #tpu.memory_space<semaphore_mem>> -> memref<!tpu.dma_semaphore, #tpu.memory_space<semaphore_mem>>
      tpu.enqueue_indirect_dma source(%dma_start3A_413 : memref<40x128xf32, #tpu.memory_space<vmem>>) target(%dma_start3A_417 : memref<10240x128xf32, #tpu.memory_space<vmem_shared>>) offsets(%dma_start3A_414 : memref<40xi32, #tpu.memory_space<vmem>>) semaphore(%dma_start3A_419 : memref<!tpu.dma_semaphore, #tpu.memory_space<semaphore_mem>>) {add = true}
      %add3A_420 = arith.constant 5 : i32
      %add3A_421 = arith.addi %add3A_391, %add3A_420 : i32
      %sub3A_422 = arith.constant 1 : i32
      %sub3A_423 = arith.subi %add3A_421, %sub3A_422 : i32
      %ge3A_424 = arith.constant 1 : i32
      %ge3A_425 = arith.cmpi sge, %add3A_391, %ge3A_424 : i32
      %le3A_426 = arith.constant 249 : i32
      %le3A_427 = arith.cmpi sle, %sub3A_423, %le3A_426 : i32
      %and3A_428 = arith.andi %ge3A_425, %le3A_427 : i1
      %convert_element_type3A_429 = arith.extui %and3A_428 : i1 to i32
      %cond3A_430 = arith.constant 0 : i32
      %cond3A_431 = arith.cmpi ne, %convert_element_type3A_429, %cond3A_430 : i32
      scf.if %cond3A_431 {
        %sub3A_476 = arith.constant 5 : i32
        %sub3A_477 = arith.subi %sub3A_423, %sub3A_476 : i32
        %mul3A_478 = arith.constant 40 : i32
        %mul3A_479 = arith.muli %sub3A_477, %mul3A_478 : i32
        %dma_wait3A_480 = arith.constant 2 : i32
        %dma_wait3A_481 = arith.constant 2 : i32
        %dma_wait3A_482 = arith.constant 0 : i32
        %dma_wait3A_483 = arith.constant 0 : i32
        %dma_wait3A_484 = tpu.memref_slice %arg8[%dma_wait3A_480, %dma_wait3A_482, %dma_wait3A_483] : memref<5x40x128xf32, #tpu.memory_space<vmem>> -> memref<1x40x128xf32, #tpu.memory_space<vmem>>
        %dma_wait3A_485 = tpu.memref_squeeze %dma_wait3A_484 : memref<1x40x128xf32, #tpu.memory_space<vmem>> -> memref<40x128xf32, #tpu.memory_space<vmem>>
        %dma_wait3A_486 = tpu.memref_slice %arg7[%mul3A_479] : memref<10000xi32, #tpu.memory_space<vmem>> -> memref<40xi32, #tpu.memory_space<vmem>>
        %dma_wait3A_487 = arith.constant 0 : i32
        %dma_wait3A_488 = arith.constant 0 : i32
        %dma_wait3A_489 = tpu.memref_slice %arg9[%dma_wait3A_487, %dma_wait3A_488] : memref<10240x128xf32, #tpu.memory_space<vmem_shared>> -> memref<10240x128xf32, #tpu.memory_space<vmem_shared>>
        %dma_wait3A_490 = tpu.memref_slice %arg11[%dma_wait3A_481] : memref<5x!tpu.dma_semaphore, #tpu.memory_space<semaphore_mem>> -> memref<1x!tpu.dma_semaphore, #tpu.memory_space<semaphore_mem>>
        %dma_wait3A_491 = tpu.memref_squeeze %dma_wait3A_490 : memref<1x!tpu.dma_semaphore, #tpu.memory_space<semaphore_mem>> -> memref<!tpu.dma_semaphore, #tpu.memory_space<semaphore_mem>>
        tpu.wait_indirect_dma semaphore(%dma_wait3A_491 : memref<!tpu.dma_semaphore, #tpu.memory_space<semaphore_mem>>) src(%dma_wait3A_485 : memref<40x128xf32, #tpu.memory_space<vmem>>) dst(%dma_wait3A_489 : memref<10240x128xf32, #tpu.memory_space<vmem_shared>>)
        %mul3A_492 = arith.constant 40 : i32
        %mul3A_493 = arith.muli %sub3A_423, %mul3A_492 : i32
        %dma_start3A_494 = arith.constant 2 : i32
        %dma_start3A_495 = arith.constant 2 : i32
        %dma_start3A_496 = arith.constant 0 : i32
        %dma_start3A_497 = arith.constant 0 : i32
        %dma_start3A_498 = tpu.memref_slice %arg8[%dma_start3A_494, %dma_start3A_496, %dma_start3A_497] : memref<5x40x128xf32, #tpu.memory_space<vmem>> -> memref<1x40x128xf32, #tpu.memory_space<vmem>>
        %dma_start3A_499 = tpu.memref_squeeze %dma_start3A_498 : memref<1x40x128xf32, #tpu.memory_space<vmem>> -> memref<40x128xf32, #tpu.memory_space<vmem>>
        %dma_start3A_500 = tpu.memref_slice %arg6[%mul3A_493] : memref<10000xi32, #tpu.memory_space<vmem>> -> memref<40xi32, #tpu.memory_space<vmem>>
        %dma_start3A_501 = arith.constant 0 : i32
        %dma_start3A_502 = arith.constant 0 : i32
        %dma_start3A_503 = tpu.memref_slice %arg2[%dma_start3A_501, %dma_start3A_502] : memref<10000x128xf32, #tpu.memory_space<hbm>> -> memref<10000x128xf32, #tpu.memory_space<hbm>>
        %dma_start3A_504 = tpu.memref_slice %arg10[%dma_start3A_495] : memref<5x!tpu.dma_semaphore, #tpu.memory_space<semaphore_mem>> -> memref<1x!tpu.dma_semaphore, #tpu.memory_space<semaphore_mem>>
        %dma_start3A_505 = tpu.memref_squeeze %dma_start3A_504 : memref<1x!tpu.dma_semaphore, #tpu.memory_space<semaphore_mem>> -> memref<!tpu.dma_semaphore, #tpu.memory_space<semaphore_mem>>
        tpu.enqueue_indirect_dma source(%dma_start3A_503 : memref<10000x128xf32, #tpu.memory_space<hbm>>) target(%dma_start3A_499 : memref<40x128xf32, #tpu.memory_space<vmem>>) offsets(%dma_start3A_500 : memref<40xi32, #tpu.memory_space<vmem>>) semaphore(%dma_start3A_505 : memref<!tpu.dma_semaphore, #tpu.memory_space<semaphore_mem>>)
      } else {
      }
      %mul3A_432 = arith.constant 5 : i32
      %mul3A_433 = arith.muli %scan3A_261, %mul3A_432 : i32
      %add3A_434 = arith.constant 4 : i32
      %add3A_435 = arith.addi %mul3A_433, %add3A_434 : i32
      %mul3A_436 = arith.constant 40 : i32
      %mul3A_437 = arith.muli %add3A_435, %mul3A_436 : i32
      %dma_wait3A_438 = arith.constant 4 : i32
      %dma_wait3A_439 = arith.constant 4 : i32
      %dma_wait3A_440 = arith.constant 0 : i32
      %dma_wait3A_441 = arith.constant 0 : i32
      %dma_wait3A_442 = tpu.memref_slice %arg8[%dma_wait3A_438, %dma_wait3A_440, %dma_wait3A_441] : memref<5x40x128xf32, #tpu.memory_space<vmem>> -> memref<1x40x128xf32, #tpu.memory_space<vmem>>
      %dma_wait3A_443 = tpu.memref_squeeze %dma_wait3A_442 : memref<1x40x128xf32, #tpu.memory_space<vmem>> -> memref<40x128xf32, #tpu.memory_space<vmem>>
      %dma_wait3A_444 = tpu.memref_slice %arg6[%mul3A_437] : memref<10000xi32, #tpu.memory_space<vmem>> -> memref<40xi32, #tpu.memory_space<vmem>>
      %dma_wait3A_445 = arith.constant 0 : i32
      %dma_wait3A_446 = arith.constant 0 : i32
      %dma_wait3A_447 = tpu.memref_slice %arg2[%dma_wait3A_445, %dma_wait3A_446] : memref<10000x128xf32, #tpu.memory_space<hbm>> -> memref<10000x128xf32, #tpu.memory_space<hbm>>
      %dma_wait3A_448 = tpu.memref_slice %arg10[%dma_wait3A_439] : memref<5x!tpu.dma_semaphore, #tpu.memory_space<semaphore_mem>> -> memref<1x!tpu.dma_semaphore, #tpu.memory_space<semaphore_mem>>
      %dma_wait3A_449 = tpu.memref_squeeze %dma_wait3A_448 : memref<1x!tpu.dma_semaphore, #tpu.memory_space<semaphore_mem>> -> memref<!tpu.dma_semaphore, #tpu.memory_space<semaphore_mem>>
      tpu.wait_indirect_dma semaphore(%dma_wait3A_449 : memref<!tpu.dma_semaphore, #tpu.memory_space<semaphore_mem>>) src(%dma_wait3A_447 : memref<10000x128xf32, #tpu.memory_space<hbm>>) dst(%dma_wait3A_443 : memref<40x128xf32, #tpu.memory_space<vmem>>)
      %mul3A_450 = arith.constant 40 : i32
      %mul3A_451 = arith.muli %add3A_435, %mul3A_450 : i32
      %dma_start3A_452 = arith.constant 4 : i32
      %dma_start3A_453 = arith.constant 4 : i32
      %dma_start3A_454 = arith.constant 0 : i32
      %dma_start3A_455 = arith.constant 0 : i32
      %dma_start3A_456 = tpu.memref_slice %arg8[%dma_start3A_452, %dma_start3A_454, %dma_start3A_455] : memref<5x40x128xf32, #tpu.memory_space<vmem>> -> memref<1x40x128xf32, #tpu.memory_space<vmem>>
      %dma_start3A_457 = tpu.memref_squeeze %dma_start3A_456 : memref<1x40x128xf32, #tpu.memory_space<vmem>> -> memref<40x128xf32, #tpu.memory_space<vmem>>
      %dma_start3A_458 = tpu.memref_slice %arg7[%mul3A_451] : memref<10000xi32, #tpu.memory_space<vmem>> -> memref<40xi32, #tpu.memory_space<vmem>>
      %dma_start3A_459 = arith.constant 0 : i32
      %dma_start3A_460 = arith.constant 0 : i32
      %dma_start3A_461 = tpu.memref_slice %arg9[%dma_start3A_459, %dma_start3A_460] : memref<10240x128xf32, #tpu.memory_space<vmem_shared>> -> memref<10240x128xf32, #tpu.memory_space<vmem_shared>>
      %dma_start3A_462 = tpu.memref_slice %arg11[%dma_start3A_453] : memref<5x!tpu.dma_semaphore, #tpu.memory_space<semaphore_mem>> -> memref<1x!tpu.dma_semaphore, #tpu.memory_space<semaphore_mem>>
      %dma_start3A_463 = tpu.memref_squeeze %dma_start3A_462 : memref<1x!tpu.dma_semaphore, #tpu.memory_space<semaphore_mem>> -> memref<!tpu.dma_semaphore, #tpu.memory_space<semaphore_mem>>
      tpu.enqueue_indirect_dma source(%dma_start3A_457 : memref<40x128xf32, #tpu.memory_space<vmem>>) target(%dma_start3A_461 : memref<10240x128xf32, #tpu.memory_space<vmem_shared>>) offsets(%dma_start3A_458 : memref<40xi32, #tpu.memory_space<vmem>>) semaphore(%dma_start3A_463 : memref<!tpu.dma_semaphore, #tpu.memory_space<semaphore_mem>>) {add = true}
      %add3A_464 = arith.constant 5 : i32
      %add3A_465 = arith.addi %add3A_435, %add3A_464 : i32
      %sub3A_466 = arith.constant 1 : i32
      %sub3A_467 = arith.subi %add3A_465, %sub3A_466 : i32
      %ge3A_468 = arith.constant 1 : i32
      %ge3A_469 = arith.cmpi sge, %add3A_435, %ge3A_468 : i32
      %le3A_470 = arith.constant 249 : i32
      %le3A_471 = arith.cmpi sle, %sub3A_467, %le3A_470 : i32
      %and3A_472 = arith.andi %ge3A_469, %le3A_471 : i1
      %convert_element_type3A_473 = arith.extui %and3A_472 : i1 to i32
      %cond3A_474 = arith.constant 0 : i32
      %cond3A_475 = arith.cmpi ne, %convert_element_type3A_473, %cond3A_474 : i32
      scf.if %cond3A_475 {
        %sub3A_476 = arith.constant 5 : i32
        %sub3A_477 = arith.subi %sub3A_467, %sub3A_476 : i32
        %mul3A_478 = arith.constant 40 : i32
        %mul3A_479 = arith.muli %sub3A_477, %mul3A_478 : i32
        %dma_wait3A_480 = arith.constant 3 : i32
        %dma_wait3A_481 = arith.constant 3 : i32
        %dma_wait3A_482 = arith.constant 0 : i32
        %dma_wait3A_483 = arith.constant 0 : i32
        %dma_wait3A_484 = tpu.memref_slice %arg8[%dma_wait3A_480, %dma_wait3A_482, %dma_wait3A_483] : memref<5x40x128xf32, #tpu.memory_space<vmem>> -> memref<1x40x128xf32, #tpu.memory_space<vmem>>
        %dma_wait3A_485 = tpu.memref_squeeze %dma_wait3A_484 : memref<1x40x128xf32, #tpu.memory_space<vmem>> -> memref<40x128xf32, #tpu.memory_space<vmem>>
        %dma_wait3A_486 = tpu.memref_slice %arg7[%mul3A_479] : memref<10000xi32, #tpu.memory_space<vmem>> -> memref<40xi32, #tpu.memory_space<vmem>>
        %dma_wait3A_487 = arith.constant 0 : i32
        %dma_wait3A_488 = arith.constant 0 : i32
        %dma_wait3A_489 = tpu.memref_slice %arg9[%dma_wait3A_487, %dma_wait3A_488] : memref<10240x128xf32, #tpu.memory_space<vmem_shared>> -> memref<10240x128xf32, #tpu.memory_space<vmem_shared>>
        %dma_wait3A_490 = tpu.memref_slice %arg11[%dma_wait3A_481] : memref<5x!tpu.dma_semaphore, #tpu.memory_space<semaphore_mem>> -> memref<1x!tpu.dma_semaphore, #tpu.memory_space<semaphore_mem>>
        %dma_wait3A_491 = tpu.memref_squeeze %dma_wait3A_490 : memref<1x!tpu.dma_semaphore, #tpu.memory_space<semaphore_mem>> -> memref<!tpu.dma_semaphore, #tpu.memory_space<semaphore_mem>>
        tpu.wait_indirect_dma semaphore(%dma_wait3A_491 : memref<!tpu.dma_semaphore, #tpu.memory_space<semaphore_mem>>) src(%dma_wait3A_485 : memref<40x128xf32, #tpu.memory_space<vmem>>) dst(%dma_wait3A_489 : memref<10240x128xf32, #tpu.memory_space<vmem_shared>>)
        %mul3A_492 = arith.constant 40 : i32
        %mul3A_493 = arith.muli %sub3A_467, %mul3A_492 : i32
        %dma_start3A_494 = arith.constant 3 : i32
        %dma_start3A_495 = arith.constant 3 : i32
        %dma_start3A_496 = arith.constant 0 : i32
        %dma_start3A_497 = arith.constant 0 : i32
        %dma_start3A_498 = tpu.memref_slice %arg8[%dma_start3A_494, %dma_start3A_496, %dma_start3A_497] : memref<5x40x128xf32, #tpu.memory_space<vmem>> -> memref<1x40x128xf32, #tpu.memory_space<vmem>>
        %dma_start3A_499 = tpu.memref_squeeze %dma_start3A_498 : memref<1x40x128xf32, #tpu.memory_space<vmem>> -> memref<40x128xf32, #tpu.memory_space<vmem>>
        %dma_start3A_500 = tpu.memref_slice %arg6[%mul3A_493] : memref<10000xi32, #tpu.memory_space<vmem>> -> memref<40xi32, #tpu.memory_space<vmem>>
        %dma_start3A_501 = arith.constant 0 : i32
        %dma_start3A_502 = arith.constant 0 : i32
        %dma_start3A_503 = tpu.memref_slice %arg2[%dma_start3A_501, %dma_start3A_502] : memref<10000x128xf32, #tpu.memory_space<hbm>> -> memref<10000x128xf32, #tpu.memory_space<hbm>>
        %dma_start3A_504 = tpu.memref_slice %arg10[%dma_start3A_495] : memref<5x!tpu.dma_semaphore, #tpu.memory_space<semaphore_mem>> -> memref<1x!tpu.dma_semaphore, #tpu.memory_space<semaphore_mem>>
        %dma_start3A_505 = tpu.memref_squeeze %dma_start3A_504 : memref<1x!tpu.dma_semaphore, #tpu.memory_space<semaphore_mem>> -> memref<!tpu.dma_semaphore, #tpu.memory_space<semaphore_mem>>
        tpu.enqueue_indirect_dma source(%dma_start3A_503 : memref<10000x128xf32, #tpu.memory_space<hbm>>) target(%dma_start3A_499 : memref<40x128xf32, #tpu.memory_space<vmem>>) offsets(%dma_start3A_500 : memref<40xi32, #tpu.memory_space<vmem>>) semaphore(%dma_start3A_505 : memref<!tpu.dma_semaphore, #tpu.memory_space<semaphore_mem>>)
      } else {
      }
    }
    %scan3A_190 = arith.constant 50 : i32
    %dma_wait3A_191 = arith.constant 0 : i32
    %dma_wait3A_192 = arith.constant 0 : i32
    %dma_wait3A_193 = arith.constant 0 : i32
    %dma_wait3A_194 = arith.constant 0 : i32
    %dma_wait3A_195 = tpu.memref_slice %arg8[%dma_wait3A_191, %dma_wait3A_193, %dma_wait3A_194] : memref<5x40x128xf32, #tpu.memory_space<vmem>> -> memref<1x40x128xf32, #tpu.memory_space<vmem>>
    %dma_wait3A_196 = tpu.memref_squeeze %dma_wait3A_195 : memref<1x40x128xf32, #tpu.memory_space<vmem>> -> memref<40x128xf32, #tpu.memory_space<vmem>>
    %dma_wait3A_197 = arith.constant 9800 : i32
    %dma_wait3A_198 = tpu.memref_slice %arg7[%dma_wait3A_197] : memref<10000xi32, #tpu.memory_space<vmem>> -> memref<40xi32, #tpu.memory_space<vmem>>
    %dma_wait3A_199 = arith.constant 0 : i32
    %dma_wait3A_200 = arith.constant 0 : i32
    %dma_wait3A_201 = tpu.memref_slice %arg9[%dma_wait3A_199, %dma_wait3A_200] : memref<10240x128xf32, #tpu.memory_space<vmem_shared>> -> memref<10240x128xf32, #tpu.memory_space<vmem_shared>>
    %dma_wait3A_202 = tpu.memref_slice %arg11[%dma_wait3A_192] : memref<5x!tpu.dma_semaphore, #tpu.memory_space<semaphore_mem>> -> memref<1x!tpu.dma_semaphore, #tpu.memory_space<semaphore_mem>>
    %dma_wait3A_203 = tpu.memref_squeeze %dma_wait3A_202 : memref<1x!tpu.dma_semaphore, #tpu.memory_space<semaphore_mem>> -> memref<!tpu.dma_semaphore, #tpu.memory_space<semaphore_mem>>
    tpu.wait_indirect_dma semaphore(%dma_wait3A_203 : memref<!tpu.dma_semaphore, #tpu.memory_space<semaphore_mem>>) src(%dma_wait3A_196 : memref<40x128xf32, #tpu.memory_space<vmem>>) dst(%dma_wait3A_201 : memref<10240x128xf32, #tpu.memory_space<vmem_shared>>)
    %dma_wait3A_204 = arith.constant 1 : i32
    %dma_wait3A_205 = arith.constant 1 : i32
    %dma_wait3A_206 = arith.constant 0 : i32
    %dma_wait3A_207 = arith.constant 0 : i32
    %dma_wait3A_208 = tpu.memref_slice %arg8[%dma_wait3A_204, %dma_wait3A_206, %dma_wait3A_207] : memref<5x40x128xf32, #tpu.memory_space<vmem>> -> memref<1x40x128xf32, #tpu.memory_space<vmem>>
    %dma_wait3A_209 = tpu.memref_squeeze %dma_wait3A_208 : memref<1x40x128xf32, #tpu.memory_space<vmem>> -> memref<40x128xf32, #tpu.memory_space<vmem>>
    %dma_wait3A_210 = arith.constant 9840 : i32
    %dma_wait3A_211 = tpu.memref_slice %arg7[%dma_wait3A_210] : memref<10000xi32, #tpu.memory_space<vmem>> -> memref<40xi32, #tpu.memory_space<vmem>>
    %dma_wait3A_212 = arith.constant 0 : i32
    %dma_wait3A_213 = arith.constant 0 : i32
    %dma_wait3A_214 = tpu.memref_slice %arg9[%dma_wait3A_212, %dma_wait3A_213] : memref<10240x128xf32, #tpu.memory_space<vmem_shared>> -> memref<10240x128xf32, #tpu.memory_space<vmem_shared>>
    %dma_wait3A_215 = tpu.memref_slice %arg11[%dma_wait3A_205] : memref<5x!tpu.dma_semaphore, #tpu.memory_space<semaphore_mem>> -> memref<1x!tpu.dma_semaphore, #tpu.memory_space<semaphore_mem>>
    %dma_wait3A_216 = tpu.memref_squeeze %dma_wait3A_215 : memref<1x!tpu.dma_semaphore, #tpu.memory_space<semaphore_mem>> -> memref<!tpu.dma_semaphore, #tpu.memory_space<semaphore_mem>>
    tpu.wait_indirect_dma semaphore(%dma_wait3A_216 : memref<!tpu.dma_semaphore, #tpu.memory_space<semaphore_mem>>) src(%dma_wait3A_209 : memref<40x128xf32, #tpu.memory_space<vmem>>) dst(%dma_wait3A_214 : memref<10240x128xf32, #tpu.memory_space<vmem_shared>>)
    %dma_wait3A_217 = arith.constant 2 : i32
    %dma_wait3A_218 = arith.constant 2 : i32
    %dma_wait3A_219 = arith.constant 0 : i32
    %dma_wait3A_220 = arith.constant 0 : i32
    %dma_wait3A_221 = tpu.memref_slice %arg8[%dma_wait3A_217, %dma_wait3A_219, %dma_wait3A_220] : memref<5x40x128xf32, #tpu.memory_space<vmem>> -> memref<1x40x128xf32, #tpu.memory_space<vmem>>
    %dma_wait3A_222 = tpu.memref_squeeze %dma_wait3A_221 : memref<1x40x128xf32, #tpu.memory_space<vmem>> -> memref<40x128xf32, #tpu.memory_space<vmem>>
    %dma_wait3A_223 = arith.constant 9880 : i32
    %dma_wait3A_224 = tpu.memref_slice %arg7[%dma_wait3A_223] : memref<10000xi32, #tpu.memory_space<vmem>> -> memref<40xi32, #tpu.memory_space<vmem>>
    %dma_wait3A_225 = arith.constant 0 : i32
    %dma_wait3A_226 = arith.constant 0 : i32
    %dma_wait3A_227 = tpu.memref_slice %arg9[%dma_wait3A_225, %dma_wait3A_226] : memref<10240x128xf32, #tpu.memory_space<vmem_shared>> -> memref<10240x128xf32, #tpu.memory_space<vmem_shared>>
    %dma_wait3A_228 = tpu.memref_slice %arg11[%dma_wait3A_218] : memref<5x!tpu.dma_semaphore, #tpu.memory_space<semaphore_mem>> -> memref<1x!tpu.dma_semaphore, #tpu.memory_space<semaphore_mem>>
    %dma_wait3A_229 = tpu.memref_squeeze %dma_wait3A_228 : memref<1x!tpu.dma_semaphore, #tpu.memory_space<semaphore_mem>> -> memref<!tpu.dma_semaphore, #tpu.memory_space<semaphore_mem>>
    tpu.wait_indirect_dma semaphore(%dma_wait3A_229 : memref<!tpu.dma_semaphore, #tpu.memory_space<semaphore_mem>>) src(%dma_wait3A_222 : memref<40x128xf32, #tpu.memory_space<vmem>>) dst(%dma_wait3A_227 : memref<10240x128xf32, #tpu.memory_space<vmem_shared>>)
    %dma_wait3A_230 = arith.constant 3 : i32
    %dma_wait3A_231 = arith.constant 3 : i32
    %dma_wait3A_232 = arith.constant 0 : i32
    %dma_wait3A_233 = arith.constant 0 : i32
    %dma_wait3A_234 = tpu.memref_slice %arg8[%dma_wait3A_230, %dma_wait3A_232, %dma_wait3A_233] : memref<5x40x128xf32, #tpu.memory_space<vmem>> -> memref<1x40x128xf32, #tpu.memory_space<vmem>>
    %dma_wait3A_235 = tpu.memref_squeeze %dma_wait3A_234 : memref<1x40x128xf32, #tpu.memory_space<vmem>> -> memref<40x128xf32, #tpu.memory_space<vmem>>
    %dma_wait3A_236 = arith.constant 9920 : i32
    %dma_wait3A_237 = tpu.memref_slice %arg7[%dma_wait3A_236] : memref<10000xi32, #tpu.memory_space<vmem>> -> memref<40xi32, #tpu.memory_space<vmem>>
    %dma_wait3A_238 = arith.constant 0 : i32
    %dma_wait3A_239 = arith.constant 0 : i32
    %dma_wait3A_240 = tpu.memref_slice %arg9[%dma_wait3A_238, %dma_wait3A_239] : memref<10240x128xf32, #tpu.memory_space<vmem_shared>> -> memref<10240x128xf32, #tpu.memory_space<vmem_shared>>
    %dma_wait3A_241 = tpu.memref_slice %arg11[%dma_wait3A_231] : memref<5x!tpu.dma_semaphore, #tpu.memory_space<semaphore_mem>> -> memref<1x!tpu.dma_semaphore, #tpu.memory_space<semaphore_mem>>
    %dma_wait3A_242 = tpu.memref_squeeze %dma_wait3A_241 : memref<1x!tpu.dma_semaphore, #tpu.memory_space<semaphore_mem>> -> memref<!tpu.dma_semaphore, #tpu.memory_space<semaphore_mem>>
    tpu.wait_indirect_dma semaphore(%dma_wait3A_242 : memref<!tpu.dma_semaphore, #tpu.memory_space<semaphore_mem>>) src(%dma_wait3A_235 : memref<40x128xf32, #tpu.memory_space<vmem>>) dst(%dma_wait3A_240 : memref<10240x128xf32, #tpu.memory_space<vmem_shared>>)
    %dma_wait3A_243 = arith.constant 4 : i32
    %dma_wait3A_244 = arith.constant 4 : i32
    %dma_wait3A_245 = arith.constant 0 : i32
    %dma_wait3A_246 = arith.constant 0 : i32
    %dma_wait3A_247 = tpu.memref_slice %arg8[%dma_wait3A_243, %dma_wait3A_245, %dma_wait3A_246] : memref<5x40x128xf32, #tpu.memory_space<vmem>> -> memref<1x40x128xf32, #tpu.memory_space<vmem>>
    %dma_wait3A_248 = tpu.memref_squeeze %dma_wait3A_247 : memref<1x40x128xf32, #tpu.memory_space<vmem>> -> memref<40x128xf32, #tpu.memory_space<vmem>>
    %dma_wait3A_249 = arith.constant 9960 : i32
    %dma_wait3A_250 = tpu.memref_slice %arg7[%dma_wait3A_249] : memref<10000xi32, #tpu.memory_space<vmem>> -> memref<40xi32, #tpu.memory_space<vmem>>
    %dma_wait3A_251 = arith.constant 0 : i32
    %dma_wait3A_252 = arith.constant 0 : i32
    %dma_wait3A_253 = tpu.memref_slice %arg9[%dma_wait3A_251, %dma_wait3A_252] : memref<10240x128xf32, #tpu.memory_space<vmem_shared>> -> memref<10240x128xf32, #tpu.memory_space<vmem_shared>>
    %dma_wait3A_254 = tpu.memref_slice %arg11[%dma_wait3A_244] : memref<5x!tpu.dma_semaphore, #tpu.memory_space<semaphore_mem>> -> memref<1x!tpu.dma_semaphore, #tpu.memory_space<semaphore_mem>>
    %dma_wait3A_255 = tpu.memref_squeeze %dma_wait3A_254 : memref<1x!tpu.dma_semaphore, #tpu.memory_space<semaphore_mem>> -> memref<!tpu.dma_semaphore, #tpu.memory_space<semaphore_mem>>
    tpu.wait_indirect_dma semaphore(%dma_wait3A_255 : memref<!tpu.dma_semaphore, #tpu.memory_space<semaphore_mem>>) src(%dma_wait3A_248 : memref<40x128xf32, #tpu.memory_space<vmem>>) dst(%dma_wait3A_253 : memref<10240x128xf32, #tpu.memory_space<vmem_shared>>)
    %barrier3A_256 = arith.constant 0 : index
    tpu.barrier barrier_id(%barrier3A_256)
    %mul3A_257 = arith.constant 640 : i32
    %mul3A_258 = arith.muli %arg1, %mul3A_257 : i32
    %mul3A_259 = arith.constant 640 : i32
    %mul3A_260 = arith.muli %arg1, %mul3A_259 : i32
    "tpu.region"() ({
      %run_scoped3A_261 = tpu.sem_alloc : memref<!tpu.dma_semaphore, #tpu.memory_space<semaphore_mem>>
      %dma_start3A_262 = arith.constant 0 : i32
      %dma_start3A_263 = tpu.memref_slice %arg5[%arg0, %mul3A_260, %dma_start3A_262] : memref<2x10240x128xf32, #tpu.memory_space<hbm>> -> memref<1x640x128xf32, #tpu.memory_space<hbm>>
      %dma_start3A_264 = tpu.memref_squeeze %dma_start3A_263 : memref<1x640x128xf32, #tpu.memory_space<hbm>> -> memref<640x128xf32, #tpu.memory_space<hbm>>
      %dma_start3A_265 = arith.constant 0 : i32
      %dma_start3A_266 = tpu.memref_slice %arg9[%mul3A_258, %dma_start3A_265] : memref<10240x128xf32, #tpu.memory_space<vmem_shared>> -> memref<640x128xf32, #tpu.memory_space<vmem_shared>>
      tpu.enqueue_dma source(%dma_start3A_266 : memref<640x128xf32, #tpu.memory_space<vmem_shared>>) target(%dma_start3A_264 : memref<640x128xf32, #tpu.memory_space<hbm>>) target_semaphore(%run_scoped3A_261 : memref<!tpu.dma_semaphore, #tpu.memory_space<semaphore_mem>>)
      %dma_wait3A_267 = arith.constant 0 : i32
      %dma_wait3A_268 = tpu.memref_slice %arg5[%arg0, %mul3A_260, %dma_wait3A_267] : memref<2x10240x128xf32, #tpu.memory_space<hbm>> -> memref<1x640x128xf32, #tpu.memory_space<hbm>>
      %dma_wait3A_269 = tpu.memref_squeeze %dma_wait3A_268 : memref<1x640x128xf32, #tpu.memory_space<hbm>> -> memref<640x128xf32, #tpu.memory_space<hbm>>
      %dma_wait3A_270 = arith.constant 0 : i32
      %dma_wait3A_271 = tpu.memref_slice %arg9[%mul3A_258, %dma_wait3A_270] : memref<10240x128xf32, #tpu.memory_space<vmem_shared>> -> memref<640x128xf32, #tpu.memory_space<vmem_shared>>
      tpu.wait_dma2 semaphore(%run_scoped3A_261 : memref<!tpu.dma_semaphore, #tpu.memory_space<semaphore_mem>>) src(%dma_wait3A_271 : memref<640x128xf32, #tpu.memory_space<vmem_shared>>) dst(%dma_wait3A_269 : memref<640x128xf32, #tpu.memory_space<hbm>>)
      tpu.yield
    }) : () -> ()
    return
  }
}

#map = affine_map<(d0, d1) -> (0, 0)>
#map1 = affine_map<(d0, d1) -> (0, 0, 0)>
module attributes {stable_mosaic.version = 14 : i64} {
  func.func @_prop_body(%arg0: i32, %arg1: i32, %arg2: memref<10000x128xf32, #tpu.memory_space<hbm>>, %arg3: memref<32x10000xi32, #tpu.memory_space<hbm>>, %arg4: memref<32x10000xi32, #tpu.memory_space<hbm>>, %arg5: memref<2x10240x128xf32, #tpu.memory_space<hbm>>, %arg6: memref<10000xi32, #tpu.memory_space<vmem>>, %arg7: memref<10000xi32, #tpu.memory_space<vmem>>, %arg8: memref<5x40x128xf32, #tpu.memory_space<vmem>>, %arg9: memref<10240x128xf32, #tpu.memory_space<vmem_shared>>, %arg10: memref<5x!tpu.dma_semaphore, #tpu.memory_space<semaphore_mem>>, %arg11: memref<5x!tpu.dma_semaphore, #tpu.memory_space<semaphore_mem>>) attributes {dimension_semantics = [#tpu.dimension_semantics<core_parallel>, #tpu.dimension_semantics<subcore_parallel>], iteration_bounds = array<i64: 2, 16>, scalar_prefetch = 0 : i64, scratch_operands = 6 : i64, tpu.core_type = #tpu.core_type<sc_vector_subcore>, window_params = [{transform_indices = #map}, {transform_indices = #map}, {transform_indices = #map}, {transform_indices = #map1}]} {
    %mul3A = arith.constant 2 : i32
    %mul3A_0 = arith.muli %arg1, %mul3A : i32
    %add3A = arith.addi %mul3A_0, %arg0 : i32
    %dma_start3A = arith.constant 0 : i32
    %dma_start3A_1 = arith.constant 0 : i32
    %dma_start3A_2 = tpu.memref_slice %arg3[%add3A, %dma_start3A_1] : memref<32x10000xi32, #tpu.memory_space<hbm>> -> memref<1x10000xi32, #tpu.memory_space<hbm>>
    %dma_start3A_3 = tpu.memref_squeeze %dma_start3A_2 : memref<1x10000xi32, #tpu.memory_space<hbm>> -> memref<10000xi32, #tpu.memory_space<hbm>>
    %dma_start3A_4 = tpu.memref_slice %arg10[%dma_start3A] : memref<5x!tpu.dma_semaphore, #tpu.memory_space<semaphore_mem>> -> memref<1x!tpu.dma_semaphore, #tpu.memory_space<semaphore_mem>>
    %dma_start3A_5 = tpu.memref_squeeze %dma_start3A_4 : memref<1x!tpu.dma_semaphore, #tpu.memory_space<semaphore_mem>> -> memref<!tpu.dma_semaphore, #tpu.memory_space<semaphore_mem>>
    %dma_start3A_6 = arith.constant 0 : i32
    %dma_start3A_7 = tpu.memref_slice %arg3[%add3A, %dma_start3A_6] : memref<32x10000xi32, #tpu.memory_space<hbm>> -> memref<1x10000xi32, #tpu.memory_space<hbm>>
    %dma_start3A_8 = tpu.memref_squeeze %dma_start3A_7 : memref<1x10000xi32, #tpu.memory_space<hbm>> -> memref<10000xi32, #tpu.memory_space<hbm>>
    tpu.enqueue_dma source(%dma_start3A_8 : memref<10000xi32, #tpu.memory_space<hbm>>) target(%arg6 : memref<10000xi32, #tpu.memory_space<vmem>>) target_semaphore(%dma_start3A_5 : memref<!tpu.dma_semaphore, #tpu.memory_space<semaphore_mem>>)
    %dma_start3A_9 = arith.constant 1 : i32
    %dma_start3A_10 = arith.constant 0 : i32
    %dma_start3A_11 = tpu.memref_slice %arg4[%add3A, %dma_start3A_10] : memref<32x10000xi32, #tpu.memory_space<hbm>> -> memref<1x10000xi32, #tpu.memory_space<hbm>>
    %dma_start3A_12 = tpu.memref_squeeze %dma_start3A_11 : memref<1x10000xi32, #tpu.memory_space<hbm>> -> memref<10000xi32, #tpu.memory_space<hbm>>
    %dma_start3A_13 = tpu.memref_slice %arg10[%dma_start3A_9] : memref<5x!tpu.dma_semaphore, #tpu.memory_space<semaphore_mem>> -> memref<1x!tpu.dma_semaphore, #tpu.memory_space<semaphore_mem>>
    %dma_start3A_14 = tpu.memref_squeeze %dma_start3A_13 : memref<1x!tpu.dma_semaphore, #tpu.memory_space<semaphore_mem>> -> memref<!tpu.dma_semaphore, #tpu.memory_space<semaphore_mem>>
    %dma_start3A_15 = arith.constant 0 : i32
    %dma_start3A_16 = tpu.memref_slice %arg4[%add3A, %dma_start3A_15] : memref<32x10000xi32, #tpu.memory_space<hbm>> -> memref<1x10000xi32, #tpu.memory_space<hbm>>
    %dma_start3A_17 = tpu.memref_squeeze %dma_start3A_16 : memref<1x10000xi32, #tpu.memory_space<hbm>> -> memref<10000xi32, #tpu.memory_space<hbm>>
    tpu.enqueue_dma source(%dma_start3A_17 : memref<10000xi32, #tpu.memory_space<hbm>>) target(%arg7 : memref<10000xi32, #tpu.memory_space<vmem>>) target_semaphore(%dma_start3A_14 : memref<!tpu.dma_semaphore, #tpu.memory_space<semaphore_mem>>)
    %broadcast_in_dim3A = arith.constant 0.000000e+00 : f32
    %broadcast_in_dim3A_18 = vector.broadcast %broadcast_in_dim3A : f32 to vector<16xf32>
    %scan3A = arith.constant 0 : i32
    %scan3A_19 = arith.constant 0 : i32
    %scan3A_20 = arith.constant 40 : i32
    %scan3A_21 = arith.addi %scan3A_19, %scan3A_20 : i32
    %scan3A_22 = arith.constant 1 : i32
    scf.for %scan3A_261 = %scan3A_19 to %scan3A_21 step %scan3A_22  : i32 {
      %swap3A = arith.constant 0 : i32
      %swap3A_262 = arith.index_cast %swap3A : i32 to index
      %swap3A_263 = arith.index_cast %scan3A_261 : i32 to index
      %swap3A_264 = arith.constant 0 : index
      %swap3A_265 = tpu.vector_load %arg8[%swap3A_262, %swap3A_263, %swap3A_264] {strides = array<i32>} : memref<5x40x128xf32, #tpu.memory_space<vmem>>, vector<1x1x16xf32>,
      %swap3A_266 = vector.shape_cast %swap3A_265 : vector<1x1x16xf32> to vector<16xf32>
      %swap3A_267 = vector.shape_cast %broadcast_in_dim3A_18 : vector<16xf32> to vector<1x1x16xf32>
      tpu.vector_store %arg8[%swap3A_262, %swap3A_263, %swap3A_264], %swap3A_267 {strides = array<i32>} : memref<5x40x128xf32, #tpu.memory_space<vmem>>, vector<1x1x16xf32>,
      %swap3A_268 = arith.constant 0 : i32
      %swap3A_269 = arith.index_cast %swap3A_268 : i32 to index
      %swap3A_270 = arith.index_cast %scan3A_261 : i32 to index
      %swap3A_271 = arith.constant 16 : index
      %swap3A_272 = tpu.vector_load %arg8[%swap3A_269, %swap3A_270, %swap3A_271] {strides = array<i32>} : memref<5x40x128xf32, #tpu.memory_space<vmem>>, vector<1x1x16xf32>,
      %swap3A_273 = vector.shape_cast %swap3A_272 : vector<1x1x16xf32> to vector<16xf32>
      %swap3A_274 = vector.shape_cast %broadcast_in_dim3A_18 : vector<16xf32> to vector<1x1x16xf32>
      tpu.vector_store %arg8[%swap3A_269, %swap3A_270, %swap3A_271], %swap3A_274 {strides = array<i32>} : memref<5x40x128xf32, #tpu.memory_space<vmem>>, vector<1x1x16xf32>,
      %swap3A_275 = arith.constant 0 : i32
      %swap3A_276 = arith.index_cast %swap3A_275 : i32 to index
      %swap3A_277 = arith.index_cast %scan3A_261 : i32 to index
      %swap3A_278 = arith.constant 32 : index
      %swap3A_279 = tpu.vector_load %arg8[%swap3A_276, %swap3A_277, %swap3A_278] {strides = array<i32>} : memref<5x40x128xf32, #tpu.memory_space<vmem>>, vector<1x1x16xf32>,
      %swap3A_280 = vector.shape_cast %swap3A_279 : vector<1x1x16xf32> to vector<16xf32>
      %swap3A_281 = vector.shape_cast %broadcast_in_dim3A_18 : vector<16xf32> to vector<1x1x16xf32>
      tpu.vector_store %arg8[%swap3A_276, %swap3A_277, %swap3A_278], %swap3A_281 {strides = array<i32>} : memref<5x40x128xf32, #tpu.memory_space<vmem>>, vector<1x1x16xf32>,
      %swap3A_282 = arith.constant 0 : i32
      %swap3A_283 = arith.index_cast %swap3A_282 : i32 to index
      %swap3A_284 = arith.index_cast %scan3A_261 : i32 to index
      %swap3A_285 = arith.constant 48 : index
      %swap3A_286 = tpu.vector_load %arg8[%swap3A_283, %swap3A_284, %swap3A_285] {strides = array<i32>} : memref<5x40x128xf32, #tpu.memory_space<vmem>>, vector<1x1x16xf32>,
      %swap3A_287 = vector.shape_cast %swap3A_286 : vector<1x1x16xf32> to vector<16xf32>
      %swap3A_288 = vector.shape_cast %broadcast_in_dim3A_18 : vector<16xf32> to vector<1x1x16xf32>
      tpu.vector_store %arg8[%swap3A_283, %swap3A_284, %swap3A_285], %swap3A_288 {strides = array<i32>} : memref<5x40x128xf32, #tpu.memory_space<vmem>>, vector<1x1x16xf32>,
      %swap3A_289 = arith.constant 0 : i32
      %swap3A_290 = arith.index_cast %swap3A_289 : i32 to index
      %swap3A_291 = arith.index_cast %scan3A_261 : i32 to index
      %swap3A_292 = arith.constant 64 : index
      %swap3A_293 = tpu.vector_load %arg8[%swap3A_290, %swap3A_291, %swap3A_292] {strides = array<i32>} : memref<5x40x128xf32, #tpu.memory_space<vmem>>, vector<1x1x16xf32>,
      %swap3A_294 = vector.shape_cast %swap3A_293 : vector<1x1x16xf32> to vector<16xf32>
      %swap3A_295 = vector.shape_cast %broadcast_in_dim3A_18 : vector<16xf32> to vector<1x1x16xf32>
      tpu.vector_store %arg8[%swap3A_290, %swap3A_291, %swap3A_292], %swap3A_295 {strides = array<i32>} : memref<5x40x128xf32, #tpu.memory_space<vmem>>, vector<1x1x16xf32>,
      %swap3A_296 = arith.constant 0 : i32
      %swap3A_297 = arith.index_cast %swap3A_296 : i32 to index
      %swap3A_298 = arith.index_cast %scan3A_261 : i32 to index
      %swap3A_299 = arith.constant 80 : index
      %swap3A_300 = tpu.vector_load %arg8[%swap3A_297, %swap3A_298, %swap3A_299] {strides = array<i32>} : memref<5x40x128xf32, #tpu.memory_space<vmem>>, vector<1x1x16xf32>,
      %swap3A_301 = vector.shape_cast %swap3A_300 : vector<1x1x16xf32> to vector<16xf32>
      %swap3A_302 = vector.shape_cast %broadcast_in_dim3A_18 : vector<16xf32> to vector<1x1x16xf32>
      tpu.vector_store %arg8[%swap3A_297, %swap3A_298, %swap3A_299], %swap3A_302 {strides = array<i32>} : memref<5x40x128xf32, #tpu.memory_space<vmem>>, vector<1x1x16xf32>,
      %swap3A_303 = arith.constant 0 : i32
      %swap3A_304 = arith.index_cast %swap3A_303 : i32 to index
      %swap3A_305 = arith.index_cast %scan3A_261 : i32 to index
      %swap3A_306 = arith.constant 96 : index
      %swap3A_307 = tpu.vector_load %arg8[%swap3A_304, %swap3A_305, %swap3A_306] {strides = array<i32>} : memref<5x40x128xf32, #tpu.memory_space<vmem>>, vector<1x1x16xf32>,
      %swap3A_308 = vector.shape_cast %swap3A_307 : vector<1x1x16xf32> to vector<16xf32>
      %swap3A_309 = vector.shape_cast %broadcast_in_dim3A_18 : vector<16xf32> to vector<1x1x16xf32>
      tpu.vector_store %arg8[%swap3A_304, %swap3A_305, %swap3A_306], %swap3A_309 {strides = array<i32>} : memref<5x40x128xf32, #tpu.memory_space<vmem>>, vector<1x1x16xf32>,
      %swap3A_310 = arith.constant 0 : i32
      %swap3A_311 = arith.index_cast %swap3A_310 : i32 to index
      %swap3A_312 = arith.index_cast %scan3A_261 : i32 to index
      %swap3A_313 = arith.constant 112 : index
      %swap3A_314 = tpu.vector_load %arg8[%swap3A_311, %swap3A_312, %swap3A_313] {strides = array<i32>} : memref<5x40x128xf32, #tpu.memory_space<vmem>>, vector<1x1x16xf32>,
      %swap3A_315 = vector.shape_cast %swap3A_314 : vector<1x1x16xf32> to vector<16xf32>
      %swap3A_316 = vector.shape_cast %broadcast_in_dim3A_18 : vector<16xf32> to vector<1x1x16xf32>
      tpu.vector_store %arg8[%swap3A_311, %swap3A_312, %swap3A_313], %swap3A_316 {strides = array<i32>} : memref<5x40x128xf32, #tpu.memory_space<vmem>>, vector<1x1x16xf32>,
    }
    %scan3A_23 = arith.constant 40 : i32
    %mul3A_24 = arith.constant 640 : i32
    %mul3A_25 = arith.muli %arg1, %mul3A_24 : i32
    %add3A_26 = arith.constant 0 : i32
    %add3A_27 = arith.addi %mul3A_25, %add3A_26 : i32
    %run_scoped3A = arith.constant 0 : i32
    "tpu.region"() ({
      %run_scoped3A_261 = tpu.sem_alloc : memref<!tpu.dma_semaphore, #tpu.memory_space<semaphore_mem>>
      %dma_start3A_262 = arith.constant 0 : i32
      %dma_start3A_263 = arith.constant 0 : i32
      %dma_start3A_264 = tpu.memref_slice %arg8[%run_scoped3A, %dma_start3A_262, %dma_start3A_263] : memref<5x40x128xf32, #tpu.memory_space<vmem>> -> memref<1x40x128xf32, #tpu.memory_space<vmem>>
      %dma_start3A_265 = tpu.memref_squeeze %dma_start3A_264 : memref<1x40x128xf32, #tpu.memory_space<vmem>> -> memref<40x128xf32, #tpu.memory_space<vmem>>
      %dma_start3A_266 = arith.constant 0 : i32
      %dma_start3A_267 = tpu.memref_slice %arg9[%add3A_27, %dma_start3A_266] : memref<10240x128xf32, #tpu.memory_space<vmem_shared>> -> memref<40x128xf32, #tpu.memory_space<vmem_shared>>
      %dma_start3A_268 = arith.constant 0 : i32
      %dma_start3A_269 = tpu.memref_slice %arg9[%add3A_27, %dma_start3A_268] : memref<10240x128xf32, #tpu.memory_space<vmem_shared>> -> memref<40x128xf32, #tpu.memory_space<vmem_shared>>
      %dma_start3A_270 = arith.constant 0 : i32
      %dma_start3A_271 = arith.constant 0 : i32
      %dma_start3A_272 = tpu.memref_slice %arg8[%run_scoped3A, %dma_start3A_270, %dma_start3A_271] : memref<5x40x128xf32, #tpu.memory_space<vmem>> -> memref<1x40x128xf32, #tpu.memory_space<vmem>>
      %dma_start3A_273 = tpu.memref_squeeze %dma_start3A_272 : memref<1x40x128xf32, #tpu.memory_space<vmem>> -> memref<40x128xf32, #tpu.memory_space<vmem>>
      tpu.enqueue_dma source(%dma_start3A_273 : memref<40x128xf32, #tpu.memory_space<vmem>>) target(%dma_start3A_269 : memref<40x128xf32, #tpu.memory_space<vmem_shared>>) target_semaphore(%run_scoped3A_261 : memref<!tpu.dma_semaphore, #tpu.memory_space<semaphore_mem>>)
      %dma_wait3A_274 = arith.constant 0 : i32
      %dma_wait3A_275 = arith.constant 0 : i32
      %dma_wait3A_276 = tpu.memref_slice %arg8[%run_scoped3A, %dma_wait3A_274, %dma_wait3A_275] : memref<5x40x128xf32, #tpu.memory_space<vmem>> -> memref<1x40x128xf32, #tpu.memory_space<vmem>>
      %dma_wait3A_277 = tpu.memref_squeeze %dma_wait3A_276 : memref<1x40x128xf32, #tpu.memory_space<vmem>> -> memref<40x128xf32, #tpu.memory_space<vmem>>
      %dma_wait3A_278 = arith.constant 0 : i32
      %dma_wait3A_279 = tpu.memref_slice %arg9[%add3A_27, %dma_wait3A_278] : memref<10240x128xf32, #tpu.memory_space<vmem_shared>> -> memref<40x128xf32, #tpu.memory_space<vmem_shared>>
      %dma_wait3A_280 = arith.constant 0 : i32
      %dma_wait3A_281 = tpu.memref_slice %arg9[%add3A_27, %dma_wait3A_280] : memref<10240x128xf32, #tpu.memory_space<vmem_shared>> -> memref<40x128xf32, #tpu.memory_space<vmem_shared>>
      %dma_wait3A_282 = arith.constant 0 : i32
      %dma_wait3A_283 = arith.constant 0 : i32
      %dma_wait3A_284 = tpu.memref_slice %arg8[%run_scoped3A, %dma_wait3A_282, %dma_wait3A_283] : memref<5x40x128xf32, #tpu.memory_space<vmem>> -> memref<1x40x128xf32, #tpu.memory_space<vmem>>
      %dma_wait3A_285 = tpu.memref_squeeze %dma_wait3A_284 : memref<1x40x128xf32, #tpu.memory_space<vmem>> -> memref<40x128xf32, #tpu.memory_space<vmem>>
      tpu.wait_dma2 semaphore(%run_scoped3A_261 : memref<!tpu.dma_semaphore, #tpu.memory_space<semaphore_mem>>) src(%dma_wait3A_285 : memref<40x128xf32, #tpu.memory_space<vmem>>) dst(%dma_wait3A_281 : memref<40x128xf32, #tpu.memory_space<vmem_shared>>)
      tpu.yield
    }) : () -> ()
    %mul3A_28 = arith.constant 640 : i32
    %mul3A_29 = arith.muli %arg1, %mul3A_28 : i32
    %add3A_30 = arith.constant 40 : i32
    %add3A_31 = arith.addi %mul3A_29, %add3A_30 : i32
    %run_scoped3A_32 = arith.constant 0 : i32
    "tpu.region"() ({
      %run_scoped3A_261 = tpu.sem_alloc : memref<!tpu.dma_semaphore, #tpu.memory_space<semaphore_mem>>
      %dma_start3A_262 = arith.constant 0 : i32
      %dma_start3A_263 = arith.constant 0 : i32
      %dma_start3A_264 = tpu.memref_slice %arg8[%run_scoped3A_32, %dma_start3A_262, %dma_start3A_263] : memref<5x40x128xf32, #tpu.memory_space<vmem>> -> memref<1x40x128xf32, #tpu.memory_space<vmem>>
      %dma_start3A_265 = tpu.memref_squeeze %dma_start3A_264 : memref<1x40x128xf32, #tpu.memory_space<vmem>> -> memref<40x128xf32, #tpu.memory_space<vmem>>
      %dma_start3A_266 = arith.constant 0 : i32
      %dma_start3A_267 = tpu.memref_slice %arg9[%add3A_31, %dma_start3A_266] : memref<10240x128xf32, #tpu.memory_space<vmem_shared>> -> memref<40x128xf32, #tpu.memory_space<vmem_shared>>
      %dma_start3A_268 = arith.constant 0 : i32
      %dma_start3A_269 = tpu.memref_slice %arg9[%add3A_31, %dma_start3A_268] : memref<10240x128xf32, #tpu.memory_space<vmem_shared>> -> memref<40x128xf32, #tpu.memory_space<vmem_shared>>
      %dma_start3A_270 = arith.constant 0 : i32
      %dma_start3A_271 = arith.constant 0 : i32
      %dma_start3A_272 = tpu.memref_slice %arg8[%run_scoped3A_32, %dma_start3A_270, %dma_start3A_271] : memref<5x40x128xf32, #tpu.memory_space<vmem>> -> memref<1x40x128xf32, #tpu.memory_space<vmem>>
      %dma_start3A_273 = tpu.memref_squeeze %dma_start3A_272 : memref<1x40x128xf32, #tpu.memory_space<vmem>> -> memref<40x128xf32, #tpu.memory_space<vmem>>
      tpu.enqueue_dma source(%dma_start3A_273 : memref<40x128xf32, #tpu.memory_space<vmem>>) target(%dma_start3A_269 : memref<40x128xf32, #tpu.memory_space<vmem_shared>>) target_semaphore(%run_scoped3A_261 : memref<!tpu.dma_semaphore, #tpu.memory_space<semaphore_mem>>)
      %dma_wait3A_274 = arith.constant 0 : i32
      %dma_wait3A_275 = arith.constant 0 : i32
      %dma_wait3A_276 = tpu.memref_slice %arg8[%run_scoped3A_32, %dma_wait3A_274, %dma_wait3A_275] : memref<5x40x128xf32, #tpu.memory_space<vmem>> -> memref<1x40x128xf32, #tpu.memory_space<vmem>>
      %dma_wait3A_277 = tpu.memref_squeeze %dma_wait3A_276 : memref<1x40x128xf32, #tpu.memory_space<vmem>> -> memref<40x128xf32, #tpu.memory_space<vmem>>
      %dma_wait3A_278 = arith.constant 0 : i32
      %dma_wait3A_279 = tpu.memref_slice %arg9[%add3A_31, %dma_wait3A_278] : memref<10240x128xf32, #tpu.memory_space<vmem_shared>> -> memref<40x128xf32, #tpu.memory_space<vmem_shared>>
      %dma_wait3A_280 = arith.constant 0 : i32
      %dma_wait3A_281 = tpu.memref_slice %arg9[%add3A_31, %dma_wait3A_280] : memref<10240x128xf32, #tpu.memory_space<vmem_shared>> -> memref<40x128xf32, #tpu.memory_space<vmem_shared>>
      %dma_wait3A_282 = arith.constant 0 : i32
      %dma_wait3A_283 = arith.constant 0 : i32
      %dma_wait3A_284 = tpu.memref_slice %arg8[%run_scoped3A_32, %dma_wait3A_282, %dma_wait3A_283] : memref<5x40x128xf32, #tpu.memory_space<vmem>> -> memref<1x40x128xf32, #tpu.memory_space<vmem>>
      %dma_wait3A_285 = tpu.memref_squeeze %dma_wait3A_284 : memref<1x40x128xf32, #tpu.memory_space<vmem>> -> memref<40x128xf32, #tpu.memory_space<vmem>>
      tpu.wait_dma2 semaphore(%run_scoped3A_261 : memref<!tpu.dma_semaphore, #tpu.memory_space<semaphore_mem>>) src(%dma_wait3A_285 : memref<40x128xf32, #tpu.memory_space<vmem>>) dst(%dma_wait3A_281 : memref<40x128xf32, #tpu.memory_space<vmem_shared>>)
      tpu.yield
    }) : () -> ()
    %mul3A_33 = arith.constant 640 : i32
    %mul3A_34 = arith.muli %arg1, %mul3A_33 : i32
    %add3A_35 = arith.constant 80 : i32
    %add3A_36 = arith.addi %mul3A_34, %add3A_35 : i32
    %run_scoped3A_37 = arith.constant 0 : i32
    "tpu.region"() ({
      %run_scoped3A_261 = tpu.sem_alloc : memref<!tpu.dma_semaphore, #tpu.memory_space<semaphore_mem>>
      %dma_start3A_262 = arith.constant 0 : i32
      %dma_start3A_263 = arith.constant 0 : i32
      %dma_start3A_264 = tpu.memref_slice %arg8[%run_scoped3A_37, %dma_start3A_262, %dma_start3A_263] : memref<5x40x128xf32, #tpu.memory_space<vmem>> -> memref<1x40x128xf32, #tpu.memory_space<vmem>>
      %dma_start3A_265 = tpu.memref_squeeze %dma_start3A_264 : memref<1x40x128xf32, #tpu.memory_space<vmem>> -> memref<40x128xf32, #tpu.memory_space<vmem>>
      %dma_start3A_266 = arith.constant 0 : i32
      %dma_start3A_267 = tpu.memref_slice %arg9[%add3A_36, %dma_start3A_266] : memref<10240x128xf32, #tpu.memory_space<vmem_shared>> -> memref<40x128xf32, #tpu.memory_space<vmem_shared>>
      %dma_start3A_268 = arith.constant 0 : i32
      %dma_start3A_269 = tpu.memref_slice %arg9[%add3A_36, %dma_start3A_268] : memref<10240x128xf32, #tpu.memory_space<vmem_shared>> -> memref<40x128xf32, #tpu.memory_space<vmem_shared>>
      %dma_start3A_270 = arith.constant 0 : i32
      %dma_start3A_271 = arith.constant 0 : i32
      %dma_start3A_272 = tpu.memref_slice %arg8[%run_scoped3A_37, %dma_start3A_270, %dma_start3A_271] : memref<5x40x128xf32, #tpu.memory_space<vmem>> -> memref<1x40x128xf32, #tpu.memory_space<vmem>>
      %dma_start3A_273 = tpu.memref_squeeze %dma_start3A_272 : memref<1x40x128xf32, #tpu.memory_space<vmem>> -> memref<40x128xf32, #tpu.memory_space<vmem>>
      tpu.enqueue_dma source(%dma_start3A_273 : memref<40x128xf32, #tpu.memory_space<vmem>>) target(%dma_start3A_269 : memref<40x128xf32, #tpu.memory_space<vmem_shared>>) target_semaphore(%run_scoped3A_261 : memref<!tpu.dma_semaphore, #tpu.memory_space<semaphore_mem>>)
      %dma_wait3A_274 = arith.constant 0 : i32
      %dma_wait3A_275 = arith.constant 0 : i32
      %dma_wait3A_276 = tpu.memref_slice %arg8[%run_scoped3A_37, %dma_wait3A_274, %dma_wait3A_275] : memref<5x40x128xf32, #tpu.memory_space<vmem>> -> memref<1x40x128xf32, #tpu.memory_space<vmem>>
      %dma_wait3A_277 = tpu.memref_squeeze %dma_wait3A_276 : memref<1x40x128xf32, #tpu.memory_space<vmem>> -> memref<40x128xf32, #tpu.memory_space<vmem>>
      %dma_wait3A_278 = arith.constant 0 : i32
      %dma_wait3A_279 = tpu.memref_slice %arg9[%add3A_36, %dma_wait3A_278] : memref<10240x128xf32, #tpu.memory_space<vmem_shared>> -> memref<40x128xf32, #tpu.memory_space<vmem_shared>>
      %dma_wait3A_280 = arith.constant 0 : i32
      %dma_wait3A_281 = tpu.memref_slice %arg9[%add3A_36, %dma_wait3A_280] : memref<10240x128xf32, #tpu.memory_space<vmem_shared>> -> memref<40x128xf32, #tpu.memory_space<vmem_shared>>
      %dma_wait3A_282 = arith.constant 0 : i32
      %dma_wait3A_283 = arith.constant 0 : i32
      %dma_wait3A_284 = tpu.memref_slice %arg8[%run_scoped3A_37, %dma_wait3A_282, %dma_wait3A_283] : memref<5x40x128xf32, #tpu.memory_space<vmem>> -> memref<1x40x128xf32, #tpu.memory_space<vmem>>
      %dma_wait3A_285 = tpu.memref_squeeze %dma_wait3A_284 : memref<1x40x128xf32, #tpu.memory_space<vmem>> -> memref<40x128xf32, #tpu.memory_space<vmem>>
      tpu.wait_dma2 semaphore(%run_scoped3A_261 : memref<!tpu.dma_semaphore, #tpu.memory_space<semaphore_mem>>) src(%dma_wait3A_285 : memref<40x128xf32, #tpu.memory_space<vmem>>) dst(%dma_wait3A_281 : memref<40x128xf32, #tpu.memory_space<vmem_shared>>)
      tpu.yield
    }) : () -> ()
    %mul3A_38 = arith.constant 640 : i32
    %mul3A_39 = arith.muli %arg1, %mul3A_38 : i32
    %add3A_40 = arith.constant 120 : i32
    %add3A_41 = arith.addi %mul3A_39, %add3A_40 : i32
    %run_scoped3A_42 = arith.constant 0 : i32
    "tpu.region"() ({
      %run_scoped3A_261 = tpu.sem_alloc : memref<!tpu.dma_semaphore, #tpu.memory_space<semaphore_mem>>
      %dma_start3A_262 = arith.constant 0 : i32
      %dma_start3A_263 = arith.constant 0 : i32
      %dma_start3A_264 = tpu.memref_slice %arg8[%run_scoped3A_42, %dma_start3A_262, %dma_start3A_263] : memref<5x40x128xf32, #tpu.memory_space<vmem>> -> memref<1x40x128xf32, #tpu.memory_space<vmem>>
      %dma_start3A_265 = tpu.memref_squeeze %dma_start3A_264 : memref<1x40x128xf32, #tpu.memory_space<vmem>> -> memref<40x128xf32, #tpu.memory_space<vmem>>
      %dma_start3A_266 = arith.constant 0 : i32
      %dma_start3A_267 = tpu.memref_slice %arg9[%add3A_41, %dma_start3A_266] : memref<10240x128xf32, #tpu.memory_space<vmem_shared>> -> memref<40x128xf32, #tpu.memory_space<vmem_shared>>
      %dma_start3A_268 = arith.constant 0 : i32
      %dma_start3A_269 = tpu.memref_slice %arg9[%add3A_41, %dma_start3A_268] : memref<10240x128xf32, #tpu.memory_space<vmem_shared>> -> memref<40x128xf32, #tpu.memory_space<vmem_shared>>
      %dma_start3A_270 = arith.constant 0 : i32
      %dma_start3A_271 = arith.constant 0 : i32
      %dma_start3A_272 = tpu.memref_slice %arg8[%run_scoped3A_42, %dma_start3A_270, %dma_start3A_271] : memref<5x40x128xf32, #tpu.memory_space<vmem>> -> memref<1x40x128xf32, #tpu.memory_space<vmem>>
      %dma_start3A_273 = tpu.memref_squeeze %dma_start3A_272 : memref<1x40x128xf32, #tpu.memory_space<vmem>> -> memref<40x128xf32, #tpu.memory_space<vmem>>
      tpu.enqueue_dma source(%dma_start3A_273 : memref<40x128xf32, #tpu.memory_space<vmem>>) target(%dma_start3A_269 : memref<40x128xf32, #tpu.memory_space<vmem_shared>>) target_semaphore(%run_scoped3A_261 : memref<!tpu.dma_semaphore, #tpu.memory_space<semaphore_mem>>)
      %dma_wait3A_274 = arith.constant 0 : i32
      %dma_wait3A_275 = arith.constant 0 : i32
      %dma_wait3A_276 = tpu.memref_slice %arg8[%run_scoped3A_42, %dma_wait3A_274, %dma_wait3A_275] : memref<5x40x128xf32, #tpu.memory_space<vmem>> -> memref<1x40x128xf32, #tpu.memory_space<vmem>>
      %dma_wait3A_277 = tpu.memref_squeeze %dma_wait3A_276 : memref<1x40x128xf32, #tpu.memory_space<vmem>> -> memref<40x128xf32, #tpu.memory_space<vmem>>
      %dma_wait3A_278 = arith.constant 0 : i32
      %dma_wait3A_279 = tpu.memref_slice %arg9[%add3A_41, %dma_wait3A_278] : memref<10240x128xf32, #tpu.memory_space<vmem_shared>> -> memref<40x128xf32, #tpu.memory_space<vmem_shared>>
      %dma_wait3A_280 = arith.constant 0 : i32
      %dma_wait3A_281 = tpu.memref_slice %arg9[%add3A_41, %dma_wait3A_280] : memref<10240x128xf32, #tpu.memory_space<vmem_shared>> -> memref<40x128xf32, #tpu.memory_space<vmem_shared>>
      %dma_wait3A_282 = arith.constant 0 : i32
      %dma_wait3A_283 = arith.constant 0 : i32
      %dma_wait3A_284 = tpu.memref_slice %arg8[%run_scoped3A_42, %dma_wait3A_282, %dma_wait3A_283] : memref<5x40x128xf32, #tpu.memory_space<vmem>> -> memref<1x40x128xf32, #tpu.memory_space<vmem>>
      %dma_wait3A_285 = tpu.memref_squeeze %dma_wait3A_284 : memref<1x40x128xf32, #tpu.memory_space<vmem>> -> memref<40x128xf32, #tpu.memory_space<vmem>>
      tpu.wait_dma2 semaphore(%run_scoped3A_261 : memref<!tpu.dma_semaphore, #tpu.memory_space<semaphore_mem>>) src(%dma_wait3A_285 : memref<40x128xf32, #tpu.memory_space<vmem>>) dst(%dma_wait3A_281 : memref<40x128xf32, #tpu.memory_space<vmem_shared>>)
      tpu.yield
    }) : () -> ()
    %mul3A_43 = arith.constant 640 : i32
    %mul3A_44 = arith.muli %arg1, %mul3A_43 : i32
    %add3A_45 = arith.constant 160 : i32
    %add3A_46 = arith.addi %mul3A_44, %add3A_45 : i32
    %run_scoped3A_47 = arith.constant 0 : i32
    "tpu.region"() ({
      %run_scoped3A_261 = tpu.sem_alloc : memref<!tpu.dma_semaphore, #tpu.memory_space<semaphore_mem>>
      %dma_start3A_262 = arith.constant 0 : i32
      %dma_start3A_263 = arith.constant 0 : i32
      %dma_start3A_264 = tpu.memref_slice %arg8[%run_scoped3A_47, %dma_start3A_262, %dma_start3A_263] : memref<5x40x128xf32, #tpu.memory_space<vmem>> -> memref<1x40x128xf32, #tpu.memory_space<vmem>>
      %dma_start3A_265 = tpu.memref_squeeze %dma_start3A_264 : memref<1x40x128xf32, #tpu.memory_space<vmem>> -> memref<40x128xf32, #tpu.memory_space<vmem>>
      %dma_start3A_266 = arith.constant 0 : i32
      %dma_start3A_267 = tpu.memref_slice %arg9[%add3A_46, %dma_start3A_266] : memref<10240x128xf32, #tpu.memory_space<vmem_shared>> -> memref<40x128xf32, #tpu.memory_space<vmem_shared>>
      %dma_start3A_268 = arith.constant 0 : i32
      %dma_start3A_269 = tpu.memref_slice %arg9[%add3A_46, %dma_start3A_268] : memref<10240x128xf32, #tpu.memory_space<vmem_shared>> -> memref<40x128xf32, #tpu.memory_space<vmem_shared>>
      %dma_start3A_270 = arith.constant 0 : i32
      %dma_start3A_271 = arith.constant 0 : i32
      %dma_start3A_272 = tpu.memref_slice %arg8[%run_scoped3A_47, %dma_start3A_270, %dma_start3A_271] : memref<5x40x128xf32, #tpu.memory_space<vmem>> -> memref<1x40x128xf32, #tpu.memory_space<vmem>>
      %dma_start3A_273 = tpu.memref_squeeze %dma_start3A_272 : memref<1x40x128xf32, #tpu.memory_space<vmem>> -> memref<40x128xf32, #tpu.memory_space<vmem>>
      tpu.enqueue_dma source(%dma_start3A_273 : memref<40x128xf32, #tpu.memory_space<vmem>>) target(%dma_start3A_269 : memref<40x128xf32, #tpu.memory_space<vmem_shared>>) target_semaphore(%run_scoped3A_261 : memref<!tpu.dma_semaphore, #tpu.memory_space<semaphore_mem>>)
      %dma_wait3A_274 = arith.constant 0 : i32
      %dma_wait3A_275 = arith.constant 0 : i32
      %dma_wait3A_276 = tpu.memref_slice %arg8[%run_scoped3A_47, %dma_wait3A_274, %dma_wait3A_275] : memref<5x40x128xf32, #tpu.memory_space<vmem>> -> memref<1x40x128xf32, #tpu.memory_space<vmem>>
      %dma_wait3A_277 = tpu.memref_squeeze %dma_wait3A_276 : memref<1x40x128xf32, #tpu.memory_space<vmem>> -> memref<40x128xf32, #tpu.memory_space<vmem>>
      %dma_wait3A_278 = arith.constant 0 : i32
      %dma_wait3A_279 = tpu.memref_slice %arg9[%add3A_46, %dma_wait3A_278] : memref<10240x128xf32, #tpu.memory_space<vmem_shared>> -> memref<40x128xf32, #tpu.memory_space<vmem_shared>>
      %dma_wait3A_280 = arith.constant 0 : i32
      %dma_wait3A_281 = tpu.memref_slice %arg9[%add3A_46, %dma_wait3A_280] : memref<10240x128xf32, #tpu.memory_space<vmem_shared>> -> memref<40x128xf32, #tpu.memory_space<vmem_shared>>
      %dma_wait3A_282 = arith.constant 0 : i32
      %dma_wait3A_283 = arith.constant 0 : i32
      %dma_wait3A_284 = tpu.memref_slice %arg8[%run_scoped3A_47, %dma_wait3A_282, %dma_wait3A_283] : memref<5x40x128xf32, #tpu.memory_space<vmem>> -> memref<1x40x128xf32, #tpu.memory_space<vmem>>
      %dma_wait3A_285 = tpu.memref_squeeze %dma_wait3A_284 : memref<1x40x128xf32, #tpu.memory_space<vmem>> -> memref<40x128xf32, #tpu.memory_space<vmem>>
      tpu.wait_dma2 semaphore(%run_scoped3A_261 : memref<!tpu.dma_semaphore, #tpu.memory_space<semaphore_mem>>) src(%dma_wait3A_285 : memref<40x128xf32, #tpu.memory_space<vmem>>) dst(%dma_wait3A_281 : memref<40x128xf32, #tpu.memory_space<vmem_shared>>)
      tpu.yield
    }) : () -> ()
    %mul3A_48 = arith.constant 640 : i32
    %mul3A_49 = arith.muli %arg1, %mul3A_48 : i32
    %add3A_50 = arith.constant 200 : i32
    %add3A_51 = arith.addi %mul3A_49, %add3A_50 : i32
    %run_scoped3A_52 = arith.constant 0 : i32
    "tpu.region"() ({
      %run_scoped3A_261 = tpu.sem_alloc : memref<!tpu.dma_semaphore, #tpu.memory_space<semaphore_mem>>
      %dma_start3A_262 = arith.constant 0 : i32
      %dma_start3A_263 = arith.constant 0 : i32
      %dma_start3A_264 = tpu.memref_slice %arg8[%run_scoped3A_52, %dma_start3A_262, %dma_start3A_263] : memref<5x40x128xf32, #tpu.memory_space<vmem>> -> memref<1x40x128xf32, #tpu.memory_space<vmem>>
      %dma_start3A_265 = tpu.memref_squeeze %dma_start3A_264 : memref<1x40x128xf32, #tpu.memory_space<vmem>> -> memref<40x128xf32, #tpu.memory_space<vmem>>
      %dma_start3A_266 = arith.constant 0 : i32
      %dma_start3A_267 = tpu.memref_slice %arg9[%add3A_51, %dma_start3A_266] : memref<10240x128xf32, #tpu.memory_space<vmem_shared>> -> memref<40x128xf32, #tpu.memory_space<vmem_shared>>
      %dma_start3A_268 = arith.constant 0 : i32
      %dma_start3A_269 = tpu.memref_slice %arg9[%add3A_51, %dma_start3A_268] : memref<10240x128xf32, #tpu.memory_space<vmem_shared>> -> memref<40x128xf32, #tpu.memory_space<vmem_shared>>
      %dma_start3A_270 = arith.constant 0 : i32
      %dma_start3A_271 = arith.constant 0 : i32
      %dma_start3A_272 = tpu.memref_slice %arg8[%run_scoped3A_52, %dma_start3A_270, %dma_start3A_271] : memref<5x40x128xf32, #tpu.memory_space<vmem>> -> memref<1x40x128xf32, #tpu.memory_space<vmem>>
      %dma_start3A_273 = tpu.memref_squeeze %dma_start3A_272 : memref<1x40x128xf32, #tpu.memory_space<vmem>> -> memref<40x128xf32, #tpu.memory_space<vmem>>
      tpu.enqueue_dma source(%dma_start3A_273 : memref<40x128xf32, #tpu.memory_space<vmem>>) target(%dma_start3A_269 : memref<40x128xf32, #tpu.memory_space<vmem_shared>>) target_semaphore(%run_scoped3A_261 : memref<!tpu.dma_semaphore, #tpu.memory_space<semaphore_mem>>)
      %dma_wait3A_274 = arith.constant 0 : i32
      %dma_wait3A_275 = arith.constant 0 : i32
      %dma_wait3A_276 = tpu.memref_slice %arg8[%run_scoped3A_52, %dma_wait3A_274, %dma_wait3A_275] : memref<5x40x128xf32, #tpu.memory_space<vmem>> -> memref<1x40x128xf32, #tpu.memory_space<vmem>>
      %dma_wait3A_277 = tpu.memref_squeeze %dma_wait3A_276 : memref<1x40x128xf32, #tpu.memory_space<vmem>> -> memref<40x128xf32, #tpu.memory_space<vmem>>
      %dma_wait3A_278 = arith.constant 0 : i32
      %dma_wait3A_279 = tpu.memref_slice %arg9[%add3A_51, %dma_wait3A_278] : memref<10240x128xf32, #tpu.memory_space<vmem_shared>> -> memref<40x128xf32, #tpu.memory_space<vmem_shared>>
      %dma_wait3A_280 = arith.constant 0 : i32
      %dma_wait3A_281 = tpu.memref_slice %arg9[%add3A_51, %dma_wait3A_280] : memref<10240x128xf32, #tpu.memory_space<vmem_shared>> -> memref<40x128xf32, #tpu.memory_space<vmem_shared>>
      %dma_wait3A_282 = arith.constant 0 : i32
      %dma_wait3A_283 = arith.constant 0 : i32
      %dma_wait3A_284 = tpu.memref_slice %arg8[%run_scoped3A_52, %dma_wait3A_282, %dma_wait3A_283] : memref<5x40x128xf32, #tpu.memory_space<vmem>> -> memref<1x40x128xf32, #tpu.memory_space<vmem>>
      %dma_wait3A_285 = tpu.memref_squeeze %dma_wait3A_284 : memref<1x40x128xf32, #tpu.memory_space<vmem>> -> memref<40x128xf32, #tpu.memory_space<vmem>>
      tpu.wait_dma2 semaphore(%run_scoped3A_261 : memref<!tpu.dma_semaphore, #tpu.memory_space<semaphore_mem>>) src(%dma_wait3A_285 : memref<40x128xf32, #tpu.memory_space<vmem>>) dst(%dma_wait3A_281 : memref<40x128xf32, #tpu.memory_space<vmem_shared>>)
      tpu.yield
    }) : () -> ()
    %mul3A_53 = arith.constant 640 : i32
    %mul3A_54 = arith.muli %arg1, %mul3A_53 : i32
    %add3A_55 = arith.constant 240 : i32
    %add3A_56 = arith.addi %mul3A_54, %add3A_55 : i32
    %run_scoped3A_57 = arith.constant 0 : i32
    "tpu.region"() ({
      %run_scoped3A_261 = tpu.sem_alloc : memref<!tpu.dma_semaphore, #tpu.memory_space<semaphore_mem>>
      %dma_start3A_262 = arith.constant 0 : i32
      %dma_start3A_263 = arith.constant 0 : i32
      %dma_start3A_264 = tpu.memref_slice %arg8[%run_scoped3A_57, %dma_start3A_262, %dma_start3A_263] : memref<5x40x128xf32, #tpu.memory_space<vmem>> -> memref<1x40x128xf32, #tpu.memory_space<vmem>>
      %dma_start3A_265 = tpu.memref_squeeze %dma_start3A_264 : memref<1x40x128xf32, #tpu.memory_space<vmem>> -> memref<40x128xf32, #tpu.memory_space<vmem>>
      %dma_start3A_266 = arith.constant 0 : i32
      %dma_start3A_267 = tpu.memref_slice %arg9[%add3A_56, %dma_start3A_266] : memref<10240x128xf32, #tpu.memory_space<vmem_shared>> -> memref<40x128xf32, #tpu.memory_space<vmem_shared>>
      %dma_start3A_268 = arith.constant 0 : i32
      %dma_start3A_269 = tpu.memref_slice %arg9[%add3A_56, %dma_start3A_268] : memref<10240x128xf32, #tpu.memory_space<vmem_shared>> -> memref<40x128xf32, #tpu.memory_space<vmem_shared>>
      %dma_start3A_270 = arith.constant 0 : i32
      %dma_start3A_271 = arith.constant 0 : i32
      %dma_start3A_272 = tpu.memref_slice %arg8[%run_scoped3A_57, %dma_start3A_270, %dma_start3A_271] : memref<5x40x128xf32, #tpu.memory_space<vmem>> -> memref<1x40x128xf32, #tpu.memory_space<vmem>>
      %dma_start3A_273 = tpu.memref_squeeze %dma_start3A_272 : memref<1x40x128xf32, #tpu.memory_space<vmem>> -> memref<40x128xf32, #tpu.memory_space<vmem>>
      tpu.enqueue_dma source(%dma_start3A_273 : memref<40x128xf32, #tpu.memory_space<vmem>>) target(%dma_start3A_269 : memref<40x128xf32, #tpu.memory_space<vmem_shared>>) target_semaphore(%run_scoped3A_261 : memref<!tpu.dma_semaphore, #tpu.memory_space<semaphore_mem>>)
      %dma_wait3A_274 = arith.constant 0 : i32
      %dma_wait3A_275 = arith.constant 0 : i32
      %dma_wait3A_276 = tpu.memref_slice %arg8[%run_scoped3A_57, %dma_wait3A_274, %dma_wait3A_275] : memref<5x40x128xf32, #tpu.memory_space<vmem>> -> memref<1x40x128xf32, #tpu.memory_space<vmem>>
      %dma_wait3A_277 = tpu.memref_squeeze %dma_wait3A_276 : memref<1x40x128xf32, #tpu.memory_space<vmem>> -> memref<40x128xf32, #tpu.memory_space<vmem>>
      %dma_wait3A_278 = arith.constant 0 : i32
      %dma_wait3A_279 = tpu.memref_slice %arg9[%add3A_56, %dma_wait3A_278] : memref<10240x128xf32, #tpu.memory_space<vmem_shared>> -> memref<40x128xf32, #tpu.memory_space<vmem_shared>>
      %dma_wait3A_280 = arith.constant 0 : i32
      %dma_wait3A_281 = tpu.memref_slice %arg9[%add3A_56, %dma_wait3A_280] : memref<10240x128xf32, #tpu.memory_space<vmem_shared>> -> memref<40x128xf32, #tpu.memory_space<vmem_shared>>
      %dma_wait3A_282 = arith.constant 0 : i32
      %dma_wait3A_283 = arith.constant 0 : i32
      %dma_wait3A_284 = tpu.memref_slice %arg8[%run_scoped3A_57, %dma_wait3A_282, %dma_wait3A_283] : memref<5x40x128xf32, #tpu.memory_space<vmem>> -> memref<1x40x128xf32, #tpu.memory_space<vmem>>
      %dma_wait3A_285 = tpu.memref_squeeze %dma_wait3A_284 : memref<1x40x128xf32, #tpu.memory_space<vmem>> -> memref<40x128xf32, #tpu.memory_space<vmem>>
      tpu.wait_dma2 semaphore(%run_scoped3A_261 : memref<!tpu.dma_semaphore, #tpu.memory_space<semaphore_mem>>) src(%dma_wait3A_285 : memref<40x128xf32, #tpu.memory_space<vmem>>) dst(%dma_wait3A_281 : memref<40x128xf32, #tpu.memory_space<vmem_shared>>)
      tpu.yield
    }) : () -> ()
    %mul3A_58 = arith.constant 640 : i32
    %mul3A_59 = arith.muli %arg1, %mul3A_58 : i32
    %add3A_60 = arith.constant 280 : i32
    %add3A_61 = arith.addi %mul3A_59, %add3A_60 : i32
    %run_scoped3A_62 = arith.constant 0 : i32
    "tpu.region"() ({
      %run_scoped3A_261 = tpu.sem_alloc : memref<!tpu.dma_semaphore, #tpu.memory_space<semaphore_mem>>
      %dma_start3A_262 = arith.constant 0 : i32
      %dma_start3A_263 = arith.constant 0 : i32
      %dma_start3A_264 = tpu.memref_slice %arg8[%run_scoped3A_62, %dma_start3A_262, %dma_start3A_263] : memref<5x40x128xf32, #tpu.memory_space<vmem>> -> memref<1x40x128xf32, #tpu.memory_space<vmem>>
      %dma_start3A_265 = tpu.memref_squeeze %dma_start3A_264 : memref<1x40x128xf32, #tpu.memory_space<vmem>> -> memref<40x128xf32, #tpu.memory_space<vmem>>
      %dma_start3A_266 = arith.constant 0 : i32
      %dma_start3A_267 = tpu.memref_slice %arg9[%add3A_61, %dma_start3A_266] : memref<10240x128xf32, #tpu.memory_space<vmem_shared>> -> memref<40x128xf32, #tpu.memory_space<vmem_shared>>
      %dma_start3A_268 = arith.constant 0 : i32
      %dma_start3A_269 = tpu.memref_slice %arg9[%add3A_61, %dma_start3A_268] : memref<10240x128xf32, #tpu.memory_space<vmem_shared>> -> memref<40x128xf32, #tpu.memory_space<vmem_shared>>
      %dma_start3A_270 = arith.constant 0 : i32
      %dma_start3A_271 = arith.constant 0 : i32
      %dma_start3A_272 = tpu.memref_slice %arg8[%run_scoped3A_62, %dma_start3A_270, %dma_start3A_271] : memref<5x40x128xf32, #tpu.memory_space<vmem>> -> memref<1x40x128xf32, #tpu.memory_space<vmem>>
      %dma_start3A_273 = tpu.memref_squeeze %dma_start3A_272 : memref<1x40x128xf32, #tpu.memory_space<vmem>> -> memref<40x128xf32, #tpu.memory_space<vmem>>
      tpu.enqueue_dma source(%dma_start3A_273 : memref<40x128xf32, #tpu.memory_space<vmem>>) target(%dma_start3A_269 : memref<40x128xf32, #tpu.memory_space<vmem_shared>>) target_semaphore(%run_scoped3A_261 : memref<!tpu.dma_semaphore, #tpu.memory_space<semaphore_mem>>)
      %dma_wait3A_274 = arith.constant 0 : i32
      %dma_wait3A_275 = arith.constant 0 : i32
      %dma_wait3A_276 = tpu.memref_slice %arg8[%run_scoped3A_62, %dma_wait3A_274, %dma_wait3A_275] : memref<5x40x128xf32, #tpu.memory_space<vmem>> -> memref<1x40x128xf32, #tpu.memory_space<vmem>>
      %dma_wait3A_277 = tpu.memref_squeeze %dma_wait3A_276 : memref<1x40x128xf32, #tpu.memory_space<vmem>> -> memref<40x128xf32, #tpu.memory_space<vmem>>
      %dma_wait3A_278 = arith.constant 0 : i32
      %dma_wait3A_279 = tpu.memref_slice %arg9[%add3A_61, %dma_wait3A_278] : memref<10240x128xf32, #tpu.memory_space<vmem_shared>> -> memref<40x128xf32, #tpu.memory_space<vmem_shared>>
      %dma_wait3A_280 = arith.constant 0 : i32
      %dma_wait3A_281 = tpu.memref_slice %arg9[%add3A_61, %dma_wait3A_280] : memref<10240x128xf32, #tpu.memory_space<vmem_shared>> -> memref<40x128xf32, #tpu.memory_space<vmem_shared>>
      %dma_wait3A_282 = arith.constant 0 : i32
      %dma_wait3A_283 = arith.constant 0 : i32
      %dma_wait3A_284 = tpu.memref_slice %arg8[%run_scoped3A_62, %dma_wait3A_282, %dma_wait3A_283] : memref<5x40x128xf32, #tpu.memory_space<vmem>> -> memref<1x40x128xf32, #tpu.memory_space<vmem>>
      %dma_wait3A_285 = tpu.memref_squeeze %dma_wait3A_284 : memref<1x40x128xf32, #tpu.memory_space<vmem>> -> memref<40x128xf32, #tpu.memory_space<vmem>>
      tpu.wait_dma2 semaphore(%run_scoped3A_261 : memref<!tpu.dma_semaphore, #tpu.memory_space<semaphore_mem>>) src(%dma_wait3A_285 : memref<40x128xf32, #tpu.memory_space<vmem>>) dst(%dma_wait3A_281 : memref<40x128xf32, #tpu.memory_space<vmem_shared>>)
      tpu.yield
    }) : () -> ()
    %mul3A_63 = arith.constant 640 : i32
    %mul3A_64 = arith.muli %arg1, %mul3A_63 : i32
    %add3A_65 = arith.constant 320 : i32
    %add3A_66 = arith.addi %mul3A_64, %add3A_65 : i32
    %run_scoped3A_67 = arith.constant 0 : i32
    "tpu.region"() ({
      %run_scoped3A_261 = tpu.sem_alloc : memref<!tpu.dma_semaphore, #tpu.memory_space<semaphore_mem>>
      %dma_start3A_262 = arith.constant 0 : i32
      %dma_start3A_263 = arith.constant 0 : i32
      %dma_start3A_264 = tpu.memref_slice %arg8[%run_scoped3A_67, %dma_start3A_262, %dma_start3A_263] : memref<5x40x128xf32, #tpu.memory_space<vmem>> -> memref<1x40x128xf32, #tpu.memory_space<vmem>>
      %dma_start3A_265 = tpu.memref_squeeze %dma_start3A_264 : memref<1x40x128xf32, #tpu.memory_space<vmem>> -> memref<40x128xf32, #tpu.memory_space<vmem>>
      %dma_start3A_266 = arith.constant 0 : i32
      %dma_start3A_267 = tpu.memref_slice %arg9[%add3A_66, %dma_start3A_266] : memref<10240x128xf32, #tpu.memory_space<vmem_shared>> -> memref<40x128xf32, #tpu.memory_space<vmem_shared>>
      %dma_start3A_268 = arith.constant 0 : i32
      %dma_start3A_269 = tpu.memref_slice %arg9[%add3A_66, %dma_start3A_268] : memref<10240x128xf32, #tpu.memory_space<vmem_shared>> -> memref<40x128xf32, #tpu.memory_space<vmem_shared>>
      %dma_start3A_270 = arith.constant 0 : i32
      %dma_start3A_271 = arith.constant 0 : i32
      %dma_start3A_272 = tpu.memref_slice %arg8[%run_scoped3A_67, %dma_start3A_270, %dma_start3A_271] : memref<5x40x128xf32, #tpu.memory_space<vmem>> -> memref<1x40x128xf32, #tpu.memory_space<vmem>>
      %dma_start3A_273 = tpu.memref_squeeze %dma_start3A_272 : memref<1x40x128xf32, #tpu.memory_space<vmem>> -> memref<40x128xf32, #tpu.memory_space<vmem>>
      tpu.enqueue_dma source(%dma_start3A_273 : memref<40x128xf32, #tpu.memory_space<vmem>>) target(%dma_start3A_269 : memref<40x128xf32, #tpu.memory_space<vmem_shared>>) target_semaphore(%run_scoped3A_261 : memref<!tpu.dma_semaphore, #tpu.memory_space<semaphore_mem>>)
      %dma_wait3A_274 = arith.constant 0 : i32
      %dma_wait3A_275 = arith.constant 0 : i32
      %dma_wait3A_276 = tpu.memref_slice %arg8[%run_scoped3A_67, %dma_wait3A_274, %dma_wait3A_275] : memref<5x40x128xf32, #tpu.memory_space<vmem>> -> memref<1x40x128xf32, #tpu.memory_space<vmem>>
      %dma_wait3A_277 = tpu.memref_squeeze %dma_wait3A_276 : memref<1x40x128xf32, #tpu.memory_space<vmem>> -> memref<40x128xf32, #tpu.memory_space<vmem>>
      %dma_wait3A_278 = arith.constant 0 : i32
      %dma_wait3A_279 = tpu.memref_slice %arg9[%add3A_66, %dma_wait3A_278] : memref<10240x128xf32, #tpu.memory_space<vmem_shared>> -> memref<40x128xf32, #tpu.memory_space<vmem_shared>>
      %dma_wait3A_280 = arith.constant 0 : i32
      %dma_wait3A_281 = tpu.memref_slice %arg9[%add3A_66, %dma_wait3A_280] : memref<10240x128xf32, #tpu.memory_space<vmem_shared>> -> memref<40x128xf32, #tpu.memory_space<vmem_shared>>
      %dma_wait3A_282 = arith.constant 0 : i32
      %dma_wait3A_283 = arith.constant 0 : i32
      %dma_wait3A_284 = tpu.memref_slice %arg8[%run_scoped3A_67, %dma_wait3A_282, %dma_wait3A_283] : memref<5x40x128xf32, #tpu.memory_space<vmem>> -> memref<1x40x128xf32, #tpu.memory_space<vmem>>
      %dma_wait3A_285 = tpu.memref_squeeze %dma_wait3A_284 : memref<1x40x128xf32, #tpu.memory_space<vmem>> -> memref<40x128xf32, #tpu.memory_space<vmem>>
      tpu.wait_dma2 semaphore(%run_scoped3A_261 : memref<!tpu.dma_semaphore, #tpu.memory_space<semaphore_mem>>) src(%dma_wait3A_285 : memref<40x128xf32, #tpu.memory_space<vmem>>) dst(%dma_wait3A_281 : memref<40x128xf32, #tpu.memory_space<vmem_shared>>)
      tpu.yield
    }) : () -> ()
    %mul3A_68 = arith.constant 640 : i32
    %mul3A_69 = arith.muli %arg1, %mul3A_68 : i32
    %add3A_70 = arith.constant 360 : i32
    %add3A_71 = arith.addi %mul3A_69, %add3A_70 : i32
    %run_scoped3A_72 = arith.constant 0 : i32
    "tpu.region"() ({
      %run_scoped3A_261 = tpu.sem_alloc : memref<!tpu.dma_semaphore, #tpu.memory_space<semaphore_mem>>
      %dma_start3A_262 = arith.constant 0 : i32
      %dma_start3A_263 = arith.constant 0 : i32
      %dma_start3A_264 = tpu.memref_slice %arg8[%run_scoped3A_72, %dma_start3A_262, %dma_start3A_263] : memref<5x40x128xf32, #tpu.memory_space<vmem>> -> memref<1x40x128xf32, #tpu.memory_space<vmem>>
      %dma_start3A_265 = tpu.memref_squeeze %dma_start3A_264 : memref<1x40x128xf32, #tpu.memory_space<vmem>> -> memref<40x128xf32, #tpu.memory_space<vmem>>
      %dma_start3A_266 = arith.constant 0 : i32
      %dma_start3A_267 = tpu.memref_slice %arg9[%add3A_71, %dma_start3A_266] : memref<10240x128xf32, #tpu.memory_space<vmem_shared>> -> memref<40x128xf32, #tpu.memory_space<vmem_shared>>
      %dma_start3A_268 = arith.constant 0 : i32
      %dma_start3A_269 = tpu.memref_slice %arg9[%add3A_71, %dma_start3A_268] : memref<10240x128xf32, #tpu.memory_space<vmem_shared>> -> memref<40x128xf32, #tpu.memory_space<vmem_shared>>
      %dma_start3A_270 = arith.constant 0 : i32
      %dma_start3A_271 = arith.constant 0 : i32
      %dma_start3A_272 = tpu.memref_slice %arg8[%run_scoped3A_72, %dma_start3A_270, %dma_start3A_271] : memref<5x40x128xf32, #tpu.memory_space<vmem>> -> memref<1x40x128xf32, #tpu.memory_space<vmem>>
      %dma_start3A_273 = tpu.memref_squeeze %dma_start3A_272 : memref<1x40x128xf32, #tpu.memory_space<vmem>> -> memref<40x128xf32, #tpu.memory_space<vmem>>
      tpu.enqueue_dma source(%dma_start3A_273 : memref<40x128xf32, #tpu.memory_space<vmem>>) target(%dma_start3A_269 : memref<40x128xf32, #tpu.memory_space<vmem_shared>>) target_semaphore(%run_scoped3A_261 : memref<!tpu.dma_semaphore, #tpu.memory_space<semaphore_mem>>)
      %dma_wait3A_274 = arith.constant 0 : i32
      %dma_wait3A_275 = arith.constant 0 : i32
      %dma_wait3A_276 = tpu.memref_slice %arg8[%run_scoped3A_72, %dma_wait3A_274, %dma_wait3A_275] : memref<5x40x128xf32, #tpu.memory_space<vmem>> -> memref<1x40x128xf32, #tpu.memory_space<vmem>>
      %dma_wait3A_277 = tpu.memref_squeeze %dma_wait3A_276 : memref<1x40x128xf32, #tpu.memory_space<vmem>> -> memref<40x128xf32, #tpu.memory_space<vmem>>
      %dma_wait3A_278 = arith.constant 0 : i32
      %dma_wait3A_279 = tpu.memref_slice %arg9[%add3A_71, %dma_wait3A_278] : memref<10240x128xf32, #tpu.memory_space<vmem_shared>> -> memref<40x128xf32, #tpu.memory_space<vmem_shared>>
      %dma_wait3A_280 = arith.constant 0 : i32
      %dma_wait3A_281 = tpu.memref_slice %arg9[%add3A_71, %dma_wait3A_280] : memref<10240x128xf32, #tpu.memory_space<vmem_shared>> -> memref<40x128xf32, #tpu.memory_space<vmem_shared>>
      %dma_wait3A_282 = arith.constant 0 : i32
      %dma_wait3A_283 = arith.constant 0 : i32
      %dma_wait3A_284 = tpu.memref_slice %arg8[%run_scoped3A_72, %dma_wait3A_282, %dma_wait3A_283] : memref<5x40x128xf32, #tpu.memory_space<vmem>> -> memref<1x40x128xf32, #tpu.memory_space<vmem>>
      %dma_wait3A_285 = tpu.memref_squeeze %dma_wait3A_284 : memref<1x40x128xf32, #tpu.memory_space<vmem>> -> memref<40x128xf32, #tpu.memory_space<vmem>>
      tpu.wait_dma2 semaphore(%run_scoped3A_261 : memref<!tpu.dma_semaphore, #tpu.memory_space<semaphore_mem>>) src(%dma_wait3A_285 : memref<40x128xf32, #tpu.memory_space<vmem>>) dst(%dma_wait3A_281 : memref<40x128xf32, #tpu.memory_space<vmem_shared>>)
      tpu.yield
    }) : () -> ()
    %mul3A_73 = arith.constant 640 : i32
    %mul3A_74 = arith.muli %arg1, %mul3A_73 : i32
    %add3A_75 = arith.constant 400 : i32
    %add3A_76 = arith.addi %mul3A_74, %add3A_75 : i32
    %run_scoped3A_77 = arith.constant 0 : i32
    "tpu.region"() ({
      %run_scoped3A_261 = tpu.sem_alloc : memref<!tpu.dma_semaphore, #tpu.memory_space<semaphore_mem>>
      %dma_start3A_262 = arith.constant 0 : i32
      %dma_start3A_263 = arith.constant 0 : i32
      %dma_start3A_264 = tpu.memref_slice %arg8[%run_scoped3A_77, %dma_start3A_262, %dma_start3A_263] : memref<5x40x128xf32, #tpu.memory_space<vmem>> -> memref<1x40x128xf32, #tpu.memory_space<vmem>>
      %dma_start3A_265 = tpu.memref_squeeze %dma_start3A_264 : memref<1x40x128xf32, #tpu.memory_space<vmem>> -> memref<40x128xf32, #tpu.memory_space<vmem>>
      %dma_start3A_266 = arith.constant 0 : i32
      %dma_start3A_267 = tpu.memref_slice %arg9[%add3A_76, %dma_start3A_266] : memref<10240x128xf32, #tpu.memory_space<vmem_shared>> -> memref<40x128xf32, #tpu.memory_space<vmem_shared>>
      %dma_start3A_268 = arith.constant 0 : i32
      %dma_start3A_269 = tpu.memref_slice %arg9[%add3A_76, %dma_start3A_268] : memref<10240x128xf32, #tpu.memory_space<vmem_shared>> -> memref<40x128xf32, #tpu.memory_space<vmem_shared>>
      %dma_start3A_270 = arith.constant 0 : i32
      %dma_start3A_271 = arith.constant 0 : i32
      %dma_start3A_272 = tpu.memref_slice %arg8[%run_scoped3A_77, %dma_start3A_270, %dma_start3A_271] : memref<5x40x128xf32, #tpu.memory_space<vmem>> -> memref<1x40x128xf32, #tpu.memory_space<vmem>>
      %dma_start3A_273 = tpu.memref_squeeze %dma_start3A_272 : memref<1x40x128xf32, #tpu.memory_space<vmem>> -> memref<40x128xf32, #tpu.memory_space<vmem>>
      tpu.enqueue_dma source(%dma_start3A_273 : memref<40x128xf32, #tpu.memory_space<vmem>>) target(%dma_start3A_269 : memref<40x128xf32, #tpu.memory_space<vmem_shared>>) target_semaphore(%run_scoped3A_261 : memref<!tpu.dma_semaphore, #tpu.memory_space<semaphore_mem>>)
      %dma_wait3A_274 = arith.constant 0 : i32
      %dma_wait3A_275 = arith.constant 0 : i32
      %dma_wait3A_276 = tpu.memref_slice %arg8[%run_scoped3A_77, %dma_wait3A_274, %dma_wait3A_275] : memref<5x40x128xf32, #tpu.memory_space<vmem>> -> memref<1x40x128xf32, #tpu.memory_space<vmem>>
      %dma_wait3A_277 = tpu.memref_squeeze %dma_wait3A_276 : memref<1x40x128xf32, #tpu.memory_space<vmem>> -> memref<40x128xf32, #tpu.memory_space<vmem>>
      %dma_wait3A_278 = arith.constant 0 : i32
      %dma_wait3A_279 = tpu.memref_slice %arg9[%add3A_76, %dma_wait3A_278] : memref<10240x128xf32, #tpu.memory_space<vmem_shared>> -> memref<40x128xf32, #tpu.memory_space<vmem_shared>>
      %dma_wait3A_280 = arith.constant 0 : i32
      %dma_wait3A_281 = tpu.memref_slice %arg9[%add3A_76, %dma_wait3A_280] : memref<10240x128xf32, #tpu.memory_space<vmem_shared>> -> memref<40x128xf32, #tpu.memory_space<vmem_shared>>
      %dma_wait3A_282 = arith.constant 0 : i32
      %dma_wait3A_283 = arith.constant 0 : i32
      %dma_wait3A_284 = tpu.memref_slice %arg8[%run_scoped3A_77, %dma_wait3A_282, %dma_wait3A_283] : memref<5x40x128xf32, #tpu.memory_space<vmem>> -> memref<1x40x128xf32, #tpu.memory_space<vmem>>
      %dma_wait3A_285 = tpu.memref_squeeze %dma_wait3A_284 : memref<1x40x128xf32, #tpu.memory_space<vmem>> -> memref<40x128xf32, #tpu.memory_space<vmem>>
      tpu.wait_dma2 semaphore(%run_scoped3A_261 : memref<!tpu.dma_semaphore, #tpu.memory_space<semaphore_mem>>) src(%dma_wait3A_285 : memref<40x128xf32, #tpu.memory_space<vmem>>) dst(%dma_wait3A_281 : memref<40x128xf32, #tpu.memory_space<vmem_shared>>)
      tpu.yield
    }) : () -> ()
    %mul3A_78 = arith.constant 640 : i32
    %mul3A_79 = arith.muli %arg1, %mul3A_78 : i32
    %add3A_80 = arith.constant 440 : i32
    %add3A_81 = arith.addi %mul3A_79, %add3A_80 : i32
    %run_scoped3A_82 = arith.constant 0 : i32
    "tpu.region"() ({
      %run_scoped3A_261 = tpu.sem_alloc : memref<!tpu.dma_semaphore, #tpu.memory_space<semaphore_mem>>
      %dma_start3A_262 = arith.constant 0 : i32
      %dma_start3A_263 = arith.constant 0 : i32
      %dma_start3A_264 = tpu.memref_slice %arg8[%run_scoped3A_82, %dma_start3A_262, %dma_start3A_263] : memref<5x40x128xf32, #tpu.memory_space<vmem>> -> memref<1x40x128xf32, #tpu.memory_space<vmem>>
      %dma_start3A_265 = tpu.memref_squeeze %dma_start3A_264 : memref<1x40x128xf32, #tpu.memory_space<vmem>> -> memref<40x128xf32, #tpu.memory_space<vmem>>
      %dma_start3A_266 = arith.constant 0 : i32
      %dma_start3A_267 = tpu.memref_slice %arg9[%add3A_81, %dma_start3A_266] : memref<10240x128xf32, #tpu.memory_space<vmem_shared>> -> memref<40x128xf32, #tpu.memory_space<vmem_shared>>
      %dma_start3A_268 = arith.constant 0 : i32
      %dma_start3A_269 = tpu.memref_slice %arg9[%add3A_81, %dma_start3A_268] : memref<10240x128xf32, #tpu.memory_space<vmem_shared>> -> memref<40x128xf32, #tpu.memory_space<vmem_shared>>
      %dma_start3A_270 = arith.constant 0 : i32
      %dma_start3A_271 = arith.constant 0 : i32
      %dma_start3A_272 = tpu.memref_slice %arg8[%run_scoped3A_82, %dma_start3A_270, %dma_start3A_271] : memref<5x40x128xf32, #tpu.memory_space<vmem>> -> memref<1x40x128xf32, #tpu.memory_space<vmem>>
      %dma_start3A_273 = tpu.memref_squeeze %dma_start3A_272 : memref<1x40x128xf32, #tpu.memory_space<vmem>> -> memref<40x128xf32, #tpu.memory_space<vmem>>
      tpu.enqueue_dma source(%dma_start3A_273 : memref<40x128xf32, #tpu.memory_space<vmem>>) target(%dma_start3A_269 : memref<40x128xf32, #tpu.memory_space<vmem_shared>>) target_semaphore(%run_scoped3A_261 : memref<!tpu.dma_semaphore, #tpu.memory_space<semaphore_mem>>)
      %dma_wait3A_274 = arith.constant 0 : i32
      %dma_wait3A_275 = arith.constant 0 : i32
      %dma_wait3A_276 = tpu.memref_slice %arg8[%run_scoped3A_82, %dma_wait3A_274, %dma_wait3A_275] : memref<5x40x128xf32, #tpu.memory_space<vmem>> -> memref<1x40x128xf32, #tpu.memory_space<vmem>>
      %dma_wait3A_277 = tpu.memref_squeeze %dma_wait3A_276 : memref<1x40x128xf32, #tpu.memory_space<vmem>> -> memref<40x128xf32, #tpu.memory_space<vmem>>
      %dma_wait3A_278 = arith.constant 0 : i32
      %dma_wait3A_279 = tpu.memref_slice %arg9[%add3A_81, %dma_wait3A_278] : memref<10240x128xf32, #tpu.memory_space<vmem_shared>> -> memref<40x128xf32, #tpu.memory_space<vmem_shared>>
      %dma_wait3A_280 = arith.constant 0 : i32
      %dma_wait3A_281 = tpu.memref_slice %arg9[%add3A_81, %dma_wait3A_280] : memref<10240x128xf32, #tpu.memory_space<vmem_shared>> -> memref<40x128xf32, #tpu.memory_space<vmem_shared>>
      %dma_wait3A_282 = arith.constant 0 : i32
      %dma_wait3A_283 = arith.constant 0 : i32
      %dma_wait3A_284 = tpu.memref_slice %arg8[%run_scoped3A_82, %dma_wait3A_282, %dma_wait3A_283] : memref<5x40x128xf32, #tpu.memory_space<vmem>> -> memref<1x40x128xf32, #tpu.memory_space<vmem>>
      %dma_wait3A_285 = tpu.memref_squeeze %dma_wait3A_284 : memref<1x40x128xf32, #tpu.memory_space<vmem>> -> memref<40x128xf32, #tpu.memory_space<vmem>>
      tpu.wait_dma2 semaphore(%run_scoped3A_261 : memref<!tpu.dma_semaphore, #tpu.memory_space<semaphore_mem>>) src(%dma_wait3A_285 : memref<40x128xf32, #tpu.memory_space<vmem>>) dst(%dma_wait3A_281 : memref<40x128xf32, #tpu.memory_space<vmem_shared>>)
      tpu.yield
    }) : () -> ()
    %mul3A_83 = arith.constant 640 : i32
    %mul3A_84 = arith.muli %arg1, %mul3A_83 : i32
    %add3A_85 = arith.constant 480 : i32
    %add3A_86 = arith.addi %mul3A_84, %add3A_85 : i32
    %run_scoped3A_87 = arith.constant 0 : i32
    "tpu.region"() ({
      %run_scoped3A_261 = tpu.sem_alloc : memref<!tpu.dma_semaphore, #tpu.memory_space<semaphore_mem>>
      %dma_start3A_262 = arith.constant 0 : i32
      %dma_start3A_263 = arith.constant 0 : i32
      %dma_start3A_264 = tpu.memref_slice %arg8[%run_scoped3A_87, %dma_start3A_262, %dma_start3A_263] : memref<5x40x128xf32, #tpu.memory_space<vmem>> -> memref<1x40x128xf32, #tpu.memory_space<vmem>>
      %dma_start3A_265 = tpu.memref_squeeze %dma_start3A_264 : memref<1x40x128xf32, #tpu.memory_space<vmem>> -> memref<40x128xf32, #tpu.memory_space<vmem>>
      %dma_start3A_266 = arith.constant 0 : i32
      %dma_start3A_267 = tpu.memref_slice %arg9[%add3A_86, %dma_start3A_266] : memref<10240x128xf32, #tpu.memory_space<vmem_shared>> -> memref<40x128xf32, #tpu.memory_space<vmem_shared>>
      %dma_start3A_268 = arith.constant 0 : i32
      %dma_start3A_269 = tpu.memref_slice %arg9[%add3A_86, %dma_start3A_268] : memref<10240x128xf32, #tpu.memory_space<vmem_shared>> -> memref<40x128xf32, #tpu.memory_space<vmem_shared>>
      %dma_start3A_270 = arith.constant 0 : i32
      %dma_start3A_271 = arith.constant 0 : i32
      %dma_start3A_272 = tpu.memref_slice %arg8[%run_scoped3A_87, %dma_start3A_270, %dma_start3A_271] : memref<5x40x128xf32, #tpu.memory_space<vmem>> -> memref<1x40x128xf32, #tpu.memory_space<vmem>>
      %dma_start3A_273 = tpu.memref_squeeze %dma_start3A_272 : memref<1x40x128xf32, #tpu.memory_space<vmem>> -> memref<40x128xf32, #tpu.memory_space<vmem>>
      tpu.enqueue_dma source(%dma_start3A_273 : memref<40x128xf32, #tpu.memory_space<vmem>>) target(%dma_start3A_269 : memref<40x128xf32, #tpu.memory_space<vmem_shared>>) target_semaphore(%run_scoped3A_261 : memref<!tpu.dma_semaphore, #tpu.memory_space<semaphore_mem>>)
      %dma_wait3A_274 = arith.constant 0 : i32
      %dma_wait3A_275 = arith.constant 0 : i32
      %dma_wait3A_276 = tpu.memref_slice %arg8[%run_scoped3A_87, %dma_wait3A_274, %dma_wait3A_275] : memref<5x40x128xf32, #tpu.memory_space<vmem>> -> memref<1x40x128xf32, #tpu.memory_space<vmem>>
      %dma_wait3A_277 = tpu.memref_squeeze %dma_wait3A_276 : memref<1x40x128xf32, #tpu.memory_space<vmem>> -> memref<40x128xf32, #tpu.memory_space<vmem>>
      %dma_wait3A_278 = arith.constant 0 : i32
      %dma_wait3A_279 = tpu.memref_slice %arg9[%add3A_86, %dma_wait3A_278] : memref<10240x128xf32, #tpu.memory_space<vmem_shared>> -> memref<40x128xf32, #tpu.memory_space<vmem_shared>>
      %dma_wait3A_280 = arith.constant 0 : i32
      %dma_wait3A_281 = tpu.memref_slice %arg9[%add3A_86, %dma_wait3A_280] : memref<10240x128xf32, #tpu.memory_space<vmem_shared>> -> memref<40x128xf32, #tpu.memory_space<vmem_shared>>
      %dma_wait3A_282 = arith.constant 0 : i32
      %dma_wait3A_283 = arith.constant 0 : i32
      %dma_wait3A_284 = tpu.memref_slice %arg8[%run_scoped3A_87, %dma_wait3A_282, %dma_wait3A_283] : memref<5x40x128xf32, #tpu.memory_space<vmem>> -> memref<1x40x128xf32, #tpu.memory_space<vmem>>
      %dma_wait3A_285 = tpu.memref_squeeze %dma_wait3A_284 : memref<1x40x128xf32, #tpu.memory_space<vmem>> -> memref<40x128xf32, #tpu.memory_space<vmem>>
      tpu.wait_dma2 semaphore(%run_scoped3A_261 : memref<!tpu.dma_semaphore, #tpu.memory_space<semaphore_mem>>) src(%dma_wait3A_285 : memref<40x128xf32, #tpu.memory_space<vmem>>) dst(%dma_wait3A_281 : memref<40x128xf32, #tpu.memory_space<vmem_shared>>)
      tpu.yield
    }) : () -> ()
    %mul3A_88 = arith.constant 640 : i32
    %mul3A_89 = arith.muli %arg1, %mul3A_88 : i32
    %add3A_90 = arith.constant 520 : i32
    %add3A_91 = arith.addi %mul3A_89, %add3A_90 : i32
    %run_scoped3A_92 = arith.constant 0 : i32
    "tpu.region"() ({
      %run_scoped3A_261 = tpu.sem_alloc : memref<!tpu.dma_semaphore, #tpu.memory_space<semaphore_mem>>
      %dma_start3A_262 = arith.constant 0 : i32
      %dma_start3A_263 = arith.constant 0 : i32
      %dma_start3A_264 = tpu.memref_slice %arg8[%run_scoped3A_92, %dma_start3A_262, %dma_start3A_263] : memref<5x40x128xf32, #tpu.memory_space<vmem>> -> memref<1x40x128xf32, #tpu.memory_space<vmem>>
      %dma_start3A_265 = tpu.memref_squeeze %dma_start3A_264 : memref<1x40x128xf32, #tpu.memory_space<vmem>> -> memref<40x128xf32, #tpu.memory_space<vmem>>
      %dma_start3A_266 = arith.constant 0 : i32
      %dma_start3A_267 = tpu.memref_slice %arg9[%add3A_91, %dma_start3A_266] : memref<10240x128xf32, #tpu.memory_space<vmem_shared>> -> memref<40x128xf32, #tpu.memory_space<vmem_shared>>
      %dma_start3A_268 = arith.constant 0 : i32
      %dma_start3A_269 = tpu.memref_slice %arg9[%add3A_91, %dma_start3A_268] : memref<10240x128xf32, #tpu.memory_space<vmem_shared>> -> memref<40x128xf32, #tpu.memory_space<vmem_shared>>
      %dma_start3A_270 = arith.constant 0 : i32
      %dma_start3A_271 = arith.constant 0 : i32
      %dma_start3A_272 = tpu.memref_slice %arg8[%run_scoped3A_92, %dma_start3A_270, %dma_start3A_271] : memref<5x40x128xf32, #tpu.memory_space<vmem>> -> memref<1x40x128xf32, #tpu.memory_space<vmem>>
      %dma_start3A_273 = tpu.memref_squeeze %dma_start3A_272 : memref<1x40x128xf32, #tpu.memory_space<vmem>> -> memref<40x128xf32, #tpu.memory_space<vmem>>
      tpu.enqueue_dma source(%dma_start3A_273 : memref<40x128xf32, #tpu.memory_space<vmem>>) target(%dma_start3A_269 : memref<40x128xf32, #tpu.memory_space<vmem_shared>>) target_semaphore(%run_scoped3A_261 : memref<!tpu.dma_semaphore, #tpu.memory_space<semaphore_mem>>)
      %dma_wait3A_274 = arith.constant 0 : i32
      %dma_wait3A_275 = arith.constant 0 : i32
      %dma_wait3A_276 = tpu.memref_slice %arg8[%run_scoped3A_92, %dma_wait3A_274, %dma_wait3A_275] : memref<5x40x128xf32, #tpu.memory_space<vmem>> -> memref<1x40x128xf32, #tpu.memory_space<vmem>>
      %dma_wait3A_277 = tpu.memref_squeeze %dma_wait3A_276 : memref<1x40x128xf32, #tpu.memory_space<vmem>> -> memref<40x128xf32, #tpu.memory_space<vmem>>
      %dma_wait3A_278 = arith.constant 0 : i32
      %dma_wait3A_279 = tpu.memref_slice %arg9[%add3A_91, %dma_wait3A_278] : memref<10240x128xf32, #tpu.memory_space<vmem_shared>> -> memref<40x128xf32, #tpu.memory_space<vmem_shared>>
      %dma_wait3A_280 = arith.constant 0 : i32
      %dma_wait3A_281 = tpu.memref_slice %arg9[%add3A_91, %dma_wait3A_280] : memref<10240x128xf32, #tpu.memory_space<vmem_shared>> -> memref<40x128xf32, #tpu.memory_space<vmem_shared>>
      %dma_wait3A_282 = arith.constant 0 : i32
      %dma_wait3A_283 = arith.constant 0 : i32
      %dma_wait3A_284 = tpu.memref_slice %arg8[%run_scoped3A_92, %dma_wait3A_282, %dma_wait3A_283] : memref<5x40x128xf32, #tpu.memory_space<vmem>> -> memref<1x40x128xf32, #tpu.memory_space<vmem>>
      %dma_wait3A_285 = tpu.memref_squeeze %dma_wait3A_284 : memref<1x40x128xf32, #tpu.memory_space<vmem>> -> memref<40x128xf32, #tpu.memory_space<vmem>>
      tpu.wait_dma2 semaphore(%run_scoped3A_261 : memref<!tpu.dma_semaphore, #tpu.memory_space<semaphore_mem>>) src(%dma_wait3A_285 : memref<40x128xf32, #tpu.memory_space<vmem>>) dst(%dma_wait3A_281 : memref<40x128xf32, #tpu.memory_space<vmem_shared>>)
      tpu.yield
    }) : () -> ()
    %mul3A_93 = arith.constant 640 : i32
    %mul3A_94 = arith.muli %arg1, %mul3A_93 : i32
    %add3A_95 = arith.constant 560 : i32
    %add3A_96 = arith.addi %mul3A_94, %add3A_95 : i32
    %run_scoped3A_97 = arith.constant 0 : i32
    "tpu.region"() ({
      %run_scoped3A_261 = tpu.sem_alloc : memref<!tpu.dma_semaphore, #tpu.memory_space<semaphore_mem>>
      %dma_start3A_262 = arith.constant 0 : i32
      %dma_start3A_263 = arith.constant 0 : i32
      %dma_start3A_264 = tpu.memref_slice %arg8[%run_scoped3A_97, %dma_start3A_262, %dma_start3A_263] : memref<5x40x128xf32, #tpu.memory_space<vmem>> -> memref<1x40x128xf32, #tpu.memory_space<vmem>>
      %dma_start3A_265 = tpu.memref_squeeze %dma_start3A_264 : memref<1x40x128xf32, #tpu.memory_space<vmem>> -> memref<40x128xf32, #tpu.memory_space<vmem>>
      %dma_start3A_266 = arith.constant 0 : i32
      %dma_start3A_267 = tpu.memref_slice %arg9[%add3A_96, %dma_start3A_266] : memref<10240x128xf32, #tpu.memory_space<vmem_shared>> -> memref<40x128xf32, #tpu.memory_space<vmem_shared>>
      %dma_start3A_268 = arith.constant 0 : i32
      %dma_start3A_269 = tpu.memref_slice %arg9[%add3A_96, %dma_start3A_268] : memref<10240x128xf32, #tpu.memory_space<vmem_shared>> -> memref<40x128xf32, #tpu.memory_space<vmem_shared>>
      %dma_start3A_270 = arith.constant 0 : i32
      %dma_start3A_271 = arith.constant 0 : i32
      %dma_start3A_272 = tpu.memref_slice %arg8[%run_scoped3A_97, %dma_start3A_270, %dma_start3A_271] : memref<5x40x128xf32, #tpu.memory_space<vmem>> -> memref<1x40x128xf32, #tpu.memory_space<vmem>>
      %dma_start3A_273 = tpu.memref_squeeze %dma_start3A_272 : memref<1x40x128xf32, #tpu.memory_space<vmem>> -> memref<40x128xf32, #tpu.memory_space<vmem>>
      tpu.enqueue_dma source(%dma_start3A_273 : memref<40x128xf32, #tpu.memory_space<vmem>>) target(%dma_start3A_269 : memref<40x128xf32, #tpu.memory_space<vmem_shared>>) target_semaphore(%run_scoped3A_261 : memref<!tpu.dma_semaphore, #tpu.memory_space<semaphore_mem>>)
      %dma_wait3A_274 = arith.constant 0 : i32
      %dma_wait3A_275 = arith.constant 0 : i32
      %dma_wait3A_276 = tpu.memref_slice %arg8[%run_scoped3A_97, %dma_wait3A_274, %dma_wait3A_275] : memref<5x40x128xf32, #tpu.memory_space<vmem>> -> memref<1x40x128xf32, #tpu.memory_space<vmem>>
      %dma_wait3A_277 = tpu.memref_squeeze %dma_wait3A_276 : memref<1x40x128xf32, #tpu.memory_space<vmem>> -> memref<40x128xf32, #tpu.memory_space<vmem>>
      %dma_wait3A_278 = arith.constant 0 : i32
      %dma_wait3A_279 = tpu.memref_slice %arg9[%add3A_96, %dma_wait3A_278] : memref<10240x128xf32, #tpu.memory_space<vmem_shared>> -> memref<40x128xf32, #tpu.memory_space<vmem_shared>>
      %dma_wait3A_280 = arith.constant 0 : i32
      %dma_wait3A_281 = tpu.memref_slice %arg9[%add3A_96, %dma_wait3A_280] : memref<10240x128xf32, #tpu.memory_space<vmem_shared>> -> memref<40x128xf32, #tpu.memory_space<vmem_shared>>
      %dma_wait3A_282 = arith.constant 0 : i32
      %dma_wait3A_283 = arith.constant 0 : i32
      %dma_wait3A_284 = tpu.memref_slice %arg8[%run_scoped3A_97, %dma_wait3A_282, %dma_wait3A_283] : memref<5x40x128xf32, #tpu.memory_space<vmem>> -> memref<1x40x128xf32, #tpu.memory_space<vmem>>
      %dma_wait3A_285 = tpu.memref_squeeze %dma_wait3A_284 : memref<1x40x128xf32, #tpu.memory_space<vmem>> -> memref<40x128xf32, #tpu.memory_space<vmem>>
      tpu.wait_dma2 semaphore(%run_scoped3A_261 : memref<!tpu.dma_semaphore, #tpu.memory_space<semaphore_mem>>) src(%dma_wait3A_285 : memref<40x128xf32, #tpu.memory_space<vmem>>) dst(%dma_wait3A_281 : memref<40x128xf32, #tpu.memory_space<vmem_shared>>)
      tpu.yield
    }) : () -> ()
    %mul3A_98 = arith.constant 640 : i32
    %mul3A_99 = arith.muli %arg1, %mul3A_98 : i32
    %add3A_100 = arith.constant 600 : i32
    %add3A_101 = arith.addi %mul3A_99, %add3A_100 : i32
    %run_scoped3A_102 = arith.constant 0 : i32
    "tpu.region"() ({
      %run_scoped3A_261 = tpu.sem_alloc : memref<!tpu.dma_semaphore, #tpu.memory_space<semaphore_mem>>
      %dma_start3A_262 = arith.constant 0 : i32
      %dma_start3A_263 = arith.constant 0 : i32
      %dma_start3A_264 = tpu.memref_slice %arg8[%run_scoped3A_102, %dma_start3A_262, %dma_start3A_263] : memref<5x40x128xf32, #tpu.memory_space<vmem>> -> memref<1x40x128xf32, #tpu.memory_space<vmem>>
      %dma_start3A_265 = tpu.memref_squeeze %dma_start3A_264 : memref<1x40x128xf32, #tpu.memory_space<vmem>> -> memref<40x128xf32, #tpu.memory_space<vmem>>
      %dma_start3A_266 = arith.constant 0 : i32
      %dma_start3A_267 = tpu.memref_slice %arg9[%add3A_101, %dma_start3A_266] : memref<10240x128xf32, #tpu.memory_space<vmem_shared>> -> memref<40x128xf32, #tpu.memory_space<vmem_shared>>
      %dma_start3A_268 = arith.constant 0 : i32
      %dma_start3A_269 = tpu.memref_slice %arg9[%add3A_101, %dma_start3A_268] : memref<10240x128xf32, #tpu.memory_space<vmem_shared>> -> memref<40x128xf32, #tpu.memory_space<vmem_shared>>
      %dma_start3A_270 = arith.constant 0 : i32
      %dma_start3A_271 = arith.constant 0 : i32
      %dma_start3A_272 = tpu.memref_slice %arg8[%run_scoped3A_102, %dma_start3A_270, %dma_start3A_271] : memref<5x40x128xf32, #tpu.memory_space<vmem>> -> memref<1x40x128xf32, #tpu.memory_space<vmem>>
      %dma_start3A_273 = tpu.memref_squeeze %dma_start3A_272 : memref<1x40x128xf32, #tpu.memory_space<vmem>> -> memref<40x128xf32, #tpu.memory_space<vmem>>
      tpu.enqueue_dma source(%dma_start3A_273 : memref<40x128xf32, #tpu.memory_space<vmem>>) target(%dma_start3A_269 : memref<40x128xf32, #tpu.memory_space<vmem_shared>>) target_semaphore(%run_scoped3A_261 : memref<!tpu.dma_semaphore, #tpu.memory_space<semaphore_mem>>)
      %dma_wait3A_274 = arith.constant 0 : i32
      %dma_wait3A_275 = arith.constant 0 : i32
      %dma_wait3A_276 = tpu.memref_slice %arg8[%run_scoped3A_102, %dma_wait3A_274, %dma_wait3A_275] : memref<5x40x128xf32, #tpu.memory_space<vmem>> -> memref<1x40x128xf32, #tpu.memory_space<vmem>>
      %dma_wait3A_277 = tpu.memref_squeeze %dma_wait3A_276 : memref<1x40x128xf32, #tpu.memory_space<vmem>> -> memref<40x128xf32, #tpu.memory_space<vmem>>
      %dma_wait3A_278 = arith.constant 0 : i32
      %dma_wait3A_279 = tpu.memref_slice %arg9[%add3A_101, %dma_wait3A_278] : memref<10240x128xf32, #tpu.memory_space<vmem_shared>> -> memref<40x128xf32, #tpu.memory_space<vmem_shared>>
      %dma_wait3A_280 = arith.constant 0 : i32
      %dma_wait3A_281 = tpu.memref_slice %arg9[%add3A_101, %dma_wait3A_280] : memref<10240x128xf32, #tpu.memory_space<vmem_shared>> -> memref<40x128xf32, #tpu.memory_space<vmem_shared>>
      %dma_wait3A_282 = arith.constant 0 : i32
      %dma_wait3A_283 = arith.constant 0 : i32
      %dma_wait3A_284 = tpu.memref_slice %arg8[%run_scoped3A_102, %dma_wait3A_282, %dma_wait3A_283] : memref<5x40x128xf32, #tpu.memory_space<vmem>> -> memref<1x40x128xf32, #tpu.memory_space<vmem>>
      %dma_wait3A_285 = tpu.memref_squeeze %dma_wait3A_284 : memref<1x40x128xf32, #tpu.memory_space<vmem>> -> memref<40x128xf32, #tpu.memory_space<vmem>>
      tpu.wait_dma2 semaphore(%run_scoped3A_261 : memref<!tpu.dma_semaphore, #tpu.memory_space<semaphore_mem>>) src(%dma_wait3A_285 : memref<40x128xf32, #tpu.memory_space<vmem>>) dst(%dma_wait3A_281 : memref<40x128xf32, #tpu.memory_space<vmem_shared>>)
      tpu.yield
    }) : () -> ()
    %dma_wait3A = arith.constant 0 : i32
    %dma_wait3A_103 = arith.constant 0 : i32
    %dma_wait3A_104 = tpu.memref_slice %arg3[%add3A, %dma_wait3A_103] : memref<32x10000xi32, #tpu.memory_space<hbm>> -> memref<1x10000xi32, #tpu.memory_space<hbm>>
    %dma_wait3A_105 = tpu.memref_squeeze %dma_wait3A_104 : memref<1x10000xi32, #tpu.memory_space<hbm>> -> memref<10000xi32, #tpu.memory_space<hbm>>
    %dma_wait3A_106 = tpu.memref_slice %arg10[%dma_wait3A] : memref<5x!tpu.dma_semaphore, #tpu.memory_space<semaphore_mem>> -> memref<1x!tpu.dma_semaphore, #tpu.memory_space<semaphore_mem>>
    %dma_wait3A_107 = tpu.memref_squeeze %dma_wait3A_106 : memref<1x!tpu.dma_semaphore, #tpu.memory_space<semaphore_mem>> -> memref<!tpu.dma_semaphore, #tpu.memory_space<semaphore_mem>>
    %dma_wait3A_108 = arith.constant 0 : i32
    %dma_wait3A_109 = tpu.memref_slice %arg3[%add3A, %dma_wait3A_108] : memref<32x10000xi32, #tpu.memory_space<hbm>> -> memref<1x10000xi32, #tpu.memory_space<hbm>>
    %dma_wait3A_110 = tpu.memref_squeeze %dma_wait3A_109 : memref<1x10000xi32, #tpu.memory_space<hbm>> -> memref<10000xi32, #tpu.memory_space<hbm>>
    tpu.wait_dma2 semaphore(%dma_wait3A_107 : memref<!tpu.dma_semaphore, #tpu.memory_space<semaphore_mem>>) src(%dma_wait3A_110 : memref<10000xi32, #tpu.memory_space<hbm>>) dst(%arg6 : memref<10000xi32, #tpu.memory_space<vmem>>)
    %dma_wait3A_111 = arith.constant 1 : i32
    %dma_wait3A_112 = arith.constant 0 : i32
    %dma_wait3A_113 = tpu.memref_slice %arg4[%add3A, %dma_wait3A_112] : memref<32x10000xi32, #tpu.memory_space<hbm>> -> memref<1x10000xi32, #tpu.memory_space<hbm>>
    %dma_wait3A_114 = tpu.memref_squeeze %dma_wait3A_113 : memref<1x10000xi32, #tpu.memory_space<hbm>> -> memref<10000xi32, #tpu.memory_space<hbm>>
    %dma_wait3A_115 = tpu.memref_slice %arg10[%dma_wait3A_111] : memref<5x!tpu.dma_semaphore, #tpu.memory_space<semaphore_mem>> -> memref<1x!tpu.dma_semaphore, #tpu.memory_space<semaphore_mem>>
    %dma_wait3A_116 = tpu.memref_squeeze %dma_wait3A_115 : memref<1x!tpu.dma_semaphore, #tpu.memory_space<semaphore_mem>> -> memref<!tpu.dma_semaphore, #tpu.memory_space<semaphore_mem>>
    %dma_wait3A_117 = arith.constant 0 : i32
    %dma_wait3A_118 = tpu.memref_slice %arg4[%add3A, %dma_wait3A_117] : memref<32x10000xi32, #tpu.memory_space<hbm>> -> memref<1x10000xi32, #tpu.memory_space<hbm>>
    %dma_wait3A_119 = tpu.memref_squeeze %dma_wait3A_118 : memref<1x10000xi32, #tpu.memory_space<hbm>> -> memref<10000xi32, #tpu.memory_space<hbm>>
    tpu.wait_dma2 semaphore(%dma_wait3A_116 : memref<!tpu.dma_semaphore, #tpu.memory_space<semaphore_mem>>) src(%dma_wait3A_119 : memref<10000xi32, #tpu.memory_space<hbm>>) dst(%arg7 : memref<10000xi32, #tpu.memory_space<vmem>>)
    %barrier3A = arith.constant 0 : index
    tpu.barrier barrier_id(%barrier3A)
    %dma_start3A_120 = arith.constant 0 : i32
    %dma_start3A_121 = arith.constant 0 : i32
    %dma_start3A_122 = arith.constant 0 : i32
    %dma_start3A_123 = arith.constant 0 : i32
    %dma_start3A_124 = tpu.memref_slice %arg8[%dma_start3A_120, %dma_start3A_122, %dma_start3A_123] : memref<5x40x128xf32, #tpu.memory_space<vmem>> -> memref<1x40x128xf32, #tpu.memory_space<vmem>>
    %dma_start3A_125 = tpu.memref_squeeze %dma_start3A_124 : memref<1x40x128xf32, #tpu.memory_space<vmem>> -> memref<40x128xf32, #tpu.memory_space<vmem>>
    %dma_start3A_126 = arith.constant 0 : i32
    %dma_start3A_127 = tpu.memref_slice %arg6[%dma_start3A_126] : memref<10000xi32, #tpu.memory_space<vmem>> -> memref<40xi32, #tpu.memory_space<vmem>>
    %dma_start3A_128 = arith.constant 0 : i32
    %dma_start3A_129 = arith.constant 0 : i32
    %dma_start3A_130 = tpu.memref_slice %arg2[%dma_start3A_128, %dma_start3A_129] : memref<10000x128xf32, #tpu.memory_space<hbm>> -> memref<10000x128xf32, #tpu.memory_space<hbm>>
    %dma_start3A_131 = tpu.memref_slice %arg10[%dma_start3A_121] : memref<5x!tpu.dma_semaphore, #tpu.memory_space<semaphore_mem>> -> memref<1x!tpu.dma_semaphore, #tpu.memory_space<semaphore_mem>>
    %dma_start3A_132 = tpu.memref_squeeze %dma_start3A_131 : memref<1x!tpu.dma_semaphore, #tpu.memory_space<semaphore_mem>> -> memref<!tpu.dma_semaphore, #tpu.memory_space<semaphore_mem>>
    tpu.enqueue_indirect_dma source(%dma_start3A_130 : memref<10000x128xf32, #tpu.memory_space<hbm>>) target(%dma_start3A_125 : memref<40x128xf32, #tpu.memory_space<vmem>>) offsets(%dma_start3A_127 : memref<40xi32, #tpu.memory_space<vmem>>) semaphore(%dma_start3A_132 : memref<!tpu.dma_semaphore, #tpu.memory_space<semaphore_mem>>)
    %dma_start3A_133 = arith.constant 1 : i32
    %dma_start3A_134 = arith.constant 1 : i32
    %dma_start3A_135 = arith.constant 0 : i32
    %dma_start3A_136 = arith.constant 0 : i32
    %dma_start3A_137 = tpu.memref_slice %arg8[%dma_start3A_133, %dma_start3A_135, %dma_start3A_136] : memref<5x40x128xf32, #tpu.memory_space<vmem>> -> memref<1x40x128xf32, #tpu.memory_space<vmem>>
    %dma_start3A_138 = tpu.memref_squeeze %dma_start3A_137 : memref<1x40x128xf32, #tpu.memory_space<vmem>> -> memref<40x128xf32, #tpu.memory_space<vmem>>
    %dma_start3A_139 = arith.constant 40 : i32
    %dma_start3A_140 = tpu.memref_slice %arg6[%dma_start3A_139] : memref<10000xi32, #tpu.memory_space<vmem>> -> memref<40xi32, #tpu.memory_space<vmem>>
    %dma_start3A_141 = arith.constant 0 : i32
    %dma_start3A_142 = arith.constant 0 : i32
    %dma_start3A_143 = tpu.memref_slice %arg2[%dma_start3A_141, %dma_start3A_142] : memref<10000x128xf32, #tpu.memory_space<hbm>> -> memref<10000x128xf32, #tpu.memory_space<hbm>>
    %dma_start3A_144 = tpu.memref_slice %arg10[%dma_start3A_134] : memref<5x!tpu.dma_semaphore, #tpu.memory_space<semaphore_mem>> -> memref<1x!tpu.dma_semaphore, #tpu.memory_space<semaphore_mem>>
    %dma_start3A_145 = tpu.memref_squeeze %dma_start3A_144 : memref<1x!tpu.dma_semaphore, #tpu.memory_space<semaphore_mem>> -> memref<!tpu.dma_semaphore, #tpu.memory_space<semaphore_mem>>
    tpu.enqueue_indirect_dma source(%dma_start3A_143 : memref<10000x128xf32, #tpu.memory_space<hbm>>) target(%dma_start3A_138 : memref<40x128xf32, #tpu.memory_space<vmem>>) offsets(%dma_start3A_140 : memref<40xi32, #tpu.memory_space<vmem>>) semaphore(%dma_start3A_145 : memref<!tpu.dma_semaphore, #tpu.memory_space<semaphore_mem>>)
    %dma_start3A_146 = arith.constant 2 : i32
    %dma_start3A_147 = arith.constant 2 : i32
    %dma_start3A_148 = arith.constant 0 : i32
    %dma_start3A_149 = arith.constant 0 : i32
    %dma_start3A_150 = tpu.memref_slice %arg8[%dma_start3A_146, %dma_start3A_148, %dma_start3A_149] : memref<5x40x128xf32, #tpu.memory_space<vmem>> -> memref<1x40x128xf32, #tpu.memory_space<vmem>>
    %dma_start3A_151 = tpu.memref_squeeze %dma_start3A_150 : memref<1x40x128xf32, #tpu.memory_space<vmem>> -> memref<40x128xf32, #tpu.memory_space<vmem>>
    %dma_start3A_152 = arith.constant 80 : i32
    %dma_start3A_153 = tpu.memref_slice %arg6[%dma_start3A_152] : memref<10000xi32, #tpu.memory_space<vmem>> -> memref<40xi32, #tpu.memory_space<vmem>>
    %dma_start3A_154 = arith.constant 0 : i32
    %dma_start3A_155 = arith.constant 0 : i32
    %dma_start3A_156 = tpu.memref_slice %arg2[%dma_start3A_154, %dma_start3A_155] : memref<10000x128xf32, #tpu.memory_space<hbm>> -> memref<10000x128xf32, #tpu.memory_space<hbm>>
    %dma_start3A_157 = tpu.memref_slice %arg10[%dma_start3A_147] : memref<5x!tpu.dma_semaphore, #tpu.memory_space<semaphore_mem>> -> memref<1x!tpu.dma_semaphore, #tpu.memory_space<semaphore_mem>>
    %dma_start3A_158 = tpu.memref_squeeze %dma_start3A_157 : memref<1x!tpu.dma_semaphore, #tpu.memory_space<semaphore_mem>> -> memref<!tpu.dma_semaphore, #tpu.memory_space<semaphore_mem>>
    tpu.enqueue_indirect_dma source(%dma_start3A_156 : memref<10000x128xf32, #tpu.memory_space<hbm>>) target(%dma_start3A_151 : memref<40x128xf32, #tpu.memory_space<vmem>>) offsets(%dma_start3A_153 : memref<40xi32, #tpu.memory_space<vmem>>) semaphore(%dma_start3A_158 : memref<!tpu.dma_semaphore, #tpu.memory_space<semaphore_mem>>)
    %dma_start3A_159 = arith.constant 3 : i32
    %dma_start3A_160 = arith.constant 3 : i32
    %dma_start3A_161 = arith.constant 0 : i32
    %dma_start3A_162 = arith.constant 0 : i32
    %dma_start3A_163 = tpu.memref_slice %arg8[%dma_start3A_159, %dma_start3A_161, %dma_start3A_162] : memref<5x40x128xf32, #tpu.memory_space<vmem>> -> memref<1x40x128xf32, #tpu.memory_space<vmem>>
    %dma_start3A_164 = tpu.memref_squeeze %dma_start3A_163 : memref<1x40x128xf32, #tpu.memory_space<vmem>> -> memref<40x128xf32, #tpu.memory_space<vmem>>
    %dma_start3A_165 = arith.constant 120 : i32
    %dma_start3A_166 = tpu.memref_slice %arg6[%dma_start3A_165] : memref<10000xi32, #tpu.memory_space<vmem>> -> memref<40xi32, #tpu.memory_space<vmem>>
    %dma_start3A_167 = arith.constant 0 : i32
    %dma_start3A_168 = arith.constant 0 : i32
    %dma_start3A_169 = tpu.memref_slice %arg2[%dma_start3A_167, %dma_start3A_168] : memref<10000x128xf32, #tpu.memory_space<hbm>> -> memref<10000x128xf32, #tpu.memory_space<hbm>>
    %dma_start3A_170 = tpu.memref_slice %arg10[%dma_start3A_160] : memref<5x!tpu.dma_semaphore, #tpu.memory_space<semaphore_mem>> -> memref<1x!tpu.dma_semaphore, #tpu.memory_space<semaphore_mem>>
    %dma_start3A_171 = tpu.memref_squeeze %dma_start3A_170 : memref<1x!tpu.dma_semaphore, #tpu.memory_space<semaphore_mem>> -> memref<!tpu.dma_semaphore, #tpu.memory_space<semaphore_mem>>
    tpu.enqueue_indirect_dma source(%dma_start3A_169 : memref<10000x128xf32, #tpu.memory_space<hbm>>) target(%dma_start3A_164 : memref<40x128xf32, #tpu.memory_space<vmem>>) offsets(%dma_start3A_166 : memref<40xi32, #tpu.memory_space<vmem>>) semaphore(%dma_start3A_171 : memref<!tpu.dma_semaphore, #tpu.memory_space<semaphore_mem>>)
    %dma_start3A_172 = arith.constant 4 : i32
    %dma_start3A_173 = arith.constant 4 : i32
    %dma_start3A_174 = arith.constant 0 : i32
    %dma_start3A_175 = arith.constant 0 : i32
    %dma_start3A_176 = tpu.memref_slice %arg8[%dma_start3A_172, %dma_start3A_174, %dma_start3A_175] : memref<5x40x128xf32, #tpu.memory_space<vmem>> -> memref<1x40x128xf32, #tpu.memory_space<vmem>>
    %dma_start3A_177 = tpu.memref_squeeze %dma_start3A_176 : memref<1x40x128xf32, #tpu.memory_space<vmem>> -> memref<40x128xf32, #tpu.memory_space<vmem>>
    %dma_start3A_178 = arith.constant 160 : i32
    %dma_start3A_179 = tpu.memref_slice %arg6[%dma_start3A_178] : memref<10000xi32, #tpu.memory_space<vmem>> -> memref<40xi32, #tpu.memory_space<vmem>>
    %dma_start3A_180 = arith.constant 0 : i32
    %dma_start3A_181 = arith.constant 0 : i32
    %dma_start3A_182 = tpu.memref_slice %arg2[%dma_start3A_180, %dma_start3A_181] : memref<10000x128xf32, #tpu.memory_space<hbm>> -> memref<10000x128xf32, #tpu.memory_space<hbm>>
    %dma_start3A_183 = tpu.memref_slice %arg10[%dma_start3A_173] : memref<5x!tpu.dma_semaphore, #tpu.memory_space<semaphore_mem>> -> memref<1x!tpu.dma_semaphore, #tpu.memory_space<semaphore_mem>>
    %dma_start3A_184 = tpu.memref_squeeze %dma_start3A_183 : memref<1x!tpu.dma_semaphore, #tpu.memory_space<semaphore_mem>> -> memref<!tpu.dma_semaphore, #tpu.memory_space<semaphore_mem>>
    tpu.enqueue_indirect_dma source(%dma_start3A_182 : memref<10000x128xf32, #tpu.memory_space<hbm>>) target(%dma_start3A_177 : memref<40x128xf32, #tpu.memory_space<vmem>>) offsets(%dma_start3A_179 : memref<40xi32, #tpu.memory_space<vmem>>) semaphore(%dma_start3A_184 : memref<!tpu.dma_semaphore, #tpu.memory_space<semaphore_mem>>)
    %scan3A_185 = arith.constant 0 : i32
    %scan3A_186 = arith.constant 0 : i32
    %scan3A_187 = arith.constant 50 : i32
    %scan3A_188 = arith.addi %scan3A_186, %scan3A_187 : i32
    %scan3A_189 = arith.constant 1 : i32
    scf.for %scan3A_261 = %scan3A_186 to %scan3A_188 step %scan3A_189  : i32 {
      %mul3A_262 = arith.constant 5 : i32
      %mul3A_263 = arith.muli %scan3A_261, %mul3A_262 : i32
      %add3A_264 = arith.constant 0 : i32
      %add3A_265 = arith.addi %mul3A_263, %add3A_264 : i32
      %mul3A_266 = arith.constant 40 : i32
      %mul3A_267 = arith.muli %add3A_265, %mul3A_266 : i32
      %dma_wait3A_268 = arith.constant 0 : i32
      %dma_wait3A_269 = arith.constant 0 : i32
      %dma_wait3A_270 = arith.constant 0 : i32
      %dma_wait3A_271 = arith.constant 0 : i32
      %dma_wait3A_272 = tpu.memref_slice %arg8[%dma_wait3A_268, %dma_wait3A_270, %dma_wait3A_271] : memref<5x40x128xf32, #tpu.memory_space<vmem>> -> memref<1x40x128xf32, #tpu.memory_space<vmem>>
      %dma_wait3A_273 = tpu.memref_squeeze %dma_wait3A_272 : memref<1x40x128xf32, #tpu.memory_space<vmem>> -> memref<40x128xf32, #tpu.memory_space<vmem>>
      %dma_wait3A_274 = tpu.memref_slice %arg6[%mul3A_267] : memref<10000xi32, #tpu.memory_space<vmem>> -> memref<40xi32, #tpu.memory_space<vmem>>
      %dma_wait3A_275 = arith.constant 0 : i32
      %dma_wait3A_276 = arith.constant 0 : i32
      %dma_wait3A_277 = tpu.memref_slice %arg2[%dma_wait3A_275, %dma_wait3A_276] : memref<10000x128xf32, #tpu.memory_space<hbm>> -> memref<10000x128xf32, #tpu.memory_space<hbm>>
      %dma_wait3A_278 = tpu.memref_slice %arg10[%dma_wait3A_269] : memref<5x!tpu.dma_semaphore, #tpu.memory_space<semaphore_mem>> -> memref<1x!tpu.dma_semaphore, #tpu.memory_space<semaphore_mem>>
      %dma_wait3A_279 = tpu.memref_squeeze %dma_wait3A_278 : memref<1x!tpu.dma_semaphore, #tpu.memory_space<semaphore_mem>> -> memref<!tpu.dma_semaphore, #tpu.memory_space<semaphore_mem>>
      tpu.wait_indirect_dma semaphore(%dma_wait3A_279 : memref<!tpu.dma_semaphore, #tpu.memory_space<semaphore_mem>>) src(%dma_wait3A_277 : memref<10000x128xf32, #tpu.memory_space<hbm>>) dst(%dma_wait3A_273 : memref<40x128xf32, #tpu.memory_space<vmem>>)
      %mul3A_280 = arith.constant 40 : i32
      %mul3A_281 = arith.muli %add3A_265, %mul3A_280 : i32
      %dma_start3A_282 = arith.constant 0 : i32
      %dma_start3A_283 = arith.constant 0 : i32
      %dma_start3A_284 = arith.constant 0 : i32
      %dma_start3A_285 = arith.constant 0 : i32
      %dma_start3A_286 = tpu.memref_slice %arg8[%dma_start3A_282, %dma_start3A_284, %dma_start3A_285] : memref<5x40x128xf32, #tpu.memory_space<vmem>> -> memref<1x40x128xf32, #tpu.memory_space<vmem>>
      %dma_start3A_287 = tpu.memref_squeeze %dma_start3A_286 : memref<1x40x128xf32, #tpu.memory_space<vmem>> -> memref<40x128xf32, #tpu.memory_space<vmem>>
      %dma_start3A_288 = tpu.memref_slice %arg7[%mul3A_281] : memref<10000xi32, #tpu.memory_space<vmem>> -> memref<40xi32, #tpu.memory_space<vmem>>
      %dma_start3A_289 = arith.constant 0 : i32
      %dma_start3A_290 = arith.constant 0 : i32
      %dma_start3A_291 = tpu.memref_slice %arg9[%dma_start3A_289, %dma_start3A_290] : memref<10240x128xf32, #tpu.memory_space<vmem_shared>> -> memref<10240x128xf32, #tpu.memory_space<vmem_shared>>
      %dma_start3A_292 = tpu.memref_slice %arg11[%dma_start3A_283] : memref<5x!tpu.dma_semaphore, #tpu.memory_space<semaphore_mem>> -> memref<1x!tpu.dma_semaphore, #tpu.memory_space<semaphore_mem>>
      %dma_start3A_293 = tpu.memref_squeeze %dma_start3A_292 : memref<1x!tpu.dma_semaphore, #tpu.memory_space<semaphore_mem>> -> memref<!tpu.dma_semaphore, #tpu.memory_space<semaphore_mem>>
      tpu.enqueue_indirect_dma source(%dma_start3A_287 : memref<40x128xf32, #tpu.memory_space<vmem>>) target(%dma_start3A_291 : memref<10240x128xf32, #tpu.memory_space<vmem_shared>>) offsets(%dma_start3A_288 : memref<40xi32, #tpu.memory_space<vmem>>) semaphore(%dma_start3A_293 : memref<!tpu.dma_semaphore, #tpu.memory_space<semaphore_mem>>) {add = true}
      %add3A_294 = arith.constant 5 : i32
      %add3A_295 = arith.addi %add3A_265, %add3A_294 : i32
      %sub3A = arith.constant 1 : i32
      %sub3A_296 = arith.subi %add3A_295, %sub3A : i32
      %ge3A = arith.constant 1 : i32
      %ge3A_297 = arith.cmpi sge, %add3A_265, %ge3A : i32
      %le3A = arith.constant 249 : i32
      %le3A_298 = arith.cmpi sle, %sub3A_296, %le3A : i32
      %and3A = arith.andi %ge3A_297, %le3A_298 : i1
      %convert_element_type3A = arith.extui %and3A : i1 to i32
      %cond3A = arith.constant 0 : i32
      %cond3A_299 = arith.cmpi ne, %convert_element_type3A, %cond3A : i32
      scf.if %cond3A_299 {
        %sub3A_476 = arith.constant 5 : i32
        %sub3A_477 = arith.subi %sub3A_296, %sub3A_476 : i32
        %mul3A_478 = arith.constant 40 : i32
        %mul3A_479 = arith.muli %sub3A_477, %mul3A_478 : i32
        %dma_wait3A_480 = arith.constant 4 : i32
        %dma_wait3A_481 = arith.constant 4 : i32
        %dma_wait3A_482 = arith.constant 0 : i32
        %dma_wait3A_483 = arith.constant 0 : i32
        %dma_wait3A_484 = tpu.memref_slice %arg8[%dma_wait3A_480, %dma_wait3A_482, %dma_wait3A_483] : memref<5x40x128xf32, #tpu.memory_space<vmem>> -> memref<1x40x128xf32, #tpu.memory_space<vmem>>
        %dma_wait3A_485 = tpu.memref_squeeze %dma_wait3A_484 : memref<1x40x128xf32, #tpu.memory_space<vmem>> -> memref<40x128xf32, #tpu.memory_space<vmem>>
        %dma_wait3A_486 = tpu.memref_slice %arg7[%mul3A_479] : memref<10000xi32, #tpu.memory_space<vmem>> -> memref<40xi32, #tpu.memory_space<vmem>>
        %dma_wait3A_487 = arith.constant 0 : i32
        %dma_wait3A_488 = arith.constant 0 : i32
        %dma_wait3A_489 = tpu.memref_slice %arg9[%dma_wait3A_487, %dma_wait3A_488] : memref<10240x128xf32, #tpu.memory_space<vmem_shared>> -> memref<10240x128xf32, #tpu.memory_space<vmem_shared>>
        %dma_wait3A_490 = tpu.memref_slice %arg11[%dma_wait3A_481] : memref<5x!tpu.dma_semaphore, #tpu.memory_space<semaphore_mem>> -> memref<1x!tpu.dma_semaphore, #tpu.memory_space<semaphore_mem>>
        %dma_wait3A_491 = tpu.memref_squeeze %dma_wait3A_490 : memref<1x!tpu.dma_semaphore, #tpu.memory_space<semaphore_mem>> -> memref<!tpu.dma_semaphore, #tpu.memory_space<semaphore_mem>>
        tpu.wait_indirect_dma semaphore(%dma_wait3A_491 : memref<!tpu.dma_semaphore, #tpu.memory_space<semaphore_mem>>) src(%dma_wait3A_485 : memref<40x128xf32, #tpu.memory_space<vmem>>) dst(%dma_wait3A_489 : memref<10240x128xf32, #tpu.memory_space<vmem_shared>>)
        %mul3A_492 = arith.constant 40 : i32
        %mul3A_493 = arith.muli %sub3A_296, %mul3A_492 : i32
        %dma_start3A_494 = arith.constant 4 : i32
        %dma_start3A_495 = arith.constant 4 : i32
        %dma_start3A_496 = arith.constant 0 : i32
        %dma_start3A_497 = arith.constant 0 : i32
        %dma_start3A_498 = tpu.memref_slice %arg8[%dma_start3A_494, %dma_start3A_496, %dma_start3A_497] : memref<5x40x128xf32, #tpu.memory_space<vmem>> -> memref<1x40x128xf32, #tpu.memory_space<vmem>>
        %dma_start3A_499 = tpu.memref_squeeze %dma_start3A_498 : memref<1x40x128xf32, #tpu.memory_space<vmem>> -> memref<40x128xf32, #tpu.memory_space<vmem>>
        %dma_start3A_500 = tpu.memref_slice %arg6[%mul3A_493] : memref<10000xi32, #tpu.memory_space<vmem>> -> memref<40xi32, #tpu.memory_space<vmem>>
        %dma_start3A_501 = arith.constant 0 : i32
        %dma_start3A_502 = arith.constant 0 : i32
        %dma_start3A_503 = tpu.memref_slice %arg2[%dma_start3A_501, %dma_start3A_502] : memref<10000x128xf32, #tpu.memory_space<hbm>> -> memref<10000x128xf32, #tpu.memory_space<hbm>>
        %dma_start3A_504 = tpu.memref_slice %arg10[%dma_start3A_495] : memref<5x!tpu.dma_semaphore, #tpu.memory_space<semaphore_mem>> -> memref<1x!tpu.dma_semaphore, #tpu.memory_space<semaphore_mem>>
        %dma_start3A_505 = tpu.memref_squeeze %dma_start3A_504 : memref<1x!tpu.dma_semaphore, #tpu.memory_space<semaphore_mem>> -> memref<!tpu.dma_semaphore, #tpu.memory_space<semaphore_mem>>
        tpu.enqueue_indirect_dma source(%dma_start3A_503 : memref<10000x128xf32, #tpu.memory_space<hbm>>) target(%dma_start3A_499 : memref<40x128xf32, #tpu.memory_space<vmem>>) offsets(%dma_start3A_500 : memref<40xi32, #tpu.memory_space<vmem>>) semaphore(%dma_start3A_505 : memref<!tpu.dma_semaphore, #tpu.memory_space<semaphore_mem>>)
      } else {
      }
      %mul3A_300 = arith.constant 5 : i32
      %mul3A_301 = arith.muli %scan3A_261, %mul3A_300 : i32
      %add3A_302 = arith.constant 1 : i32
      %add3A_303 = arith.addi %mul3A_301, %add3A_302 : i32
      %mul3A_304 = arith.constant 40 : i32
      %mul3A_305 = arith.muli %add3A_303, %mul3A_304 : i32
      %dma_wait3A_306 = arith.constant 1 : i32
      %dma_wait3A_307 = arith.constant 1 : i32
      %dma_wait3A_308 = arith.constant 0 : i32
      %dma_wait3A_309 = arith.constant 0 : i32
      %dma_wait3A_310 = tpu.memref_slice %arg8[%dma_wait3A_306, %dma_wait3A_308, %dma_wait3A_309] : memref<5x40x128xf32, #tpu.memory_space<vmem>> -> memref<1x40x128xf32, #tpu.memory_space<vmem>>
      %dma_wait3A_311 = tpu.memref_squeeze %dma_wait3A_310 : memref<1x40x128xf32, #tpu.memory_space<vmem>> -> memref<40x128xf32, #tpu.memory_space<vmem>>
      %dma_wait3A_312 = tpu.memref_slice %arg6[%mul3A_305] : memref<10000xi32, #tpu.memory_space<vmem>> -> memref<40xi32, #tpu.memory_space<vmem>>
      %dma_wait3A_313 = arith.constant 0 : i32
      %dma_wait3A_314 = arith.constant 0 : i32
      %dma_wait3A_315 = tpu.memref_slice %arg2[%dma_wait3A_313, %dma_wait3A_314] : memref<10000x128xf32, #tpu.memory_space<hbm>> -> memref<10000x128xf32, #tpu.memory_space<hbm>>
      %dma_wait3A_316 = tpu.memref_slice %arg10[%dma_wait3A_307] : memref<5x!tpu.dma_semaphore, #tpu.memory_space<semaphore_mem>> -> memref<1x!tpu.dma_semaphore, #tpu.memory_space<semaphore_mem>>
      %dma_wait3A_317 = tpu.memref_squeeze %dma_wait3A_316 : memref<1x!tpu.dma_semaphore, #tpu.memory_space<semaphore_mem>> -> memref<!tpu.dma_semaphore, #tpu.memory_space<semaphore_mem>>
      tpu.wait_indirect_dma semaphore(%dma_wait3A_317 : memref<!tpu.dma_semaphore, #tpu.memory_space<semaphore_mem>>) src(%dma_wait3A_315 : memref<10000x128xf32, #tpu.memory_space<hbm>>) dst(%dma_wait3A_311 : memref<40x128xf32, #tpu.memory_space<vmem>>)
      %mul3A_318 = arith.constant 40 : i32
      %mul3A_319 = arith.muli %add3A_303, %mul3A_318 : i32
      %dma_start3A_320 = arith.constant 1 : i32
      %dma_start3A_321 = arith.constant 1 : i32
      %dma_start3A_322 = arith.constant 0 : i32
      %dma_start3A_323 = arith.constant 0 : i32
      %dma_start3A_324 = tpu.memref_slice %arg8[%dma_start3A_320, %dma_start3A_322, %dma_start3A_323] : memref<5x40x128xf32, #tpu.memory_space<vmem>> -> memref<1x40x128xf32, #tpu.memory_space<vmem>>
      %dma_start3A_325 = tpu.memref_squeeze %dma_start3A_324 : memref<1x40x128xf32, #tpu.memory_space<vmem>> -> memref<40x128xf32, #tpu.memory_space<vmem>>
      %dma_start3A_326 = tpu.memref_slice %arg7[%mul3A_319] : memref<10000xi32, #tpu.memory_space<vmem>> -> memref<40xi32, #tpu.memory_space<vmem>>
      %dma_start3A_327 = arith.constant 0 : i32
      %dma_start3A_328 = arith.constant 0 : i32
      %dma_start3A_329 = tpu.memref_slice %arg9[%dma_start3A_327, %dma_start3A_328] : memref<10240x128xf32, #tpu.memory_space<vmem_shared>> -> memref<10240x128xf32, #tpu.memory_space<vmem_shared>>
      %dma_start3A_330 = tpu.memref_slice %arg11[%dma_start3A_321] : memref<5x!tpu.dma_semaphore, #tpu.memory_space<semaphore_mem>> -> memref<1x!tpu.dma_semaphore, #tpu.memory_space<semaphore_mem>>
      %dma_start3A_331 = tpu.memref_squeeze %dma_start3A_330 : memref<1x!tpu.dma_semaphore, #tpu.memory_space<semaphore_mem>> -> memref<!tpu.dma_semaphore, #tpu.memory_space<semaphore_mem>>
      tpu.enqueue_indirect_dma source(%dma_start3A_325 : memref<40x128xf32, #tpu.memory_space<vmem>>) target(%dma_start3A_329 : memref<10240x128xf32, #tpu.memory_space<vmem_shared>>) offsets(%dma_start3A_326 : memref<40xi32, #tpu.memory_space<vmem>>) semaphore(%dma_start3A_331 : memref<!tpu.dma_semaphore, #tpu.memory_space<semaphore_mem>>) {add = true}
      %add3A_332 = arith.constant 5 : i32
      %add3A_333 = arith.addi %add3A_303, %add3A_332 : i32
      %sub3A_334 = arith.constant 1 : i32
      %sub3A_335 = arith.subi %add3A_333, %sub3A_334 : i32
      %ge3A_336 = arith.constant 1 : i32
      %ge3A_337 = arith.cmpi sge, %add3A_303, %ge3A_336 : i32
      %le3A_338 = arith.constant 249 : i32
      %le3A_339 = arith.cmpi sle, %sub3A_335, %le3A_338 : i32
      %and3A_340 = arith.andi %ge3A_337, %le3A_339 : i1
      %convert_element_type3A_341 = arith.extui %and3A_340 : i1 to i32
      %cond3A_342 = arith.constant 0 : i32
      %cond3A_343 = arith.cmpi ne, %convert_element_type3A_341, %cond3A_342 : i32
      scf.if %cond3A_343 {
        %sub3A_476 = arith.constant 5 : i32
        %sub3A_477 = arith.subi %sub3A_335, %sub3A_476 : i32
        %mul3A_478 = arith.constant 40 : i32
        %mul3A_479 = arith.muli %sub3A_477, %mul3A_478 : i32
        %dma_wait3A_480 = arith.constant 0 : i32
        %dma_wait3A_481 = arith.constant 0 : i32
        %dma_wait3A_482 = arith.constant 0 : i32
        %dma_wait3A_483 = arith.constant 0 : i32
        %dma_wait3A_484 = tpu.memref_slice %arg8[%dma_wait3A_480, %dma_wait3A_482, %dma_wait3A_483] : memref<5x40x128xf32, #tpu.memory_space<vmem>> -> memref<1x40x128xf32, #tpu.memory_space<vmem>>
        %dma_wait3A_485 = tpu.memref_squeeze %dma_wait3A_484 : memref<1x40x128xf32, #tpu.memory_space<vmem>> -> memref<40x128xf32, #tpu.memory_space<vmem>>
        %dma_wait3A_486 = tpu.memref_slice %arg7[%mul3A_479] : memref<10000xi32, #tpu.memory_space<vmem>> -> memref<40xi32, #tpu.memory_space<vmem>>
        %dma_wait3A_487 = arith.constant 0 : i32
        %dma_wait3A_488 = arith.constant 0 : i32
        %dma_wait3A_489 = tpu.memref_slice %arg9[%dma_wait3A_487, %dma_wait3A_488] : memref<10240x128xf32, #tpu.memory_space<vmem_shared>> -> memref<10240x128xf32, #tpu.memory_space<vmem_shared>>
        %dma_wait3A_490 = tpu.memref_slice %arg11[%dma_wait3A_481] : memref<5x!tpu.dma_semaphore, #tpu.memory_space<semaphore_mem>> -> memref<1x!tpu.dma_semaphore, #tpu.memory_space<semaphore_mem>>
        %dma_wait3A_491 = tpu.memref_squeeze %dma_wait3A_490 : memref<1x!tpu.dma_semaphore, #tpu.memory_space<semaphore_mem>> -> memref<!tpu.dma_semaphore, #tpu.memory_space<semaphore_mem>>
        tpu.wait_indirect_dma semaphore(%dma_wait3A_491 : memref<!tpu.dma_semaphore, #tpu.memory_space<semaphore_mem>>) src(%dma_wait3A_485 : memref<40x128xf32, #tpu.memory_space<vmem>>) dst(%dma_wait3A_489 : memref<10240x128xf32, #tpu.memory_space<vmem_shared>>)
        %mul3A_492 = arith.constant 40 : i32
        %mul3A_493 = arith.muli %sub3A_335, %mul3A_492 : i32
        %dma_start3A_494 = arith.constant 0 : i32
        %dma_start3A_495 = arith.constant 0 : i32
        %dma_start3A_496 = arith.constant 0 : i32
        %dma_start3A_497 = arith.constant 0 : i32
        %dma_start3A_498 = tpu.memref_slice %arg8[%dma_start3A_494, %dma_start3A_496, %dma_start3A_497] : memref<5x40x128xf32, #tpu.memory_space<vmem>> -> memref<1x40x128xf32, #tpu.memory_space<vmem>>
        %dma_start3A_499 = tpu.memref_squeeze %dma_start3A_498 : memref<1x40x128xf32, #tpu.memory_space<vmem>> -> memref<40x128xf32, #tpu.memory_space<vmem>>
        %dma_start3A_500 = tpu.memref_slice %arg6[%mul3A_493] : memref<10000xi32, #tpu.memory_space<vmem>> -> memref<40xi32, #tpu.memory_space<vmem>>
        %dma_start3A_501 = arith.constant 0 : i32
        %dma_start3A_502 = arith.constant 0 : i32
        %dma_start3A_503 = tpu.memref_slice %arg2[%dma_start3A_501, %dma_start3A_502] : memref<10000x128xf32, #tpu.memory_space<hbm>> -> memref<10000x128xf32, #tpu.memory_space<hbm>>
        %dma_start3A_504 = tpu.memref_slice %arg10[%dma_start3A_495] : memref<5x!tpu.dma_semaphore, #tpu.memory_space<semaphore_mem>> -> memref<1x!tpu.dma_semaphore, #tpu.memory_space<semaphore_mem>>
        %dma_start3A_505 = tpu.memref_squeeze %dma_start3A_504 : memref<1x!tpu.dma_semaphore, #tpu.memory_space<semaphore_mem>> -> memref<!tpu.dma_semaphore, #tpu.memory_space<semaphore_mem>>
        tpu.enqueue_indirect_dma source(%dma_start3A_503 : memref<10000x128xf32, #tpu.memory_space<hbm>>) target(%dma_start3A_499 : memref<40x128xf32, #tpu.memory_space<vmem>>) offsets(%dma_start3A_500 : memref<40xi32, #tpu.memory_space<vmem>>) semaphore(%dma_start3A_505 : memref<!tpu.dma_semaphore, #tpu.memory_space<semaphore_mem>>)
      } else {
      }
      %mul3A_344 = arith.constant 5 : i32
      %mul3A_345 = arith.muli %scan3A_261, %mul3A_344 : i32
      %add3A_346 = arith.constant 2 : i32
      %add3A_347 = arith.addi %mul3A_345, %add3A_346 : i32
      %mul3A_348 = arith.constant 40 : i32
      %mul3A_349 = arith.muli %add3A_347, %mul3A_348 : i32
      %dma_wait3A_350 = arith.constant 2 : i32
      %dma_wait3A_351 = arith.constant 2 : i32
      %dma_wait3A_352 = arith.constant 0 : i32
      %dma_wait3A_353 = arith.constant 0 : i32
      %dma_wait3A_354 = tpu.memref_slice %arg8[%dma_wait3A_350, %dma_wait3A_352, %dma_wait3A_353] : memref<5x40x128xf32, #tpu.memory_space<vmem>> -> memref<1x40x128xf32, #tpu.memory_space<vmem>>
      %dma_wait3A_355 = tpu.memref_squeeze %dma_wait3A_354 : memref<1x40x128xf32, #tpu.memory_space<vmem>> -> memref<40x128xf32, #tpu.memory_space<vmem>>
      %dma_wait3A_356 = tpu.memref_slice %arg6[%mul3A_349] : memref<10000xi32, #tpu.memory_space<vmem>> -> memref<40xi32, #tpu.memory_space<vmem>>
      %dma_wait3A_357 = arith.constant 0 : i32
      %dma_wait3A_358 = arith.constant 0 : i32
      %dma_wait3A_359 = tpu.memref_slice %arg2[%dma_wait3A_357, %dma_wait3A_358] : memref<10000x128xf32, #tpu.memory_space<hbm>> -> memref<10000x128xf32, #tpu.memory_space<hbm>>
      %dma_wait3A_360 = tpu.memref_slice %arg10[%dma_wait3A_351] : memref<5x!tpu.dma_semaphore, #tpu.memory_space<semaphore_mem>> -> memref<1x!tpu.dma_semaphore, #tpu.memory_space<semaphore_mem>>
      %dma_wait3A_361 = tpu.memref_squeeze %dma_wait3A_360 : memref<1x!tpu.dma_semaphore, #tpu.memory_space<semaphore_mem>> -> memref<!tpu.dma_semaphore, #tpu.memory_space<semaphore_mem>>
      tpu.wait_indirect_dma semaphore(%dma_wait3A_361 : memref<!tpu.dma_semaphore, #tpu.memory_space<semaphore_mem>>) src(%dma_wait3A_359 : memref<10000x128xf32, #tpu.memory_space<hbm>>) dst(%dma_wait3A_355 : memref<40x128xf32, #tpu.memory_space<vmem>>)
      %mul3A_362 = arith.constant 40 : i32
      %mul3A_363 = arith.muli %add3A_347, %mul3A_362 : i32
      %dma_start3A_364 = arith.constant 2 : i32
      %dma_start3A_365 = arith.constant 2 : i32
      %dma_start3A_366 = arith.constant 0 : i32
      %dma_start3A_367 = arith.constant 0 : i32
      %dma_start3A_368 = tpu.memref_slice %arg8[%dma_start3A_364, %dma_start3A_366, %dma_start3A_367] : memref<5x40x128xf32, #tpu.memory_space<vmem>> -> memref<1x40x128xf32, #tpu.memory_space<vmem>>
      %dma_start3A_369 = tpu.memref_squeeze %dma_start3A_368 : memref<1x40x128xf32, #tpu.memory_space<vmem>> -> memref<40x128xf32, #tpu.memory_space<vmem>>
      %dma_start3A_370 = tpu.memref_slice %arg7[%mul3A_363] : memref<10000xi32, #tpu.memory_space<vmem>> -> memref<40xi32, #tpu.memory_space<vmem>>
      %dma_start3A_371 = arith.constant 0 : i32
      %dma_start3A_372 = arith.constant 0 : i32
      %dma_start3A_373 = tpu.memref_slice %arg9[%dma_start3A_371, %dma_start3A_372] : memref<10240x128xf32, #tpu.memory_space<vmem_shared>> -> memref<10240x128xf32, #tpu.memory_space<vmem_shared>>
      %dma_start3A_374 = tpu.memref_slice %arg11[%dma_start3A_365] : memref<5x!tpu.dma_semaphore, #tpu.memory_space<semaphore_mem>> -> memref<1x!tpu.dma_semaphore, #tpu.memory_space<semaphore_mem>>
      %dma_start3A_375 = tpu.memref_squeeze %dma_start3A_374 : memref<1x!tpu.dma_semaphore, #tpu.memory_space<semaphore_mem>> -> memref<!tpu.dma_semaphore, #tpu.memory_space<semaphore_mem>>
      tpu.enqueue_indirect_dma source(%dma_start3A_369 : memref<40x128xf32, #tpu.memory_space<vmem>>) target(%dma_start3A_373 : memref<10240x128xf32, #tpu.memory_space<vmem_shared>>) offsets(%dma_start3A_370 : memref<40xi32, #tpu.memory_space<vmem>>) semaphore(%dma_start3A_375 : memref<!tpu.dma_semaphore, #tpu.memory_space<semaphore_mem>>) {add = true}
      %add3A_376 = arith.constant 5 : i32
      %add3A_377 = arith.addi %add3A_347, %add3A_376 : i32
      %sub3A_378 = arith.constant 1 : i32
      %sub3A_379 = arith.subi %add3A_377, %sub3A_378 : i32
      %ge3A_380 = arith.constant 1 : i32
      %ge3A_381 = arith.cmpi sge, %add3A_347, %ge3A_380 : i32
      %le3A_382 = arith.constant 249 : i32
      %le3A_383 = arith.cmpi sle, %sub3A_379, %le3A_382 : i32
      %and3A_384 = arith.andi %ge3A_381, %le3A_383 : i1
      %convert_element_type3A_385 = arith.extui %and3A_384 : i1 to i32
      %cond3A_386 = arith.constant 0 : i32
      %cond3A_387 = arith.cmpi ne, %convert_element_type3A_385, %cond3A_386 : i32
      scf.if %cond3A_387 {
        %sub3A_476 = arith.constant 5 : i32
        %sub3A_477 = arith.subi %sub3A_379, %sub3A_476 : i32
        %mul3A_478 = arith.constant 40 : i32
        %mul3A_479 = arith.muli %sub3A_477, %mul3A_478 : i32
        %dma_wait3A_480 = arith.constant 1 : i32
        %dma_wait3A_481 = arith.constant 1 : i32
        %dma_wait3A_482 = arith.constant 0 : i32
        %dma_wait3A_483 = arith.constant 0 : i32
        %dma_wait3A_484 = tpu.memref_slice %arg8[%dma_wait3A_480, %dma_wait3A_482, %dma_wait3A_483] : memref<5x40x128xf32, #tpu.memory_space<vmem>> -> memref<1x40x128xf32, #tpu.memory_space<vmem>>
        %dma_wait3A_485 = tpu.memref_squeeze %dma_wait3A_484 : memref<1x40x128xf32, #tpu.memory_space<vmem>> -> memref<40x128xf32, #tpu.memory_space<vmem>>
        %dma_wait3A_486 = tpu.memref_slice %arg7[%mul3A_479] : memref<10000xi32, #tpu.memory_space<vmem>> -> memref<40xi32, #tpu.memory_space<vmem>>
        %dma_wait3A_487 = arith.constant 0 : i32
        %dma_wait3A_488 = arith.constant 0 : i32
        %dma_wait3A_489 = tpu.memref_slice %arg9[%dma_wait3A_487, %dma_wait3A_488] : memref<10240x128xf32, #tpu.memory_space<vmem_shared>> -> memref<10240x128xf32, #tpu.memory_space<vmem_shared>>
        %dma_wait3A_490 = tpu.memref_slice %arg11[%dma_wait3A_481] : memref<5x!tpu.dma_semaphore, #tpu.memory_space<semaphore_mem>> -> memref<1x!tpu.dma_semaphore, #tpu.memory_space<semaphore_mem>>
        %dma_wait3A_491 = tpu.memref_squeeze %dma_wait3A_490 : memref<1x!tpu.dma_semaphore, #tpu.memory_space<semaphore_mem>> -> memref<!tpu.dma_semaphore, #tpu.memory_space<semaphore_mem>>
        tpu.wait_indirect_dma semaphore(%dma_wait3A_491 : memref<!tpu.dma_semaphore, #tpu.memory_space<semaphore_mem>>) src(%dma_wait3A_485 : memref<40x128xf32, #tpu.memory_space<vmem>>) dst(%dma_wait3A_489 : memref<10240x128xf32, #tpu.memory_space<vmem_shared>>)
        %mul3A_492 = arith.constant 40 : i32
        %mul3A_493 = arith.muli %sub3A_379, %mul3A_492 : i32
        %dma_start3A_494 = arith.constant 1 : i32
        %dma_start3A_495 = arith.constant 1 : i32
        %dma_start3A_496 = arith.constant 0 : i32
        %dma_start3A_497 = arith.constant 0 : i32
        %dma_start3A_498 = tpu.memref_slice %arg8[%dma_start3A_494, %dma_start3A_496, %dma_start3A_497] : memref<5x40x128xf32, #tpu.memory_space<vmem>> -> memref<1x40x128xf32, #tpu.memory_space<vmem>>
        %dma_start3A_499 = tpu.memref_squeeze %dma_start3A_498 : memref<1x40x128xf32, #tpu.memory_space<vmem>> -> memref<40x128xf32, #tpu.memory_space<vmem>>
        %dma_start3A_500 = tpu.memref_slice %arg6[%mul3A_493] : memref<10000xi32, #tpu.memory_space<vmem>> -> memref<40xi32, #tpu.memory_space<vmem>>
        %dma_start3A_501 = arith.constant 0 : i32
        %dma_start3A_502 = arith.constant 0 : i32
        %dma_start3A_503 = tpu.memref_slice %arg2[%dma_start3A_501, %dma_start3A_502] : memref<10000x128xf32, #tpu.memory_space<hbm>> -> memref<10000x128xf32, #tpu.memory_space<hbm>>
        %dma_start3A_504 = tpu.memref_slice %arg10[%dma_start3A_495] : memref<5x!tpu.dma_semaphore, #tpu.memory_space<semaphore_mem>> -> memref<1x!tpu.dma_semaphore, #tpu.memory_space<semaphore_mem>>
        %dma_start3A_505 = tpu.memref_squeeze %dma_start3A_504 : memref<1x!tpu.dma_semaphore, #tpu.memory_space<semaphore_mem>> -> memref<!tpu.dma_semaphore, #tpu.memory_space<semaphore_mem>>
        tpu.enqueue_indirect_dma source(%dma_start3A_503 : memref<10000x128xf32, #tpu.memory_space<hbm>>) target(%dma_start3A_499 : memref<40x128xf32, #tpu.memory_space<vmem>>) offsets(%dma_start3A_500 : memref<40xi32, #tpu.memory_space<vmem>>) semaphore(%dma_start3A_505 : memref<!tpu.dma_semaphore, #tpu.memory_space<semaphore_mem>>)
      } else {
      }
      %mul3A_388 = arith.constant 5 : i32
      %mul3A_389 = arith.muli %scan3A_261, %mul3A_388 : i32
      %add3A_390 = arith.constant 3 : i32
      %add3A_391 = arith.addi %mul3A_389, %add3A_390 : i32
      %mul3A_392 = arith.constant 40 : i32
      %mul3A_393 = arith.muli %add3A_391, %mul3A_392 : i32
      %dma_wait3A_394 = arith.constant 3 : i32
      %dma_wait3A_395 = arith.constant 3 : i32
      %dma_wait3A_396 = arith.constant 0 : i32
      %dma_wait3A_397 = arith.constant 0 : i32
      %dma_wait3A_398 = tpu.memref_slice %arg8[%dma_wait3A_394, %dma_wait3A_396, %dma_wait3A_397] : memref<5x40x128xf32, #tpu.memory_space<vmem>> -> memref<1x40x128xf32, #tpu.memory_space<vmem>>
      %dma_wait3A_399 = tpu.memref_squeeze %dma_wait3A_398 : memref<1x40x128xf32, #tpu.memory_space<vmem>> -> memref<40x128xf32, #tpu.memory_space<vmem>>
      %dma_wait3A_400 = tpu.memref_slice %arg6[%mul3A_393] : memref<10000xi32, #tpu.memory_space<vmem>> -> memref<40xi32, #tpu.memory_space<vmem>>
      %dma_wait3A_401 = arith.constant 0 : i32
      %dma_wait3A_402 = arith.constant 0 : i32
      %dma_wait3A_403 = tpu.memref_slice %arg2[%dma_wait3A_401, %dma_wait3A_402] : memref<10000x128xf32, #tpu.memory_space<hbm>> -> memref<10000x128xf32, #tpu.memory_space<hbm>>
      %dma_wait3A_404 = tpu.memref_slice %arg10[%dma_wait3A_395] : memref<5x!tpu.dma_semaphore, #tpu.memory_space<semaphore_mem>> -> memref<1x!tpu.dma_semaphore, #tpu.memory_space<semaphore_mem>>
      %dma_wait3A_405 = tpu.memref_squeeze %dma_wait3A_404 : memref<1x!tpu.dma_semaphore, #tpu.memory_space<semaphore_mem>> -> memref<!tpu.dma_semaphore, #tpu.memory_space<semaphore_mem>>
      tpu.wait_indirect_dma semaphore(%dma_wait3A_405 : memref<!tpu.dma_semaphore, #tpu.memory_space<semaphore_mem>>) src(%dma_wait3A_403 : memref<10000x128xf32, #tpu.memory_space<hbm>>) dst(%dma_wait3A_399 : memref<40x128xf32, #tpu.memory_space<vmem>>)
      %mul3A_406 = arith.constant 40 : i32
      %mul3A_407 = arith.muli %add3A_391, %mul3A_406 : i32
      %dma_start3A_408 = arith.constant 3 : i32
      %dma_start3A_409 = arith.constant 3 : i32
      %dma_start3A_410 = arith.constant 0 : i32
      %dma_start3A_411 = arith.constant 0 : i32
      %dma_start3A_412 = tpu.memref_slice %arg8[%dma_start3A_408, %dma_start3A_410, %dma_start3A_411] : memref<5x40x128xf32, #tpu.memory_space<vmem>> -> memref<1x40x128xf32, #tpu.memory_space<vmem>>
      %dma_start3A_413 = tpu.memref_squeeze %dma_start3A_412 : memref<1x40x128xf32, #tpu.memory_space<vmem>> -> memref<40x128xf32, #tpu.memory_space<vmem>>
      %dma_start3A_414 = tpu.memref_slice %arg7[%mul3A_407] : memref<10000xi32, #tpu.memory_space<vmem>> -> memref<40xi32, #tpu.memory_space<vmem>>
      %dma_start3A_415 = arith.constant 0 : i32
      %dma_start3A_416 = arith.constant 0 : i32
      %dma_start3A_417 = tpu.memref_slice %arg9[%dma_start3A_415, %dma_start3A_416] : memref<10240x128xf32, #tpu.memory_space<vmem_shared>> -> memref<10240x128xf32, #tpu.memory_space<vmem_shared>>
      %dma_start3A_418 = tpu.memref_slice %arg11[%dma_start3A_409] : memref<5x!tpu.dma_semaphore, #tpu.memory_space<semaphore_mem>> -> memref<1x!tpu.dma_semaphore, #tpu.memory_space<semaphore_mem>>
      %dma_start3A_419 = tpu.memref_squeeze %dma_start3A_418 : memref<1x!tpu.dma_semaphore, #tpu.memory_space<semaphore_mem>> -> memref<!tpu.dma_semaphore, #tpu.memory_space<semaphore_mem>>
      tpu.enqueue_indirect_dma source(%dma_start3A_413 : memref<40x128xf32, #tpu.memory_space<vmem>>) target(%dma_start3A_417 : memref<10240x128xf32, #tpu.memory_space<vmem_shared>>) offsets(%dma_start3A_414 : memref<40xi32, #tpu.memory_space<vmem>>) semaphore(%dma_start3A_419 : memref<!tpu.dma_semaphore, #tpu.memory_space<semaphore_mem>>) {add = true}
      %add3A_420 = arith.constant 5 : i32
      %add3A_421 = arith.addi %add3A_391, %add3A_420 : i32
      %sub3A_422 = arith.constant 1 : i32
      %sub3A_423 = arith.subi %add3A_421, %sub3A_422 : i32
      %ge3A_424 = arith.constant 1 : i32
      %ge3A_425 = arith.cmpi sge, %add3A_391, %ge3A_424 : i32
      %le3A_426 = arith.constant 249 : i32
      %le3A_427 = arith.cmpi sle, %sub3A_423, %le3A_426 : i32
      %and3A_428 = arith.andi %ge3A_425, %le3A_427 : i1
      %convert_element_type3A_429 = arith.extui %and3A_428 : i1 to i32
      %cond3A_430 = arith.constant 0 : i32
      %cond3A_431 = arith.cmpi ne, %convert_element_type3A_429, %cond3A_430 : i32
      scf.if %cond3A_431 {
        %sub3A_476 = arith.constant 5 : i32
        %sub3A_477 = arith.subi %sub3A_423, %sub3A_476 : i32
        %mul3A_478 = arith.constant 40 : i32
        %mul3A_479 = arith.muli %sub3A_477, %mul3A_478 : i32
        %dma_wait3A_480 = arith.constant 2 : i32
        %dma_wait3A_481 = arith.constant 2 : i32
        %dma_wait3A_482 = arith.constant 0 : i32
        %dma_wait3A_483 = arith.constant 0 : i32
        %dma_wait3A_484 = tpu.memref_slice %arg8[%dma_wait3A_480, %dma_wait3A_482, %dma_wait3A_483] : memref<5x40x128xf32, #tpu.memory_space<vmem>> -> memref<1x40x128xf32, #tpu.memory_space<vmem>>
        %dma_wait3A_485 = tpu.memref_squeeze %dma_wait3A_484 : memref<1x40x128xf32, #tpu.memory_space<vmem>> -> memref<40x128xf32, #tpu.memory_space<vmem>>
        %dma_wait3A_486 = tpu.memref_slice %arg7[%mul3A_479] : memref<10000xi32, #tpu.memory_space<vmem>> -> memref<40xi32, #tpu.memory_space<vmem>>
        %dma_wait3A_487 = arith.constant 0 : i32
        %dma_wait3A_488 = arith.constant 0 : i32
        %dma_wait3A_489 = tpu.memref_slice %arg9[%dma_wait3A_487, %dma_wait3A_488] : memref<10240x128xf32, #tpu.memory_space<vmem_shared>> -> memref<10240x128xf32, #tpu.memory_space<vmem_shared>>
        %dma_wait3A_490 = tpu.memref_slice %arg11[%dma_wait3A_481] : memref<5x!tpu.dma_semaphore, #tpu.memory_space<semaphore_mem>> -> memref<1x!tpu.dma_semaphore, #tpu.memory_space<semaphore_mem>>
        %dma_wait3A_491 = tpu.memref_squeeze %dma_wait3A_490 : memref<1x!tpu.dma_semaphore, #tpu.memory_space<semaphore_mem>> -> memref<!tpu.dma_semaphore, #tpu.memory_space<semaphore_mem>>
        tpu.wait_indirect_dma semaphore(%dma_wait3A_491 : memref<!tpu.dma_semaphore, #tpu.memory_space<semaphore_mem>>) src(%dma_wait3A_485 : memref<40x128xf32, #tpu.memory_space<vmem>>) dst(%dma_wait3A_489 : memref<10240x128xf32, #tpu.memory_space<vmem_shared>>)
        %mul3A_492 = arith.constant 40 : i32
        %mul3A_493 = arith.muli %sub3A_423, %mul3A_492 : i32
        %dma_start3A_494 = arith.constant 2 : i32
        %dma_start3A_495 = arith.constant 2 : i32
        %dma_start3A_496 = arith.constant 0 : i32
        %dma_start3A_497 = arith.constant 0 : i32
        %dma_start3A_498 = tpu.memref_slice %arg8[%dma_start3A_494, %dma_start3A_496, %dma_start3A_497] : memref<5x40x128xf32, #tpu.memory_space<vmem>> -> memref<1x40x128xf32, #tpu.memory_space<vmem>>
        %dma_start3A_499 = tpu.memref_squeeze %dma_start3A_498 : memref<1x40x128xf32, #tpu.memory_space<vmem>> -> memref<40x128xf32, #tpu.memory_space<vmem>>
        %dma_start3A_500 = tpu.memref_slice %arg6[%mul3A_493] : memref<10000xi32, #tpu.memory_space<vmem>> -> memref<40xi32, #tpu.memory_space<vmem>>
        %dma_start3A_501 = arith.constant 0 : i32
        %dma_start3A_502 = arith.constant 0 : i32
        %dma_start3A_503 = tpu.memref_slice %arg2[%dma_start3A_501, %dma_start3A_502] : memref<10000x128xf32, #tpu.memory_space<hbm>> -> memref<10000x128xf32, #tpu.memory_space<hbm>>
        %dma_start3A_504 = tpu.memref_slice %arg10[%dma_start3A_495] : memref<5x!tpu.dma_semaphore, #tpu.memory_space<semaphore_mem>> -> memref<1x!tpu.dma_semaphore, #tpu.memory_space<semaphore_mem>>
        %dma_start3A_505 = tpu.memref_squeeze %dma_start3A_504 : memref<1x!tpu.dma_semaphore, #tpu.memory_space<semaphore_mem>> -> memref<!tpu.dma_semaphore, #tpu.memory_space<semaphore_mem>>
        tpu.enqueue_indirect_dma source(%dma_start3A_503 : memref<10000x128xf32, #tpu.memory_space<hbm>>) target(%dma_start3A_499 : memref<40x128xf32, #tpu.memory_space<vmem>>) offsets(%dma_start3A_500 : memref<40xi32, #tpu.memory_space<vmem>>) semaphore(%dma_start3A_505 : memref<!tpu.dma_semaphore, #tpu.memory_space<semaphore_mem>>)
      } else {
      }
      %mul3A_432 = arith.constant 5 : i32
      %mul3A_433 = arith.muli %scan3A_261, %mul3A_432 : i32
      %add3A_434 = arith.constant 4 : i32
      %add3A_435 = arith.addi %mul3A_433, %add3A_434 : i32
      %mul3A_436 = arith.constant 40 : i32
      %mul3A_437 = arith.muli %add3A_435, %mul3A_436 : i32
      %dma_wait3A_438 = arith.constant 4 : i32
      %dma_wait3A_439 = arith.constant 4 : i32
      %dma_wait3A_440 = arith.constant 0 : i32
      %dma_wait3A_441 = arith.constant 0 : i32
      %dma_wait3A_442 = tpu.memref_slice %arg8[%dma_wait3A_438, %dma_wait3A_440, %dma_wait3A_441] : memref<5x40x128xf32, #tpu.memory_space<vmem>> -> memref<1x40x128xf32, #tpu.memory_space<vmem>>
      %dma_wait3A_443 = tpu.memref_squeeze %dma_wait3A_442 : memref<1x40x128xf32, #tpu.memory_space<vmem>> -> memref<40x128xf32, #tpu.memory_space<vmem>>
      %dma_wait3A_444 = tpu.memref_slice %arg6[%mul3A_437] : memref<10000xi32, #tpu.memory_space<vmem>> -> memref<40xi32, #tpu.memory_space<vmem>>
      %dma_wait3A_445 = arith.constant 0 : i32
      %dma_wait3A_446 = arith.constant 0 : i32
      %dma_wait3A_447 = tpu.memref_slice %arg2[%dma_wait3A_445, %dma_wait3A_446] : memref<10000x128xf32, #tpu.memory_space<hbm>> -> memref<10000x128xf32, #tpu.memory_space<hbm>>
      %dma_wait3A_448 = tpu.memref_slice %arg10[%dma_wait3A_439] : memref<5x!tpu.dma_semaphore, #tpu.memory_space<semaphore_mem>> -> memref<1x!tpu.dma_semaphore, #tpu.memory_space<semaphore_mem>>
      %dma_wait3A_449 = tpu.memref_squeeze %dma_wait3A_448 : memref<1x!tpu.dma_semaphore, #tpu.memory_space<semaphore_mem>> -> memref<!tpu.dma_semaphore, #tpu.memory_space<semaphore_mem>>
      tpu.wait_indirect_dma semaphore(%dma_wait3A_449 : memref<!tpu.dma_semaphore, #tpu.memory_space<semaphore_mem>>) src(%dma_wait3A_447 : memref<10000x128xf32, #tpu.memory_space<hbm>>) dst(%dma_wait3A_443 : memref<40x128xf32, #tpu.memory_space<vmem>>)
      %mul3A_450 = arith.constant 40 : i32
      %mul3A_451 = arith.muli %add3A_435, %mul3A_450 : i32
      %dma_start3A_452 = arith.constant 4 : i32
      %dma_start3A_453 = arith.constant 4 : i32
      %dma_start3A_454 = arith.constant 0 : i32
      %dma_start3A_455 = arith.constant 0 : i32
      %dma_start3A_456 = tpu.memref_slice %arg8[%dma_start3A_452, %dma_start3A_454, %dma_start3A_455] : memref<5x40x128xf32, #tpu.memory_space<vmem>> -> memref<1x40x128xf32, #tpu.memory_space<vmem>>
      %dma_start3A_457 = tpu.memref_squeeze %dma_start3A_456 : memref<1x40x128xf32, #tpu.memory_space<vmem>> -> memref<40x128xf32, #tpu.memory_space<vmem>>
      %dma_start3A_458 = tpu.memref_slice %arg7[%mul3A_451] : memref<10000xi32, #tpu.memory_space<vmem>> -> memref<40xi32, #tpu.memory_space<vmem>>
      %dma_start3A_459 = arith.constant 0 : i32
      %dma_start3A_460 = arith.constant 0 : i32
      %dma_start3A_461 = tpu.memref_slice %arg9[%dma_start3A_459, %dma_start3A_460] : memref<10240x128xf32, #tpu.memory_space<vmem_shared>> -> memref<10240x128xf32, #tpu.memory_space<vmem_shared>>
      %dma_start3A_462 = tpu.memref_slice %arg11[%dma_start3A_453] : memref<5x!tpu.dma_semaphore, #tpu.memory_space<semaphore_mem>> -> memref<1x!tpu.dma_semaphore, #tpu.memory_space<semaphore_mem>>
      %dma_start3A_463 = tpu.memref_squeeze %dma_start3A_462 : memref<1x!tpu.dma_semaphore, #tpu.memory_space<semaphore_mem>> -> memref<!tpu.dma_semaphore, #tpu.memory_space<semaphore_mem>>
      tpu.enqueue_indirect_dma source(%dma_start3A_457 : memref<40x128xf32, #tpu.memory_space<vmem>>) target(%dma_start3A_461 : memref<10240x128xf32, #tpu.memory_space<vmem_shared>>) offsets(%dma_start3A_458 : memref<40xi32, #tpu.memory_space<vmem>>) semaphore(%dma_start3A_463 : memref<!tpu.dma_semaphore, #tpu.memory_space<semaphore_mem>>) {add = true}
      %add3A_464 = arith.constant 5 : i32
      %add3A_465 = arith.addi %add3A_435, %add3A_464 : i32
      %sub3A_466 = arith.constant 1 : i32
      %sub3A_467 = arith.subi %add3A_465, %sub3A_466 : i32
      %ge3A_468 = arith.constant 1 : i32
      %ge3A_469 = arith.cmpi sge, %add3A_435, %ge3A_468 : i32
      %le3A_470 = arith.constant 249 : i32
      %le3A_471 = arith.cmpi sle, %sub3A_467, %le3A_470 : i32
      %and3A_472 = arith.andi %ge3A_469, %le3A_471 : i1
      %convert_element_type3A_473 = arith.extui %and3A_472 : i1 to i32
      %cond3A_474 = arith.constant 0 : i32
      %cond3A_475 = arith.cmpi ne, %convert_element_type3A_473, %cond3A_474 : i32
      scf.if %cond3A_475 {
        %sub3A_476 = arith.constant 5 : i32
        %sub3A_477 = arith.subi %sub3A_467, %sub3A_476 : i32
        %mul3A_478 = arith.constant 40 : i32
        %mul3A_479 = arith.muli %sub3A_477, %mul3A_478 : i32
        %dma_wait3A_480 = arith.constant 3 : i32
        %dma_wait3A_481 = arith.constant 3 : i32
        %dma_wait3A_482 = arith.constant 0 : i32
        %dma_wait3A_483 = arith.constant 0 : i32
        %dma_wait3A_484 = tpu.memref_slice %arg8[%dma_wait3A_480, %dma_wait3A_482, %dma_wait3A_483] : memref<5x40x128xf32, #tpu.memory_space<vmem>> -> memref<1x40x128xf32, #tpu.memory_space<vmem>>
        %dma_wait3A_485 = tpu.memref_squeeze %dma_wait3A_484 : memref<1x40x128xf32, #tpu.memory_space<vmem>> -> memref<40x128xf32, #tpu.memory_space<vmem>>
        %dma_wait3A_486 = tpu.memref_slice %arg7[%mul3A_479] : memref<10000xi32, #tpu.memory_space<vmem>> -> memref<40xi32, #tpu.memory_space<vmem>>
        %dma_wait3A_487 = arith.constant 0 : i32
        %dma_wait3A_488 = arith.constant 0 : i32
        %dma_wait3A_489 = tpu.memref_slice %arg9[%dma_wait3A_487, %dma_wait3A_488] : memref<10240x128xf32, #tpu.memory_space<vmem_shared>> -> memref<10240x128xf32, #tpu.memory_space<vmem_shared>>
        %dma_wait3A_490 = tpu.memref_slice %arg11[%dma_wait3A_481] : memref<5x!tpu.dma_semaphore, #tpu.memory_space<semaphore_mem>> -> memref<1x!tpu.dma_semaphore, #tpu.memory_space<semaphore_mem>>
        %dma_wait3A_491 = tpu.memref_squeeze %dma_wait3A_490 : memref<1x!tpu.dma_semaphore, #tpu.memory_space<semaphore_mem>> -> memref<!tpu.dma_semaphore, #tpu.memory_space<semaphore_mem>>
        tpu.wait_indirect_dma semaphore(%dma_wait3A_491 : memref<!tpu.dma_semaphore, #tpu.memory_space<semaphore_mem>>) src(%dma_wait3A_485 : memref<40x128xf32, #tpu.memory_space<vmem>>) dst(%dma_wait3A_489 : memref<10240x128xf32, #tpu.memory_space<vmem_shared>>)
        %mul3A_492 = arith.constant 40 : i32
        %mul3A_493 = arith.muli %sub3A_467, %mul3A_492 : i32
        %dma_start3A_494 = arith.constant 3 : i32
        %dma_start3A_495 = arith.constant 3 : i32
        %dma_start3A_496 = arith.constant 0 : i32
        %dma_start3A_497 = arith.constant 0 : i32
        %dma_start3A_498 = tpu.memref_slice %arg8[%dma_start3A_494, %dma_start3A_496, %dma_start3A_497] : memref<5x40x128xf32, #tpu.memory_space<vmem>> -> memref<1x40x128xf32, #tpu.memory_space<vmem>>
        %dma_start3A_499 = tpu.memref_squeeze %dma_start3A_498 : memref<1x40x128xf32, #tpu.memory_space<vmem>> -> memref<40x128xf32, #tpu.memory_space<vmem>>
        %dma_start3A_500 = tpu.memref_slice %arg6[%mul3A_493] : memref<10000xi32, #tpu.memory_space<vmem>> -> memref<40xi32, #tpu.memory_space<vmem>>
        %dma_start3A_501 = arith.constant 0 : i32
        %dma_start3A_502 = arith.constant 0 : i32
        %dma_start3A_503 = tpu.memref_slice %arg2[%dma_start3A_501, %dma_start3A_502] : memref<10000x128xf32, #tpu.memory_space<hbm>> -> memref<10000x128xf32, #tpu.memory_space<hbm>>
        %dma_start3A_504 = tpu.memref_slice %arg10[%dma_start3A_495] : memref<5x!tpu.dma_semaphore, #tpu.memory_space<semaphore_mem>> -> memref<1x!tpu.dma_semaphore, #tpu.memory_space<semaphore_mem>>
        %dma_start3A_505 = tpu.memref_squeeze %dma_start3A_504 : memref<1x!tpu.dma_semaphore, #tpu.memory_space<semaphore_mem>> -> memref<!tpu.dma_semaphore, #tpu.memory_space<semaphore_mem>>
        tpu.enqueue_indirect_dma source(%dma_start3A_503 : memref<10000x128xf32, #tpu.memory_space<hbm>>) target(%dma_start3A_499 : memref<40x128xf32, #tpu.memory_space<vmem>>) offsets(%dma_start3A_500 : memref<40xi32, #tpu.memory_space<vmem>>) semaphore(%dma_start3A_505 : memref<!tpu.dma_semaphore, #tpu.memory_space<semaphore_mem>>)
      } else {
      }
    }
    %scan3A_190 = arith.constant 50 : i32
    %dma_wait3A_191 = arith.constant 0 : i32
    %dma_wait3A_192 = arith.constant 0 : i32
    %dma_wait3A_193 = arith.constant 0 : i32
    %dma_wait3A_194 = arith.constant 0 : i32
    %dma_wait3A_195 = tpu.memref_slice %arg8[%dma_wait3A_191, %dma_wait3A_193, %dma_wait3A_194] : memref<5x40x128xf32, #tpu.memory_space<vmem>> -> memref<1x40x128xf32, #tpu.memory_space<vmem>>
    %dma_wait3A_196 = tpu.memref_squeeze %dma_wait3A_195 : memref<1x40x128xf32, #tpu.memory_space<vmem>> -> memref<40x128xf32, #tpu.memory_space<vmem>>
    %dma_wait3A_197 = arith.constant 9800 : i32
    %dma_wait3A_198 = tpu.memref_slice %arg7[%dma_wait3A_197] : memref<10000xi32, #tpu.memory_space<vmem>> -> memref<40xi32, #tpu.memory_space<vmem>>
    %dma_wait3A_199 = arith.constant 0 : i32
    %dma_wait3A_200 = arith.constant 0 : i32
    %dma_wait3A_201 = tpu.memref_slice %arg9[%dma_wait3A_199, %dma_wait3A_200] : memref<10240x128xf32, #tpu.memory_space<vmem_shared>> -> memref<10240x128xf32, #tpu.memory_space<vmem_shared>>
    %dma_wait3A_202 = tpu.memref_slice %arg11[%dma_wait3A_192] : memref<5x!tpu.dma_semaphore, #tpu.memory_space<semaphore_mem>> -> memref<1x!tpu.dma_semaphore, #tpu.memory_space<semaphore_mem>>
    %dma_wait3A_203 = tpu.memref_squeeze %dma_wait3A_202 : memref<1x!tpu.dma_semaphore, #tpu.memory_space<semaphore_mem>> -> memref<!tpu.dma_semaphore, #tpu.memory_space<semaphore_mem>>
    tpu.wait_indirect_dma semaphore(%dma_wait3A_203 : memref<!tpu.dma_semaphore, #tpu.memory_space<semaphore_mem>>) src(%dma_wait3A_196 : memref<40x128xf32, #tpu.memory_space<vmem>>) dst(%dma_wait3A_201 : memref<10240x128xf32, #tpu.memory_space<vmem_shared>>)
    %dma_wait3A_204 = arith.constant 1 : i32
    %dma_wait3A_205 = arith.constant 1 : i32
    %dma_wait3A_206 = arith.constant 0 : i32
    %dma_wait3A_207 = arith.constant 0 : i32
    %dma_wait3A_208 = tpu.memref_slice %arg8[%dma_wait3A_204, %dma_wait3A_206, %dma_wait3A_207] : memref<5x40x128xf32, #tpu.memory_space<vmem>> -> memref<1x40x128xf32, #tpu.memory_space<vmem>>
    %dma_wait3A_209 = tpu.memref_squeeze %dma_wait3A_208 : memref<1x40x128xf32, #tpu.memory_space<vmem>> -> memref<40x128xf32, #tpu.memory_space<vmem>>
    %dma_wait3A_210 = arith.constant 9840 : i32
    %dma_wait3A_211 = tpu.memref_slice %arg7[%dma_wait3A_210] : memref<10000xi32, #tpu.memory_space<vmem>> -> memref<40xi32, #tpu.memory_space<vmem>>
    %dma_wait3A_212 = arith.constant 0 : i32
    %dma_wait3A_213 = arith.constant 0 : i32
    %dma_wait3A_214 = tpu.memref_slice %arg9[%dma_wait3A_212, %dma_wait3A_213] : memref<10240x128xf32, #tpu.memory_space<vmem_shared>> -> memref<10240x128xf32, #tpu.memory_space<vmem_shared>>
    %dma_wait3A_215 = tpu.memref_slice %arg11[%dma_wait3A_205] : memref<5x!tpu.dma_semaphore, #tpu.memory_space<semaphore_mem>> -> memref<1x!tpu.dma_semaphore, #tpu.memory_space<semaphore_mem>>
    %dma_wait3A_216 = tpu.memref_squeeze %dma_wait3A_215 : memref<1x!tpu.dma_semaphore, #tpu.memory_space<semaphore_mem>> -> memref<!tpu.dma_semaphore, #tpu.memory_space<semaphore_mem>>
    tpu.wait_indirect_dma semaphore(%dma_wait3A_216 : memref<!tpu.dma_semaphore, #tpu.memory_space<semaphore_mem>>) src(%dma_wait3A_209 : memref<40x128xf32, #tpu.memory_space<vmem>>) dst(%dma_wait3A_214 : memref<10240x128xf32, #tpu.memory_space<vmem_shared>>)
    %dma_wait3A_217 = arith.constant 2 : i32
    %dma_wait3A_218 = arith.constant 2 : i32
    %dma_wait3A_219 = arith.constant 0 : i32
    %dma_wait3A_220 = arith.constant 0 : i32
    %dma_wait3A_221 = tpu.memref_slice %arg8[%dma_wait3A_217, %dma_wait3A_219, %dma_wait3A_220] : memref<5x40x128xf32, #tpu.memory_space<vmem>> -> memref<1x40x128xf32, #tpu.memory_space<vmem>>
    %dma_wait3A_222 = tpu.memref_squeeze %dma_wait3A_221 : memref<1x40x128xf32, #tpu.memory_space<vmem>> -> memref<40x128xf32, #tpu.memory_space<vmem>>
    %dma_wait3A_223 = arith.constant 9880 : i32
    %dma_wait3A_224 = tpu.memref_slice %arg7[%dma_wait3A_223] : memref<10000xi32, #tpu.memory_space<vmem>> -> memref<40xi32, #tpu.memory_space<vmem>>
    %dma_wait3A_225 = arith.constant 0 : i32
    %dma_wait3A_226 = arith.constant 0 : i32
    %dma_wait3A_227 = tpu.memref_slice %arg9[%dma_wait3A_225, %dma_wait3A_226] : memref<10240x128xf32, #tpu.memory_space<vmem_shared>> -> memref<10240x128xf32, #tpu.memory_space<vmem_shared>>
    %dma_wait3A_228 = tpu.memref_slice %arg11[%dma_wait3A_218] : memref<5x!tpu.dma_semaphore, #tpu.memory_space<semaphore_mem>> -> memref<1x!tpu.dma_semaphore, #tpu.memory_space<semaphore_mem>>
    %dma_wait3A_229 = tpu.memref_squeeze %dma_wait3A_228 : memref<1x!tpu.dma_semaphore, #tpu.memory_space<semaphore_mem>> -> memref<!tpu.dma_semaphore, #tpu.memory_space<semaphore_mem>>
    tpu.wait_indirect_dma semaphore(%dma_wait3A_229 : memref<!tpu.dma_semaphore, #tpu.memory_space<semaphore_mem>>) src(%dma_wait3A_222 : memref<40x128xf32, #tpu.memory_space<vmem>>) dst(%dma_wait3A_227 : memref<10240x128xf32, #tpu.memory_space<vmem_shared>>)
    %dma_wait3A_230 = arith.constant 3 : i32
    %dma_wait3A_231 = arith.constant 3 : i32
    %dma_wait3A_232 = arith.constant 0 : i32
    %dma_wait3A_233 = arith.constant 0 : i32
    %dma_wait3A_234 = tpu.memref_slice %arg8[%dma_wait3A_230, %dma_wait3A_232, %dma_wait3A_233] : memref<5x40x128xf32, #tpu.memory_space<vmem>> -> memref<1x40x128xf32, #tpu.memory_space<vmem>>
    %dma_wait3A_235 = tpu.memref_squeeze %dma_wait3A_234 : memref<1x40x128xf32, #tpu.memory_space<vmem>> -> memref<40x128xf32, #tpu.memory_space<vmem>>
    %dma_wait3A_236 = arith.constant 9920 : i32
    %dma_wait3A_237 = tpu.memref_slice %arg7[%dma_wait3A_236] : memref<10000xi32, #tpu.memory_space<vmem>> -> memref<40xi32, #tpu.memory_space<vmem>>
    %dma_wait3A_238 = arith.constant 0 : i32
    %dma_wait3A_239 = arith.constant 0 : i32
    %dma_wait3A_240 = tpu.memref_slice %arg9[%dma_wait3A_238, %dma_wait3A_239] : memref<10240x128xf32, #tpu.memory_space<vmem_shared>> -> memref<10240x128xf32, #tpu.memory_space<vmem_shared>>
    %dma_wait3A_241 = tpu.memref_slice %arg11[%dma_wait3A_231] : memref<5x!tpu.dma_semaphore, #tpu.memory_space<semaphore_mem>> -> memref<1x!tpu.dma_semaphore, #tpu.memory_space<semaphore_mem>>
    %dma_wait3A_242 = tpu.memref_squeeze %dma_wait3A_241 : memref<1x!tpu.dma_semaphore, #tpu.memory_space<semaphore_mem>> -> memref<!tpu.dma_semaphore, #tpu.memory_space<semaphore_mem>>
    tpu.wait_indirect_dma semaphore(%dma_wait3A_242 : memref<!tpu.dma_semaphore, #tpu.memory_space<semaphore_mem>>) src(%dma_wait3A_235 : memref<40x128xf32, #tpu.memory_space<vmem>>) dst(%dma_wait3A_240 : memref<10240x128xf32, #tpu.memory_space<vmem_shared>>)
    %dma_wait3A_243 = arith.constant 4 : i32
    %dma_wait3A_244 = arith.constant 4 : i32
    %dma_wait3A_245 = arith.constant 0 : i32
    %dma_wait3A_246 = arith.constant 0 : i32
    %dma_wait3A_247 = tpu.memref_slice %arg8[%dma_wait3A_243, %dma_wait3A_245, %dma_wait3A_246] : memref<5x40x128xf32, #tpu.memory_space<vmem>> -> memref<1x40x128xf32, #tpu.memory_space<vmem>>
    %dma_wait3A_248 = tpu.memref_squeeze %dma_wait3A_247 : memref<1x40x128xf32, #tpu.memory_space<vmem>> -> memref<40x128xf32, #tpu.memory_space<vmem>>
    %dma_wait3A_249 = arith.constant 9960 : i32
    %dma_wait3A_250 = tpu.memref_slice %arg7[%dma_wait3A_249] : memref<10000xi32, #tpu.memory_space<vmem>> -> memref<40xi32, #tpu.memory_space<vmem>>
    %dma_wait3A_251 = arith.constant 0 : i32
    %dma_wait3A_252 = arith.constant 0 : i32
    %dma_wait3A_253 = tpu.memref_slice %arg9[%dma_wait3A_251, %dma_wait3A_252] : memref<10240x128xf32, #tpu.memory_space<vmem_shared>> -> memref<10240x128xf32, #tpu.memory_space<vmem_shared>>
    %dma_wait3A_254 = tpu.memref_slice %arg11[%dma_wait3A_244] : memref<5x!tpu.dma_semaphore, #tpu.memory_space<semaphore_mem>> -> memref<1x!tpu.dma_semaphore, #tpu.memory_space<semaphore_mem>>
    %dma_wait3A_255 = tpu.memref_squeeze %dma_wait3A_254 : memref<1x!tpu.dma_semaphore, #tpu.memory_space<semaphore_mem>> -> memref<!tpu.dma_semaphore, #tpu.memory_space<semaphore_mem>>
    tpu.wait_indirect_dma semaphore(%dma_wait3A_255 : memref<!tpu.dma_semaphore, #tpu.memory_space<semaphore_mem>>) src(%dma_wait3A_248 : memref<40x128xf32, #tpu.memory_space<vmem>>) dst(%dma_wait3A_253 : memref<10240x128xf32, #tpu.memory_space<vmem_shared>>)
    %barrier3A_256 = arith.constant 0 : index
    tpu.barrier barrier_id(%barrier3A_256)
    %mul3A_257 = arith.constant 640 : i32
    %mul3A_258 = arith.muli %arg1, %mul3A_257 : i32
    %mul3A_259 = arith.constant 640 : i32
    %mul3A_260 = arith.muli %arg1, %mul3A_259 : i32
    "tpu.region"() ({
      %run_scoped3A_261 = tpu.sem_alloc : memref<!tpu.dma_semaphore, #tpu.memory_space<semaphore_mem>>
      %dma_start3A_262 = arith.constant 0 : i32
      %dma_start3A_263 = tpu.memref_slice %arg5[%arg0, %mul3A_260, %dma_start3A_262] : memref<2x10240x128xf32, #tpu.memory_space<hbm>> -> memref<1x640x128xf32, #tpu.memory_space<hbm>>
      %dma_start3A_264 = tpu.memref_squeeze %dma_start3A_263 : memref<1x640x128xf32, #tpu.memory_space<hbm>> -> memref<640x128xf32, #tpu.memory_space<hbm>>
      %dma_start3A_265 = arith.constant 0 : i32
      %dma_start3A_266 = tpu.memref_slice %arg9[%mul3A_258, %dma_start3A_265] : memref<10240x128xf32, #tpu.memory_space<vmem_shared>> -> memref<640x128xf32, #tpu.memory_space<vmem_shared>>
      tpu.enqueue_dma source(%dma_start3A_266 : memref<640x128xf32, #tpu.memory_space<vmem_shared>>) target(%dma_start3A_264 : memref<640x128xf32, #tpu.memory_space<hbm>>) target_semaphore(%run_scoped3A_261 : memref<!tpu.dma_semaphore, #tpu.memory_space<semaphore_mem>>)
      %dma_wait3A_267 = arith.constant 0 : i32
      %dma_wait3A_268 = tpu.memref_slice %arg5[%arg0, %mul3A_260, %dma_wait3A_267] : memref<2x10240x128xf32, #tpu.memory_space<hbm>> -> memref<1x640x128xf32, #tpu.memory_space<hbm>>
      %dma_wait3A_269 = tpu.memref_squeeze %dma_wait3A_268 : memref<1x640x128xf32, #tpu.memory_space<hbm>> -> memref<640x128xf32, #tpu.memory_space<hbm>>
      %dma_wait3A_270 = arith.constant 0 : i32
      %dma_wait3A_271 = tpu.memref_slice %arg9[%mul3A_258, %dma_wait3A_270] : memref<10240x128xf32, #tpu.memory_space<vmem_shared>> -> memref<640x128xf32, #tpu.memory_space<vmem_shared>>
      tpu.wait_dma2 semaphore(%run_scoped3A_261 : memref<!tpu.dma_semaphore, #tpu.memory_space<semaphore_mem>>) src(%dma_wait3A_271 : memref<640x128xf32, #tpu.memory_space<vmem_shared>>) dst(%dma_wait3A_269 : memref<640x128xf32, #tpu.memory_space<hbm>>)
      tpu.yield
    }) : () -> ()
    return
  }
}

#map = affine_map<(d0, d1) -> (0, 0)>
#map1 = affine_map<(d0, d1) -> (0)>
module attributes {stable_mosaic.version = 14 : i64} {
  func.func @_deg_body(%arg0: i32, %arg1: i32, %arg2: memref<32x10000xi32, #tpu.memory_space<hbm>>, %arg3: memref<40xf32, #tpu.memory_space<hbm>>, %arg4: memref<10240xf32, #tpu.memory_space<hbm>>, %arg5: memref<2x10240xf32, #tpu.memory_space<hbm>>, %arg6: memref<40xf32, #tpu.memory_space<vmem>>, %arg7: memref<10000xi32, #tpu.memory_space<vmem>>, %arg8: memref<10240xf32, #tpu.memory_space<vmem_shared>>, %arg9: memref<5x!tpu.dma_semaphore, #tpu.memory_space<semaphore_mem>>) attributes {dimension_semantics = [#tpu.dimension_semantics<core_parallel>, #tpu.dimension_semantics<subcore_parallel>], iteration_bounds = array<i64: 2, 16>, scalar_prefetch = 0 : i64, scratch_operands = 4 : i64, tpu.core_type = #tpu.core_type<sc_vector_subcore>, window_params = [{transform_indices = #map}, {transform_indices = #map1}, {transform_indices = #map1}, {transform_indices = #map}]} {
    %mul3A = arith.constant 2 : i32
    %mul3A_0 = arith.muli %arg1, %mul3A : i32
    %add3A = arith.addi %mul3A_0, %arg0 : i32
    %mul3A_1 = arith.constant 640 : i32
    %mul3A_2 = arith.muli %arg1, %mul3A_1 : i32
    %mul3A_3 = arith.constant 640 : i32
    %mul3A_4 = arith.muli %arg1, %mul3A_3 : i32
    "tpu.region"() ({
      %run_scoped3A = tpu.sem_alloc : memref<!tpu.dma_semaphore, #tpu.memory_space<semaphore_mem>>
      %dma_start3A = tpu.memref_slice %arg8[%mul3A_4] : memref<10240xf32, #tpu.memory_space<vmem_shared>> -> memref<640xf32, #tpu.memory_space<vmem_shared>>
      %dma_start3A_49 = tpu.memref_slice %arg4[%mul3A_2] : memref<10240xf32, #tpu.memory_space<hbm>> -> memref<640xf32, #tpu.memory_space<hbm>>
      tpu.enqueue_dma source(%dma_start3A_49 : memref<640xf32, #tpu.memory_space<hbm>>) target(%dma_start3A : memref<640xf32, #tpu.memory_space<vmem_shared>>) target_semaphore(%run_scoped3A : memref<!tpu.dma_semaphore, #tpu.memory_space<semaphore_mem>>)
      %dma_wait3A_50 = tpu.memref_slice %arg8[%mul3A_4] : memref<10240xf32, #tpu.memory_space<vmem_shared>> -> memref<640xf32, #tpu.memory_space<vmem_shared>>
      %dma_wait3A_51 = tpu.memref_slice %arg4[%mul3A_2] : memref<10240xf32, #tpu.memory_space<hbm>> -> memref<640xf32, #tpu.memory_space<hbm>>
      tpu.wait_dma2 semaphore(%run_scoped3A : memref<!tpu.dma_semaphore, #tpu.memory_space<semaphore_mem>>) src(%dma_wait3A_51 : memref<640xf32, #tpu.memory_space<hbm>>) dst(%dma_wait3A_50 : memref<640xf32, #tpu.memory_space<vmem_shared>>)
      tpu.yield
    }) : () -> ()
    "tpu.region"() ({
      %run_scoped3A = tpu.sem_alloc : memref<!tpu.dma_semaphore, #tpu.memory_space<semaphore_mem>>
      tpu.enqueue_dma source(%arg3 : memref<40xf32, #tpu.memory_space<hbm>>) target(%arg6 : memref<40xf32, #tpu.memory_space<vmem>>) target_semaphore(%run_scoped3A : memref<!tpu.dma_semaphore, #tpu.memory_space<semaphore_mem>>)
      tpu.wait_dma2 semaphore(%run_scoped3A : memref<!tpu.dma_semaphore, #tpu.memory_space<semaphore_mem>>) src(%arg3 : memref<40xf32, #tpu.memory_space<hbm>>) dst(%arg6 : memref<40xf32, #tpu.memory_space<vmem>>)
      tpu.yield
    }) : () -> ()
    "tpu.region"() ({
      %run_scoped3A = tpu.sem_alloc : memref<!tpu.dma_semaphore, #tpu.memory_space<semaphore_mem>>
      %dma_start3A = arith.constant 0 : i32
      %dma_start3A_49 = tpu.memref_slice %arg2[%add3A, %dma_start3A] : memref<32x10000xi32, #tpu.memory_space<hbm>> -> memref<1x10000xi32, #tpu.memory_space<hbm>>
      %dma_start3A_50 = tpu.memref_squeeze %dma_start3A_49 : memref<1x10000xi32, #tpu.memory_space<hbm>> -> memref<10000xi32, #tpu.memory_space<hbm>>
      %dma_start3A_51 = arith.constant 0 : i32
      %dma_start3A_52 = tpu.memref_slice %arg2[%add3A, %dma_start3A_51] : memref<32x10000xi32, #tpu.memory_space<hbm>> -> memref<1x10000xi32, #tpu.memory_space<hbm>>
      %dma_start3A_53 = tpu.memref_squeeze %dma_start3A_52 : memref<1x10000xi32, #tpu.memory_space<hbm>> -> memref<10000xi32, #tpu.memory_space<hbm>>
      tpu.enqueue_dma source(%dma_start3A_53 : memref<10000xi32, #tpu.memory_space<hbm>>) target(%arg7 : memref<10000xi32, #tpu.memory_space<vmem>>) target_semaphore(%run_scoped3A : memref<!tpu.dma_semaphore, #tpu.memory_space<semaphore_mem>>)
      %dma_wait3A_54 = arith.constant 0 : i32
      %dma_wait3A_55 = tpu.memref_slice %arg2[%add3A, %dma_wait3A_54] : memref<32x10000xi32, #tpu.memory_space<hbm>> -> memref<1x10000xi32, #tpu.memory_space<hbm>>
      %dma_wait3A_56 = tpu.memref_squeeze %dma_wait3A_55 : memref<1x10000xi32, #tpu.memory_space<hbm>> -> memref<10000xi32, #tpu.memory_space<hbm>>
      %dma_wait3A_57 = arith.constant 0 : i32
      %dma_wait3A_58 = tpu.memref_slice %arg2[%add3A, %dma_wait3A_57] : memref<32x10000xi32, #tpu.memory_space<hbm>> -> memref<1x10000xi32, #tpu.memory_space<hbm>>
      %dma_wait3A_59 = tpu.memref_squeeze %dma_wait3A_58 : memref<1x10000xi32, #tpu.memory_space<hbm>> -> memref<10000xi32, #tpu.memory_space<hbm>>
      tpu.wait_dma2 semaphore(%run_scoped3A : memref<!tpu.dma_semaphore, #tpu.memory_space<semaphore_mem>>) src(%dma_wait3A_59 : memref<10000xi32, #tpu.memory_space<hbm>>) dst(%arg7 : memref<10000xi32, #tpu.memory_space<vmem>>)
      tpu.yield
    }) : () -> ()
    %barrier3A = arith.constant 0 : index
    tpu.barrier barrier_id(%barrier3A)
    %scan3A = arith.constant 0 : i32
    %scan3A_5 = arith.constant 0 : i32
    %scan3A_6 = arith.constant 50 : i32
    %scan3A_7 = arith.addi %scan3A_5, %scan3A_6 : i32
    %scan3A_8 = arith.constant 1 : i32
    scf.for %scan3A_49 = %scan3A_5 to %scan3A_7 step %scan3A_8  : i32 {
      %mul3A_50 = arith.constant 5 : i32
      %mul3A_51 = arith.muli %scan3A_49, %mul3A_50 : i32
      %add3A_52 = arith.constant 0 : i32
      %add3A_53 = arith.addi %mul3A_51, %add3A_52 : i32
      %ge3A = arith.constant 5 : i32
      %ge3A_54 = arith.cmpi sge, %add3A_53, %ge3A : i32
      %convert_element_type3A = arith.extui %ge3A_54 : i1 to i32
      %cond3A = arith.constant 0 : i32
      %cond3A_55 = arith.cmpi ne, %convert_element_type3A, %cond3A : i32
      scf.if %cond3A_55 {
        %sub3A = arith.constant 5 : i32
        %sub3A_131 = arith.subi %add3A_53, %sub3A : i32
        %mul3A_132 = arith.constant 40 : i32
        %mul3A_133 = arith.muli %sub3A_131, %mul3A_132 : i32
        %dma_wait3A_134 = arith.constant 0 : i32
        %dma_wait3A_135 = tpu.memref_slice %arg7[%mul3A_133] : memref<10000xi32, #tpu.memory_space<vmem>> -> memref<40xi32, #tpu.memory_space<vmem>>
        %dma_wait3A_136 = arith.constant 0 : i32
        %dma_wait3A_137 = tpu.memref_slice %arg8[%dma_wait3A_136] : memref<10240xf32, #tpu.memory_space<vmem_shared>> -> memref<10240xf32, #tpu.memory_space<vmem_shared>>
        %dma_wait3A_138 = tpu.memref_slice %arg9[%dma_wait3A_134] : memref<5x!tpu.dma_semaphore, #tpu.memory_space<semaphore_mem>> -> memref<1x!tpu.dma_semaphore, #tpu.memory_space<semaphore_mem>>
        %dma_wait3A_139 = tpu.memref_squeeze %dma_wait3A_138 : memref<1x!tpu.dma_semaphore, #tpu.memory_space<semaphore_mem>> -> memref<!tpu.dma_semaphore, #tpu.memory_space<semaphore_mem>>
        tpu.wait_indirect_dma semaphore(%dma_wait3A_139 : memref<!tpu.dma_semaphore, #tpu.memory_space<semaphore_mem>>) src(%arg6 : memref<40xf32, #tpu.memory_space<vmem>>) dst(%dma_wait3A_137 : memref<10240xf32, #tpu.memory_space<vmem_shared>>)
      } else {
      }
      %mul3A_56 = arith.constant 40 : i32
      %mul3A_57 = arith.muli %add3A_53, %mul3A_56 : i32
      %dma_start3A = arith.constant 0 : i32
      %dma_start3A_58 = tpu.memref_slice %arg7[%mul3A_57] : memref<10000xi32, #tpu.memory_space<vmem>> -> memref<40xi32, #tpu.memory_space<vmem>>
      %dma_start3A_59 = arith.constant 0 : i32
      %dma_start3A_60 = tpu.memref_slice %arg8[%dma_start3A_59] : memref<10240xf32, #tpu.memory_space<vmem_shared>> -> memref<10240xf32, #tpu.memory_space<vmem_shared>>
      %dma_start3A_61 = tpu.memref_slice %arg9[%dma_start3A] : memref<5x!tpu.dma_semaphore, #tpu.memory_space<semaphore_mem>> -> memref<1x!tpu.dma_semaphore, #tpu.memory_space<semaphore_mem>>
      %dma_start3A_62 = tpu.memref_squeeze %dma_start3A_61 : memref<1x!tpu.dma_semaphore, #tpu.memory_space<semaphore_mem>> -> memref<!tpu.dma_semaphore, #tpu.memory_space<semaphore_mem>>
      tpu.enqueue_indirect_dma source(%arg6 : memref<40xf32, #tpu.memory_space<vmem>>) target(%dma_start3A_60 : memref<10240xf32, #tpu.memory_space<vmem_shared>>) offsets(%dma_start3A_58 : memref<40xi32, #tpu.memory_space<vmem>>) semaphore(%dma_start3A_62 : memref<!tpu.dma_semaphore, #tpu.memory_space<semaphore_mem>>) {add = true}
      %mul3A_63 = arith.constant 5 : i32
      %mul3A_64 = arith.muli %scan3A_49, %mul3A_63 : i32
      %add3A_65 = arith.constant 1 : i32
      %add3A_66 = arith.addi %mul3A_64, %add3A_65 : i32
      %ge3A_67 = arith.constant 5 : i32
      %ge3A_68 = arith.cmpi sge, %add3A_66, %ge3A_67 : i32
      %convert_element_type3A_69 = arith.extui %ge3A_68 : i1 to i32
      %cond3A_70 = arith.constant 0 : i32
      %cond3A_71 = arith.cmpi ne, %convert_element_type3A_69, %cond3A_70 : i32
      scf.if %cond3A_71 {
        %sub3A = arith.constant 5 : i32
        %sub3A_131 = arith.subi %add3A_66, %sub3A : i32
        %mul3A_132 = arith.constant 40 : i32
        %mul3A_133 = arith.muli %sub3A_131, %mul3A_132 : i32
        %dma_wait3A_134 = arith.constant 1 : i32
        %dma_wait3A_135 = tpu.memref_slice %arg7[%mul3A_133] : memref<10000xi32, #tpu.memory_space<vmem>> -> memref<40xi32, #tpu.memory_space<vmem>>
        %dma_wait3A_136 = arith.constant 0 : i32
        %dma_wait3A_137 = tpu.memref_slice %arg8[%dma_wait3A_136] : memref<10240xf32, #tpu.memory_space<vmem_shared>> -> memref<10240xf32, #tpu.memory_space<vmem_shared>>
        %dma_wait3A_138 = tpu.memref_slice %arg9[%dma_wait3A_134] : memref<5x!tpu.dma_semaphore, #tpu.memory_space<semaphore_mem>> -> memref<1x!tpu.dma_semaphore, #tpu.memory_space<semaphore_mem>>
        %dma_wait3A_139 = tpu.memref_squeeze %dma_wait3A_138 : memref<1x!tpu.dma_semaphore, #tpu.memory_space<semaphore_mem>> -> memref<!tpu.dma_semaphore, #tpu.memory_space<semaphore_mem>>
        tpu.wait_indirect_dma semaphore(%dma_wait3A_139 : memref<!tpu.dma_semaphore, #tpu.memory_space<semaphore_mem>>) src(%arg6 : memref<40xf32, #tpu.memory_space<vmem>>) dst(%dma_wait3A_137 : memref<10240xf32, #tpu.memory_space<vmem_shared>>)
      } else {
      }
      %mul3A_72 = arith.constant 40 : i32
      %mul3A_73 = arith.muli %add3A_66, %mul3A_72 : i32
      %dma_start3A_74 = arith.constant 1 : i32
      %dma_start3A_75 = tpu.memref_slice %arg7[%mul3A_73] : memref<10000xi32, #tpu.memory_space<vmem>> -> memref<40xi32, #tpu.memory_space<vmem>>
      %dma_start3A_76 = arith.constant 0 : i32
      %dma_start3A_77 = tpu.memref_slice %arg8[%dma_start3A_76] : memref<10240xf32, #tpu.memory_space<vmem_shared>> -> memref<10240xf32, #tpu.memory_space<vmem_shared>>
      %dma_start3A_78 = tpu.memref_slice %arg9[%dma_start3A_74] : memref<5x!tpu.dma_semaphore, #tpu.memory_space<semaphore_mem>> -> memref<1x!tpu.dma_semaphore, #tpu.memory_space<semaphore_mem>>
      %dma_start3A_79 = tpu.memref_squeeze %dma_start3A_78 : memref<1x!tpu.dma_semaphore, #tpu.memory_space<semaphore_mem>> -> memref<!tpu.dma_semaphore, #tpu.memory_space<semaphore_mem>>
      tpu.enqueue_indirect_dma source(%arg6 : memref<40xf32, #tpu.memory_space<vmem>>) target(%dma_start3A_77 : memref<10240xf32, #tpu.memory_space<vmem_shared>>) offsets(%dma_start3A_75 : memref<40xi32, #tpu.memory_space<vmem>>) semaphore(%dma_start3A_79 : memref<!tpu.dma_semaphore, #tpu.memory_space<semaphore_mem>>) {add = true}
      %mul3A_80 = arith.constant 5 : i32
      %mul3A_81 = arith.muli %scan3A_49, %mul3A_80 : i32
      %add3A_82 = arith.constant 2 : i32
      %add3A_83 = arith.addi %mul3A_81, %add3A_82 : i32
      %ge3A_84 = arith.constant 5 : i32
      %ge3A_85 = arith.cmpi sge, %add3A_83, %ge3A_84 : i32
      %convert_element_type3A_86 = arith.extui %ge3A_85 : i1 to i32
      %cond3A_87 = arith.constant 0 : i32
      %cond3A_88 = arith.cmpi ne, %convert_element_type3A_86, %cond3A_87 : i32
      scf.if %cond3A_88 {
        %sub3A = arith.constant 5 : i32
        %sub3A_131 = arith.subi %add3A_83, %sub3A : i32
        %mul3A_132 = arith.constant 40 : i32
        %mul3A_133 = arith.muli %sub3A_131, %mul3A_132 : i32
        %dma_wait3A_134 = arith.constant 2 : i32
        %dma_wait3A_135 = tpu.memref_slice %arg7[%mul3A_133] : memref<10000xi32, #tpu.memory_space<vmem>> -> memref<40xi32, #tpu.memory_space<vmem>>
        %dma_wait3A_136 = arith.constant 0 : i32
        %dma_wait3A_137 = tpu.memref_slice %arg8[%dma_wait3A_136] : memref<10240xf32, #tpu.memory_space<vmem_shared>> -> memref<10240xf32, #tpu.memory_space<vmem_shared>>
        %dma_wait3A_138 = tpu.memref_slice %arg9[%dma_wait3A_134] : memref<5x!tpu.dma_semaphore, #tpu.memory_space<semaphore_mem>> -> memref<1x!tpu.dma_semaphore, #tpu.memory_space<semaphore_mem>>
        %dma_wait3A_139 = tpu.memref_squeeze %dma_wait3A_138 : memref<1x!tpu.dma_semaphore, #tpu.memory_space<semaphore_mem>> -> memref<!tpu.dma_semaphore, #tpu.memory_space<semaphore_mem>>
        tpu.wait_indirect_dma semaphore(%dma_wait3A_139 : memref<!tpu.dma_semaphore, #tpu.memory_space<semaphore_mem>>) src(%arg6 : memref<40xf32, #tpu.memory_space<vmem>>) dst(%dma_wait3A_137 : memref<10240xf32, #tpu.memory_space<vmem_shared>>)
      } else {
      }
      %mul3A_89 = arith.constant 40 : i32
      %mul3A_90 = arith.muli %add3A_83, %mul3A_89 : i32
      %dma_start3A_91 = arith.constant 2 : i32
      %dma_start3A_92 = tpu.memref_slice %arg7[%mul3A_90] : memref<10000xi32, #tpu.memory_space<vmem>> -> memref<40xi32, #tpu.memory_space<vmem>>
      %dma_start3A_93 = arith.constant 0 : i32
      %dma_start3A_94 = tpu.memref_slice %arg8[%dma_start3A_93] : memref<10240xf32, #tpu.memory_space<vmem_shared>> -> memref<10240xf32, #tpu.memory_space<vmem_shared>>
      %dma_start3A_95 = tpu.memref_slice %arg9[%dma_start3A_91] : memref<5x!tpu.dma_semaphore, #tpu.memory_space<semaphore_mem>> -> memref<1x!tpu.dma_semaphore, #tpu.memory_space<semaphore_mem>>
      %dma_start3A_96 = tpu.memref_squeeze %dma_start3A_95 : memref<1x!tpu.dma_semaphore, #tpu.memory_space<semaphore_mem>> -> memref<!tpu.dma_semaphore, #tpu.memory_space<semaphore_mem>>
      tpu.enqueue_indirect_dma source(%arg6 : memref<40xf32, #tpu.memory_space<vmem>>) target(%dma_start3A_94 : memref<10240xf32, #tpu.memory_space<vmem_shared>>) offsets(%dma_start3A_92 : memref<40xi32, #tpu.memory_space<vmem>>) semaphore(%dma_start3A_96 : memref<!tpu.dma_semaphore, #tpu.memory_space<semaphore_mem>>) {add = true}
      %mul3A_97 = arith.constant 5 : i32
      %mul3A_98 = arith.muli %scan3A_49, %mul3A_97 : i32
      %add3A_99 = arith.constant 3 : i32
      %add3A_100 = arith.addi %mul3A_98, %add3A_99 : i32
      %ge3A_101 = arith.constant 5 : i32
      %ge3A_102 = arith.cmpi sge, %add3A_100, %ge3A_101 : i32
      %convert_element_type3A_103 = arith.extui %ge3A_102 : i1 to i32
      %cond3A_104 = arith.constant 0 : i32
      %cond3A_105 = arith.cmpi ne, %convert_element_type3A_103, %cond3A_104 : i32
      scf.if %cond3A_105 {
        %sub3A = arith.constant 5 : i32
        %sub3A_131 = arith.subi %add3A_100, %sub3A : i32
        %mul3A_132 = arith.constant 40 : i32
        %mul3A_133 = arith.muli %sub3A_131, %mul3A_132 : i32
        %dma_wait3A_134 = arith.constant 3 : i32
        %dma_wait3A_135 = tpu.memref_slice %arg7[%mul3A_133] : memref<10000xi32, #tpu.memory_space<vmem>> -> memref<40xi32, #tpu.memory_space<vmem>>
        %dma_wait3A_136 = arith.constant 0 : i32
        %dma_wait3A_137 = tpu.memref_slice %arg8[%dma_wait3A_136] : memref<10240xf32, #tpu.memory_space<vmem_shared>> -> memref<10240xf32, #tpu.memory_space<vmem_shared>>
        %dma_wait3A_138 = tpu.memref_slice %arg9[%dma_wait3A_134] : memref<5x!tpu.dma_semaphore, #tpu.memory_space<semaphore_mem>> -> memref<1x!tpu.dma_semaphore, #tpu.memory_space<semaphore_mem>>
        %dma_wait3A_139 = tpu.memref_squeeze %dma_wait3A_138 : memref<1x!tpu.dma_semaphore, #tpu.memory_space<semaphore_mem>> -> memref<!tpu.dma_semaphore, #tpu.memory_space<semaphore_mem>>
        tpu.wait_indirect_dma semaphore(%dma_wait3A_139 : memref<!tpu.dma_semaphore, #tpu.memory_space<semaphore_mem>>) src(%arg6 : memref<40xf32, #tpu.memory_space<vmem>>) dst(%dma_wait3A_137 : memref<10240xf32, #tpu.memory_space<vmem_shared>>)
      } else {
      }
      %mul3A_106 = arith.constant 40 : i32
      %mul3A_107 = arith.muli %add3A_100, %mul3A_106 : i32
      %dma_start3A_108 = arith.constant 3 : i32
      %dma_start3A_109 = tpu.memref_slice %arg7[%mul3A_107] : memref<10000xi32, #tpu.memory_space<vmem>> -> memref<40xi32, #tpu.memory_space<vmem>>
      %dma_start3A_110 = arith.constant 0 : i32
      %dma_start3A_111 = tpu.memref_slice %arg8[%dma_start3A_110] : memref<10240xf32, #tpu.memory_space<vmem_shared>> -> memref<10240xf32, #tpu.memory_space<vmem_shared>>
      %dma_start3A_112 = tpu.memref_slice %arg9[%dma_start3A_108] : memref<5x!tpu.dma_semaphore, #tpu.memory_space<semaphore_mem>> -> memref<1x!tpu.dma_semaphore, #tpu.memory_space<semaphore_mem>>
      %dma_start3A_113 = tpu.memref_squeeze %dma_start3A_112 : memref<1x!tpu.dma_semaphore, #tpu.memory_space<semaphore_mem>> -> memref<!tpu.dma_semaphore, #tpu.memory_space<semaphore_mem>>
      tpu.enqueue_indirect_dma source(%arg6 : memref<40xf32, #tpu.memory_space<vmem>>) target(%dma_start3A_111 : memref<10240xf32, #tpu.memory_space<vmem_shared>>) offsets(%dma_start3A_109 : memref<40xi32, #tpu.memory_space<vmem>>) semaphore(%dma_start3A_113 : memref<!tpu.dma_semaphore, #tpu.memory_space<semaphore_mem>>) {add = true}
      %mul3A_114 = arith.constant 5 : i32
      %mul3A_115 = arith.muli %scan3A_49, %mul3A_114 : i32
      %add3A_116 = arith.constant 4 : i32
      %add3A_117 = arith.addi %mul3A_115, %add3A_116 : i32
      %ge3A_118 = arith.constant 5 : i32
      %ge3A_119 = arith.cmpi sge, %add3A_117, %ge3A_118 : i32
      %convert_element_type3A_120 = arith.extui %ge3A_119 : i1 to i32
      %cond3A_121 = arith.constant 0 : i32
      %cond3A_122 = arith.cmpi ne, %convert_element_type3A_120, %cond3A_121 : i32
      scf.if %cond3A_122 {
        %sub3A = arith.constant 5 : i32
        %sub3A_131 = arith.subi %add3A_117, %sub3A : i32
        %mul3A_132 = arith.constant 40 : i32
        %mul3A_133 = arith.muli %sub3A_131, %mul3A_132 : i32
        %dma_wait3A_134 = arith.constant 4 : i32
        %dma_wait3A_135 = tpu.memref_slice %arg7[%mul3A_133] : memref<10000xi32, #tpu.memory_space<vmem>> -> memref<40xi32, #tpu.memory_space<vmem>>
        %dma_wait3A_136 = arith.constant 0 : i32
        %dma_wait3A_137 = tpu.memref_slice %arg8[%dma_wait3A_136] : memref<10240xf32, #tpu.memory_space<vmem_shared>> -> memref<10240xf32, #tpu.memory_space<vmem_shared>>
        %dma_wait3A_138 = tpu.memref_slice %arg9[%dma_wait3A_134] : memref<5x!tpu.dma_semaphore, #tpu.memory_space<semaphore_mem>> -> memref<1x!tpu.dma_semaphore, #tpu.memory_space<semaphore_mem>>
        %dma_wait3A_139 = tpu.memref_squeeze %dma_wait3A_138 : memref<1x!tpu.dma_semaphore, #tpu.memory_space<semaphore_mem>> -> memref<!tpu.dma_semaphore, #tpu.memory_space<semaphore_mem>>
        tpu.wait_indirect_dma semaphore(%dma_wait3A_139 : memref<!tpu.dma_semaphore, #tpu.memory_space<semaphore_mem>>) src(%arg6 : memref<40xf32, #tpu.memory_space<vmem>>) dst(%dma_wait3A_137 : memref<10240xf32, #tpu.memory_space<vmem_shared>>)
      } else {
      }
      %mul3A_123 = arith.constant 40 : i32
      %mul3A_124 = arith.muli %add3A_117, %mul3A_123 : i32
      %dma_start3A_125 = arith.constant 4 : i32
      %dma_start3A_126 = tpu.memref_slice %arg7[%mul3A_124] : memref<10000xi32, #tpu.memory_space<vmem>> -> memref<40xi32, #tpu.memory_space<vmem>>
      %dma_start3A_127 = arith.constant 0 : i32
      %dma_start3A_128 = tpu.memref_slice %arg8[%dma_start3A_127] : memref<10240xf32, #tpu.memory_space<vmem_shared>> -> memref<10240xf32, #tpu.memory_space<vmem_shared>>
      %dma_start3A_129 = tpu.memref_slice %arg9[%dma_start3A_125] : memref<5x!tpu.dma_semaphore, #tpu.memory_space<semaphore_mem>> -> memref<1x!tpu.dma_semaphore, #tpu.memory_space<semaphore_mem>>
      %dma_start3A_130 = tpu.memref_squeeze %dma_start3A_129 : memref<1x!tpu.dma_semaphore, #tpu.memory_space<semaphore_mem>> -> memref<!tpu.dma_semaphore, #tpu.memory_space<semaphore_mem>>
      tpu.enqueue_indirect_dma source(%arg6 : memref<40xf32, #tpu.memory_space<vmem>>) target(%dma_start3A_128 : memref<10240xf32, #tpu.memory_space<vmem_shared>>) offsets(%dma_start3A_126 : memref<40xi32, #tpu.memory_space<vmem>>) semaphore(%dma_start3A_130 : memref<!tpu.dma_semaphore, #tpu.memory_space<semaphore_mem>>) {add = true}
    }
    %scan3A_9 = arith.constant 50 : i32
    %dma_wait3A = arith.constant 0 : i32
    %dma_wait3A_10 = arith.constant 9800 : i32
    %dma_wait3A_11 = tpu.memref_slice %arg7[%dma_wait3A_10] : memref<10000xi32, #tpu.memory_space<vmem>> -> memref<40xi32, #tpu.memory_space<vmem>>
    %dma_wait3A_12 = arith.constant 0 : i32
    %dma_wait3A_13 = tpu.memref_slice %arg8[%dma_wait3A_12] : memref<10240xf32, #tpu.memory_space<vmem_shared>> -> memref<10240xf32, #tpu.memory_space<vmem_shared>>
    %dma_wait3A_14 = tpu.memref_slice %arg9[%dma_wait3A] : memref<5x!tpu.dma_semaphore, #tpu.memory_space<semaphore_mem>> -> memref<1x!tpu.dma_semaphore, #tpu.memory_space<semaphore_mem>>
    %dma_wait3A_15 = tpu.memref_squeeze %dma_wait3A_14 : memref<1x!tpu.dma_semaphore, #tpu.memory_space<semaphore_mem>> -> memref<!tpu.dma_semaphore, #tpu.memory_space<semaphore_mem>>
    tpu.wait_indirect_dma semaphore(%dma_wait3A_15 : memref<!tpu.dma_semaphore, #tpu.memory_space<semaphore_mem>>) src(%arg6 : memref<40xf32, #tpu.memory_space<vmem>>) dst(%dma_wait3A_13 : memref<10240xf32, #tpu.memory_space<vmem_shared>>)
    %dma_wait3A_16 = arith.constant 1 : i32
    %dma_wait3A_17 = arith.constant 9840 : i32
    %dma_wait3A_18 = tpu.memref_slice %arg7[%dma_wait3A_17] : memref<10000xi32, #tpu.memory_space<vmem>> -> memref<40xi32, #tpu.memory_space<vmem>>
    %dma_wait3A_19 = arith.constant 0 : i32
    %dma_wait3A_20 = tpu.memref_slice %arg8[%dma_wait3A_19] : memref<10240xf32, #tpu.memory_space<vmem_shared>> -> memref<10240xf32, #tpu.memory_space<vmem_shared>>
    %dma_wait3A_21 = tpu.memref_slice %arg9[%dma_wait3A_16] : memref<5x!tpu.dma_semaphore, #tpu.memory_space<semaphore_mem>> -> memref<1x!tpu.dma_semaphore, #tpu.memory_space<semaphore_mem>>
    %dma_wait3A_22 = tpu.memref_squeeze %dma_wait3A_21 : memref<1x!tpu.dma_semaphore, #tpu.memory_space<semaphore_mem>> -> memref<!tpu.dma_semaphore, #tpu.memory_space<semaphore_mem>>
    tpu.wait_indirect_dma semaphore(%dma_wait3A_22 : memref<!tpu.dma_semaphore, #tpu.memory_space<semaphore_mem>>) src(%arg6 : memref<40xf32, #tpu.memory_space<vmem>>) dst(%dma_wait3A_20 : memref<10240xf32, #tpu.memory_space<vmem_shared>>)
    %dma_wait3A_23 = arith.constant 2 : i32
    %dma_wait3A_24 = arith.constant 9880 : i32
    %dma_wait3A_25 = tpu.memref_slice %arg7[%dma_wait3A_24] : memref<10000xi32, #tpu.memory_space<vmem>> -> memref<40xi32, #tpu.memory_space<vmem>>
    %dma_wait3A_26 = arith.constant 0 : i32
    %dma_wait3A_27 = tpu.memref_slice %arg8[%dma_wait3A_26] : memref<10240xf32, #tpu.memory_space<vmem_shared>> -> memref<10240xf32, #tpu.memory_space<vmem_shared>>
    %dma_wait3A_28 = tpu.memref_slice %arg9[%dma_wait3A_23] : memref<5x!tpu.dma_semaphore, #tpu.memory_space<semaphore_mem>> -> memref<1x!tpu.dma_semaphore, #tpu.memory_space<semaphore_mem>>
    %dma_wait3A_29 = tpu.memref_squeeze %dma_wait3A_28 : memref<1x!tpu.dma_semaphore, #tpu.memory_space<semaphore_mem>> -> memref<!tpu.dma_semaphore, #tpu.memory_space<semaphore_mem>>
    tpu.wait_indirect_dma semaphore(%dma_wait3A_29 : memref<!tpu.dma_semaphore, #tpu.memory_space<semaphore_mem>>) src(%arg6 : memref<40xf32, #tpu.memory_space<vmem>>) dst(%dma_wait3A_27 : memref<10240xf32, #tpu.memory_space<vmem_shared>>)
    %dma_wait3A_30 = arith.constant 3 : i32
    %dma_wait3A_31 = arith.constant 9920 : i32
    %dma_wait3A_32 = tpu.memref_slice %arg7[%dma_wait3A_31] : memref<10000xi32, #tpu.memory_space<vmem>> -> memref<40xi32, #tpu.memory_space<vmem>>
    %dma_wait3A_33 = arith.constant 0 : i32
    %dma_wait3A_34 = tpu.memref_slice %arg8[%dma_wait3A_33] : memref<10240xf32, #tpu.memory_space<vmem_shared>> -> memref<10240xf32, #tpu.memory_space<vmem_shared>>
    %dma_wait3A_35 = tpu.memref_slice %arg9[%dma_wait3A_30] : memref<5x!tpu.dma_semaphore, #tpu.memory_space<semaphore_mem>> -> memref<1x!tpu.dma_semaphore, #tpu.memory_space<semaphore_mem>>
    %dma_wait3A_36 = tpu.memref_squeeze %dma_wait3A_35 : memref<1x!tpu.dma_semaphore, #tpu.memory_space<semaphore_mem>> -> memref<!tpu.dma_semaphore, #tpu.memory_space<semaphore_mem>>
    tpu.wait_indirect_dma semaphore(%dma_wait3A_36 : memref<!tpu.dma_semaphore, #tpu.memory_space<semaphore_mem>>) src(%arg6 : memref<40xf32, #tpu.memory_space<vmem>>) dst(%dma_wait3A_34 : memref<10240xf32, #tpu.memory_space<vmem_shared>>)
    %dma_wait3A_37 = arith.constant 4 : i32
    %dma_wait3A_38 = arith.constant 9960 : i32
    %dma_wait3A_39 = tpu.memref_slice %arg7[%dma_wait3A_38] : memref<10000xi32, #tpu.memory_space<vmem>> -> memref<40xi32, #tpu.memory_space<vmem>>
    %dma_wait3A_40 = arith.constant 0 : i32
    %dma_wait3A_41 = tpu.memref_slice %arg8[%dma_wait3A_40] : memref<10240xf32, #tpu.memory_space<vmem_shared>> -> memref<10240xf32, #tpu.memory_space<vmem_shared>>
    %dma_wait3A_42 = tpu.memref_slice %arg9[%dma_wait3A_37] : memref<5x!tpu.dma_semaphore, #tpu.memory_space<semaphore_mem>> -> memref<1x!tpu.dma_semaphore, #tpu.memory_space<semaphore_mem>>
    %dma_wait3A_43 = tpu.memref_squeeze %dma_wait3A_42 : memref<1x!tpu.dma_semaphore, #tpu.memory_space<semaphore_mem>> -> memref<!tpu.dma_semaphore, #tpu.memory_space<semaphore_mem>>
    tpu.wait_indirect_dma semaphore(%dma_wait3A_43 : memref<!tpu.dma_semaphore, #tpu.memory_space<semaphore_mem>>) src(%arg6 : memref<40xf32, #tpu.memory_space<vmem>>) dst(%dma_wait3A_41 : memref<10240xf32, #tpu.memory_space<vmem_shared>>)
    %barrier3A_44 = arith.constant 0 : index
    tpu.barrier barrier_id(%barrier3A_44)
    %mul3A_45 = arith.constant 640 : i32
    %mul3A_46 = arith.muli %arg1, %mul3A_45 : i32
    %mul3A_47 = arith.constant 640 : i32
    %mul3A_48 = arith.muli %arg1, %mul3A_47 : i32
    "tpu.region"() ({
      %run_scoped3A = tpu.sem_alloc : memref<!tpu.dma_semaphore, #tpu.memory_space<semaphore_mem>>
      %dma_start3A = tpu.memref_slice %arg5[%arg0, %mul3A_48] : memref<2x10240xf32, #tpu.memory_space<hbm>> -> memref<1x640xf32, #tpu.memory_space<hbm>>
      %dma_start3A_49 = tpu.memref_squeeze %dma_start3A : memref<1x640xf32, #tpu.memory_space<hbm>> -> memref<640xf32, #tpu.memory_space<hbm>>
      %dma_start3A_50 = tpu.memref_slice %arg8[%mul3A_46] : memref<10240xf32, #tpu.memory_space<vmem_shared>> -> memref<640xf32, #tpu.memory_space<vmem_shared>>
      tpu.enqueue_dma source(%dma_start3A_50 : memref<640xf32, #tpu.memory_space<vmem_shared>>) target(%dma_start3A_49 : memref<640xf32, #tpu.memory_space<hbm>>) target_semaphore(%run_scoped3A : memref<!tpu.dma_semaphore, #tpu.memory_space<semaphore_mem>>)
      %dma_wait3A_51 = tpu.memref_slice %arg5[%arg0, %mul3A_48] : memref<2x10240xf32, #tpu.memory_space<hbm>> -> memref<1x640xf32, #tpu.memory_space<hbm>>
      %dma_wait3A_52 = tpu.memref_squeeze %dma_wait3A_51 : memref<1x640xf32, #tpu.memory_space<hbm>> -> memref<640xf32, #tpu.memory_space<hbm>>
      %dma_wait3A_53 = tpu.memref_slice %arg8[%mul3A_46] : memref<10240xf32, #tpu.memory_space<vmem_shared>> -> memref<640xf32, #tpu.memory_space<vmem_shared>>
      tpu.wait_dma2 semaphore(%run_scoped3A : memref<!tpu.dma_semaphore, #tpu.memory_space<semaphore_mem>>) src(%dma_wait3A_53 : memref<640xf32, #tpu.memory_space<vmem_shared>>) dst(%dma_wait3A_52 : memref<640xf32, #tpu.memory_space<hbm>>)
      tpu.yield
    }) : () -> ()
    return
  }
}

module attributes {stable_mosaic.version = 14 : i64} {
  func.func @_tcA_body(%arg0: i32, %arg1: memref<2x1x1000x1xf32, #tpu.memory_space<vmem>>, %arg2: memref<1000x128xf32, #tpu.memory_space<vmem>>, %arg3: memref<128x128xf32, #tpu.memory_space<vmem>>, %arg4: memref<1000x128xf32, #tpu.memory_space<vmem>>) attributes {dimension_semantics = [#tpu.dimension_semantics<arbitrary>], iteration_bounds = array<i64: 10>, scalar_prefetch = 0 : i64, scratch_operands = 0 : i64, tpu.core_type = #tpu.core_type<tc>, window_params = [{transform_indices = @transform_0, window_bounds = array<i64: 2, 1, 1000, 1>}, {transform_indices = @transform_1, window_bounds = array<i64: 1000, 128>}, {pipeline_mode = #tpu.pipeline_mode<synchronous>, transform_indices = @transform_2, window_bounds = array<i64: 128, 128>}, {transform_indices = @transform_3, window_bounds = array<i64: 1000, 128>}]} {
    %get3A = arith.constant 0 : index
    %get3A_0 = arith.constant 0 : index
    %get3A_1 = arith.constant 0 : index
    %get3A_2 = arith.constant 0 : index
    %get3A_3 = vector.load %arg1[%get3A, %get3A_0, %get3A_1, %get3A_2] : memref<2x1x1000x1xf32, #tpu.memory_space<vmem>>, vector<1x1x1000x1xf32>
    %get3A_4 = vector.shape_cast %get3A_3 : vector<1x1x1000x1xf32> to vector<1000x1xf32>
    %get3A_5 = arith.constant 1 : index
    %get3A_6 = arith.constant 0 : index
    %get3A_7 = arith.constant 0 : index
    %get3A_8 = arith.constant 0 : index
    %get3A_9 = vector.load %arg1[%get3A_5, %get3A_6, %get3A_7, %get3A_8] : memref<2x1x1000x1xf32, #tpu.memory_space<vmem>>, vector<1x1x1000x1xf32>
    %get3A_10 = vector.shape_cast %get3A_9 : vector<1x1x1000x1xf32> to vector<1000x1xf32>
    %add3A = arith.addf %get3A_4, %get3A_10 : vector<1000x1xf32>
    %add3A_11 = arith.constant 1.000000e+00 : f32
    %add3A_12 = vector.broadcast %add3A_11 : f32 to vector<1000x1xf32>
    %add3A_13 = arith.addf %add3A, %add3A_12 : vector<1000x1xf32>
    %rsqrt3A = math.rsqrt %add3A_13 : vector<1000x1xf32>
    %get3A_14 = arith.constant 0 : index
    %get3A_15 = arith.constant 0 : index
    %get3A_16 = vector.load %arg2[%get3A_14, %get3A_15] : memref<1000x128xf32, #tpu.memory_space<vmem>>, vector<1000x128xf32>
    %get3A_17 = arith.constant 0 : index
    %get3A_18 = arith.constant 0 : index
    %get3A_19 = vector.load %arg3[%get3A_17, %get3A_18] : memref<128x128xf32, #tpu.memory_space<vmem>>, vector<128x128xf32>
    %dot_general3A = arith.constant dense<0.000000e+00> : vector<1000x128xf32>
    %dot_general3A_20 = tpu.matmul %get3A_16, %get3A_19, %dot_general3A {dimension_numbers = #tpu.dot_dimension_numbers<[1], [0], [0], [1], [0, 0, 1, 1], [], []>, transpose_lhs_hint = false} : vector<1000x128xf32>, vector<128x128xf32>, vector<1000x128xf32> -> vector<1000x128xf32>
    %mul3A = vector.broadcast %rsqrt3A : vector<1000x1xf32> to vector<1000x128xf32>
    %mul3A_21 = arith.mulf %dot_general3A_20, %mul3A : vector<1000x128xf32>
    %swap3A = arith.constant 0 : index
    %swap3A_22 = arith.constant 0 : index
    %swap3A_23 = vector.load %arg4[%swap3A, %swap3A_22] : memref<1000x128xf32, #tpu.memory_space<vmem>>, vector<1000x128xf32>
    tpu.vector_store %arg4[%swap3A, %swap3A_22], %mul3A_21 {strides = array<i32>} : memref<1000x128xf32, #tpu.memory_space<vmem>>, vector<1000x128xf32>,
    return
  }
  func.func @transform_0(%arg0: i32) -> (i32, i32, i32, i32) {
    %c0_i32 = arith.constant 0 : i32
    %c0_i32_0 = arith.constant 0 : i32
    %c0_i32_1 = arith.constant 0 : i32
    %c0_i32_2 = arith.constant 0 : i32
    return %c0_i32, %arg0, %c0_i32_0, %c0_i32_1 : i32, i32, i32, i32
  }
  func.func @transform_1(%arg0: i32) -> (i32, i32) {
    %c0_i32 = arith.constant 0 : i32
    %c0_i32_0 = arith.constant 0 : i32
    return %arg0, %c0_i32 : i32, i32
  }
  func.func @transform_2(%arg0: i32) -> (i32, i32) {
    %c0_i32 = arith.constant 0 : i32
    %c0_i32_0 = arith.constant 0 : i32
    %c0_i32_1 = arith.constant 0 : i32
    return %c0_i32, %c0_i32_0 : i32, i32
  }
  func.func @transform_3(%arg0: i32) -> (i32, i32) {
    %c0_i32 = arith.constant 0 : i32
    %c0_i32_0 = arith.constant 0 : i32
    return %arg0, %c0_i32 : i32, i32
  }
}

module attributes {stable_mosaic.version = 14 : i64} {
  func.func @_tcB_body(%arg0: i32, %arg1: memref<2x1x1000x1xf32, #tpu.memory_space<vmem>>, %arg2: memref<2x1000x128xf32, #tpu.memory_space<vmem>>, %arg3: memref<1000x128xf32, #tpu.memory_space<vmem>>, %arg4: memref<128x64xf32, #tpu.memory_space<vmem>>, %arg5: memref<64x64xf32, #tpu.memory_space<vmem>>, %arg6: memref<1x128xf32, #tpu.memory_space<vmem>>, %arg7: memref<1000x128xf32, #tpu.memory_space<vmem>>) attributes {dimension_semantics = [#tpu.dimension_semantics<arbitrary>], iteration_bounds = array<i64: 10>, scalar_prefetch = 0 : i64, scratch_operands = 0 : i64, tpu.core_type = #tpu.core_type<tc>, window_params = [{transform_indices = @transform_0, window_bounds = array<i64: 2, 1, 1000, 1>}, {transform_indices = @transform_1, window_bounds = array<i64: 2, 1000, 128>}, {transform_indices = @transform_2, window_bounds = array<i64: 1000, 128>}, {pipeline_mode = #tpu.pipeline_mode<synchronous>, transform_indices = @transform_3, window_bounds = array<i64: 128, 64>}, {pipeline_mode = #tpu.pipeline_mode<synchronous>, transform_indices = @transform_4, window_bounds = array<i64: 64, 64>}, {pipeline_mode = #tpu.pipeline_mode<synchronous>, transform_indices = @transform_5, window_bounds = array<i64: 1, 128>}, {transform_indices = @transform_6, window_bounds = array<i64: 1000, 128>}]} {
    %get3A = arith.constant 0 : index
    %get3A_0 = arith.constant 0 : index
    %get3A_1 = arith.constant 0 : index
    %get3A_2 = arith.constant 0 : index
    %get3A_3 = vector.load %arg1[%get3A, %get3A_0, %get3A_1, %get3A_2] : memref<2x1x1000x1xf32, #tpu.memory_space<vmem>>, vector<1x1x1000x1xf32>
    %get3A_4 = vector.shape_cast %get3A_3 : vector<1x1x1000x1xf32> to vector<1000x1xf32>
    %get3A_5 = arith.constant 1 : index
    %get3A_6 = arith.constant 0 : index
    %get3A_7 = arith.constant 0 : index
    %get3A_8 = arith.constant 0 : index
    %get3A_9 = vector.load %arg1[%get3A_5, %get3A_6, %get3A_7, %get3A_8] : memref<2x1x1000x1xf32, #tpu.memory_space<vmem>>, vector<1x1x1000x1xf32>
    %get3A_10 = vector.shape_cast %get3A_9 : vector<1x1x1000x1xf32> to vector<1000x1xf32>
    %add3A = arith.addf %get3A_4, %get3A_10 : vector<1000x1xf32>
    %add3A_11 = arith.constant 1.000000e+00 : f32
    %add3A_12 = vector.broadcast %add3A_11 : f32 to vector<1000x1xf32>
    %add3A_13 = arith.addf %add3A, %add3A_12 : vector<1000x1xf32>
    %rsqrt3A = math.rsqrt %add3A_13 : vector<1000x1xf32>
    %get3A_14 = arith.constant 0 : index
    %get3A_15 = arith.constant 0 : index
    %get3A_16 = arith.constant 0 : index
    %get3A_17 = vector.load %arg2[%get3A_14, %get3A_15, %get3A_16] : memref<2x1000x128xf32, #tpu.memory_space<vmem>>, vector<1x1000x128xf32>
    %get3A_18 = vector.shape_cast %get3A_17 : vector<1x1000x128xf32> to vector<1000x128xf32>
    %get3A_19 = arith.constant 1 : index
    %get3A_20 = arith.constant 0 : index
    %get3A_21 = arith.constant 0 : index
    %get3A_22 = vector.load %arg2[%get3A_19, %get3A_20, %get3A_21] : memref<2x1000x128xf32, #tpu.memory_space<vmem>>, vector<1x1000x128xf32>
    %get3A_23 = vector.shape_cast %get3A_22 : vector<1x1000x128xf32> to vector<1000x128xf32>
    %add3A_24 = arith.addf %get3A_18, %get3A_23 : vector<1000x128xf32>
    %get3A_25 = arith.constant 0 : index
    %get3A_26 = arith.constant 0 : index
    %get3A_27 = vector.load %arg3[%get3A_25, %get3A_26] : memref<1000x128xf32, #tpu.memory_space<vmem>>, vector<1000x128xf32>
    %add3A_28 = arith.addf %add3A_24, %get3A_27 : vector<1000x128xf32>
    %mul3A = vector.broadcast %rsqrt3A : vector<1000x1xf32> to vector<1000x128xf32>
    %mul3A_29 = arith.mulf %add3A_28, %mul3A : vector<1000x128xf32>
    %get3A_30 = arith.constant 0 : index
    %get3A_31 = arith.constant 0 : index
    %get3A_32 = vector.load %arg6[%get3A_30, %get3A_31] : memref<1x128xf32, #tpu.memory_space<vmem>>, vector<1x128xf32>
    %add3A_33 = vector.broadcast %get3A_32 : vector<1x128xf32> to vector<1000x128xf32>
    %add3A_34 = arith.addf %mul3A_29, %add3A_33 : vector<1000x128xf32>
    %max3A = arith.constant 0.000000e+00 : f32
    %max3A_35 = vector.broadcast %max3A : f32 to vector<1000x128xf32>
    %max3A_36 = arith.maximumf %add3A_34, %max3A_35 : vector<1000x128xf32>
    %get3A_37 = arith.constant 0 : index
    %get3A_38 = arith.constant 0 : index
    %get3A_39 = vector.load %arg4[%get3A_37, %get3A_38] : memref<128x64xf32, #tpu.memory_space<vmem>>, vector<128x64xf32>
    %dot_general3A = arith.constant dense<0.000000e+00> : vector<1000x64xf32>
    %dot_general3A_40 = tpu.matmul %max3A_36, %get3A_39, %dot_general3A {dimension_numbers = #tpu.dot_dimension_numbers<[1], [0], [0], [1], [0, 0, 1, 1], [], []>, transpose_lhs_hint = false} : vector<1000x128xf32>, vector<128x64xf32>, vector<1000x64xf32> -> vector<1000x64xf32>
    %get3A_41 = arith.constant 0 : index
    %get3A_42 = arith.constant 0 : index
    %get3A_43 = vector.load %arg5[%get3A_41, %get3A_42] : memref<64x64xf32, #tpu.memory_space<vmem>>, vector<64x64xf32>
    %dot_general3A_44 = arith.constant dense<0.000000e+00> : vector<1000x64xf32>
    %dot_general3A_45 = tpu.matmul %dot_general3A_40, %get3A_43, %dot_general3A_44 {dimension_numbers = #tpu.dot_dimension_numbers<[1], [0], [0], [1], [0, 0, 1, 1], [], []>, transpose_lhs_hint = false} : vector<1000x64xf32>, vector<64x64xf32>, vector<1000x64xf32> -> vector<1000x64xf32>
    %mul3A_46 = vector.broadcast %rsqrt3A : vector<1000x1xf32> to vector<1000x64xf32>
    %mul3A_47 = arith.mulf %dot_general3A_45, %mul3A_46 : vector<1000x64xf32>
    %swap3A = arith.constant 0 : index
    %swap3A_48 = arith.constant 0 : index
    %swap3A_49 = vector.load %arg7[%swap3A, %swap3A_48] : memref<1000x128xf32, #tpu.memory_space<vmem>>, vector<1000x64xf32>
    tpu.vector_store %arg7[%swap3A, %swap3A_48], %mul3A_47 {strides = array<i32>} : memref<1000x128xf32, #tpu.memory_space<vmem>>, vector<1000x64xf32>,
    %broadcast_in_dim3A = arith.constant 0.000000e+00 : f32
    %broadcast_in_dim3A_50 = vector.broadcast %broadcast_in_dim3A : f32 to vector<1000x64xf32>
    %swap3A_51 = arith.constant 0 : index
    %swap3A_52 = arith.constant 64 : index
    %swap3A_53 = vector.load %arg7[%swap3A_51, %swap3A_52] : memref<1000x128xf32, #tpu.memory_space<vmem>>, vector<1000x64xf32>
    tpu.vector_store %arg7[%swap3A_51, %swap3A_52], %broadcast_in_dim3A_50 {strides = array<i32>} : memref<1000x128xf32, #tpu.memory_space<vmem>>, vector<1000x64xf32>,
    return
  }
  func.func @transform_0(%arg0: i32) -> (i32, i32, i32, i32) {
    %c0_i32 = arith.constant 0 : i32
    %c0_i32_0 = arith.constant 0 : i32
    %c0_i32_1 = arith.constant 0 : i32
    %c0_i32_2 = arith.constant 0 : i32
    return %c0_i32, %arg0, %c0_i32_0, %c0_i32_1 : i32, i32, i32, i32
  }
  func.func @transform_1(%arg0: i32) -> (i32, i32, i32) {
    %c0_i32 = arith.constant 0 : i32
    %c0_i32_0 = arith.constant 0 : i32
    %c0_i32_1 = arith.constant 0 : i32
    return %c0_i32, %arg0, %c0_i32_0 : i32, i32, i32
  }
  func.func @transform_2(%arg0: i32) -> (i32, i32) {
    %c0_i32 = arith.constant 0 : i32
    %c0_i32_0 = arith.constant 0 : i32
    return %arg0, %c0_i32 : i32, i32
  }
  func.func @transform_3(%arg0: i32) -> (i32, i32) {
    %c0_i32 = arith.constant 0 : i32
    %c0_i32_0 = arith.constant 0 : i32
    %c0_i32_1 = arith.constant 0 : i32
    return %c0_i32, %c0_i32_0 : i32, i32
  }
  func.func @transform_4(%arg0: i32) -> (i32, i32) {
    %c0_i32 = arith.constant 0 : i32
    %c0_i32_0 = arith.constant 0 : i32
    %c0_i32_1 = arith.constant 0 : i32
    return %c0_i32, %c0_i32_0 : i32, i32
  }
  func.func @transform_5(%arg0: i32) -> (i32, i32) {
    %c0_i32 = arith.constant 0 : i32
    %c0_i32_0 = arith.constant 0 : i32
    %c0_i32_1 = arith.constant 0 : i32
    return %c0_i32, %c0_i32_0 : i32, i32
  }
  func.func @transform_6(%arg0: i32) -> (i32, i32) {
    %c0_i32 = arith.constant 0 : i32
    %c0_i32_0 = arith.constant 0 : i32
    return %arg0, %c0_i32 : i32, i32
  }
}

module attributes {stable_mosaic.version = 14 : i64} {
  func.func @_tcC_body(%arg0: i32, %arg1: memref<2x1x1000x1xf32, #tpu.memory_space<vmem>>, %arg2: memref<2x1000x128xf32, #tpu.memory_space<vmem>>, %arg3: memref<1000x128xf32, #tpu.memory_space<vmem>>, %arg4: memref<1x64xf32, #tpu.memory_space<vmem>>, %arg5: memref<64x64xf32, #tpu.memory_space<vmem>>, %arg6: memref<1x64xf32, #tpu.memory_space<vmem>>, %arg7: memref<1000x64xf32, #tpu.memory_space<vmem>>) attributes {dimension_semantics = [#tpu.dimension_semantics<arbitrary>], iteration_bounds = array<i64: 10>, scalar_prefetch = 0 : i64, scratch_operands = 0 : i64, tpu.core_type = #tpu.core_type<tc>, window_params = [{transform_indices = @transform_0, window_bounds = array<i64: 2, 1, 1000, 1>}, {transform_indices = @transform_1, window_bounds = array<i64: 2, 1000, 128>}, {transform_indices = @transform_2, window_bounds = array<i64: 1000, 128>}, {pipeline_mode = #tpu.pipeline_mode<synchronous>, transform_indices = @transform_3, window_bounds = array<i64: 1, 64>}, {pipeline_mode = #tpu.pipeline_mode<synchronous>, transform_indices = @transform_4, window_bounds = array<i64: 64, 64>}, {pipeline_mode = #tpu.pipeline_mode<synchronous>, transform_indices = @transform_5, window_bounds = array<i64: 1, 64>}, {transform_indices = @transform_6, window_bounds = array<i64: 1000, 64>}]} {
    %get3A = arith.constant 0 : index
    %get3A_0 = arith.constant 0 : index
    %get3A_1 = arith.constant 0 : index
    %get3A_2 = arith.constant 0 : index
    %get3A_3 = vector.load %arg1[%get3A, %get3A_0, %get3A_1, %get3A_2] : memref<2x1x1000x1xf32, #tpu.memory_space<vmem>>, vector<1x1x1000x1xf32>
    %get3A_4 = vector.shape_cast %get3A_3 : vector<1x1x1000x1xf32> to vector<1000x1xf32>
    %get3A_5 = arith.constant 1 : index
    %get3A_6 = arith.constant 0 : index
    %get3A_7 = arith.constant 0 : index
    %get3A_8 = arith.constant 0 : index
    %get3A_9 = vector.load %arg1[%get3A_5, %get3A_6, %get3A_7, %get3A_8] : memref<2x1x1000x1xf32, #tpu.memory_space<vmem>>, vector<1x1x1000x1xf32>
    %get3A_10 = vector.shape_cast %get3A_9 : vector<1x1x1000x1xf32> to vector<1000x1xf32>
    %add3A = arith.addf %get3A_4, %get3A_10 : vector<1000x1xf32>
    %add3A_11 = arith.constant 1.000000e+00 : f32
    %add3A_12 = vector.broadcast %add3A_11 : f32 to vector<1000x1xf32>
    %add3A_13 = arith.addf %add3A, %add3A_12 : vector<1000x1xf32>
    %rsqrt3A = math.rsqrt %add3A_13 : vector<1000x1xf32>
    %get3A_14 = arith.constant 0 : index
    %get3A_15 = arith.constant 0 : index
    %get3A_16 = vector.load %arg4[%get3A_14, %get3A_15] : memref<1x64xf32, #tpu.memory_space<vmem>>, vector<1x64xf32>
    %get3A_17 = arith.constant 0 : index
    %get3A_18 = arith.constant 0 : index
    %get3A_19 = vector.load %arg5[%get3A_17, %get3A_18] : memref<64x64xf32, #tpu.memory_space<vmem>>, vector<64x64xf32>
    %dot_general3A = arith.constant dense<0.000000e+00> : vector<1x64xf32>
    %dot_general3A_20 = tpu.matmul %get3A_16, %get3A_19, %dot_general3A {dimension_numbers = #tpu.dot_dimension_numbers<[1], [0], [0], [1], [0, 0, 1, 1], [], []>, transpose_lhs_hint = false} : vector<1x64xf32>, vector<64x64xf32>, vector<1x64xf32> -> vector<1x64xf32>
    %get3A_21 = arith.constant 0 : index
    %get3A_22 = arith.constant 0 : index
    %get3A_23 = vector.load %arg6[%get3A_21, %get3A_22] : memref<1x64xf32, #tpu.memory_space<vmem>>, vector<1x64xf32>
    %add3A_24 = arith.addf %dot_general3A_20, %get3A_23 : vector<1x64xf32>
    %get3A_25 = arith.constant 0 : index
    %get3A_26 = arith.constant 0 : index
    %get3A_27 = arith.constant 0 : index
    %get3A_28 = vector.load %arg2[%get3A_25, %get3A_26, %get3A_27] : memref<2x1000x128xf32, #tpu.memory_space<vmem>>, vector<1x1000x64xf32>
    %get3A_29 = vector.shape_cast %get3A_28 : vector<1x1000x64xf32> to vector<1000x64xf32>
    %get3A_30 = arith.constant 1 : index
    %get3A_31 = arith.constant 0 : index
    %get3A_32 = arith.constant 0 : index
    %get3A_33 = vector.load %arg2[%get3A_30, %get3A_31, %get3A_32] : memref<2x1000x128xf32, #tpu.memory_space<vmem>>, vector<1x1000x64xf32>
    %get3A_34 = vector.shape_cast %get3A_33 : vector<1x1000x64xf32> to vector<1000x64xf32>
    %add3A_35 = arith.addf %get3A_29, %get3A_34 : vector<1000x64xf32>
    %get3A_36 = arith.constant 0 : index
    %get3A_37 = arith.constant 0 : index
    %get3A_38 = vector.load %arg3[%get3A_36, %get3A_37] : memref<1000x128xf32, #tpu.memory_space<vmem>>, vector<1000x64xf32>
    %add3A_39 = arith.addf %add3A_35, %get3A_38 : vector<1000x64xf32>
    %mul3A = vector.broadcast %rsqrt3A : vector<1000x1xf32> to vector<1000x64xf32>
    %mul3A_40 = arith.mulf %add3A_39, %mul3A : vector<1000x64xf32>
    %add3A_41 = vector.broadcast %add3A_24 : vector<1x64xf32> to vector<1000x64xf32>
    %add3A_42 = arith.addf %mul3A_40, %add3A_41 : vector<1000x64xf32>
    %swap3A = arith.constant 0 : index
    %swap3A_43 = arith.constant 0 : index
    %swap3A_44 = vector.load %arg7[%swap3A, %swap3A_43] : memref<1000x64xf32, #tpu.memory_space<vmem>>, vector<1000x64xf32>
    tpu.vector_store %arg7[%swap3A, %swap3A_43], %add3A_42 {strides = array<i32>} : memref<1000x64xf32, #tpu.memory_space<vmem>>, vector<1000x64xf32>,
    return
  }
  func.func @transform_0(%arg0: i32) -> (i32, i32, i32, i32) {
    %c0_i32 = arith.constant 0 : i32
    %c0_i32_0 = arith.constant 0 : i32
    %c0_i32_1 = arith.constant 0 : i32
    %c0_i32_2 = arith.constant 0 : i32
    return %c0_i32, %arg0, %c0_i32_0, %c0_i32_1 : i32, i32, i32, i32
  }
  func.func @transform_1(%arg0: i32) -> (i32, i32, i32) {
    %c0_i32 = arith.constant 0 : i32
    %c0_i32_0 = arith.constant 0 : i32
    %c0_i32_1 = arith.constant 0 : i32
    return %c0_i32, %arg0, %c0_i32_0 : i32, i32, i32
  }
  func.func @transform_2(%arg0: i32) -> (i32, i32) {
    %c0_i32 = arith.constant 0 : i32
    %c0_i32_0 = arith.constant 0 : i32
    return %arg0, %c0_i32 : i32, i32
  }
  func.func @transform_3(%arg0: i32) -> (i32, i32) {
    %c0_i32 = arith.constant 0 : i32
    %c0_i32_0 = arith.constant 0 : i32
    %c0_i32_1 = arith.constant 0 : i32
    return %c0_i32, %c0_i32_0 : i32, i32
  }
  func.func @transform_4(%arg0: i32) -> (i32, i32) {
    %c0_i32 = arith.constant 0 : i32
    %c0_i32_0 = arith.constant 0 : i32
    %c0_i32_1 = arith.constant 0 : i32
    return %c0_i32, %c0_i32_0 : i32, i32
  }
  func.func @transform_5(%arg0: i32) -> (i32, i32) {
    %c0_i32 = arith.constant 0 : i32
    %c0_i32_0 = arith.constant 0 : i32
    %c0_i32_1 = arith.constant 0 : i32
    return %c0_i32, %c0_i32_0 : i32, i32
  }
  func.func @transform_6(%arg0: i32) -> (i32, i32) {
    %c0_i32 = arith.constant 0 : i32
    %c0_i32_0 = arith.constant 0 : i32
    return %arg0, %c0_i32 : i32, i32
  }
}

</mosaic_0001>

<sc_bundles>
// kernel: kernel.11.cloned.1.call-start
scs
__scs_entry_jumppad:
0x0: {  	(pc) =	sbr.rel $0x88, $3  }
0x1: {  	(tag) =	ssettag $0x0;
	lr =	simm.s32 $0x1  }
0x2: {  	[smem:$0x3F99] =	sst lr;
	_ =	strace $0xD0000000  }
0x3: {  	_ = 	snop  }
0x4: {  	_ = 	snop  }
0x5: {  	_ = 	snop  }
0x6: {  	_ = 	snop  }
0x7: {  	_ = 	snop  }
__scs_overlays_trampoline_lowered:
0x8: {  	[smem:$0x3FA8] =	sst s0  }
0x9: {  	[smem:$0x3FA9] =	sst s1  }
0xa: {  	[smem:$0x3FAA] =	sst s2  }
0xb: {  	[smem:$0x3FAB] =	sst s3  }
0xc: {  	[smem:$0x3FAC] =	sst s4  }
0xd: {  	[smem:$0x3FAD] =	sst s5  }
0xe: {  	[smem:$0x3FAE] =	sst s6  }
0xf: {  	[smem:$0x3FAF] =	sst s7  }
0x10: {  	[smem:$0x3FB0] =	sst s8  }
0x11: {  	[smem:$0x3FB1] =	sst s9;
	s0 =	simm.s32 @!p0 $0x0  }
0x12: {  	s1 =	sld [smem:$0x3F97];
	s0 =	simm.s32 @p0 $0x1  }
0x13: {  	[smem:$0x3FB2] =	sst s0;
	s0 =	simm.s32 @!p1 $0x0  }
0x14: {  	s2 =	sld [smem:$0x3F96];
	s0 =	simm.s32 @p1 $0x1  }
0x15: {  	[smem:$0x3FB3] =	sst s0;
	s0 =	simm.s32 @!p2 $0x0  }
0x16: {  	s3 =	sld [smem:$0x3FDB];
	s0 =	simm.s32 @p2 $0x1  }
0x17: {  	s4 =	simm.s32 $0x1BF5;
	[smem:$0x3FB5] =	sst s0  }
0x18: {  	s0 =	sld [smem:$0x3F98];
	_ =	swait.ge [sflag:s4], $0x0  }
0x19: {  	s7 =	sld [smem:$0x3F99]  }
0x1a: {  	s8 =	sadd.s32 $0xFFFFE003, lr  }
0x1b: {  	s9 =	sadd.s32 $0xFFFFFEF7, lr;
	s5 =	simm.s32 $0xFFFFFFFF;
	p2 =	slt.u32 s8, $0xFFFFF086  }
0x1c: {  	p1 =	slt.u32 s9, $0xF7A;
	s5 =	simm.s32 @!p2 $0x0  }
0x1d: {  	s5 =	simm.s32 @p1 $0x1;
	p0 =	seq.s32 s7, s2  }
0x1e: {  	s7 =	smul.u32 @!p0 $0xF7A, s2;
	p2 =	seq.s32 @!p0 s5, $0x0  }
0x1f: {  	s9 =	smul.u32 $0xF7A, s1;
	s8 =	simm.s32 @!p0 $0x1BF5;
	p2 =	por !p2, p0  }
0x20: {  	[sflag:s8] =	ssyncset.s32 @!p0 $0xFFFFF086;
	s6 =	sadd.s32 @!p0 s3, s7;
	s7 =	simm.s32 @!p0 $0x108  }
0x21: {  	s3 =	sadd.s32 s3, s9;
	s6 =	sadd.s32 @!p0 $0x88, s6;
	s7 =	simm.s32 @p2 $0x1082  }
0x22: {  	[simem:s7], [sflag:s8] =	dma.local @!p0 [hbm:s6], $0xF7A  }
0x23: {  	s9 =	sor.u32 $0xD0000000, s2;
	s6 =	simm.s32 $0x108;
	_ =	swait.ge @!p0 [sflag:s8], $0x0  }
0x24: {  	s3 =	sadd.s32 $0x88, s3;
	s6 =	simm.s32 @!p1 $0x1082;
	[sflag:s4] =	ssyncset.s32 $0xFFFFF086  }
0x25: {  	[simem:s6], [sflag:s4] =	dma.local [hbm:s3], $0xF7A  }
0x26: {  	[smem:$0x3F99] =	sst s1;
	(tag) =	ssettag s2;
	_ =	strace s9  }
0x27: {  	s1 =	sld [smem:$0x3FA9]  }
0x28: {  	s2 =	sld [smem:$0x3FAA]  }
0x29: {  	s4 =	sld [smem:$0x3FAC]  }
0x2a: {  	p0 =	seq.s32 s5, $0x0;
	s5 =	sld [smem:$0x3FAD]  }
0x2b: {  	s6 =	sld [smem:$0x3FAE]  }
0x2c: {  	s7 =	sld [smem:$0x3FAF]  }
0x2d: {  	s3 =	simm.s32 $0x108;
	s8 =	sld [smem:$0x3FB0]  }
0x2e: {  	s3 =	simm.s32 @!p0 $0x1082;
	s9 =	sld [smem:$0x3FB1]  }
0x2f: {  	lr =	sadd.s32 s0, s3;
	s0 =	sld [smem:$0x3FA8]  }
0x30: {  	s3 =	sld [smem:$0x3FAB]  }
0x31: {  	[smem:$0x3FB4] =	sst s10  }
0x32: {  	s10 =	sld [smem:$0x3FB2];
	_ =	sdelay $0x3  }
0x33: {  	p0 =	seq.s32 s10, $0x1;
	s10 =	sld [smem:$0x3FB4];
	_ =	sdelay $0x3  }
0x34: {  	[smem:$0x3FB4] =	sst s10  }
0x35: {  	s10 =	sld [smem:$0x3FB3];
	_ =	sdelay $0x3  }
0x36: {  	p1 =	seq.s32 s10, $0x1;
	s10 =	sld [smem:$0x3FB4];
	_ =	sdelay $0x3  }
0x37: {  	[smem:$0x3FB4] =	sst s10  }
0x38: {  	s10 =	sld [smem:$0x3FB5]  }
0x39: {  	_ = 	snop;
	(pc) =	sbr.ind lr, $3  }
0x3a: {  	_ = 	snop  }
0x3b: {  	_ = 	snop  }
0x3c: {  	p2 =	seq.s32 s10, $0x1;
	s10 =	sld [smem:$0x3FB4]  }
0x3d: {  	_ =	shalt  }
0x3e: {  	_ =	shalt  }
0x3f: {  	_ =	shalt  }
0x40: {  	_ =	shalt  }
0x41: {  	_ =	shalt  }
0x42: {  	_ =	shalt  }
0x43: {  	_ =	shalt  }
0x44: {  	_ =	shalt  }
0x45: {  	_ =	shalt  }
0x46: {  	_ =	shalt  }
0x47: {  	_ =	shalt  }
0x48: {  	_ =	shalt  }
0x49: {  	_ =	shalt  }
0x4a: {  	_ =	shalt  }
0x4b: {  	_ =	shalt  }
0x4c: {  	_ =	shalt  }
0x4d: {  	_ =	shalt  }
0x4e: {  	_ =	shalt  }
0x4f: {  	_ =	shalt  }
0x50: {  	_ =	shalt  }
0x51: {  	_ =	shalt  }
0x52: {  	_ =	shalt  }
0x53: {  	_ =	shalt  }
0x54: {  	_ =	shalt  }
0x55: {  	_ =	shalt  }
0x56: {  	_ =	shalt  }
0x57: {  	_ =	shalt  }
0x58: {  	_ =	shalt  }
0x59: {  	_ =	shalt  }
0x5a: {  	_ =	shalt  }
0x5b: {  	_ =	shalt  }
0x5c: {  	_ =	shalt  }
0x5d: {  	_ =	shalt  }
0x5e: {  	_ =	shalt  }
0x5f: {  	_ =	shalt  }
0x60: {  	_ =	shalt  }
0x61: {  	_ =	shalt  }
0x62: {  	_ =	shalt  }
0x63: {  	_ =	shalt  }
0x64: {  	_ =	shalt  }
0x65: {  	_ =	shalt  }
0x66: {  	_ =	shalt  }
0x67: {  	_ =	shalt  }
0x68: {  	_ =	shalt  }
0x69: {  	_ =	shalt  }
0x6a: {  	_ =	shalt  }
0x6b: {  	_ =	shalt  }
0x6c: {  	_ =	shalt  }
0x6d: {  	_ =	shalt  }
0x6e: {  	_ =	shalt  }
0x6f: {  	_ =	shalt  }
0x70: {  	_ =	shalt  }
0x71: {  	_ =	shalt  }
0x72: {  	_ =	shalt  }
0x73: {  	_ =	shalt  }
0x74: {  	_ =	shalt  }
0x75: {  	_ =	shalt  }
0x76: {  	_ =	shalt  }
0x77: {  	_ =	shalt  }
0x78: {  	_ =	shalt  }
0x79: {  	_ =	shalt  }
0x7a: {  	_ =	shalt  }
0x7b: {  	_ =	shalt  }
0x7c: {  	_ =	shalt  }
0x7d: {  	_ =	shalt  }
0x7e: {  	_ =	shalt  }
0x7f: {  	_ =	shalt  }
0x80: {  	_ =	shalt  }
0x81: {  	_ =	shalt  }
0x82: {  	_ =	shalt  }
0x83: {  	_ =	shalt  }
0x84: {  	_ =	shalt  }
0x85: {  	_ =	shalt  }
0x86: {  	_ =	shalt  }
0x87: {  	_ =	shalt  }
.Lfunc_end0:
.L_simem_size_0:
called_computation.1_lowered:
.L_overlay_start_0:
0x88: {  	s2 =	sld [smem:$0x3FD9]  }
0x89: {  	s3 =	sld [smem:$0x3FFE];
	_ =	sdelay $0x1  }
0x8a: {  	s1 =	srdreg.scid  }
0x8b: {  	s0 =	sand.u32 $0x1, s1  }
0x8c: {  	s17 =	sshll.u32 s0, $0xA;
	s2 =	sadd.s32 s3, s2  }
0x8d: {  	s2 =	sadd.s32 s2, s17  }
0x8e: {  	[smem:$0x3FC0] =	sst s2  }
0x8f: {  	_ = 	snop  }
0x90: {  	s2 =	sld [smem:$0x3FD0];
	(tm) =	ssettm $0x1  }
0x91: {  	s18 =	sld [smem:$0x3FFB];
	_ =	sdelay $0x3  }
0x92: {  	_ =	strace s18  }
0x93: {  	s3 =	sld [smem:$0x3FFC];
	_ =	sdelay $0x3  }
0x94: {  	_ =	strace s3  }
0x95: {  	s3 =	sld [smem:$0x3FFD];
	_ =	sdelay $0x3  }
0x96: {  	_ =	strace s3  }
0x97: {  	_ =	strace $0x8FFFFFFF  }
0x98: {  	s19 =	sld [smem:$0x3FDB];
	_ =	sdelay $0x1  }
0x99: {  	s4 =	simm.s32 $_scs_section_size  }
0x9a: {  	s5 =	simm.s32 $_size__tile_overlayer_lowered;
	s6 =	simm.s32 $_tile_overlayer_lowered  }
0x9b: {  	s22 =	simm.s32 $0x1BFF;
	s21 =	sshll.u32 s6, $0x1;
	s3 =	sadd.s32 s4, s19  }
0x9c: {  	s7 =	simm.s32 $0x0;
	s20 =	sshll.u32 s5, $0x1;
	s5 =	sadd.s32 s21, s3  }
0x9d: {  	[timem:s7], [sflag:s22] =	dma.local [hbm:s5], s20  }
0x9e: {  	_ =	swait.ge [sflag:s22], s20  }
0x9f: {  	s4 =	ssub.s32 $0x0, s20;
	[sflag:s22] =	ssyncset.done $0x0  }
0xa0: {  	[sflag:s22] =	ssyncadd.s32 s4;
	_ =	sdelay $0x1  }
0xa1: {  	s23 =	simm.s32 $0x1B8B  }
0xa2: {  	_ =	swait.ge [sflag:s23], $0x1  }
0xa3: {  	[sflag:s23] =	ssyncset.done $0x0  }
0xa4: {  	s25 =	simm.s32 $0x1B8E;
	s24 =	sld [smem:$0x3FFE];
	[sflag:s23] =	ssyncadd.s32 $0xFFFFFFFF  }
0xa5: {  	s26 =	simm.s32 $execute0_lowered;
	[smem:$0x3FD2] =	sst s25  }
0xa6: {  	s5 =	sshll.u32 s26, $0x1;
	_ =	strace $0x80000049;
	[dreg:$0x1] =	wrdreg $0xFFFFFFFF  }
0xa7: {  	s28 =	simm.s32 $_size_execute0_lowered;
	s3 =	sadd.s32 s3, s5;
	[dreg:$0x0] =	wrdreg $0x0  }
0xa8: {  	s5 =	sshll.u32 s28, $0x1;
	[dreg:$0x2] =	wrdreg s3  }
0xa9: {  	[dreg:$0x3] =	wrdreg s5  }
0xaa: {  	[dreg:$0x4] =	wrdreg $0xC0  }
0xab: {  	_ =	task [dreg:s7], $0x5FFFF  }
0xac: {  	[dreg:$0x1] =	wrdreg $0xFFFFFFFF  }
0xad: {  	[dreg:$0x0] =	wrdreg $0x60  }
0xae: {  	[dreg:$0x2] =	wrdreg s24  }
0xaf: {  	[dreg:$0x3] =	wrdreg s2  }
0xb0: {  	[dreg:$0x4] =	wrdreg $0xB3000  }
0xb1: {  	[dreg:$0x5] =	wrdreg $0x9  }
0xb2: {  	_ =	task.clear_ibuf [dreg:s7], $0x6FFFF;
	_ =	strace $0x90000049  }
0xb3: {  	s29 =	simm.s32 $0x9;
	_ =	strace $0x8000004B  }
0xb4: {  	_ =	swait.ge [sflag:s29], $0x1  }
0xb5: {  	[sflag:s29] =	ssyncadd.s32 $0xFFFFFFFF  }
0xb6: {  	_ =	strace $0x9000004B  }
0xb7: {  	_ =	sfence  }
0xb8: {  	s30 =	sld [smem:$0x0];
	_ =	sdelay $0x2  }
0xb9: {  	s31 =	sshll.u32 s1, $0xD;
	s1 =	sshrl.u32 s1, $0x2  }
0xba: {  	s3 =	sand.u32 $0x4000, s31;
	s1 =	sadd.s32 s1, s30  }
0xbb: {  	s0 =	sor.u32 s3, s0;
	s1 =	sshll.u32 s1, $0x11  }
0xbc: {  	s0 =	sor.u32 s1, s0  }
0xbd: {  	s0 =	sadd.s32 $0x8F2B, s0  }
0xbe: {  	[sflag:s0] =	ssyncadd.remote.s32 $0x1  }
0xbf: {  	_ =	sfence.sel $0xFFFF  }
0xc0: {  	[dreg:$0x0] =	wrdreg $0xFFFFFFFF;
	(pc) =	sbr.abs _section_cstart, $3  }
0xc1: {  	[dreg:$0x1] =	wrdreg $0xFFFFFFFF  }
0xc2: {  	_ =	task.clear_ibuf [dreg:s7], $0x2FFFF;
	_ =	strace $0x9FFFFFFF  }
0xc3: {  	(tm) =	ssettm $0x7FFFFFFF  }
tec
execute0_lowered:
.L_overlay_start_1:
0x0: {  	(tag) =	ssettag $0x1  }
0x1: {  	s0 =	rddreg [dreg:$0x0]  }
0x2: {  	s1 =	rddreg [dreg:$0x1]  }
0x3: {  	s2 =	rddreg [dreg:$0x2];
	s7 =	simm.s32 $0x0  }
0x4: {  	s3 =	srdreg.scid;
	s9 =	stileid.u32;
	s28 =	simm.s32 $0x2780  }
0x5: {  	s29 =	simm.s32 $0x4F00;
	s30 =	simm.s32 $0xB;
	s31 =	simm.s32 $0x1  }
0x6: {  	s3 =	sand.u32 $0x1, s3;
	s4 =	sshrl.u32 s9, $0x2;
	s5 =	sshll.u32 s9, $0x8  }
0x7: {  	s4 =	smul.u32 $0x13C00, s4;
	s6 =	sshll.u32 s3, $0x7;
	s5 =	sand.u32 $0x300, s5  }
0x8: {  	[smem:$0x7FF] =	sst s7;
	s26 =	smul.u32 $0x14000, s9;
	s5 =	sor.u32 s6, s5  }
0x9: {  	s10 =	smul.u32 $0x50000, s9;
	s7 =	simm.s32 $0x8B00;
	s5 =	sor.u32 s4, s5  }
0xa: {  	s9 =	simm.s32 $0x6;
	_ =	strace $0x8000004A;
	s8 =	sshrl.u32 s5, $0x3  }
0xb: {  	s5 =	sshrl.u32 s10, $0x2;
	s11 =	sadd.s32 s8, s0;
	s1 =	sadd.s32 s1, s8  }
0xc: {  	s5 =	sadd.s32 s5, s2;
	s13 =	sadd.s32 $0x3200, s11;
	[dreg:$0x5] =	wrdreg s1  }
0xd: {  	s25 =	smul.u32 $0x140000, s3;
	s14 =	sadd.s32 $0x1400, s5;
	[dreg:$0x4] =	wrdreg s13  }
0xe: {  	s3 =	ssub.s32 $0x2, s3;
	s15 =	sadd.s32 $0x2800, s5;
	[dreg:$0x6] =	wrdreg s14  }
0xf: {  	s12 =	sshrl.u32 s3, $0x1;
	s16 =	sadd.s32 $0x3C00, s5;
	[dreg:$0x7] =	wrdreg s15  }
0x10: {  	s4 =	sadd.s32 $0xD000, s0;
	s17 =	sadd.s32 $0x5000, s5;
	[dreg:$0x8] =	wrdreg s16  }
0x11: {  	s6 =	sadd.s32 s26, s25;
	s18 =	sadd.s32 $0x6400, s5;
	[dreg:$0x9] =	wrdreg s17  }
0x12: {  	s3 =	ssub.s32 s3, s12;
	s19 =	sadd.s32 $0x7800, s5;
	[dreg:$0xa] =	wrdreg s18  }
0x13: {  	s12 =	simm.s32 $0x4;
	s20 =	sadd.s32 $0x8C00, s5;
	[dreg:$0xb] =	wrdreg s19  }
0x14: {  	s6 =	sshrl.u32 s6, $0x3;
	s21 =	sadd.s32 $0xA000, s5;
	[dreg:$0xc] =	wrdreg s20  }
0x15: {  	s10 =	simm.s32 $0x3;
	s22 =	sadd.s32 $0xB400, s5;
	[dreg:$0xd] =	wrdreg s21  }
0x16: {  	s0 =	sadd.s32 s6, s0;
	s23 =	sadd.s32 $0xC800, s5;
	[dreg:$0xe] =	wrdreg s22  }
0x17: {  	s6 =	simm.s32 $0x7700;
	s24 =	sadd.s32 $0xDC00, s5;
	[dreg:$0xf] =	wrdreg s23  }
0x18: {  	s8 =	simm.s32 $0x9F00;
	s25 =	sadd.s32 $0xF000, s5;
	[dreg:$0x10] =	wrdreg s24  }
0x19: {  	s26 =	sadd.s32 $0x10400, s5;
	s1 =	simm.s32 $0x6300;
	[dreg:$0x11] =	wrdreg s25  }
.Ltmp0:
0x1a: {  	s11 =	simm.s32 $0x7;
	[dreg:$0x12] =	wrdreg s26;
	(pc) =	sbr.rel .LBB2_1-.Ltmp0, $4  }
0x1b: {  	s21 =	sadd.s32 $0x11800, s5;
	s22 =	sadd.s32 $0x12C00, s5;
	s23 =	sadd.s32 $0x34200, s0  }
0x1c: {  	s24 =	smax.u32 s3, $0x1;
	s26 =	simm.s32 $0x400;
	s0 =	simm.s32 $0x2  }
0x1d: {  	s3 =	simm.s32 $0x28;
	s13 =	simm.s32 $0x8;
	s14 =	simm.s32 $0x5  }
0x1e: {  	v0 =	vimm.f32 $0.0e+00;
	s15 =	simm.s32 $0x9;
	s16 =	simm.s32 $0xA;
	s17 =	simm.s32 $0x0  }
.LBB2_6:
0x1f: {  	_ =	swait.ge [sflag:s10], $0x1400  }
0x20: {  	[sflag:s10] =	ssyncset.done $0x0  }
0x21: {  	[sflag:s10] =	ssyncadd.s32 $0xFFFFEC00  }
0x22: {  	[spmem:s2] =	stream.indirect.scatter.add.f32 [tilespmem:s6], [sflag:$0x8], $0x80, s20, s3, $0xb8;
	[tilespmem:$0x1F300] =	vst v63  }
0x23: {  	_ =	swait.ge [sflag:s12], $0x1400  }
0x24: {  	[sflag:s12] =	ssyncset.done $0x0  }
0x25: {  	s18 =	sadd.s32 $0x28C0, s19;
	[sflag:s12] =	ssyncadd.s32 $0xFFFFEC00  }
0x26: {  	[spmem:s2] =	stream.indirect.scatter.add.f32 [tilespmem:s7], [sflag:$0x9], $0x80, s18, s3, $0xb8;
	[tilespmem:$0x1F300] =	vst v63  }
0x27: {  	_ =	swait.ge [sflag:s14], $0x1400  }
0x28: {  	[sflag:s14] =	ssyncset.done $0x0  }
0x29: {  	s19 =	sadd.s32 $0x28E8, s19;
	[sflag:s14] =	ssyncadd.s32 $0xFFFFEC00  }
0x2a: {  	[spmem:s2] =	stream.indirect.scatter.add.f32 [tilespmem:s8], [sflag:$0xA], $0x80, s19, s3, $0xb8;
	[tilespmem:$0x1F300] =	vst v63  }
0x2b: {  	_ =	swait.ge [sflag:s9], $0x1400  }
0x2c: {  	[sflag:s9] =	ssyncset.done $0x0  }
0x2d: {  	[sflag:s9] =	ssyncadd.s32 $0xFFFFEC00  }
0x2e: {  	_ =	swait.ge [sflag:s11], $0x1400  }
0x2f: {  	[sflag:s11] =	ssyncset.done $0x0  }
0x30: {  	[sflag:s11] =	ssyncadd.s32 $0xFFFFEC00  }
0x31: {  	_ =	swait.ge [sflag:s13], $0x1400  }
0x32: {  	[sflag:s13] =	ssyncset.done $0x0  }
0x33: {  	[sflag:s13] =	ssyncadd.s32 $0xFFFFEC00  }
0x34: {  	_ =	swait.ge [sflag:s15], $0x1400  }
0x35: {  	[sflag:s15] =	ssyncset.done $0x0  }
0x36: {  	[sflag:s15] =	ssyncadd.s32 $0xFFFFEC00  }
0x37: {  	s25 =	sshrl.u32 s5, $0x3;
	_ =	swait.ge [sflag:s16], $0x1400  }
0x38: {  	s17 =	sadd.s32 $0x1, s17;
	s20 =	stileid.u32;
	[sflag:s16] =	ssyncset.done $0x0  }
0x39: {  	p0 =	sne.s32 s17, s24;
	s18 =	sshll.u32 s20, $0x6;
	[sflag:s16] =	ssyncadd.s32 $0xFFFFEC00  }
.Ltmp1:
0x3a: {  	s18 =	sor.u32 $0x1C0B, s18;
	[bflag:$0x0] =	sbarrier.arrive $0xFFFF;
	(pc) =	sbr.rel @!p0 .LBB2_7-.Ltmp1, $4  }
0x3b: {  	[hbm:s23], [sflag:s18] =	dma.local [spmem:s25], $0x2800  }
0x3c: {  	_ =	swait.ge [sflag:s30], $0x2800  }
0x3d: {  	[sflag:s30] =	ssyncset.done $0x0  }
0x3e: {  	[sflag:s30] =	ssyncadd.s32 $0xFFFFD800  }
.LBB2_1:
0x3f: {  	s18 =	simm.s32 $0x0;
	s19 =	rddreg [dreg:$0x4];
	s20 =	simm.s32 $0x80  }
0x40: {  	[tilespmem:s18], [sflag:$0x1] =	stream.strided.gather [hbm4b:s19+s20], $0x2780, s26, s20, $0x38;
	[tilespmem:$0x1F300] =	vst v63  }
0x41: {  	s25 =	rddreg [dreg:$0x5];
	s18 =	simm.s32 $0x0;
	s19 =	simm.s32 $0x200  }
0x42: {  	[tilespmem:s28], [sflag:$0x2] =	stream.strided.gather [hbm4b:s25+s20], $0x2780, s26, s20, $0x38;
	[tilespmem:$0x1F300] =	vst v63  }
.LBB2_2:
0x43: {  	p0 =	sne.s32 s19, $0x4E00;
	[tilespmem:s18+$0x4F70] =	vst v0  }
0x44: {  	[tilespmem:s18+$0x4F00] =	vst v0  }
0x45: {  	[tilespmem:s18+$0x4F10] =	vst v0  }
.Ltmp2:
0x46: {  	[tilespmem:s18+$0x4F20] =	vst v0;
	(pc) =	sbr.rel @p0 .LBB2_2-.Ltmp2, $4  }
0x47: {  	[tilespmem:s18+$0x4F30] =	vst v0  }
0x48: {  	[tilespmem:s18+$0x4F40] =	vst v0  }
0x49: {  	[tilespmem:s18+$0x4F50] =	vst v0  }
0x4a: {  	[tilespmem:s18+$0x4F60] =	vst v0;
	s18 =	sshra.s32 s19, $0x2;
	s19 =	sadd.s32 $0x200, s19  }
0x4b: {  	[tilespmem:s18+$0x4F70] =	vst v0  }
0x4c: {  	[tilespmem:s18+$0x4F00] =	vst v0  }
0x4d: {  	[tilespmem:s18+$0x4F10] =	vst v0  }
0x4e: {  	[tilespmem:s18+$0x4F20] =	vst v0  }
0x4f: {  	[tilespmem:s18+$0x4F30] =	vst v0  }
0x50: {  	[tilespmem:s18+$0x4F40] =	vst v0  }
0x51: {  	[tilespmem:s18+$0x4F50] =	vst v0  }
0x52: {  	[tilespmem:s18+$0x4F60] =	vst v0  }
0x53: {  	[spmem:s5] =	stream.linear.scatter [tilespmem:s29], [sflag:$0xB], $0x1400, $0x38;
	[tilespmem:$0x1F300] =	vst v63  }
0x54: {  	_ =	swait.ge [sflag:s30], $0x1400  }
0x55: {  	[sflag:s30] =	ssyncset.done $0x0  }
0x56: {  	s19 =	rddreg [dreg:$0x6];
	[sflag:s30] =	ssyncadd.s32 $0xFFFFEC00  }
0x57: {  	[spmem:s19] =	stream.linear.scatter [tilespmem:s29], [sflag:$0xB], $0x1400, $0x38;
	[tilespmem:$0x1F300] =	vst v63  }
0x58: {  	_ =	swait.ge [sflag:s30], $0x1400  }
0x59: {  	[sflag:s30] =	ssyncset.done $0x0  }
0x5a: {  	s20 =	rddreg [dreg:$0x7];
	[sflag:s30] =	ssyncadd.s32 $0xFFFFEC00  }
0x5b: {  	[spmem:s20] =	stream.linear.scatter [tilespmem:s29], [sflag:$0xB], $0x1400, $0x38;
	[tilespmem:$0x1F300] =	vst v63  }
0x5c: {  	_ =	swait.ge [sflag:s30], $0x1400  }
0x5d: {  	[sflag:s30] =	ssyncset.done $0x0  }
0x5e: {  	s25 =	rddreg [dreg:$0x8];
	[sflag:s30] =	ssyncadd.s32 $0xFFFFEC00  }
0x5f: {  	[spmem:s25] =	stream.linear.scatter [tilespmem:s29], [sflag:$0xB], $0x1400, $0x38;
	[tilespmem:$0x1F300] =	vst v63  }
0x60: {  	_ =	swait.ge [sflag:s30], $0x1400  }
0x61: {  	[sflag:s30] =	ssyncset.done $0x0  }
0x62: {  	s19 =	rddreg [dreg:$0x9];
	[sflag:s30] =	ssyncadd.s32 $0xFFFFEC00  }
0x63: {  	[spmem:s19] =	stream.linear.scatter [tilespmem:s29], [sflag:$0xB], $0x1400, $0x38;
	[tilespmem:$0x1F300] =	vst v63  }
0x64: {  	_ =	swait.ge [sflag:s30], $0x1400  }
0x65: {  	[sflag:s30] =	ssyncset.done $0x0  }
0x66: {  	s20 =	rddreg [dreg:$0xa];
	[sflag:s30] =	ssyncadd.s32 $0xFFFFEC00  }
0x67: {  	[spmem:s20] =	stream.linear.scatter [tilespmem:s29], [sflag:$0xB], $0x1400, $0x38;
	[tilespmem:$0x1F300] =	vst v63  }
0x68: {  	_ =	swait.ge [sflag:s30], $0x1400  }
0x69: {  	[sflag:s30] =	ssyncset.done $0x0  }
0x6a: {  	s25 =	rddreg [dreg:$0xb];
	[sflag:s30] =	ssyncadd.s32 $0xFFFFEC00  }
0x6b: {  	[spmem:s25] =	stream.linear.scatter [tilespmem:s29], [sflag:$0xB], $0x1400, $0x38;
	[tilespmem:$0x1F300] =	vst v63  }
0x6c: {  	_ =	swait.ge [sflag:s30], $0x1400  }
0x6d: {  	[sflag:s30] =	ssyncset.done $0x0  }
0x6e: {  	s19 =	rddreg [dreg:$0xc];
	[sflag:s30] =	ssyncadd.s32 $0xFFFFEC00  }
0x6f: {  	[spmem:s19] =	stream.linear.scatter [tilespmem:s29], [sflag:$0xB], $0x1400, $0x38;
	[tilespmem:$0x1F300] =	vst v63  }
0x70: {  	_ =	swait.ge [sflag:s30], $0x1400  }
0x71: {  	[sflag:s30] =	ssyncset.done $0x0  }
0x72: {  	s20 =	rddreg [dreg:$0xd];
	[sflag:s30] =	ssyncadd.s32 $0xFFFFEC00  }
0x73: {  	[spmem:s20] =	stream.linear.scatter [tilespmem:s29], [sflag:$0xB], $0x1400, $0x38;
	[tilespmem:$0x1F300] =	vst v63  }
0x74: {  	_ =	swait.ge [sflag:s30], $0x1400  }
0x75: {  	[sflag:s30] =	ssyncset.done $0x0  }
0x76: {  	s25 =	rddreg [dreg:$0xe];
	[sflag:s30] =	ssyncadd.s32 $0xFFFFEC00  }
0x77: {  	[spmem:s25] =	stream.linear.scatter [tilespmem:s29], [sflag:$0xB], $0x1400, $0x38;
	[tilespmem:$0x1F300] =	vst v63  }
0x78: {  	_ =	swait.ge [sflag:s30], $0x1400  }
0x79: {  	[sflag:s30] =	ssyncset.done $0x0  }
0x7a: {  	s19 =	rddreg [dreg:$0xf];
	[sflag:s30] =	ssyncadd.s32 $0xFFFFEC00  }
0x7b: {  	[spmem:s19] =	stream.linear.scatter [tilespmem:s29], [sflag:$0xB], $0x1400, $0x38;
	[tilespmem:$0x1F300] =	vst v63  }
0x7c: {  	_ =	swait.ge [sflag:s30], $0x1400  }
0x7d: {  	[sflag:s30] =	ssyncset.done $0x0  }
0x7e: {  	s20 =	rddreg [dreg:$0x10];
	[sflag:s30] =	ssyncadd.s32 $0xFFFFEC00  }
0x7f: {  	[spmem:s20] =	stream.linear.scatter [tilespmem:s29], [sflag:$0xB], $0x1400, $0x38;
	[tilespmem:$0x1F300] =	vst v63  }
0x80: {  	_ =	swait.ge [sflag:s30], $0x1400  }
0x81: {  	[sflag:s30] =	ssyncset.done $0x0  }
0x82: {  	s25 =	rddreg [dreg:$0x11];
	[sflag:s30] =	ssyncadd.s32 $0xFFFFEC00  }
0x83: {  	[spmem:s25] =	stream.linear.scatter [tilespmem:s29], [sflag:$0xB], $0x1400, $0x38;
	[tilespmem:$0x1F300] =	vst v63  }
0x84: {  	_ =	swait.ge [sflag:s30], $0x1400  }
0x85: {  	[sflag:s30] =	ssyncset.done $0x0  }
0x86: {  	s19 =	rddreg [dreg:$0x12];
	[sflag:s30] =	ssyncadd.s32 $0xFFFFEC00  }
0x87: {  	[spmem:s19] =	stream.linear.scatter [tilespmem:s29], [sflag:$0xB], $0x1400, $0x38;
	[tilespmem:$0x1F300] =	vst v63  }
0x88: {  	_ =	swait.ge [sflag:s30], $0x1400  }
0x89: {  	[sflag:s30] =	ssyncset.done $0x0  }
0x8a: {  	[sflag:s30] =	ssyncadd.s32 $0xFFFFEC00  }
0x8b: {  	[spmem:s21] =	stream.linear.scatter [tilespmem:s29], [sflag:$0xB], $0x1400, $0x38;
	[tilespmem:$0x1F300] =	vst v63  }
0x8c: {  	_ =	swait.ge [sflag:s30], $0x1400  }
0x8d: {  	[sflag:s30] =	ssyncset.done $0x0  }
0x8e: {  	[sflag:s30] =	ssyncadd.s32 $0xFFFFEC00  }
0x8f: {  	[spmem:s22] =	stream.linear.scatter [tilespmem:s29], [sflag:$0xB], $0x1400, $0x38;
	[tilespmem:$0x1F300] =	vst v63  }
0x90: {  	_ =	swait.ge [sflag:s30], $0x1400  }
0x91: {  	[sflag:s30] =	ssyncset.done $0x0  }
0x92: {  	[sflag:s30] =	ssyncadd.s32 $0xFFFFEC00  }
0x93: {  	_ =	swait.ge [sflag:s31], $0x2780  }
0x94: {  	[sflag:s31] =	ssyncset.done $0x0  }
0x95: {  	[sflag:s31] =	ssyncadd.s32 $0xFFFFD880  }
0x96: {  	_ =	swait.ge [sflag:s0], $0x2780  }
0x97: {  	[sflag:s0] =	ssyncset.done $0x0  }
0x98: {  	[sflag:s0] =	ssyncadd.s32 $0xFFFFD880  }
0x99: {  	s18 =	simm.s32 $0x0;
	[bflag:$0x0] =	sbarrier.arrive $0xFFFF  }
0x9a: {  	[tilespmem:s29], [sflag:$0x1] =	stream.indirect.gather [hbm4b:s4+s3], $0x80, s18, s3, $0xb8;
	[tilespmem:$0x1F300] =	vst v63  }
0x9b: {  	_ = 	snop  }
0x9c: {  	[tilespmem:s1], [sflag:$0x2] =	stream.indirect.gather [hbm4b:s4+s3], $0x80, s3, s3, $0xb8;
	[tilespmem:$0x1F300] =	vst v63  }
0x9d: {  	s19 =	simm.s32 $0x50  }
0x9e: {  	[tilespmem:s6], [sflag:$0x3] =	stream.indirect.gather [hbm4b:s4+s3], $0x80, s19, s3, $0xb8;
	[tilespmem:$0x1F300] =	vst v63  }
0x9f: {  	s20 =	simm.s32 $0x78  }
0xa0: {  	[tilespmem:s7], [sflag:$0x4] =	stream.indirect.gather [hbm4b:s4+s3], $0x80, s20, s3, $0xb8;
	[tilespmem:$0x1F300] =	vst v63  }
0xa1: {  	s25 =	simm.s32 $0xA0  }
0xa2: {  	[tilespmem:s8], [sflag:$0x5] =	stream.indirect.gather [hbm4b:s4+s3], $0x80, s25, s3, $0xb8;
	[tilespmem:$0x1F300] =	vst v63  }
0xa3: {  	_ =	swait.ge [sflag:s31], $0x1400  }
0xa4: {  	[sflag:s31] =	ssyncset.done $0x0  }
0xa5: {  	[sflag:s31] =	ssyncadd.s32 $0xFFFFEC00  }
0xa6: {  	[spmem:s2] =	stream.indirect.scatter.add.f32 [tilespmem:s29], [sflag:$0x6], $0x80, s28, s3, $0xb8;
	[tilespmem:$0x1F300] =	vst v63  }
0xa7: {  	_ =	swait.ge [sflag:s0], $0x1400  }
0xa8: {  	[sflag:s0] =	ssyncset.done $0x0  }
0xa9: {  	s20 =	simm.s32 $0x27A8;
	[sflag:s0] =	ssyncadd.s32 $0xFFFFEC00  }
0xaa: {  	[spmem:s2] =	stream.indirect.scatter.add.f32 [tilespmem:s1], [sflag:$0x7], $0x80, s20, s3, $0xb8;
	[tilespmem:$0x1F300] =	vst v63  }
0xab: {  	_ =	swait.ge [sflag:s9], $0x1400  }
0xac: {  	[sflag:s9] =	ssyncset.done $0x0  }
0xad: {  	s25 =	simm.s32 $0xC8;
	[sflag:s9] =	ssyncadd.s32 $0xFFFFEC00  }
0xae: {  	[tilespmem:s29], [sflag:$0x1] =	stream.indirect.gather [hbm4b:s4+s3], $0x80, s25, s3, $0xb8;
	[tilespmem:$0x1F300] =	vst v63  }
0xaf: {  	_ =	swait.ge [sflag:s10], $0x1400  }
0xb0: {  	[sflag:s10] =	ssyncset.done $0x0  }
0xb1: {  	s20 =	simm.s32 $0x27D0;
	[sflag:s10] =	ssyncadd.s32 $0xFFFFEC00  }
0xb2: {  	[spmem:s2] =	stream.indirect.scatter.add.f32 [tilespmem:s6], [sflag:$0x8], $0x80, s20, s3, $0xb8;
	[tilespmem:$0x1F300] =	vst v63  }
0xb3: {  	_ =	swait.ge [sflag:s11], $0x1400  }
0xb4: {  	[sflag:s11] =	ssyncset.done $0x0  }
0xb5: {  	s25 =	simm.s32 $0xF0;
	[sflag:s11] =	ssyncadd.s32 $0xFFFFEC00  }
0xb6: {  	[tilespmem:s1], [sflag:$0x2] =	stream.indirect.gather [hbm4b:s4+s3], $0x80, s25, s3, $0xb8;
	[tilespmem:$0x1F300] =	vst v63  }
0xb7: {  	_ =	swait.ge [sflag:s12], $0x1400  }
0xb8: {  	[sflag:s12] =	ssyncset.done $0x0  }
0xb9: {  	s20 =	simm.s32 $0x27F8;
	[sflag:s12] =	ssyncadd.s32 $0xFFFFEC00  }
0xba: {  	[spmem:s2] =	stream.indirect.scatter.add.f32 [tilespmem:s7], [sflag:$0x9], $0x80, s20, s3, $0xb8;
	[tilespmem:$0x1F300] =	vst v63  }
0xbb: {  	_ =	swait.ge [sflag:s13], $0x1400  }
0xbc: {  	[sflag:s13] =	ssyncset.done $0x0  }
0xbd: {  	s25 =	simm.s32 $0x118;
	[sflag:s13] =	ssyncadd.s32 $0xFFFFEC00  }
0xbe: {  	[tilespmem:s6], [sflag:$0x3] =	stream.indirect.gather [hbm4b:s4+s3], $0x80, s25, s3, $0xb8;
	[tilespmem:$0x1F300] =	vst v63  }
0xbf: {  	_ =	swait.ge [sflag:s14], $0x1400  }
0xc0: {  	[sflag:s14] =	ssyncset.done $0x0  }
0xc1: {  	s20 =	simm.s32 $0x2820;
	[sflag:s14] =	ssyncadd.s32 $0xFFFFEC00  }
0xc2: {  	[spmem:s2] =	stream.indirect.scatter.add.f32 [tilespmem:s8], [sflag:$0xA], $0x80, s20, s3, $0xb8;
	[tilespmem:$0x1F300] =	vst v63  }
0xc3: {  	_ =	swait.ge [sflag:s15], $0x1400  }
0xc4: {  	[sflag:s15] =	ssyncset.done $0x0  }
0xc5: {  	s25 =	simm.s32 $0x140;
	[sflag:s15] =	ssyncadd.s32 $0xFFFFEC00  }
0xc6: {  	[tilespmem:s7], [sflag:$0x4] =	stream.indirect.gather [hbm4b:s4+s3], $0x80, s25, s3, $0xb8;
	[tilespmem:$0x1F300] =	vst v63  }
.LBB2_4:
0xc7: {  	_ =	swait.ge [sflag:s31], $0x1400  }
0xc8: {  	s19 =	sshra.s32 s18, $0x2;
	[sflag:s31] =	ssyncset.done $0x0  }
0xc9: {  	s20 =	sadd.s32 $0x2848, s19;
	[sflag:s31] =	ssyncadd.s32 $0xFFFFEC00  }
0xca: {  	[spmem:s2] =	stream.indirect.scatter.add.f32 [tilespmem:s29], [sflag:$0x6], $0x80, s20, s3, $0xb8;
	[tilespmem:$0x1F300] =	vst v63  }
0xcb: {  	_ =	swait.ge [sflag:s16], $0x1400  }
0xcc: {  	[sflag:s16] =	ssyncset.done $0x0  }
0xcd: {  	p0 =	seq.s32 s18, $0x9600;
	s25 =	sadd.s32 $0x168, s19;
	[sflag:s16] =	ssyncadd.s32 $0xFFFFEC00  }
0xce: {  	[tilespmem:s8], [sflag:$0x5] =	stream.indirect.gather [hbm4b:s4+s3], $0x80, s25, s3, $0xb8;
	[tilespmem:$0x1F300] =	vst v63  }
.Ltmp3:
0xcf: {  	_ = 	snop;
	(pc) =	sbr.rel @p0 .LBB2_6-.Ltmp3, $4  }
0xd0: {  	_ =	swait.ge [sflag:s0], $0x1400  }
0xd1: {  	[sflag:s0] =	ssyncset.done $0x0  }
0xd2: {  	s20 =	sadd.s32 $0x2898, s19;
	s25 =	sadd.s32 $0x2870, s19;
	[sflag:s0] =	ssyncadd.s32 $0xFFFFEC00  }
0xd3: {  	[spmem:s2] =	stream.indirect.scatter.add.f32 [tilespmem:s1], [sflag:$0x7], $0x80, s25, s3, $0xb8;
	[tilespmem:$0x1F300] =	vst v63  }
0xd4: {  	_ =	swait.ge [sflag:s9], $0x1400  }
0xd5: {  	[sflag:s9] =	ssyncset.done $0x0  }
0xd6: {  	s25 =	sadd.s32 $0x190, s19;
	[sflag:s9] =	ssyncadd.s32 $0xFFFFEC00  }
0xd7: {  	[tilespmem:s29], [sflag:$0x1] =	stream.indirect.gather [hbm4b:s4+s3], $0x80, s25, s3, $0xb8;
	[tilespmem:$0x1F300] =	vst v63  }
0xd8: {  	_ =	swait.ge [sflag:s10], $0x1400  }
0xd9: {  	[sflag:s10] =	ssyncset.done $0x0  }
0xda: {  	[sflag:s10] =	ssyncadd.s32 $0xFFFFEC00  }
0xdb: {  	[spmem:s2] =	stream.indirect.scatter.add.f32 [tilespmem:s6], [sflag:$0x8], $0x80, s20, s3, $0xb8;
	[tilespmem:$0x1F300] =	vst v63  }
0xdc: {  	_ =	swait.ge [sflag:s11], $0x1400  }
0xdd: {  	[sflag:s11] =	ssyncset.done $0x0  }
0xde: {  	s25 =	sadd.s32 $0x1B8, s19;
	[sflag:s11] =	ssyncadd.s32 $0xFFFFEC00  }
0xdf: {  	[tilespmem:s1], [sflag:$0x2] =	stream.indirect.gather [hbm4b:s4+s3], $0x80, s25, s3, $0xb8;
	[tilespmem:$0x1F300] =	vst v63  }
0xe0: {  	_ =	swait.ge [sflag:s12], $0x1400  }
0xe1: {  	[sflag:s12] =	ssyncset.done $0x0  }
0xe2: {  	s25 =	sadd.s32 $0x28C0, s19;
	[sflag:s12] =	ssyncadd.s32 $0xFFFFEC00  }
0xe3: {  	[spmem:s2] =	stream.indirect.scatter.add.f32 [tilespmem:s7], [sflag:$0x9], $0x80, s25, s3, $0xb8;
	[tilespmem:$0x1F300] =	vst v63  }
0xe4: {  	_ =	swait.ge [sflag:s13], $0x1400  }
0xe5: {  	[sflag:s13] =	ssyncset.done $0x0  }
0xe6: {  	s25 =	sadd.s32 $0x1E0, s19;
	[sflag:s13] =	ssyncadd.s32 $0xFFFFEC00  }
0xe7: {  	[tilespmem:s6], [sflag:$0x3] =	stream.indirect.gather [hbm4b:s4+s3], $0x80, s25, s3, $0xb8;
	[tilespmem:$0x1F300] =	vst v63  }
0xe8: {  	_ =	swait.ge [sflag:s14], $0x1400  }
0xe9: {  	[sflag:s14] =	ssyncset.done $0x0  }
0xea: {  	s25 =	sadd.s32 $0x28E8, s19;
	[sflag:s14] =	ssyncadd.s32 $0xFFFFEC00  }
0xeb: {  	[spmem:s2] =	stream.indirect.scatter.add.f32 [tilespmem:s8], [sflag:$0xA], $0x80, s25, s3, $0xb8;
	[tilespmem:$0x1F300] =	vst v63  }
.Ltmp4:
0xec: {  	_ = 	snop;
	(pc) =	sbr.rel .LBB2_4-.Ltmp4, $4  }
0xed: {  	_ =	swait.ge [sflag:s15], $0x1400  }
0xee: {  	[sflag:s15] =	ssyncset.done $0x0  }
0xef: {  	s18 =	sadd.s32 $0x320, s18;
	s25 =	sadd.s32 $0x208, s19;
	[sflag:s15] =	ssyncadd.s32 $0xFFFFEC00  }
0xf0: {  	[tilespmem:s7], [sflag:$0x4] =	stream.indirect.gather [hbm4b:s4+s3], $0x80, s25, s3, $0xb8;
	[tilespmem:$0x1F300] =	vst v63  }
.LBB2_7:
0xf1: {  	_ =	sfence.sel $0x180000  }
0xf2: {  	[bflag:$0x0] =	sbarrier.arrive $0xFFFF  }
0xf3: {  	_ =	strace $0x9000004A  }
0xf4: {  	s0 =	stileid.u32;
	[bflag:$0x2] =	sbarrier.arrive $0xFFFF  }
0xf5: {  	p0 =	sne.s32 s0, $0x0;
	s0 =	rddreg [dreg:$0x3]  }
0xf6: {  	s0 =	sadd.s32 @!p0 $0x100000, s0  }
0xf7: {  	[sflag:s0] =	ssyncadd.tile.s32 @!p0 $0x1;
	_ =	shalt  }
.Lfunc_end2:
_tile_overlayer_lowered:
.L_overlay_start_2:
0xf8: {  	(tag) =	ssettag $0x2  }
0xf9: {  	s0 =	rddreg [dreg:$0x0];
	s2 =	stileid.u32  }
0xfa: {  	s1 =	rddreg [dreg:$0x1];
	p0 =	sne.s32 s2, $0x0  }
0xfb: {  	s3 =	rddreg [dreg:$0x2];
	[bflag:$0x3] =	sbarrier.arrive $0xFFFF;
	s2 =	simm.s32 @!p0 $0x1C0B  }
0xfc: {  	[timem:s3], [sflag:s2] =	dma.local @!p0 [hbm:s0], s1  }
0xfd: {  	s0 =	simm.s32 @!p0 $0xB  }
0xfe: {  	_ =	swait.ge @!p0 [sflag:s0], s1  }
0xff: {  	s1 =	ssub.s32 @!p0 $0x0, s1;
	[sflag:s0] =	ssyncset.done @!p0 $0x0  }
0x100: {  	[sflag:s0] =	ssyncadd.s32 @!p0 s1  }
0x101: {  	[bflag:$0x3] =	sbarrier.arrive $0xFFFF  }
0x102: {  	_ =	shalt  }

// kernel: kernel.14.cloned.1.call-start
scs
__scs_entry_jumppad:
0x0: {  	(pc) =	sbr.rel $0x88, $3  }
0x1: {  	(tag) =	ssettag $0x0;
	lr =	simm.s32 $0x1  }
0x2: {  	[smem:$0x3F99] =	sst lr;
	_ =	strace $0xD0000000  }
0x3: {  	_ = 	snop  }
0x4: {  	_ = 	snop  }
0x5: {  	_ = 	snop  }
0x6: {  	_ = 	snop  }
0x7: {  	_ = 	snop  }
__scs_overlays_trampoline_lowered:
0x8: {  	[smem:$0x3FA8] =	sst s0  }
0x9: {  	[smem:$0x3FA9] =	sst s1  }
0xa: {  	[smem:$0x3FAA] =	sst s2  }
0xb: {  	[smem:$0x3FAB] =	sst s3  }
0xc: {  	[smem:$0x3FAC] =	sst s4  }
0xd: {  	[smem:$0x3FAD] =	sst s5  }
0xe: {  	[smem:$0x3FAE] =	sst s6  }
0xf: {  	[smem:$0x3FAF] =	sst s7  }
0x10: {  	[smem:$0x3FB0] =	sst s8  }
0x11: {  	[smem:$0x3FB1] =	sst s9;
	s0 =	simm.s32 @!p0 $0x0  }
0x12: {  	s1 =	sld [smem:$0x3F97];
	s0 =	simm.s32 @p0 $0x1  }
0x13: {  	[smem:$0x3FB2] =	sst s0;
	s0 =	simm.s32 @!p1 $0x0  }
0x14: {  	s2 =	sld [smem:$0x3F96];
	s0 =	simm.s32 @p1 $0x1  }
0x15: {  	[smem:$0x3FB3] =	sst s0;
	s0 =	simm.s32 @!p2 $0x0  }
0x16: {  	s3 =	sld [smem:$0x3FDB];
	s0 =	simm.s32 @p2 $0x1  }
0x17: {  	s4 =	simm.s32 $0x1BF5;
	[smem:$0x3FB5] =	sst s0  }
0x18: {  	s0 =	sld [smem:$0x3F98];
	_ =	swait.ge [sflag:s4], $0x0  }
0x19: {  	s7 =	sld [smem:$0x3F99]  }
0x1a: {  	s8 =	sadd.s32 $0xFFFFE003, lr  }
0x1b: {  	s9 =	sadd.s32 $0xFFFFFEF7, lr;
	s5 =	simm.s32 $0xFFFFFFFF;
	p2 =	slt.u32 s8, $0xFFFFF086  }
0x1c: {  	p1 =	slt.u32 s9, $0xF7A;
	s5 =	simm.s32 @!p2 $0x0  }
0x1d: {  	s5 =	simm.s32 @p1 $0x1;
	p0 =	seq.s32 s7, s2  }
0x1e: {  	s7 =	smul.u32 @!p0 $0xF7A, s2;
	p2 =	seq.s32 @!p0 s5, $0x0  }
0x1f: {  	s9 =	smul.u32 $0xF7A, s1;
	s8 =	simm.s32 @!p0 $0x1BF5;
	p2 =	por !p2, p0  }
0x20: {  	[sflag:s8] =	ssyncset.s32 @!p0 $0xFFFFF086;
	s6 =	sadd.s32 @!p0 s3, s7;
	s7 =	simm.s32 @!p0 $0x108  }
0x21: {  	s3 =	sadd.s32 s3, s9;
	s6 =	sadd.s32 @!p0 $0x88, s6;
	s7 =	simm.s32 @p2 $0x1082  }
0x22: {  	[simem:s7], [sflag:s8] =	dma.local @!p0 [hbm:s6], $0xF7A  }
0x23: {  	s9 =	sor.u32 $0xD0000000, s2;
	s6 =	simm.s32 $0x108;
	_ =	swait.ge @!p0 [sflag:s8], $0x0  }
0x24: {  	s3 =	sadd.s32 $0x88, s3;
	s6 =	simm.s32 @!p1 $0x1082;
	[sflag:s4] =	ssyncset.s32 $0xFFFFF086  }
0x25: {  	[simem:s6], [sflag:s4] =	dma.local [hbm:s3], $0xF7A  }
0x26: {  	[smem:$0x3F99] =	sst s1;
	(tag) =	ssettag s2;
	_ =	strace s9  }
0x27: {  	s1 =	sld [smem:$0x3FA9]  }
0x28: {  	s2 =	sld [smem:$0x3FAA]  }
0x29: {  	s4 =	sld [smem:$0x3FAC]  }
0x2a: {  	p0 =	seq.s32 s5, $0x0;
	s5 =	sld [smem:$0x3FAD]  }
0x2b: {  	s6 =	sld [smem:$0x3FAE]  }
0x2c: {  	s7 =	sld [smem:$0x3FAF]  }
0x2d: {  	s3 =	simm.s32 $0x108;
	s8 =	sld [smem:$0x3FB0]  }
0x2e: {  	s3 =	simm.s32 @!p0 $0x1082;
	s9 =	sld [smem:$0x3FB1]  }
0x2f: {  	lr =	sadd.s32 s0, s3;
	s0 =	sld [smem:$0x3FA8]  }
0x30: {  	s3 =	sld [smem:$0x3FAB]  }
0x31: {  	[smem:$0x3FB4] =	sst s10  }
0x32: {  	s10 =	sld [smem:$0x3FB2];
	_ =	sdelay $0x3  }
0x33: {  	p0 =	seq.s32 s10, $0x1;
	s10 =	sld [smem:$0x3FB4];
	_ =	sdelay $0x3  }
0x34: {  	[smem:$0x3FB4] =	sst s10  }
0x35: {  	s10 =	sld [smem:$0x3FB3];
	_ =	sdelay $0x3  }
0x36: {  	p1 =	seq.s32 s10, $0x1;
	s10 =	sld [smem:$0x3FB4];
	_ =	sdelay $0x3  }
0x37: {  	[smem:$0x3FB4] =	sst s10  }
0x38: {  	s10 =	sld [smem:$0x3FB5]  }
0x39: {  	_ = 	snop;
	(pc) =	sbr.ind lr, $3  }
0x3a: {  	_ = 	snop  }
0x3b: {  	_ = 	snop  }
0x3c: {  	p2 =	seq.s32 s10, $0x1;
	s10 =	sld [smem:$0x3FB4]  }
0x3d: {  	_ =	shalt  }
0x3e: {  	_ =	shalt  }
0x3f: {  	_ =	shalt  }
0x40: {  	_ =	shalt  }
0x41: {  	_ =	shalt  }
0x42: {  	_ =	shalt  }
0x43: {  	_ =	shalt  }
0x44: {  	_ =	shalt  }
0x45: {  	_ =	shalt  }
0x46: {  	_ =	shalt  }
0x47: {  	_ =	shalt  }
0x48: {  	_ =	shalt  }
0x49: {  	_ =	shalt  }
0x4a: {  	_ =	shalt  }
0x4b: {  	_ =	shalt  }
0x4c: {  	_ =	shalt  }
0x4d: {  	_ =	shalt  }
0x4e: {  	_ =	shalt  }
0x4f: {  	_ =	shalt  }
0x50: {  	_ =	shalt  }
0x51: {  	_ =	shalt  }
0x52: {  	_ =	shalt  }
0x53: {  	_ =	shalt  }
0x54: {  	_ =	shalt  }
0x55: {  	_ =	shalt  }
0x56: {  	_ =	shalt  }
0x57: {  	_ =	shalt  }
0x58: {  	_ =	shalt  }
0x59: {  	_ =	shalt  }
0x5a: {  	_ =	shalt  }
0x5b: {  	_ =	shalt  }
0x5c: {  	_ =	shalt  }
0x5d: {  	_ =	shalt  }
0x5e: {  	_ =	shalt  }
0x5f: {  	_ =	shalt  }
0x60: {  	_ =	shalt  }
0x61: {  	_ =	shalt  }
0x62: {  	_ =	shalt  }
0x63: {  	_ =	shalt  }
0x64: {  	_ =	shalt  }
0x65: {  	_ =	shalt  }
0x66: {  	_ =	shalt  }
0x67: {  	_ =	shalt  }
0x68: {  	_ =	shalt  }
0x69: {  	_ =	shalt  }
0x6a: {  	_ =	shalt  }
0x6b: {  	_ =	shalt  }
0x6c: {  	_ =	shalt  }
0x6d: {  	_ =	shalt  }
0x6e: {  	_ =	shalt  }
0x6f: {  	_ =	shalt  }
0x70: {  	_ =	shalt  }
0x71: {  	_ =	shalt  }
0x72: {  	_ =	shalt  }
0x73: {  	_ =	shalt  }
0x74: {  	_ =	shalt  }
0x75: {  	_ =	shalt  }
0x76: {  	_ =	shalt  }
0x77: {  	_ =	shalt  }
0x78: {  	_ =	shalt  }
0x79: {  	_ =	shalt  }
0x7a: {  	_ =	shalt  }
0x7b: {  	_ =	shalt  }
0x7c: {  	_ =	shalt  }
0x7d: {  	_ =	shalt  }
0x7e: {  	_ =	shalt  }
0x7f: {  	_ =	shalt  }
0x80: {  	_ =	shalt  }
0x81: {  	_ =	shalt  }
0x82: {  	_ =	shalt  }
0x83: {  	_ =	shalt  }
0x84: {  	_ =	shalt  }
0x85: {  	_ =	shalt  }
0x86: {  	_ =	shalt  }
0x87: {  	_ =	shalt  }
.Lfunc_end0:
.L_simem_size_0:
called_computation.2_lowered:
.L_overlay_start_0:
0x88: {  	s2 =	sld [smem:$0x3FD9]  }
0x89: {  	s3 =	sld [smem:$0x3FFE];
	_ =	sdelay $0x1  }
0x8a: {  	s1 =	srdreg.scid  }
0x8b: {  	s0 =	sand.u32 $0x1, s1  }
0x8c: {  	s17 =	sshll.u32 s0, $0xA;
	s2 =	sadd.s32 s3, s2  }
0x8d: {  	s2 =	sadd.s32 s2, s17  }
0x8e: {  	[smem:$0x3FC0] =	sst s2  }
0x8f: {  	_ = 	snop  }
0x90: {  	s2 =	sld [smem:$0x3FD0];
	(tm) =	ssettm $0x1  }
0x91: {  	s18 =	sld [smem:$0x3FFB];
	_ =	sdelay $0x3  }
0x92: {  	_ =	strace s18  }
0x93: {  	s3 =	sld [smem:$0x3FFC];
	_ =	sdelay $0x3  }
0x94: {  	_ =	strace s3  }
0x95: {  	s3 =	sld [smem:$0x3FFD];
	_ =	sdelay $0x3  }
0x96: {  	_ =	strace s3  }
0x97: {  	_ =	strace $0x8FFFFFFF  }
0x98: {  	s19 =	sld [smem:$0x3FDB];
	_ =	sdelay $0x1  }
0x99: {  	s4 =	simm.s32 $_scs_section_size  }
0x9a: {  	s5 =	simm.s32 $_size__tile_overlayer_lowered;
	s6 =	simm.s32 $_tile_overlayer_lowered  }
0x9b: {  	s22 =	simm.s32 $0x1BFF;
	s21 =	sshll.u32 s6, $0x1;
	s3 =	sadd.s32 s4, s19  }
0x9c: {  	s7 =	simm.s32 $0x0;
	s20 =	sshll.u32 s5, $0x1;
	s5 =	sadd.s32 s21, s3  }
0x9d: {  	[timem:s7], [sflag:s22] =	dma.local [hbm:s5], s20  }
0x9e: {  	_ =	swait.ge [sflag:s22], s20  }
0x9f: {  	s4 =	ssub.s32 $0x0, s20;
	[sflag:s22] =	ssyncset.done $0x0  }
0xa0: {  	[sflag:s22] =	ssyncadd.s32 s4;
	_ =	sdelay $0x1  }
0xa1: {  	s23 =	simm.s32 $0x1B8B  }
0xa2: {  	_ =	swait.ge [sflag:s23], $0x1  }
0xa3: {  	[sflag:s23] =	ssyncset.done $0x0  }
0xa4: {  	s25 =	simm.s32 $0x1B8E;
	s24 =	sld [smem:$0x3FFE];
	[sflag:s23] =	ssyncadd.s32 $0xFFFFFFFF  }
0xa5: {  	s26 =	simm.s32 $execute0_lowered;
	[smem:$0x3FD2] =	sst s25  }
0xa6: {  	s5 =	sshll.u32 s26, $0x1;
	_ =	strace $0x8000004C;
	[dreg:$0x1] =	wrdreg $0xFFFFFFFF  }
0xa7: {  	s28 =	simm.s32 $_size_execute0_lowered;
	s3 =	sadd.s32 s3, s5;
	[dreg:$0x0] =	wrdreg $0x0  }
0xa8: {  	s5 =	sshll.u32 s28, $0x1;
	[dreg:$0x2] =	wrdreg s3  }
0xa9: {  	[dreg:$0x3] =	wrdreg s5  }
0xaa: {  	[dreg:$0x4] =	wrdreg $0xC0  }
0xab: {  	_ =	task [dreg:s7], $0x5FFFF  }
0xac: {  	[dreg:$0x1] =	wrdreg $0xFFFFFFFF  }
0xad: {  	[dreg:$0x0] =	wrdreg $0x60  }
0xae: {  	[dreg:$0x2] =	wrdreg s24  }
0xaf: {  	[dreg:$0x3] =	wrdreg s2  }
0xb0: {  	[dreg:$0x4] =	wrdreg $0xB3000  }
0xb1: {  	[dreg:$0x5] =	wrdreg $0x9  }
0xb2: {  	_ =	task.clear_ibuf [dreg:s7], $0x6FFFF;
	_ =	strace $0x9000004C  }
0xb3: {  	s29 =	simm.s32 $0x9;
	_ =	strace $0x8000004E  }
0xb4: {  	_ =	swait.ge [sflag:s29], $0x1  }
0xb5: {  	[sflag:s29] =	ssyncadd.s32 $0xFFFFFFFF  }
0xb6: {  	_ =	strace $0x9000004E  }
0xb7: {  	_ =	sfence  }
0xb8: {  	s30 =	sld [smem:$0x0];
	_ =	sdelay $0x2  }
0xb9: {  	s31 =	sshll.u32 s1, $0xD;
	s1 =	sshrl.u32 s1, $0x2  }
0xba: {  	s3 =	sand.u32 $0x4000, s31;
	s1 =	sadd.s32 s1, s30  }
0xbb: {  	s0 =	sor.u32 s3, s0;
	s1 =	sshll.u32 s1, $0x11  }
0xbc: {  	s0 =	sor.u32 s1, s0  }
0xbd: {  	s0 =	sadd.s32 $0x8F2B, s0  }
0xbe: {  	[sflag:s0] =	ssyncadd.remote.s32 $0x1  }
0xbf: {  	_ =	sfence.sel $0xFFFF  }
0xc0: {  	[dreg:$0x0] =	wrdreg $0xFFFFFFFF;
	(pc) =	sbr.abs _section_cstart, $3  }
0xc1: {  	[dreg:$0x1] =	wrdreg $0xFFFFFFFF  }
0xc2: {  	_ =	task.clear_ibuf [dreg:s7], $0x2FFFF;
	_ =	strace $0x9FFFFFFF  }
0xc3: {  	(tm) =	ssettm $0x7FFFFFFF  }
tec
execute0_lowered:
.L_overlay_start_1:
0x0: {  	(tag) =	ssettag $0x1  }
0x1: {  	s0 =	rddreg [dreg:$0x0]  }
0x2: {  	s1 =	rddreg [dreg:$0x1]  }
0x3: {  	s2 =	rddreg [dreg:$0x2];
	s7 =	simm.s32 $0x0  }
0x4: {  	s3 =	srdreg.scid;
	s9 =	stileid.u32;
	s28 =	simm.s32 $0x2780  }
0x5: {  	s29 =	simm.s32 $0x4F00;
	s30 =	simm.s32 $0xB;
	s31 =	simm.s32 $0x1  }
0x6: {  	s3 =	sand.u32 $0x1, s3;
	s4 =	sshrl.u32 s9, $0x2;
	s5 =	sshll.u32 s9, $0x8  }
0x7: {  	s4 =	smul.u32 $0x13C00, s4;
	s6 =	sshll.u32 s3, $0x7;
	s5 =	sand.u32 $0x300, s5  }
0x8: {  	[smem:$0x7FF] =	sst s7;
	s26 =	smul.u32 $0x14000, s9;
	s5 =	sor.u32 s6, s5  }
0x9: {  	s10 =	smul.u32 $0x50000, s9;
	s7 =	simm.s32 $0x8B00;
	s5 =	sor.u32 s4, s5  }
0xa: {  	s9 =	simm.s32 $0x6;
	_ =	strace $0x8000004D;
	s8 =	sshrl.u32 s5, $0x3  }
0xb: {  	s5 =	sshrl.u32 s10, $0x2;
	s11 =	sadd.s32 s8, s0;
	s1 =	sadd.s32 s1, s8  }
0xc: {  	s5 =	sadd.s32 s5, s2;
	s13 =	sadd.s32 $0x3200, s11;
	[dreg:$0x5] =	wrdreg s1  }
0xd: {  	s25 =	smul.u32 $0x140000, s3;
	s14 =	sadd.s32 $0x1400, s5;
	[dreg:$0x4] =	wrdreg s13  }
0xe: {  	s3 =	ssub.s32 $0x2, s3;
	s15 =	sadd.s32 $0x2800, s5;
	[dreg:$0x6] =	wrdreg s14  }
0xf: {  	s12 =	sshrl.u32 s3, $0x1;
	s16 =	sadd.s32 $0x3C00, s5;
	[dreg:$0x7] =	wrdreg s15  }
0x10: {  	s4 =	sadd.s32 $0xD000, s0;
	s17 =	sadd.s32 $0x5000, s5;
	[dreg:$0x8] =	wrdreg s16  }
0x11: {  	s6 =	sadd.s32 s26, s25;
	s18 =	sadd.s32 $0x6400, s5;
	[dreg:$0x9] =	wrdreg s17  }
0x12: {  	s3 =	ssub.s32 s3, s12;
	s19 =	sadd.s32 $0x7800, s5;
	[dreg:$0xa] =	wrdreg s18  }
0x13: {  	s12 =	simm.s32 $0x4;
	s20 =	sadd.s32 $0x8C00, s5;
	[dreg:$0xb] =	wrdreg s19  }
0x14: {  	s6 =	sshrl.u32 s6, $0x3;
	s21 =	sadd.s32 $0xA000, s5;
	[dreg:$0xc] =	wrdreg s20  }
0x15: {  	s10 =	simm.s32 $0x3;
	s22 =	sadd.s32 $0xB400, s5;
	[dreg:$0xd] =	wrdreg s21  }
0x16: {  	s0 =	sadd.s32 s6, s0;
	s23 =	sadd.s32 $0xC800, s5;
	[dreg:$0xe] =	wrdreg s22  }
0x17: {  	s6 =	simm.s32 $0x7700;
	s24 =	sadd.s32 $0xDC00, s5;
	[dreg:$0xf] =	wrdreg s23  }
0x18: {  	s8 =	simm.s32 $0x9F00;
	s25 =	sadd.s32 $0xF000, s5;
	[dreg:$0x10] =	wrdreg s24  }
0x19: {  	s26 =	sadd.s32 $0x10400, s5;
	s1 =	simm.s32 $0x6300;
	[dreg:$0x11] =	wrdreg s25  }
.Ltmp0:
0x1a: {  	s11 =	simm.s32 $0x7;
	[dreg:$0x12] =	wrdreg s26;
	(pc) =	sbr.rel .LBB2_1-.Ltmp0, $4  }
0x1b: {  	s21 =	sadd.s32 $0x11800, s5;
	s22 =	sadd.s32 $0x12C00, s5;
	s23 =	sadd.s32 $0x34200, s0  }
0x1c: {  	s24 =	smax.u32 s3, $0x1;
	s26 =	simm.s32 $0x400;
	s0 =	simm.s32 $0x2  }
0x1d: {  	s3 =	simm.s32 $0x28;
	s13 =	simm.s32 $0x8;
	s14 =	simm.s32 $0x5  }
0x1e: {  	v0 =	vimm.f32 $0.0e+00;
	s15 =	simm.s32 $0x9;
	s16 =	simm.s32 $0xA;
	s17 =	simm.s32 $0x0  }
.LBB2_6:
0x1f: {  	_ =	swait.ge [sflag:s10], $0x1400  }
0x20: {  	[sflag:s10] =	ssyncset.done $0x0  }
0x21: {  	[sflag:s10] =	ssyncadd.s32 $0xFFFFEC00  }
0x22: {  	[spmem:s2] =	stream.indirect.scatter.add.f32 [tilespmem:s6], [sflag:$0x8], $0x80, s20, s3, $0xb8;
	[tilespmem:$0x1F300] =	vst v63  }
0x23: {  	_ =	swait.ge [sflag:s12], $0x1400  }
0x24: {  	[sflag:s12] =	ssyncset.done $0x0  }
0x25: {  	s18 =	sadd.s32 $0x28C0, s19;
	[sflag:s12] =	ssyncadd.s32 $0xFFFFEC00  }
0x26: {  	[spmem:s2] =	stream.indirect.scatter.add.f32 [tilespmem:s7], [sflag:$0x9], $0x80, s18, s3, $0xb8;
	[tilespmem:$0x1F300] =	vst v63  }
0x27: {  	_ =	swait.ge [sflag:s14], $0x1400  }
0x28: {  	[sflag:s14] =	ssyncset.done $0x0  }
0x29: {  	s19 =	sadd.s32 $0x28E8, s19;
	[sflag:s14] =	ssyncadd.s32 $0xFFFFEC00  }
0x2a: {  	[spmem:s2] =	stream.indirect.scatter.add.f32 [tilespmem:s8], [sflag:$0xA], $0x80, s19, s3, $0xb8;
	[tilespmem:$0x1F300] =	vst v63  }
0x2b: {  	_ =	swait.ge [sflag:s9], $0x1400  }
0x2c: {  	[sflag:s9] =	ssyncset.done $0x0  }
0x2d: {  	[sflag:s9] =	ssyncadd.s32 $0xFFFFEC00  }
0x2e: {  	_ =	swait.ge [sflag:s11], $0x1400  }
0x2f: {  	[sflag:s11] =	ssyncset.done $0x0  }
0x30: {  	[sflag:s11] =	ssyncadd.s32 $0xFFFFEC00  }
0x31: {  	_ =	swait.ge [sflag:s13], $0x1400  }
0x32: {  	[sflag:s13] =	ssyncset.done $0x0  }
0x33: {  	[sflag:s13] =	ssyncadd.s32 $0xFFFFEC00  }
0x34: {  	_ =	swait.ge [sflag:s15], $0x1400  }
0x35: {  	[sflag:s15] =	ssyncset.done $0x0  }
0x36: {  	[sflag:s15] =	ssyncadd.s32 $0xFFFFEC00  }
0x37: {  	s25 =	sshrl.u32 s5, $0x3;
	_ =	swait.ge [sflag:s16], $0x1400  }
0x38: {  	s17 =	sadd.s32 $0x1, s17;
	s20 =	stileid.u32;
	[sflag:s16] =	ssyncset.done $0x0  }
0x39: {  	p0 =	sne.s32 s17, s24;
	s18 =	sshll.u32 s20, $0x6;
	[sflag:s16] =	ssyncadd.s32 $0xFFFFEC00  }
.Ltmp1:
0x3a: {  	s18 =	sor.u32 $0x1C0B, s18;
	[bflag:$0x0] =	sbarrier.arrive $0xFFFF;
	(pc) =	sbr.rel @!p0 .LBB2_7-.Ltmp1, $4  }
0x3b: {  	[hbm:s23], [sflag:s18] =	dma.local [spmem:s25], $0x2800  }
0x3c: {  	_ =	swait.ge [sflag:s30], $0x2800  }
0x3d: {  	[sflag:s30] =	ssyncset.done $0x0  }
0x3e: {  	[sflag:s30] =	ssyncadd.s32 $0xFFFFD800  }
.LBB2_1:
0x3f: {  	s18 =	simm.s32 $0x0;
	s19 =	rddreg [dreg:$0x4];
	s20 =	simm.s32 $0x80  }
0x40: {  	[tilespmem:s18], [sflag:$0x1] =	stream.strided.gather [hbm4b:s19+s20], $0x2780, s26, s20, $0x38;
	[tilespmem:$0x1F300] =	vst v63  }
0x41: {  	s25 =	rddreg [dreg:$0x5];
	s18 =	simm.s32 $0x0;
	s19 =	simm.s32 $0x200  }
0x42: {  	[tilespmem:s28], [sflag:$0x2] =	stream.strided.gather [hbm4b:s25+s20], $0x2780, s26, s20, $0x38;
	[tilespmem:$0x1F300] =	vst v63  }
.LBB2_2:
0x43: {  	p0 =	sne.s32 s19, $0x4E00;
	[tilespmem:s18+$0x4F70] =	vst v0  }
0x44: {  	[tilespmem:s18+$0x4F00] =	vst v0  }
0x45: {  	[tilespmem:s18+$0x4F10] =	vst v0  }
.Ltmp2:
0x46: {  	[tilespmem:s18+$0x4F20] =	vst v0;
	(pc) =	sbr.rel @p0 .LBB2_2-.Ltmp2, $4  }
0x47: {  	[tilespmem:s18+$0x4F30] =	vst v0  }
0x48: {  	[tilespmem:s18+$0x4F40] =	vst v0  }
0x49: {  	[tilespmem:s18+$0x4F50] =	vst v0  }
0x4a: {  	[tilespmem:s18+$0x4F60] =	vst v0;
	s18 =	sshra.s32 s19, $0x2;
	s19 =	sadd.s32 $0x200, s19  }
0x4b: {  	[tilespmem:s18+$0x4F70] =	vst v0  }
0x4c: {  	[tilespmem:s18+$0x4F00] =	vst v0  }
0x4d: {  	[tilespmem:s18+$0x4F10] =	vst v0  }
0x4e: {  	[tilespmem:s18+$0x4F20] =	vst v0  }
0x4f: {  	[tilespmem:s18+$0x4F30] =	vst v0  }
0x50: {  	[tilespmem:s18+$0x4F40] =	vst v0  }
0x51: {  	[tilespmem:s18+$0x4F50] =	vst v0  }
0x52: {  	[tilespmem:s18+$0x4F60] =	vst v0  }
0x53: {  	[spmem:s5] =	stream.linear.scatter [tilespmem:s29], [sflag:$0xB], $0x1400, $0x38;
	[tilespmem:$0x1F300] =	vst v63  }
0x54: {  	_ =	swait.ge [sflag:s30], $0x1400  }
0x55: {  	[sflag:s30] =	ssyncset.done $0x0  }
0x56: {  	s19 =	rddreg [dreg:$0x6];
	[sflag:s30] =	ssyncadd.s32 $0xFFFFEC00  }
0x57: {  	[spmem:s19] =	stream.linear.scatter [tilespmem:s29], [sflag:$0xB], $0x1400, $0x38;
	[tilespmem:$0x1F300] =	vst v63  }
0x58: {  	_ =	swait.ge [sflag:s30], $0x1400  }
0x59: {  	[sflag:s30] =	ssyncset.done $0x0  }
0x5a: {  	s20 =	rddreg [dreg:$0x7];
	[sflag:s30] =	ssyncadd.s32 $0xFFFFEC00  }
0x5b: {  	[spmem:s20] =	stream.linear.scatter [tilespmem:s29], [sflag:$0xB], $0x1400, $0x38;
	[tilespmem:$0x1F300] =	vst v63  }
0x5c: {  	_ =	swait.ge [sflag:s30], $0x1400  }
0x5d: {  	[sflag:s30] =	ssyncset.done $0x0  }
0x5e: {  	s25 =	rddreg [dreg:$0x8];
	[sflag:s30] =	ssyncadd.s32 $0xFFFFEC00  }
0x5f: {  	[spmem:s25] =	stream.linear.scatter [tilespmem:s29], [sflag:$0xB], $0x1400, $0x38;
	[tilespmem:$0x1F300] =	vst v63  }
0x60: {  	_ =	swait.ge [sflag:s30], $0x1400  }
0x61: {  	[sflag:s30] =	ssyncset.done $0x0  }
0x62: {  	s19 =	rddreg [dreg:$0x9];
	[sflag:s30] =	ssyncadd.s32 $0xFFFFEC00  }
0x63: {  	[spmem:s19] =	stream.linear.scatter [tilespmem:s29], [sflag:$0xB], $0x1400, $0x38;
	[tilespmem:$0x1F300] =	vst v63  }
0x64: {  	_ =	swait.ge [sflag:s30], $0x1400  }
0x65: {  	[sflag:s30] =	ssyncset.done $0x0  }
0x66: {  	s20 =	rddreg [dreg:$0xa];
	[sflag:s30] =	ssyncadd.s32 $0xFFFFEC00  }
0x67: {  	[spmem:s20] =	stream.linear.scatter [tilespmem:s29], [sflag:$0xB], $0x1400, $0x38;
	[tilespmem:$0x1F300] =	vst v63  }
0x68: {  	_ =	swait.ge [sflag:s30], $0x1400  }
0x69: {  	[sflag:s30] =	ssyncset.done $0x0  }
0x6a: {  	s25 =	rddreg [dreg:$0xb];
	[sflag:s30] =	ssyncadd.s32 $0xFFFFEC00  }
0x6b: {  	[spmem:s25] =	stream.linear.scatter [tilespmem:s29], [sflag:$0xB], $0x1400, $0x38;
	[tilespmem:$0x1F300] =	vst v63  }
0x6c: {  	_ =	swait.ge [sflag:s30], $0x1400  }
0x6d: {  	[sflag:s30] =	ssyncset.done $0x0  }
0x6e: {  	s19 =	rddreg [dreg:$0xc];
	[sflag:s30] =	ssyncadd.s32 $0xFFFFEC00  }
0x6f: {  	[spmem:s19] =	stream.linear.scatter [tilespmem:s29], [sflag:$0xB], $0x1400, $0x38;
	[tilespmem:$0x1F300] =	vst v63  }
0x70: {  	_ =	swait.ge [sflag:s30], $0x1400  }
0x71: {  	[sflag:s30] =	ssyncset.done $0x0  }
0x72: {  	s20 =	rddreg [dreg:$0xd];
	[sflag:s30] =	ssyncadd.s32 $0xFFFFEC00  }
0x73: {  	[spmem:s20] =	stream.linear.scatter [tilespmem:s29], [sflag:$0xB], $0x1400, $0x38;
	[tilespmem:$0x1F300] =	vst v63  }
0x74: {  	_ =	swait.ge [sflag:s30], $0x1400  }
0x75: {  	[sflag:s30] =	ssyncset.done $0x0  }
0x76: {  	s25 =	rddreg [dreg:$0xe];
	[sflag:s30] =	ssyncadd.s32 $0xFFFFEC00  }
0x77: {  	[spmem:s25] =	stream.linear.scatter [tilespmem:s29], [sflag:$0xB], $0x1400, $0x38;
	[tilespmem:$0x1F300] =	vst v63  }
0x78: {  	_ =	swait.ge [sflag:s30], $0x1400  }
0x79: {  	[sflag:s30] =	ssyncset.done $0x0  }
0x7a: {  	s19 =	rddreg [dreg:$0xf];
	[sflag:s30] =	ssyncadd.s32 $0xFFFFEC00  }
0x7b: {  	[spmem:s19] =	stream.linear.scatter [tilespmem:s29], [sflag:$0xB], $0x1400, $0x38;
	[tilespmem:$0x1F300] =	vst v63  }
0x7c: {  	_ =	swait.ge [sflag:s30], $0x1400  }
0x7d: {  	[sflag:s30] =	ssyncset.done $0x0  }
0x7e: {  	s20 =	rddreg [dreg:$0x10];
	[sflag:s30] =	ssyncadd.s32 $0xFFFFEC00  }
0x7f: {  	[spmem:s20] =	stream.linear.scatter [tilespmem:s29], [sflag:$0xB], $0x1400, $0x38;
	[tilespmem:$0x1F300] =	vst v63  }
0x80: {  	_ =	swait.ge [sflag:s30], $0x1400  }
0x81: {  	[sflag:s30] =	ssyncset.done $0x0  }
0x82: {  	s25 =	rddreg [dreg:$0x11];
	[sflag:s30] =	ssyncadd.s32 $0xFFFFEC00  }
0x83: {  	[spmem:s25] =	stream.linear.scatter [tilespmem:s29], [sflag:$0xB], $0x1400, $0x38;
	[tilespmem:$0x1F300] =	vst v63  }
0x84: {  	_ =	swait.ge [sflag:s30], $0x1400  }
0x85: {  	[sflag:s30] =	ssyncset.done $0x0  }
0x86: {  	s19 =	rddreg [dreg:$0x12];
	[sflag:s30] =	ssyncadd.s32 $0xFFFFEC00  }
0x87: {  	[spmem:s19] =	stream.linear.scatter [tilespmem:s29], [sflag:$0xB], $0x1400, $0x38;
	[tilespmem:$0x1F300] =	vst v63  }
0x88: {  	_ =	swait.ge [sflag:s30], $0x1400  }
0x89: {  	[sflag:s30] =	ssyncset.done $0x0  }
0x8a: {  	[sflag:s30] =	ssyncadd.s32 $0xFFFFEC00  }
0x8b: {  	[spmem:s21] =	stream.linear.scatter [tilespmem:s29], [sflag:$0xB], $0x1400, $0x38;
	[tilespmem:$0x1F300] =	vst v63  }
0x8c: {  	_ =	swait.ge [sflag:s30], $0x1400  }
0x8d: {  	[sflag:s30] =	ssyncset.done $0x0  }
0x8e: {  	[sflag:s30] =	ssyncadd.s32 $0xFFFFEC00  }
0x8f: {  	[spmem:s22] =	stream.linear.scatter [tilespmem:s29], [sflag:$0xB], $0x1400, $0x38;
	[tilespmem:$0x1F300] =	vst v63  }
0x90: {  	_ =	swait.ge [sflag:s30], $0x1400  }
0x91: {  	[sflag:s30] =	ssyncset.done $0x0  }
0x92: {  	[sflag:s30] =	ssyncadd.s32 $0xFFFFEC00  }
0x93: {  	_ =	swait.ge [sflag:s31], $0x2780  }
0x94: {  	[sflag:s31] =	ssyncset.done $0x0  }
0x95: {  	[sflag:s31] =	ssyncadd.s32 $0xFFFFD880  }
0x96: {  	_ =	swait.ge [sflag:s0], $0x2780  }
0x97: {  	[sflag:s0] =	ssyncset.done $0x0  }
0x98: {  	[sflag:s0] =	ssyncadd.s32 $0xFFFFD880  }
0x99: {  	s18 =	simm.s32 $0x0;
	[bflag:$0x0] =	sbarrier.arrive $0xFFFF  }
0x9a: {  	[tilespmem:s29], [sflag:$0x1] =	stream.indirect.gather [hbm4b:s4+s3], $0x80, s18, s3, $0xb8;
	[tilespmem:$0x1F300] =	vst v63  }
0x9b: {  	_ = 	snop  }
0x9c: {  	[tilespmem:s1], [sflag:$0x2] =	stream.indirect.gather [hbm4b:s4+s3], $0x80, s3, s3, $0xb8;
	[tilespmem:$0x1F300] =	vst v63  }
0x9d: {  	s19 =	simm.s32 $0x50  }
0x9e: {  	[tilespmem:s6], [sflag:$0x3] =	stream.indirect.gather [hbm4b:s4+s3], $0x80, s19, s3, $0xb8;
	[tilespmem:$0x1F300] =	vst v63  }
0x9f: {  	s20 =	simm.s32 $0x78  }
0xa0: {  	[tilespmem:s7], [sflag:$0x4] =	stream.indirect.gather [hbm4b:s4+s3], $0x80, s20, s3, $0xb8;
	[tilespmem:$0x1F300] =	vst v63  }
0xa1: {  	s25 =	simm.s32 $0xA0  }
0xa2: {  	[tilespmem:s8], [sflag:$0x5] =	stream.indirect.gather [hbm4b:s4+s3], $0x80, s25, s3, $0xb8;
	[tilespmem:$0x1F300] =	vst v63  }
0xa3: {  	_ =	swait.ge [sflag:s31], $0x1400  }
0xa4: {  	[sflag:s31] =	ssyncset.done $0x0  }
0xa5: {  	[sflag:s31] =	ssyncadd.s32 $0xFFFFEC00  }
0xa6: {  	[spmem:s2] =	stream.indirect.scatter.add.f32 [tilespmem:s29], [sflag:$0x6], $0x80, s28, s3, $0xb8;
	[tilespmem:$0x1F300] =	vst v63  }
0xa7: {  	_ =	swait.ge [sflag:s0], $0x1400  }
0xa8: {  	[sflag:s0] =	ssyncset.done $0x0  }
0xa9: {  	s20 =	simm.s32 $0x27A8;
	[sflag:s0] =	ssyncadd.s32 $0xFFFFEC00  }
0xaa: {  	[spmem:s2] =	stream.indirect.scatter.add.f32 [tilespmem:s1], [sflag:$0x7], $0x80, s20, s3, $0xb8;
	[tilespmem:$0x1F300] =	vst v63  }
0xab: {  	_ =	swait.ge [sflag:s9], $0x1400  }
0xac: {  	[sflag:s9] =	ssyncset.done $0x0  }
0xad: {  	s25 =	simm.s32 $0xC8;
	[sflag:s9] =	ssyncadd.s32 $0xFFFFEC00  }
0xae: {  	[tilespmem:s29], [sflag:$0x1] =	stream.indirect.gather [hbm4b:s4+s3], $0x80, s25, s3, $0xb8;
	[tilespmem:$0x1F300] =	vst v63  }
0xaf: {  	_ =	swait.ge [sflag:s10], $0x1400  }
0xb0: {  	[sflag:s10] =	ssyncset.done $0x0  }
0xb1: {  	s20 =	simm.s32 $0x27D0;
	[sflag:s10] =	ssyncadd.s32 $0xFFFFEC00  }
0xb2: {  	[spmem:s2] =	stream.indirect.scatter.add.f32 [tilespmem:s6], [sflag:$0x8], $0x80, s20, s3, $0xb8;
	[tilespmem:$0x1F300] =	vst v63  }
0xb3: {  	_ =	swait.ge [sflag:s11], $0x1400  }
0xb4: {  	[sflag:s11] =	ssyncset.done $0x0  }
0xb5: {  	s25 =	simm.s32 $0xF0;
	[sflag:s11] =	ssyncadd.s32 $0xFFFFEC00  }
0xb6: {  	[tilespmem:s1], [sflag:$0x2] =	stream.indirect.gather [hbm4b:s4+s3], $0x80, s25, s3, $0xb8;
	[tilespmem:$0x1F300] =	vst v63  }
0xb7: {  	_ =	swait.ge [sflag:s12], $0x1400  }
0xb8: {  	[sflag:s12] =	ssyncset.done $0x0  }
0xb9: {  	s20 =	simm.s32 $0x27F8;
	[sflag:s12] =	ssyncadd.s32 $0xFFFFEC00  }
0xba: {  	[spmem:s2] =	stream.indirect.scatter.add.f32 [tilespmem:s7], [sflag:$0x9], $0x80, s20, s3, $0xb8;
	[tilespmem:$0x1F300] =	vst v63  }
0xbb: {  	_ =	swait.ge [sflag:s13], $0x1400  }
0xbc: {  	[sflag:s13] =	ssyncset.done $0x0  }
0xbd: {  	s25 =	simm.s32 $0x118;
	[sflag:s13] =	ssyncadd.s32 $0xFFFFEC00  }
0xbe: {  	[tilespmem:s6], [sflag:$0x3] =	stream.indirect.gather [hbm4b:s4+s3], $0x80, s25, s3, $0xb8;
	[tilespmem:$0x1F300] =	vst v63  }
0xbf: {  	_ =	swait.ge [sflag:s14], $0x1400  }
0xc0: {  	[sflag:s14] =	ssyncset.done $0x0  }
0xc1: {  	s20 =	simm.s32 $0x2820;
	[sflag:s14] =	ssyncadd.s32 $0xFFFFEC00  }
0xc2: {  	[spmem:s2] =	stream.indirect.scatter.add.f32 [tilespmem:s8], [sflag:$0xA], $0x80, s20, s3, $0xb8;
	[tilespmem:$0x1F300] =	vst v63  }
0xc3: {  	_ =	swait.ge [sflag:s15], $0x1400  }
0xc4: {  	[sflag:s15] =	ssyncset.done $0x0  }
0xc5: {  	s25 =	simm.s32 $0x140;
	[sflag:s15] =	ssyncadd.s32 $0xFFFFEC00  }
0xc6: {  	[tilespmem:s7], [sflag:$0x4] =	stream.indirect.gather [hbm4b:s4+s3], $0x80, s25, s3, $0xb8;
	[tilespmem:$0x1F300] =	vst v63  }
.LBB2_4:
0xc7: {  	_ =	swait.ge [sflag:s31], $0x1400  }
0xc8: {  	s19 =	sshra.s32 s18, $0x2;
	[sflag:s31] =	ssyncset.done $0x0  }
0xc9: {  	s20 =	sadd.s32 $0x2848, s19;
	[sflag:s31] =	ssyncadd.s32 $0xFFFFEC00  }
0xca: {  	[spmem:s2] =	stream.indirect.scatter.add.f32 [tilespmem:s29], [sflag:$0x6], $0x80, s20, s3, $0xb8;
	[tilespmem:$0x1F300] =	vst v63  }
0xcb: {  	_ =	swait.ge [sflag:s16], $0x1400  }
0xcc: {  	[sflag:s16] =	ssyncset.done $0x0  }
0xcd: {  	p0 =	seq.s32 s18, $0x9600;
	s25 =	sadd.s32 $0x168, s19;
	[sflag:s16] =	ssyncadd.s32 $0xFFFFEC00  }
0xce: {  	[tilespmem:s8], [sflag:$0x5] =	stream.indirect.gather [hbm4b:s4+s3], $0x80, s25, s3, $0xb8;
	[tilespmem:$0x1F300] =	vst v63  }
.Ltmp3:
0xcf: {  	_ = 	snop;
	(pc) =	sbr.rel @p0 .LBB2_6-.Ltmp3, $4  }
0xd0: {  	_ =	swait.ge [sflag:s0], $0x1400  }
0xd1: {  	[sflag:s0] =	ssyncset.done $0x0  }
0xd2: {  	s20 =	sadd.s32 $0x2898, s19;
	s25 =	sadd.s32 $0x2870, s19;
	[sflag:s0] =	ssyncadd.s32 $0xFFFFEC00  }
0xd3: {  	[spmem:s2] =	stream.indirect.scatter.add.f32 [tilespmem:s1], [sflag:$0x7], $0x80, s25, s3, $0xb8;
	[tilespmem:$0x1F300] =	vst v63  }
0xd4: {  	_ =	swait.ge [sflag:s9], $0x1400  }
0xd5: {  	[sflag:s9] =	ssyncset.done $0x0  }
0xd6: {  	s25 =	sadd.s32 $0x190, s19;
	[sflag:s9] =	ssyncadd.s32 $0xFFFFEC00  }
0xd7: {  	[tilespmem:s29], [sflag:$0x1] =	stream.indirect.gather [hbm4b:s4+s3], $0x80, s25, s3, $0xb8;
	[tilespmem:$0x1F300] =	vst v63  }
0xd8: {  	_ =	swait.ge [sflag:s10], $0x1400  }
0xd9: {  	[sflag:s10] =	ssyncset.done $0x0  }
0xda: {  	[sflag:s10] =	ssyncadd.s32 $0xFFFFEC00  }
0xdb: {  	[spmem:s2] =	stream.indirect.scatter.add.f32 [tilespmem:s6], [sflag:$0x8], $0x80, s20, s3, $0xb8;
	[tilespmem:$0x1F300] =	vst v63  }
0xdc: {  	_ =	swait.ge [sflag:s11], $0x1400  }
0xdd: {  	[sflag:s11] =	ssyncset.done $0x0  }
0xde: {  	s25 =	sadd.s32 $0x1B8, s19;
	[sflag:s11] =	ssyncadd.s32 $0xFFFFEC00  }
0xdf: {  	[tilespmem:s1], [sflag:$0x2] =	stream.indirect.gather [hbm4b:s4+s3], $0x80, s25, s3, $0xb8;
	[tilespmem:$0x1F300] =	vst v63  }
0xe0: {  	_ =	swait.ge [sflag:s12], $0x1400  }
0xe1: {  	[sflag:s12] =	ssyncset.done $0x0  }
0xe2: {  	s25 =	sadd.s32 $0x28C0, s19;
	[sflag:s12] =	ssyncadd.s32 $0xFFFFEC00  }
0xe3: {  	[spmem:s2] =	stream.indirect.scatter.add.f32 [tilespmem:s7], [sflag:$0x9], $0x80, s25, s3, $0xb8;
	[tilespmem:$0x1F300] =	vst v63  }
0xe4: {  	_ =	swait.ge [sflag:s13], $0x1400  }
0xe5: {  	[sflag:s13] =	ssyncset.done $0x0  }
0xe6: {  	s25 =	sadd.s32 $0x1E0, s19;
	[sflag:s13] =	ssyncadd.s32 $0xFFFFEC00  }
0xe7: {  	[tilespmem:s6], [sflag:$0x3] =	stream.indirect.gather [hbm4b:s4+s3], $0x80, s25, s3, $0xb8;
	[tilespmem:$0x1F300] =	vst v63  }
0xe8: {  	_ =	swait.ge [sflag:s14], $0x1400  }
0xe9: {  	[sflag:s14] =	ssyncset.done $0x0  }
0xea: {  	s25 =	sadd.s32 $0x28E8, s19;
	[sflag:s14] =	ssyncadd.s32 $0xFFFFEC00  }
0xeb: {  	[spmem:s2] =	stream.indirect.scatter.add.f32 [tilespmem:s8], [sflag:$0xA], $0x80, s25, s3, $0xb8;
	[tilespmem:$0x1F300] =	vst v63  }
.Ltmp4:
0xec: {  	_ = 	snop;
	(pc) =	sbr.rel .LBB2_4-.Ltmp4, $4  }
0xed: {  	_ =	swait.ge [sflag:s15], $0x1400  }
0xee: {  	[sflag:s15] =	ssyncset.done $0x0  }
0xef: {  	s18 =	sadd.s32 $0x320, s18;
	s25 =	sadd.s32 $0x208, s19;
	[sflag:s15] =	ssyncadd.s32 $0xFFFFEC00  }
0xf0: {  	[tilespmem:s7], [sflag:$0x4] =	stream.indirect.gather [hbm4b:s4+s3], $0x80, s25, s3, $0xb8;
	[tilespmem:$0x1F300] =	vst v63  }
.LBB2_7:
0xf1: {  	_ =	sfence.sel $0x180000  }
0xf2: {  	[bflag:$0x0] =	sbarrier.arrive $0xFFFF  }
0xf3: {  	_ =	strace $0x9000004D  }
0xf4: {  	s0 =	stileid.u32;
	[bflag:$0x2] =	sbarrier.arrive $0xFFFF  }
0xf5: {  	p0 =	sne.s32 s0, $0x0;
	s0 =	rddreg [dreg:$0x3]  }
0xf6: {  	s0 =	sadd.s32 @!p0 $0x100000, s0  }
0xf7: {  	[sflag:s0] =	ssyncadd.tile.s32 @!p0 $0x1;
	_ =	shalt  }
.Lfunc_end2:
_tile_overlayer_lowered:
.L_overlay_start_2:
0xf8: {  	(tag) =	ssettag $0x2  }
0xf9: {  	s0 =	rddreg [dreg:$0x0];
	s2 =	stileid.u32  }
0xfa: {  	s1 =	rddreg [dreg:$0x1];
	p0 =	sne.s32 s2, $0x0  }
0xfb: {  	s3 =	rddreg [dreg:$0x2];
	[bflag:$0x3] =	sbarrier.arrive $0xFFFF;
	s2 =	simm.s32 @!p0 $0x1C0B  }
0xfc: {  	[timem:s3], [sflag:s2] =	dma.local @!p0 [hbm:s0], s1  }
0xfd: {  	s0 =	simm.s32 @!p0 $0xB  }
0xfe: {  	_ =	swait.ge @!p0 [sflag:s0], s1  }
0xff: {  	s1 =	ssub.s32 @!p0 $0x0, s1;
	[sflag:s0] =	ssyncset.done @!p0 $0x0  }
0x100: {  	[sflag:s0] =	ssyncadd.s32 @!p0 s1  }
0x101: {  	[bflag:$0x3] =	sbarrier.arrive $0xFFFF  }
0x102: {  	_ =	shalt  }

// kernel: kernel.8.cloned.1.call-start
scs
__scs_entry_jumppad:
0x0: {  	(pc) =	sbr.rel $0x88, $3  }
0x1: {  	(tag) =	ssettag $0x0;
	lr =	simm.s32 $0x1  }
0x2: {  	[smem:$0x3F99] =	sst lr;
	_ =	strace $0xD0000000  }
0x3: {  	_ = 	snop  }
0x4: {  	_ = 	snop  }
0x5: {  	_ = 	snop  }
0x6: {  	_ = 	snop  }
0x7: {  	_ = 	snop  }
__scs_overlays_trampoline_lowered:
0x8: {  	[smem:$0x3FA8] =	sst s0  }
0x9: {  	[smem:$0x3FA9] =	sst s1  }
0xa: {  	[smem:$0x3FAA] =	sst s2  }
0xb: {  	[smem:$0x3FAB] =	sst s3  }
0xc: {  	[smem:$0x3FAC] =	sst s4  }
0xd: {  	[smem:$0x3FAD] =	sst s5  }
0xe: {  	[smem:$0x3FAE] =	sst s6  }
0xf: {  	[smem:$0x3FAF] =	sst s7  }
0x10: {  	[smem:$0x3FB0] =	sst s8  }
0x11: {  	[smem:$0x3FB1] =	sst s9;
	s0 =	simm.s32 @!p0 $0x0  }
0x12: {  	s1 =	sld [smem:$0x3F97];
	s0 =	simm.s32 @p0 $0x1  }
0x13: {  	[smem:$0x3FB2] =	sst s0;
	s0 =	simm.s32 @!p1 $0x0  }
0x14: {  	s2 =	sld [smem:$0x3F96];
	s0 =	simm.s32 @p1 $0x1  }
0x15: {  	[smem:$0x3FB3] =	sst s0;
	s0 =	simm.s32 @!p2 $0x0  }
0x16: {  	s3 =	sld [smem:$0x3FDB];
	s0 =	simm.s32 @p2 $0x1  }
0x17: {  	s4 =	simm.s32 $0x1BF5;
	[smem:$0x3FB5] =	sst s0  }
0x18: {  	s0 =	sld [smem:$0x3F98];
	_ =	swait.ge [sflag:s4], $0x0  }
0x19: {  	s7 =	sld [smem:$0x3F99]  }
0x1a: {  	s8 =	sadd.s32 $0xFFFFE003, lr  }
0x1b: {  	s9 =	sadd.s32 $0xFFFFFEF7, lr;
	s5 =	simm.s32 $0xFFFFFFFF;
	p2 =	slt.u32 s8, $0xFFFFF086  }
0x1c: {  	p1 =	slt.u32 s9, $0xF7A;
	s5 =	simm.s32 @!p2 $0x0  }
0x1d: {  	s5 =	simm.s32 @p1 $0x1;
	p0 =	seq.s32 s7, s2  }
0x1e: {  	s7 =	smul.u32 @!p0 $0xF7A, s2;
	p2 =	seq.s32 @!p0 s5, $0x0  }
0x1f: {  	s9 =	smul.u32 $0xF7A, s1;
	s8 =	simm.s32 @!p0 $0x1BF5;
	p2 =	por !p2, p0  }
0x20: {  	[sflag:s8] =	ssyncset.s32 @!p0 $0xFFFFF086;
	s6 =	sadd.s32 @!p0 s3, s7;
	s7 =	simm.s32 @!p0 $0x108  }
0x21: {  	s3 =	sadd.s32 s3, s9;
	s6 =	sadd.s32 @!p0 $0x88, s6;
	s7 =	simm.s32 @p2 $0x1082  }
0x22: {  	[simem:s7], [sflag:s8] =	dma.local @!p0 [hbm:s6], $0xF7A  }
0x23: {  	s9 =	sor.u32 $0xD0000000, s2;
	s6 =	simm.s32 $0x108;
	_ =	swait.ge @!p0 [sflag:s8], $0x0  }
0x24: {  	s3 =	sadd.s32 $0x88, s3;
	s6 =	simm.s32 @!p1 $0x1082;
	[sflag:s4] =	ssyncset.s32 $0xFFFFF086  }
0x25: {  	[simem:s6], [sflag:s4] =	dma.local [hbm:s3], $0xF7A  }
0x26: {  	[smem:$0x3F99] =	sst s1;
	(tag) =	ssettag s2;
	_ =	strace s9  }
0x27: {  	s1 =	sld [smem:$0x3FA9]  }
0x28: {  	s2 =	sld [smem:$0x3FAA]  }
0x29: {  	s4 =	sld [smem:$0x3FAC]  }
0x2a: {  	p0 =	seq.s32 s5, $0x0;
	s5 =	sld [smem:$0x3FAD]  }
0x2b: {  	s6 =	sld [smem:$0x3FAE]  }
0x2c: {  	s7 =	sld [smem:$0x3FAF]  }
0x2d: {  	s3 =	simm.s32 $0x108;
	s8 =	sld [smem:$0x3FB0]  }
0x2e: {  	s3 =	simm.s32 @!p0 $0x1082;
	s9 =	sld [smem:$0x3FB1]  }
0x2f: {  	lr =	sadd.s32 s0, s3;
	s0 =	sld [smem:$0x3FA8]  }
0x30: {  	s3 =	sld [smem:$0x3FAB]  }
0x31: {  	[smem:$0x3FB4] =	sst s10  }
0x32: {  	s10 =	sld [smem:$0x3FB2];
	_ =	sdelay $0x3  }
0x33: {  	p0 =	seq.s32 s10, $0x1;
	s10 =	sld [smem:$0x3FB4];
	_ =	sdelay $0x3  }
0x34: {  	[smem:$0x3FB4] =	sst s10  }
0x35: {  	s10 =	sld [smem:$0x3FB3];
	_ =	sdelay $0x3  }
0x36: {  	p1 =	seq.s32 s10, $0x1;
	s10 =	sld [smem:$0x3FB4];
	_ =	sdelay $0x3  }
0x37: {  	[smem:$0x3FB4] =	sst s10  }
0x38: {  	s10 =	sld [smem:$0x3FB5]  }
0x39: {  	_ = 	snop;
	(pc) =	sbr.ind lr, $3  }
0x3a: {  	_ = 	snop  }
0x3b: {  	_ = 	snop  }
0x3c: {  	p2 =	seq.s32 s10, $0x1;
	s10 =	sld [smem:$0x3FB4]  }
0x3d: {  	_ =	shalt  }
0x3e: {  	_ =	shalt  }
0x3f: {  	_ =	shalt  }
0x40: {  	_ =	shalt  }
0x41: {  	_ =	shalt  }
0x42: {  	_ =	shalt  }
0x43: {  	_ =	shalt  }
0x44: {  	_ =	shalt  }
0x45: {  	_ =	shalt  }
0x46: {  	_ =	shalt  }
0x47: {  	_ =	shalt  }
0x48: {  	_ =	shalt  }
0x49: {  	_ =	shalt  }
0x4a: {  	_ =	shalt  }
0x4b: {  	_ =	shalt  }
0x4c: {  	_ =	shalt  }
0x4d: {  	_ =	shalt  }
0x4e: {  	_ =	shalt  }
0x4f: {  	_ =	shalt  }
0x50: {  	_ =	shalt  }
0x51: {  	_ =	shalt  }
0x52: {  	_ =	shalt  }
0x53: {  	_ =	shalt  }
0x54: {  	_ =	shalt  }
0x55: {  	_ =	shalt  }
0x56: {  	_ =	shalt  }
0x57: {  	_ =	shalt  }
0x58: {  	_ =	shalt  }
0x59: {  	_ =	shalt  }
0x5a: {  	_ =	shalt  }
0x5b: {  	_ =	shalt  }
0x5c: {  	_ =	shalt  }
0x5d: {  	_ =	shalt  }
0x5e: {  	_ =	shalt  }
0x5f: {  	_ =	shalt  }
0x60: {  	_ =	shalt  }
0x61: {  	_ =	shalt  }
0x62: {  	_ =	shalt  }
0x63: {  	_ =	shalt  }
0x64: {  	_ =	shalt  }
0x65: {  	_ =	shalt  }
0x66: {  	_ =	shalt  }
0x67: {  	_ =	shalt  }
0x68: {  	_ =	shalt  }
0x69: {  	_ =	shalt  }
0x6a: {  	_ =	shalt  }
0x6b: {  	_ =	shalt  }
0x6c: {  	_ =	shalt  }
0x6d: {  	_ =	shalt  }
0x6e: {  	_ =	shalt  }
0x6f: {  	_ =	shalt  }
0x70: {  	_ =	shalt  }
0x71: {  	_ =	shalt  }
0x72: {  	_ =	shalt  }
0x73: {  	_ =	shalt  }
0x74: {  	_ =	shalt  }
0x75: {  	_ =	shalt  }
0x76: {  	_ =	shalt  }
0x77: {  	_ =	shalt  }
0x78: {  	_ =	shalt  }
0x79: {  	_ =	shalt  }
0x7a: {  	_ =	shalt  }
0x7b: {  	_ =	shalt  }
0x7c: {  	_ =	shalt  }
0x7d: {  	_ =	shalt  }
0x7e: {  	_ =	shalt  }
0x7f: {  	_ =	shalt  }
0x80: {  	_ =	shalt  }
0x81: {  	_ =	shalt  }
0x82: {  	_ =	shalt  }
0x83: {  	_ =	shalt  }
0x84: {  	_ =	shalt  }
0x85: {  	_ =	shalt  }
0x86: {  	_ =	shalt  }
0x87: {  	_ =	shalt  }
.Lfunc_end0:
.L_simem_size_0:
called_computation_lowered:
.L_overlay_start_0:
0x88: {  	s2 =	sld [smem:$0x3FD9]  }
0x89: {  	s3 =	sld [smem:$0x3FFE];
	_ =	sdelay $0x1  }
0x8a: {  	s1 =	srdreg.scid  }
0x8b: {  	s0 =	sand.u32 $0x1, s1  }
0x8c: {  	s17 =	sshll.u32 s0, $0xA;
	s2 =	sadd.s32 s3, s2  }
0x8d: {  	s2 =	sadd.s32 s2, s17  }
0x8e: {  	[smem:$0x3FC0] =	sst s2  }
0x8f: {  	_ = 	snop  }
0x90: {  	s2 =	sld [smem:$0x3FD0];
	(tm) =	ssettm $0x1  }
0x91: {  	s18 =	sld [smem:$0x3FFB];
	_ =	sdelay $0x3  }
0x92: {  	_ =	strace s18  }
0x93: {  	s3 =	sld [smem:$0x3FFC];
	_ =	sdelay $0x3  }
0x94: {  	_ =	strace s3  }
0x95: {  	s3 =	sld [smem:$0x3FFD];
	_ =	sdelay $0x3  }
0x96: {  	_ =	strace s3  }
0x97: {  	_ =	strace $0x8FFFFFFF  }
0x98: {  	s19 =	sld [smem:$0x3FDB];
	_ =	sdelay $0x1  }
0x99: {  	s4 =	simm.s32 $_scs_section_size  }
0x9a: {  	s5 =	simm.s32 $_size__tile_overlayer_lowered;
	s6 =	simm.s32 $_tile_overlayer_lowered  }
0x9b: {  	s22 =	simm.s32 $0x1BFF;
	s21 =	sshll.u32 s6, $0x1;
	s3 =	sadd.s32 s4, s19  }
0x9c: {  	s7 =	simm.s32 $0x0;
	s20 =	sshll.u32 s5, $0x1;
	s5 =	sadd.s32 s21, s3  }
0x9d: {  	[timem:s7], [sflag:s22] =	dma.local [hbm:s5], s20  }
0x9e: {  	_ =	swait.ge [sflag:s22], s20  }
0x9f: {  	s4 =	ssub.s32 $0x0, s20;
	[sflag:s22] =	ssyncset.done $0x0  }
0xa0: {  	[sflag:s22] =	ssyncadd.s32 s4;
	_ =	sdelay $0x1  }
0xa1: {  	s23 =	simm.s32 $0x1B8B  }
0xa2: {  	_ =	swait.ge [sflag:s23], $0x1  }
0xa3: {  	[sflag:s23] =	ssyncset.done $0x0  }
0xa4: {  	s25 =	simm.s32 $0x1B8E;
	s24 =	sld [smem:$0x3FFE];
	[sflag:s23] =	ssyncadd.s32 $0xFFFFFFFF  }
0xa5: {  	s26 =	simm.s32 $execute0_lowered;
	[smem:$0x3FD2] =	sst s25  }
0xa6: {  	s5 =	sshll.u32 s26, $0x1;
	_ =	strace $0x80000046;
	[dreg:$0x1] =	wrdreg $0xFFFFFFFF  }
0xa7: {  	s28 =	simm.s32 $_size_execute0_lowered;
	s3 =	sadd.s32 s3, s5;
	[dreg:$0x0] =	wrdreg $0x0  }
0xa8: {  	s5 =	sshll.u32 s28, $0x1;
	[dreg:$0x2] =	wrdreg s3  }
0xa9: {  	[dreg:$0x3] =	wrdreg s5  }
0xaa: {  	[dreg:$0x4] =	wrdreg $0xC0  }
0xab: {  	_ =	task [dreg:s7], $0x5FFFF  }
0xac: {  	[dreg:$0x1] =	wrdreg $0xFFFFFFFF  }
0xad: {  	[dreg:$0x0] =	wrdreg $0x60  }
0xae: {  	[dreg:$0x2] =	wrdreg s2  }
0xaf: {  	[dreg:$0x3] =	wrdreg s24  }
0xb0: {  	[dreg:$0x4] =	wrdreg $0x28000  }
0xb1: {  	[dreg:$0x5] =	wrdreg $0x9  }
0xb2: {  	_ =	task.clear_ibuf [dreg:s7], $0x6FFFF;
	_ =	strace $0x90000046  }
0xb3: {  	s29 =	simm.s32 $0x9;
	_ =	strace $0x80000048  }
0xb4: {  	_ =	swait.ge [sflag:s29], $0x1  }
0xb5: {  	[sflag:s29] =	ssyncadd.s32 $0xFFFFFFFF  }
0xb6: {  	_ =	strace $0x90000048  }
0xb7: {  	_ =	sfence  }
0xb8: {  	s30 =	sld [smem:$0x0];
	_ =	sdelay $0x2  }
0xb9: {  	s31 =	sshll.u32 s1, $0xD;
	s1 =	sshrl.u32 s1, $0x2  }
0xba: {  	s3 =	sand.u32 $0x4000, s31;
	s1 =	sadd.s32 s1, s30  }
0xbb: {  	s0 =	sor.u32 s3, s0;
	s1 =	sshll.u32 s1, $0x11  }
0xbc: {  	s0 =	sor.u32 s1, s0  }
0xbd: {  	s0 =	sadd.s32 $0x8F2B, s0  }
0xbe: {  	[sflag:s0] =	ssyncadd.remote.s32 $0x1  }
0xbf: {  	_ =	sfence.sel $0xFFFF  }
0xc0: {  	[dreg:$0x0] =	wrdreg $0xFFFFFFFF;
	(pc) =	sbr.abs _section_cstart, $3  }
0xc1: {  	[dreg:$0x1] =	wrdreg $0xFFFFFFFF  }
0xc2: {  	_ =	task.clear_ibuf [dreg:s7], $0x2FFFF;
	_ =	strace $0x9FFFFFFF  }
0xc3: {  	(tm) =	ssettm $0x7FFFFFFF  }
tec
execute0_lowered:
.L_overlay_start_1:
0x0: {  	(tag) =	ssettag $0x1  }
0x1: {  	s7 =	rddreg [dreg:$0x0]  }
0x2: {  	s5 =	rddreg [dreg:$0x1]  }
0x3: {  	s2 =	rddreg [dreg:$0x2]  }
0x4: {  	s0 =	rddreg [dreg:$0x3];
	s3 =	simm.s32 $0x0  }
0x5: {  	s1 =	stileid.u32;
	s8 =	srdreg.scid;
	s15 =	simm.s32 $0xA8  }
0x6: {  	s16 =	simm.s32 $0xD0;
	s17 =	simm.s32 $0xF8;
	s18 =	simm.s32 $0x120  }
0x7: {  	s19 =	simm.s32 $0x1;
	s20 =	simm.s32 $0x2;
	s21 =	simm.s32 $0x3  }
0x8: {  	s22 =	simm.s32 $0x4;
	s23 =	simm.s32 $0x5;
	s24 =	simm.s32 $0x20  }
0x9: {  	s25 =	simm.s32 $0x10;
	[smem:$0x7FF] =	sst s3;
	s6 =	smul.u32 $0x280, s1  }
0xa: {  	s4 =	sadd.s32 $0x2000, s5;
	s8 =	sand.u32 $0x1, s8;
	s10 =	smul.u32 $0x500, s1  }
0xb: {  	s12 =	sshrl.u32 s1, $0x2;
	s13 =	sshll.u32 s1, $0x8;
	s30 =	sshll.u32 s1, $0x6  }
0xc: {  	_ =	strace $0x80000047;
	s11 =	sshll.u32 s8, $0x7;
	s12 =	smul.u32 $0x13C00, s12  }
0xd: {  	s8 =	ssub.s32 $0x2, s8;
	s13 =	sand.u32 $0x300, s13;
	s9 =	sshrl.u32 s6, $0x3  }
0xe: {  	s10 =	sor.u32 s11, s10;
	s26 =	sshrl.u32 s8, $0x1;
	s14 =	sadd.s32 s6, s2  }
0xf: {  	s6 =	sor.u32 $0x1C06, s30;
	s9 =	sadd.s32 s9, s5;
	s10 =	sshrl.u32 s10, $0x3  }
0x10: {  	s12 =	sor.u32 s12, s13;
	s28 =	ssub.s32 s8, s26;
	s13 =	simm.s32 $0x80  }
0x11: {  	s26 =	simm.s32 $0x0;
	s10 =	sadd.s32 s10, s5;
	s29 =	sor.u32 s11, s12  }
0x12: {  	s5 =	sadd.s32 $0x2200, s9;
	s9 =	smax.u32 s28, $0x1;
	s11 =	simm.s32 $0x6  }
0x13: {  	s12 =	simm.s32 $0x400;
	s31 =	sshrl.u32 s29, $0x3;
	s8 =	sadd.s32 $0x2800, s10  }
0x14: {  	s10 =	sshrl.u32 s14, $0x3;
	s14 =	simm.s32 $0x28;
	s7 =	sadd.s32 s7, s31  }
.LBB2_1:
0x15: {  	[spmem:s10], [sflag:s6] =	dma.local [hbm:s5], $0x50  }
0x16: {  	_ =	swait.ge [sflag:s11], $0x50  }
0x17: {  	[sflag:s11] =	ssyncset.done $0x0  }
0x18: {  	[sflag:s11] =	ssyncadd.s32 $0xFFFFFFB0  }
0x19: {  	[tilespmem:s3], [sflag:$0x6] =	stream.linear.gather [hbm4b:s4+s3], $0x80, $0x38;
	[tilespmem:$0x2A80] =	vst v63  }
0x1a: {  	_ =	swait.ge [sflag:s11], $0x80  }
0x1b: {  	[sflag:s11] =	ssyncset.done $0x0  }
0x1c: {  	[sflag:s11] =	ssyncadd.s32 $0xFFFFFF80  }
0x1d: {  	[tilespmem:s13], [sflag:$0x6] =	stream.strided.gather [hbm4b:s7+s13], $0x2780, s12, s13, $0x38;
	[tilespmem:$0x2A80] =	vst v63  }
0x1e: {  	_ =	swait.ge [sflag:s11], $0x2780  }
0x1f: {  	[sflag:s11] =	ssyncset.done $0x0  }
0x20: {  	[sflag:s11] =	ssyncadd.s32 $0xFFFFD880  }
0x21: {  	[bflag:$0x0] =	sbarrier.arrive $0xFFFF  }
0x22: {  	[spmem:s2] =	stream.indirect.scatter.add.f32 [tilespmem:s3], [sflag:$0x1], $0x1, s13, s14, $0xb8;
	[tilespmem:$0x2A80] =	vst v63  }
0x23: {  	_ = 	snop  }
0x24: {  	[spmem:s2] =	stream.indirect.scatter.add.f32 [tilespmem:s3], [sflag:$0x2], $0x1, s15, s14, $0xb8;
	[tilespmem:$0x2A80] =	vst v63  }
0x25: {  	_ = 	snop  }
0x26: {  	[spmem:s2] =	stream.indirect.scatter.add.f32 [tilespmem:s3], [sflag:$0x3], $0x1, s16, s14, $0xb8;
	[tilespmem:$0x2A80] =	vst v63  }
0x27: {  	_ = 	snop  }
0x28: {  	[spmem:s2] =	stream.indirect.scatter.add.f32 [tilespmem:s3], [sflag:$0x4], $0x1, s17, s14, $0xb8;
	[tilespmem:$0x2A80] =	vst v63  }
0x29: {  	_ = 	snop  }
0x2a: {  	[spmem:s2] =	stream.indirect.scatter.add.f32 [tilespmem:s3], [sflag:$0x5], $0x1, s18, s14, $0xb8;
	[tilespmem:$0x2A80] =	vst v63  }
0x2b: {  	_ =	swait.ge [sflag:s19], $0x28  }
0x2c: {  	[sflag:s19] =	ssyncset.done $0x0  }
0x2d: {  	s28 =	simm.s32 $0x148;
	[sflag:s19] =	ssyncadd.s32 $0xFFFFFFD8  }
0x2e: {  	[spmem:s2] =	stream.indirect.scatter.add.f32 [tilespmem:s3], [sflag:$0x1], $0x1, s28, s14, $0xb8;
	[tilespmem:$0x2A80] =	vst v63  }
0x2f: {  	_ =	swait.ge [sflag:s20], $0x28  }
0x30: {  	[sflag:s20] =	ssyncset.done $0x0  }
0x31: {  	s28 =	simm.s32 $0x170;
	[sflag:s20] =	ssyncadd.s32 $0xFFFFFFD8  }
0x32: {  	[spmem:s2] =	stream.indirect.scatter.add.f32 [tilespmem:s3], [sflag:$0x2], $0x1, s28, s14, $0xb8;
	[tilespmem:$0x2A80] =	vst v63  }
0x33: {  	_ =	swait.ge [sflag:s21], $0x28  }
0x34: {  	[sflag:s21] =	ssyncset.done $0x0  }
0x35: {  	s28 =	simm.s32 $0x198;
	[sflag:s21] =	ssyncadd.s32 $0xFFFFFFD8  }
0x36: {  	[spmem:s2] =	stream.indirect.scatter.add.f32 [tilespmem:s3], [sflag:$0x3], $0x1, s28, s14, $0xb8;
	[tilespmem:$0x2A80] =	vst v63  }
0x37: {  	_ =	swait.ge [sflag:s22], $0x28  }
0x38: {  	[sflag:s22] =	ssyncset.done $0x0  }
0x39: {  	s28 =	simm.s32 $0x1C0;
	[sflag:s22] =	ssyncadd.s32 $0xFFFFFFD8  }
0x3a: {  	[spmem:s2] =	stream.indirect.scatter.add.f32 [tilespmem:s3], [sflag:$0x4], $0x1, s28, s14, $0xb8;
	[tilespmem:$0x2A80] =	vst v63  }
0x3b: {  	_ =	swait.ge [sflag:s23], $0x28  }
0x3c: {  	[sflag:s23] =	ssyncset.done $0x0  }
0x3d: {  	s29 =	simm.s32 $0x1E8;
	s28 =	simm.s32 $0xFFFF6A00;
	[sflag:s23] =	ssyncadd.s32 $0xFFFFFFD8  }
.LBB2_2:
0x3e: {  	[spmem:s2] =	stream.indirect.scatter.add.f32 [tilespmem:s3], [sflag:$0x5], $0x1, s29, s14, $0xb8;
	[tilespmem:$0x2A80] =	vst v63  }
0x3f: {  	s29 =	smov.u32 s28  }
0x40: {  	p0 =	sne.s32 s28, $0xFFFFFCE0;
	s28 =	sadd.s32 $0x320, s28;
	_ =	swait.ge [sflag:s19], $0x28  }
0x41: {  	s29 =	sshra.s32 s29, $0x2;
	[sflag:s19] =	ssyncset.done $0x0  }
0x42: {  	s30 =	sadd.s32 $0x2790, s29;
	[sflag:s19] =	ssyncadd.s32 $0xFFFFFFD8  }
0x43: {  	[spmem:s2] =	stream.indirect.scatter.add.f32 [tilespmem:s3], [sflag:$0x1], $0x1, s30, s14, $0xb8;
	[tilespmem:$0x2A80] =	vst v63  }
0x44: {  	_ =	swait.ge [sflag:s20], $0x28  }
0x45: {  	[sflag:s20] =	ssyncset.done $0x0  }
0x46: {  	s30 =	sadd.s32 $0x27B8, s29;
	[sflag:s20] =	ssyncadd.s32 $0xFFFFFFD8  }
0x47: {  	[spmem:s2] =	stream.indirect.scatter.add.f32 [tilespmem:s3], [sflag:$0x2], $0x1, s30, s14, $0xb8;
	[tilespmem:$0x2A80] =	vst v63  }
0x48: {  	_ =	swait.ge [sflag:s21], $0x28  }
0x49: {  	[sflag:s21] =	ssyncset.done $0x0  }
0x4a: {  	s30 =	sadd.s32 $0x27E0, s29;
	[sflag:s21] =	ssyncadd.s32 $0xFFFFFFD8  }
0x4b: {  	[spmem:s2] =	stream.indirect.scatter.add.f32 [tilespmem:s3], [sflag:$0x3], $0x1, s30, s14, $0xb8;
	[tilespmem:$0x2A80] =	vst v63  }
0x4c: {  	_ =	swait.ge [sflag:s22], $0x28  }
0x4d: {  	[sflag:s22] =	ssyncset.done $0x0  }
.Ltmp0:
0x4e: {  	s30 =	sadd.s32 $0x2808, s29;
	[sflag:s22] =	ssyncadd.s32 $0xFFFFFFD8;
	(pc) =	sbr.rel @p0 .LBB2_2-.Ltmp0, $4  }
0x4f: {  	[spmem:s2] =	stream.indirect.scatter.add.f32 [tilespmem:s3], [sflag:$0x4], $0x1, s30, s14, $0xb8;
	[tilespmem:$0x2A80] =	vst v63  }
0x50: {  	_ =	swait.ge [sflag:s23], $0x28  }
0x51: {  	[sflag:s23] =	ssyncset.done $0x0  }
0x52: {  	s29 =	sadd.s32 $0x2830, s29;
	[sflag:s23] =	ssyncadd.s32 $0xFFFFFFD8  }
0x53: {  	[spmem:s2] =	stream.indirect.scatter.add.f32 [tilespmem:s3], [sflag:$0x5], $0x1, s29, s14, $0xb8;
	[tilespmem:$0x2A80] =	vst v63  }
0x54: {  	_ =	swait.ge [sflag:s19], $0x28  }
0x55: {  	[sflag:s19] =	ssyncset.done $0x0  }
0x56: {  	[sflag:s19] =	ssyncadd.s32 $0xFFFFFFD8  }
0x57: {  	_ =	swait.ge [sflag:s20], $0x28  }
0x58: {  	[sflag:s20] =	ssyncset.done $0x0  }
0x59: {  	[sflag:s20] =	ssyncadd.s32 $0xFFFFFFD8  }
0x5a: {  	_ =	swait.ge [sflag:s21], $0x28  }
0x5b: {  	[sflag:s21] =	ssyncset.done $0x0  }
0x5c: {  	[sflag:s21] =	ssyncadd.s32 $0xFFFFFFD8  }
0x5d: {  	_ =	swait.ge [sflag:s22], $0x28  }
0x5e: {  	[sflag:s22] =	ssyncset.done $0x0  }
0x5f: {  	[sflag:s22] =	ssyncadd.s32 $0xFFFFFFD8  }
0x60: {  	_ =	swait.ge [sflag:s23], $0x28  }
0x61: {  	s26 =	sadd.s32 $0x1, s26;
	[sflag:s23] =	ssyncset.done $0x0  }
0x62: {  	p0 =	sne.s32 s26, s9;
	[sflag:s23] =	ssyncadd.s32 $0xFFFFFFD8  }
.Ltmp1:
0x63: {  	[bflag:$0x0] =	sbarrier.arrive $0xFFFF;
	(pc) =	sbr.rel @p0 .LBB2_1-.Ltmp1, $4  }
0x64: {  	[hbm:s8@s24], [sflag:s6] =	dma.strided [spmem:s10@s25], $0x50, s19, $0x10   }
0x65: {  	_ =	swait.ge [sflag:s11], $0x50  }
0x66: {  	[sflag:s11] =	ssyncset.done $0x0  }
0x67: {  	[sflag:s11] =	ssyncadd.s32 $0xFFFFFFB0  }
0x68: {  	_ =	sfence.sel $0x180000  }
0x69: {  	[bflag:$0x0] =	sbarrier.arrive $0xFFFF  }
0x6a: {  	p0 =	sne.s32 s1, $0x0;
	_ =	strace $0x90000047  }
0x6b: {  	s0 =	sadd.s32 @!p0 $0x100000, s0;
	[bflag:$0x2] =	sbarrier.arrive $0xFFFF  }
0x6c: {  	[sflag:s0] =	ssyncadd.tile.s32 @!p0 $0x1;
	_ =	shalt  }
.Lfunc_end2:
_tile_overlayer_lowered:
.L_overlay_start_2:
0x6d: {  	(tag) =	ssettag $0x2  }
0x6e: {  	s0 =	rddreg [dreg:$0x0];
	s2 =	stileid.u32  }
0x6f: {  	s1 =	rddreg [dreg:$0x1];
	p0 =	sne.s32 s2, $0x0  }
0x70: {  	s3 =	rddreg [dreg:$0x2];
	[bflag:$0x3] =	sbarrier.arrive $0xFFFF;
	s2 =	simm.s32 @!p0 $0x1C06  }
0x71: {  	[timem:s3], [sflag:s2] =	dma.local @!p0 [hbm:s0], s1  }
0x72: {  	s0 =	simm.s32 @!p0 $0x6  }
0x73: {  	_ =	swait.ge @!p0 [sflag:s0], s1  }
0x74: {  	s1 =	ssub.s32 @!p0 $0x0, s1;
	[sflag:s0] =	ssyncset.done @!p0 $0x0  }
0x75: {  	[sflag:s0] =	ssyncadd.s32 @!p0 s1  }
0x76: {  	[bflag:$0x3] =	sbarrier.arrive $0xFFFF  }
0x77: {  	_ =	shalt  }

</sc_bundles>
